<compile_context>
chip_gen: v7x
topology: tpu7x:2x2x1
jax: 0.10.2.dev20260603
libtpu: 0.0.44.dev20260713+nightly
codegen_flags: <defaults>
</compile_context>

<pallas_src>
import functools

import jax
import jax.numpy as jnp
from jax import lax
from jax.experimental import pallas as pl
from jax.experimental.pallas import tpu as pltpu
from jax.experimental.pallas import tpu_sc as plsc

_A = 5
_L = 16
_W = 128


def _sigmoid(x):
    return 1.0 / (1.0 + jnp.exp(-x))


def _shift_right(x, d, fill):
    t = x.shape[-1]
    pad = jnp.full(x.shape[:-1] + (d,), fill, dtype=x.dtype)
    return jnp.concatenate([pad, x[..., : t - d]], axis=-1)


def _iota16():
    return lax.iota(jnp.int32, _L)


def _make_sc_gather(bc, t, nc, nw):
    n_idx = bc * t
    per_w = n_idx // nw
    n_grp = per_w // _L
    n_dma = per_w // 128
    halves = t // per_w

    @functools.partial(
        pl.kernel,
        out_type=[
            jax.ShapeDtypeStruct((bc, t), jnp.float32),
            jax.ShapeDtypeStruct((bc, t), jnp.float32),
        ],
        mesh=plsc.VectorSubcoreMesh(core_axis_name="c", subcore_axis_name="s"),
        compiler_params=pltpu.CompilerParams(use_tc_tiling_on_sc=False,
                                             needs_layout_passes=False),
        scratch_types=[
            pltpu.VMEM((per_w,), jnp.int32),
            pltpu.VMEM((n_dma, 128), jnp.int32),
            pltpu.VMEM((per_w, _L), jnp.float32),
            pltpu.VMEM((per_w,), jnp.float32),
            pltpu.VMEM((per_w,), jnp.float32),
            pltpu.SemaphoreType.DMA,
        ],
    )
    def sc_gather(pp_hbm, tbl_hbm, out_o0, out_o1,
                  idx_v, bidx_v, rows_v, op0_v, op1_v, sem):
        wid = lax.axis_index("s") * nc + lax.axis_index("c")
        b = wid // halves
        t0 = (wid % halves) * per_w
        pltpu.sync_copy(pp_hbm.at[b, pl.ds(t0, per_w)], idx_v)

        for g in range(n_grp):
            v = idx_v[pl.ds(g * _L, _L)]
            bidx_v[g // 8, pl.ds((g % 8) * _L, _L)] = lax.shift_right_logical(v, 3)
        for j in range(n_dma):
            pltpu.async_copy(tbl_hbm.at[bidx_v.at[j]],
                             rows_v.at[pl.ds(j * 128, 128)], sem)
        for j in range(n_dma):
            pltpu.make_async_copy(tbl_hbm.at[bidx_v.at[j]],
                                  rows_v.at[pl.ds(j * 128, 128)], sem).wait()

        for g in range(n_grp):
            v = idx_v[pl.ds(g * _L, _L)]
            off = (v & 7) * 2
            row = g * _L + _iota16()
            op0_v[pl.ds(g * _L, _L)] = plsc.load_gather(rows_v, [row, off])
            op1_v[pl.ds(g * _L, _L)] = plsc.load_gather(rows_v, [row, off + 1])
        pltpu.sync_copy(op0_v, out_o0.at[b, pl.ds(t0, per_w)])
        pltpu.sync_copy(op1_v, out_o1.at[b, pl.ds(t0, per_w)])

    return sc_gather


def _bkt_body(corr_ref, yt_ref, op0_ref, op1_ref, kc_ref, dynT_ref, okcT_ref,
              out_ref):
    Bc, T = corr_ref.shape
    A = _A
    N = A * Bc
    n_kcs = dynT_ref.shape[1]

    corr = corr_ref[...]
    yt = yt_ref[...]
    op0 = op0_ref[...]
    op1 = op1_ref[...]
    kcr = kc_ref[...]

    onehot = (jax.lax.broadcasted_iota(jnp.int32, (n_kcs, Bc), 0)
              == kcr).astype(jnp.float32)

    def lookup(tabT):
        hi = tabT.astype(jnp.bfloat16).astype(jnp.float32)
        lo = tabT - hi
        dims = (((0,), (1,)), ((), ()))
        return (jax.lax.dot_general(onehot, hi, dims,
                                    preferred_element_type=jnp.float32)
                + jax.lax.dot_general(onehot, lo, dims,
                                      preferred_element_type=jnp.float32))

    dyn = lookup(dynT_ref[...])
    okc = lookup(okcT_ref[...])

    def chain_col(col):
        return jnp.broadcast_to(col[None], (A, Bc, 1)).reshape(N, 1)

    abc = (jax.lax.broadcasted_iota(jnp.int32, (A, Bc, 1), 0)
           .astype(jnp.float32)).reshape(N, 1) - 2.0
    okc0 = chain_col(okc[:, 0:1])
    okc1 = chain_col(okc[:, 1:2])
    pLc = _sigmoid(chain_col(dyn[:, 0:1]))
    pFc = _sigmoid(chain_col(dyn[:, 1:2]))
    p0c = _sigmoid(chain_col(dyn[:, 2:3]))

    op0N = jnp.broadcast_to(op0[None], (A, Bc, T)).reshape(N, T)
    op1N = jnp.broadcast_to(op1[None], (A, Bc, T)).reshape(N, T)
    pc0 = _sigmoid(abc + okc0 + op0N)
    pc1 = _sigmoid(okc1 + op1N - abc)

    corrN = jnp.broadcast_to((corr == 1)[None], (A, Bc, T)).reshape(N, T)
    like0 = jnp.where(corrN, pc0, 1.0 - pc0)
    like1 = jnp.where(corrN, pc1, 1.0 - pc1)

    Pa = _shift_right((1.0 - pLc) * like0, 1, 1.0)
    Pb = _shift_right(pFc * like1, 1, 0.0)
    Pc = _shift_right(pLc * like0, 1, 0.0)
    Pd = _shift_right((1.0 - pFc) * like1, 1, 1.0)

    d = 1
    while d < T:
        qa = _shift_right(Pa, d, 1.0)
        qb = _shift_right(Pb, d, 0.0)
        qc = _shift_right(Pc, d, 0.0)
        qd = _shift_right(Pd, d, 1.0)
        na = Pa * qa + Pb * qc
        nb = Pa * qb + Pb * qd
        nc = Pc * qa + Pd * qc
        nd = Pc * qb + Pd * qd
        r = 1.0 / (na + nb + nc + nd)
        Pa = na * r
        Pb = nb * r
        Pc = nc * r
        Pd = nd * r
        d *= 2

    al0 = Pa * (1.0 - p0c) + Pb * p0c
    al1 = Pc * (1.0 - p0c) + Pd * p0c
    r = 1.0 / (al0 + al1)
    p = (al0 * pc0 + al1 * pc1) * r
    q = (al0 * (1.0 - pc0) + al1 * (1.0 - pc1)) * r
    lp1 = jnp.log(jnp.clip(p, 1e-6, 1.0 - 1e-6))
    lp0 = jnp.log(jnp.clip(q, 1e-6, 1.0 - 1e-6))

    ytN = jnp.broadcast_to((yt == 1)[None], (A, Bc, T)).reshape(N, T)
    pre = _shift_right(jnp.where(ytN, lp1, lp0), 1, 0.0)
    d = 1
    while d < T:
        pre = pre + _shift_right(pre, d, 0.0)
        d *= 2

    pre = pre.reshape(A, Bc, T)
    lp0 = lp0.reshape(A, Bc, T)
    lp1 = lp1.reshape(A, Bc, T)
    mx = jnp.max(pre, axis=0)
    lse = jnp.log(jnp.sum(jnp.exp(pre - mx[None]), axis=0)) + mx
    logw = pre - lse[None]
    v0 = lp0 + logw
    v1 = lp1 + logw
    m0 = jnp.max(v0, axis=0)
    m1 = jnp.max(v1, axis=0)
    o0 = jnp.log(jnp.sum(jnp.exp(v0 - m0[None]), axis=0)) + m0
    o1 = jnp.log(jnp.sum(jnp.exp(v1 - m1[None]), axis=0)) + m1
    out_ref[...] = jnp.stack([o0, o1], axis=-1)


def kernel(padded_correct, kc, padded_problem, padded_trial_id, ytrue,
           dynamics_logits_table, obs_logits_problem, obs_logits_kc):
    del padded_trial_id
    Bc, T = padded_correct.shape

    info = plsc.get_sparse_core_info()
    nw = info.num_cores * info.num_subcores

    tbl = obs_logits_problem.reshape(-1, _L)

    sc_gather = _make_sc_gather(Bc, T, info.num_cores, nw)
    o0, o1 = sc_gather(padded_problem.astype(jnp.int32), tbl)

    return pl.pallas_call(
        _bkt_body,
        out_shape=jax.ShapeDtypeStruct((Bc, T, 2), jnp.float32),
    )(padded_correct.astype(jnp.int32), ytrue.astype(jnp.int32), o0, o1,
      kc.astype(jnp.int32).reshape(1, Bc),
      dynamics_logits_table.T, obs_logits_kc.T)

# --- scband reference (transcript-rebuilt; emitter-appended) ---
"""Pipeline reference for scband-bkt-model-75015898792592 (READ-ONLY COPY).

The authoritative reference and input builder live on the scoring server;
editing this copy changes nothing except your own understanding.
"""

import jax, jax.numpy as jnp
import numpy as np

N_KCS = 50000
N_PROBLEMS = 100000
B = 16
T = 2048
ABILITY_LEVELS = jnp.array([-2.0, -1.0, 0.0, 1.0, 2.0], dtype=jnp.float32)


def _bkt(corr, dynamics_logits, obs_logits):
    # corr: B2 x T (int), dynamics_logits: B2 x 3, obs_logits: B2 x T x 2
    # state 0 = not-known, 1 = known
    pL = jax.nn.sigmoid(dynamics_logits[:, 0])  # learning prob
    pF = jax.nn.sigmoid(dynamics_logits[:, 1])  # forgetting prob
    p0 = jax.nn.sigmoid(dynamics_logits[:, 2])  # initial knowledge
    pc = jax.nn.sigmoid(obs_logits)             # p(correct | state)
    init = jnp.stack([1.0 - p0, p0], axis=1)    # B2 x 2 belief

    def step(belief, xs):
        corr_t, pc_t = xs
        p_correct = jnp.clip(jnp.sum(belief * pc_t, axis=1), 1e-6, 1.0 - 1e-6)
        logp = jnp.stack([jnp.log1p(-p_correct), jnp.log(p_correct)], axis=1)
        like = jnp.where(corr_t[:, None] == 1, pc_t, 1.0 - pc_t)
        post = belief * like
        post = post / jnp.clip(jnp.sum(post, axis=1, keepdims=True), 1e-12, None)
        nk = post[:, 0] * (1.0 - pL) + post[:, 1] * pF
        kn = post[:, 0] * pL + post[:, 1] * (1.0 - pF)
        return jnp.stack([nk, kn], axis=1), logp

    _, logps = jax.lax.scan(step, init, (corr.T, jnp.transpose(pc, (1, 0, 2))))
    return jnp.transpose(logps, (1, 0, 2))  # B2 x T x 2


def _forward(padded_correct, kc, padded_problem, padded_trial_id, ytrue, dyn_table, obs_prob, obs_kc):
    A = ABILITY_LEVELS.shape[0]
    Bc, Tc = padded_correct.shape
    ab_idx = jnp.repeat(jnp.arange(A), Bc)
    ab_lvl = jnp.repeat(ABILITY_LEVELS, Bc)
    corr = jnp.tile(padded_correct, (A, 1))
    prob = jnp.tile(padded_problem, (A, 1))
    tid = jnp.tile(padded_trial_id, (A, 1))
    kct = jnp.tile(kc, (A,))
    dynamics_logits = dyn_table[kct]                      # gather over kc table
    obs_logits = obs_kc[kct][:, None, :] + obs_prob[prob]  # gathers over kc/problem tables
    o0 = ab_lvl[:, None] + obs_logits[:, :, 0]
    o1 = obs_logits[:, :, 1] - ab_lvl[:, None]
    obs_logits = jnp.stack([o0, o1], axis=2)
    logprob_pred = _bkt(corr, dynamics_logits, obs_logits)
    total = Bc * A * Tc
    adj = tid + ab_idx[:, None] * Bc * Tc
    adj = jnp.where(tid == -1, -1, adj).flatten()
    mask = adj > -1
    adj2 = jnp.where(mask, adj, total)  # invalid trials go to dump slot
    lp0 = jnp.zeros(total + 1, dtype=logprob_pred.dtype).at[adj2].set(logprob_pred[:, :, 0].flatten())[:total]
    lp1 = jnp.zeros(total + 1, dtype=logprob_pred.dtype).at[adj2].set(logprob_pred[:, :, 1].flatten())[:total]
    lp0 = lp0.reshape(A, Bc, Tc)
    lp1 = lp1.reshape(A, Bc, Tc)
    result = jnp.stack([lp0, lp1], axis=3)
    result = jnp.transpose(result, (1, 0, 2, 3))  # B x A x T x 2
    # seq_bayesian: posterior-weight ability levels by prefix log-likelihood of ytrue
    idx = jnp.broadcast_to(ytrue[:, None, :, None], (Bc, A, Tc, 1))
    ll = jnp.take_along_axis(result, idx, axis=3)[:, :, :, 0]  # B x A x T
    prefix = jnp.cumsum(ll, axis=2) - ll                        # exclusive prefix loglik
    logw = jax.nn.log_softmax(prefix, axis=1)
    logpred = jax.nn.logsumexp(result + logw[:, :, :, None], axis=1)  # B x T x 2
    return logpred


def setup_inputs(seed: int = 0):
    key = jax.random.key(seed)
    ks = jax.random.split(key, 6)
    return {
        "padded_correct": jax.random.randint(ks[0], (B, T), 0, 2),
        "kc": jax.random.randint(ks[1], (B,), 0, N_KCS),
        "padded_problem": jax.random.randint(ks[2], (B, T), 0, N_PROBLEMS),
        "padded_trial_id": jnp.arange(B * T).reshape(B, T),
        "ytrue": jax.random.randint(ks[3], (B, T), 0, 2),
        "dynamics_logits_table": jax.random.normal(ks[4], (N_KCS, 3), dtype=jnp.float32),
        "obs_logits_problem": 0.1 * jax.random.normal(ks[5], (N_PROBLEMS, 2), dtype=jnp.float32),
        "obs_logits_kc": jax.random.normal(jax.random.fold_in(key, 7), (N_KCS, 2), dtype=jnp.float32),
    }


def reference(padded_correct, kc, padded_problem, padded_trial_id, ytrue, dynamics_logits_table, obs_logits_problem, obs_logits_kc):
    return _forward(padded_correct, kc, padded_problem, padded_trial_id, ytrue,
                    dynamics_logits_table, obs_logits_problem, obs_logits_kc)

if __name__ == "__main__":
    import jax
    _d = setup_inputs()
    print(jax.jit(kernel)(*tuple(_d.values())))

</pallas_src>

<mosaic_0001>
#map = affine_map<(d0, d1) -> (0, 0)>
module attributes {stable_mosaic.version = 14 : i64} {
  func.func @sc_gather(%arg0: i32, %arg1: i32, %arg2: memref<16x2048xi32, #tpu.memory_space<hbm>>, %arg3: memref<12500x16xf32, #tpu.memory_space<hbm>>, %arg4: memref<16x2048xf32, #tpu.memory_space<hbm>>, %arg5: memref<16x2048xf32, #tpu.memory_space<hbm>>, %arg6: memref<1024xi32, #tpu.memory_space<vmem>>, %arg7: memref<8x128xi32, #tpu.memory_space<vmem>>, %arg8: memref<1024x16xf32, #tpu.memory_space<vmem>>, %arg9: memref<1024xf32, #tpu.memory_space<vmem>>, %arg10: memref<1024xf32, #tpu.memory_space<vmem>>, %arg11: memref<!tpu.dma_semaphore, #tpu.memory_space<semaphore_mem>>) attributes {dimension_semantics = [#tpu.dimension_semantics<core_parallel>, #tpu.dimension_semantics<subcore_parallel>], iteration_bounds = array<i64: 2, 16>, scalar_prefetch = 0 : i64, scratch_operands = 6 : i64, tpu.core_type = #tpu.core_type<sc_vector_subcore>, window_params = [{transform_indices = #map}, {transform_indices = #map}, {transform_indices = #map}, {transform_indices = #map}]} {
    %mul3A = arith.constant 2 : i32
    %mul3A_0 = arith.muli %arg1, %mul3A : i32
    %add3A = arith.addi %mul3A_0, %arg0 : i32
    %jit3A = arith.constant 2 : i32
    %div3A = arith.divsi %add3A, %jit3A : i32
    %sign3A = arith.constant 0 : i32
    %sign3A_1 = arith.cmpi sgt, %add3A, %sign3A : i32
    %sign3A_2 = arith.extui %sign3A_1 : i1 to i32
    %sign3A_3 = arith.constant 0 : i32
    %sign3A_4 = arith.cmpi slt, %add3A, %sign3A_3 : i32
    %sign3A_5 = arith.extui %sign3A_4 : i1 to i32
    %sign3A_6 = arith.subi %sign3A_2, %sign3A_5 : i32
    %sign3A_7 = arith.constant 0 : i32
    %sign3A_8 = arith.cmpi sgt, %jit3A, %sign3A_7 : i32
    %sign3A_9 = arith.extui %sign3A_8 : i1 to i32
    %sign3A_10 = arith.constant 0 : i32
    %sign3A_11 = arith.cmpi slt, %jit3A, %sign3A_10 : i32
    %sign3A_12 = arith.extui %sign3A_11 : i1 to i32
    %sign3A_13 = arith.subi %sign3A_9, %sign3A_12 : i32
    %ne3A = arith.cmpi ne, %sign3A_6, %sign3A_13 : i32
    %rem3A = arith.remsi %add3A, %jit3A : i32
    %ne3A_14 = arith.constant 0 : i32
    %ne3A_15 = arith.cmpi ne, %rem3A, %ne3A_14 : i32
    %and3A = arith.andi %ne3A, %ne3A_15 : i1
    %sub3A = arith.constant 1 : i32
    %sub3A_16 = arith.subi %div3A, %sub3A : i32
    %select_n3A = arith.select %and3A, %sub3A_16, %div3A : i32
    %jit3A_17 = arith.constant 2 : i32
    %eq3A = arith.constant 0 : i32
    %eq3A_18 = arith.cmpi eq, %jit3A_17, %eq3A : i32
    %jit3A_19 = arith.constant 1 : i32
    %select_n3A_20 = arith.select %eq3A_18, %jit3A_19, %jit3A_17 : i32
    %rem3A_21 = arith.remsi %add3A, %select_n3A_20 : i32
    %ne3A_22 = arith.constant 0 : i32
    %ne3A_23 = arith.cmpi ne, %rem3A_21, %ne3A_22 : i32
    %lt3A = arith.constant 0 : i32
    %lt3A_24 = arith.cmpi slt, %rem3A_21, %lt3A : i32
    %lt3A_25 = arith.constant 0 : i32
    %lt3A_26 = arith.cmpi slt, %select_n3A_20, %lt3A_25 : i32
    %ne3A_27 = arith.xori %lt3A_24, %lt3A_26 : i1
    %and3A_28 = arith.andi %ne3A_27, %ne3A_23 : i1
    %add3A_29 = arith.addi %rem3A_21, %select_n3A_20 : i32
    %select_n3A_30 = arith.select %and3A_28, %add3A_29, %rem3A_21 : i32
    %mul3A_31 = arith.constant 1024 : i32
    %mul3A_32 = arith.muli %select_n3A_30, %mul3A_31 : i32
    "tpu.region"() ({
      %run_scoped3A = tpu.sem_alloc : memref<!tpu.dma_semaphore, #tpu.memory_space<semaphore_mem>>
      %dma_start3A_2106 = tpu.memref_slice %arg2[%select_n3A, %mul3A_32] : memref<16x2048xi32, #tpu.memory_space<hbm>> -> memref<1x1024xi32, #tpu.memory_space<hbm>>
      %dma_start3A_2107 = tpu.memref_squeeze %dma_start3A_2106 : memref<1x1024xi32, #tpu.memory_space<hbm>> -> memref<1024xi32, #tpu.memory_space<hbm>>
      %dma_start3A_2108 = tpu.memref_slice %arg2[%select_n3A, %mul3A_32] : memref<16x2048xi32, #tpu.memory_space<hbm>> -> memref<1x1024xi32, #tpu.memory_space<hbm>>
      %dma_start3A_2109 = tpu.memref_squeeze %dma_start3A_2108 : memref<1x1024xi32, #tpu.memory_space<hbm>> -> memref<1024xi32, #tpu.memory_space<hbm>>
      tpu.enqueue_dma source(%dma_start3A_2109 : memref<1024xi32, #tpu.memory_space<hbm>>) target(%arg6 : memref<1024xi32, #tpu.memory_space<vmem>>) target_semaphore(%run_scoped3A : memref<!tpu.dma_semaphore, #tpu.memory_space<semaphore_mem>>)
      %dma_wait3A_2110 = tpu.memref_slice %arg2[%select_n3A, %mul3A_32] : memref<16x2048xi32, #tpu.memory_space<hbm>> -> memref<1x1024xi32, #tpu.memory_space<hbm>>
      %dma_wait3A_2111 = tpu.memref_squeeze %dma_wait3A_2110 : memref<1x1024xi32, #tpu.memory_space<hbm>> -> memref<1024xi32, #tpu.memory_space<hbm>>
      %dma_wait3A_2112 = tpu.memref_slice %arg2[%select_n3A, %mul3A_32] : memref<16x2048xi32, #tpu.memory_space<hbm>> -> memref<1x1024xi32, #tpu.memory_space<hbm>>
      %dma_wait3A_2113 = tpu.memref_squeeze %dma_wait3A_2112 : memref<1x1024xi32, #tpu.memory_space<hbm>> -> memref<1024xi32, #tpu.memory_space<hbm>>
      tpu.wait_dma2 semaphore(%run_scoped3A : memref<!tpu.dma_semaphore, #tpu.memory_space<semaphore_mem>>) src(%dma_wait3A_2113 : memref<1024xi32, #tpu.memory_space<hbm>>) dst(%arg6 : memref<1024xi32, #tpu.memory_space<vmem>>)
      tpu.yield
    }) : () -> ()
    %get3A = arith.constant 0 : index
    %get3A_33 = tpu.vector_load %arg6[%get3A] {strides = array<i32>} : memref<1024xi32, #tpu.memory_space<vmem>>, vector<16xi32>,
    %shift_right_logical3A = arith.constant 3 : i32
    %shift_right_logical3A_34 = vector.broadcast %shift_right_logical3A : i32 to vector<16xi32>
    %shift_right_logical3A_35 = arith.shrui %get3A_33, %shift_right_logical3A_34 : vector<16xi32>
    %swap3A = arith.constant 0 : i32
    %swap3A_36 = arith.index_cast %swap3A : i32 to index
    %swap3A_37 = arith.constant 0 : index
    %swap3A_38 = tpu.vector_load %arg7[%swap3A_36, %swap3A_37] {strides = array<i32>} : memref<8x128xi32, #tpu.memory_space<vmem>>, vector<16xi32>,
    tpu.vector_store %arg7[%swap3A_36, %swap3A_37], %shift_right_logical3A_35 {strides = array<i32>} : memref<8x128xi32, #tpu.memory_space<vmem>>, vector<16xi32>,
    %get3A_39 = arith.constant 16 : index
    %get3A_40 = tpu.vector_load %arg6[%get3A_39] {strides = array<i32>} : memref<1024xi32, #tpu.memory_space<vmem>>, vector<16xi32>,
    %shift_right_logical3A_41 = arith.constant 3 : i32
    %shift_right_logical3A_42 = vector.broadcast %shift_right_logical3A_41 : i32 to vector<16xi32>
    %shift_right_logical3A_43 = arith.shrui %get3A_40, %shift_right_logical3A_42 : vector<16xi32>
    %swap3A_44 = arith.constant 0 : i32
    %swap3A_45 = arith.index_cast %swap3A_44 : i32 to index
    %swap3A_46 = arith.constant 16 : index
    %swap3A_47 = tpu.vector_load %arg7[%swap3A_45, %swap3A_46] {strides = array<i32>} : memref<8x128xi32, #tpu.memory_space<vmem>>, vector<16xi32>,
    tpu.vector_store %arg7[%swap3A_45, %swap3A_46], %shift_right_logical3A_43 {strides = array<i32>} : memref<8x128xi32, #tpu.memory_space<vmem>>, vector<16xi32>,
    %get3A_48 = arith.constant 32 : index
    %get3A_49 = tpu.vector_load %arg6[%get3A_48] {strides = array<i32>} : memref<1024xi32, #tpu.memory_space<vmem>>, vector<16xi32>,
    %shift_right_logical3A_50 = arith.constant 3 : i32
    %shift_right_logical3A_51 = vector.broadcast %shift_right_logical3A_50 : i32 to vector<16xi32>
    %shift_right_logical3A_52 = arith.shrui %get3A_49, %shift_right_logical3A_51 : vector<16xi32>
    %swap3A_53 = arith.constant 0 : i32
    %swap3A_54 = arith.index_cast %swap3A_53 : i32 to index
    %swap3A_55 = arith.constant 32 : index
    %swap3A_56 = tpu.vector_load %arg7[%swap3A_54, %swap3A_55] {strides = array<i32>} : memref<8x128xi32, #tpu.memory_space<vmem>>, vector<16xi32>,
    tpu.vector_store %arg7[%swap3A_54, %swap3A_55], %shift_right_logical3A_52 {strides = array<i32>} : memref<8x128xi32, #tpu.memory_space<vmem>>, vector<16xi32>,
    %get3A_57 = arith.constant 48 : index
    %get3A_58 = tpu.vector_load %arg6[%get3A_57] {strides = array<i32>} : memref<1024xi32, #tpu.memory_space<vmem>>, vector<16xi32>,
    %shift_right_logical3A_59 = arith.constant 3 : i32
    %shift_right_logical3A_60 = vector.broadcast %shift_right_logical3A_59 : i32 to vector<16xi32>
    %shift_right_logical3A_61 = arith.shrui %get3A_58, %shift_right_logical3A_60 : vector<16xi32>
    %swap3A_62 = arith.constant 0 : i32
    %swap3A_63 = arith.index_cast %swap3A_62 : i32 to index
    %swap3A_64 = arith.constant 48 : index
    %swap3A_65 = tpu.vector_load %arg7[%swap3A_63, %swap3A_64] {strides = array<i32>} : memref<8x128xi32, #tpu.memory_space<vmem>>, vector<16xi32>,
    tpu.vector_store %arg7[%swap3A_63, %swap3A_64], %shift_right_logical3A_61 {strides = array<i32>} : memref<8x128xi32, #tpu.memory_space<vmem>>, vector<16xi32>,
    %get3A_66 = arith.constant 64 : index
    %get3A_67 = tpu.vector_load %arg6[%get3A_66] {strides = array<i32>} : memref<1024xi32, #tpu.memory_space<vmem>>, vector<16xi32>,
    %shift_right_logical3A_68 = arith.constant 3 : i32
    %shift_right_logical3A_69 = vector.broadcast %shift_right_logical3A_68 : i32 to vector<16xi32>
    %shift_right_logical3A_70 = arith.shrui %get3A_67, %shift_right_logical3A_69 : vector<16xi32>
    %swap3A_71 = arith.constant 0 : i32
    %swap3A_72 = arith.index_cast %swap3A_71 : i32 to index
    %swap3A_73 = arith.constant 64 : index
    %swap3A_74 = tpu.vector_load %arg7[%swap3A_72, %swap3A_73] {strides = array<i32>} : memref<8x128xi32, #tpu.memory_space<vmem>>, vector<16xi32>,
    tpu.vector_store %arg7[%swap3A_72, %swap3A_73], %shift_right_logical3A_70 {strides = array<i32>} : memref<8x128xi32, #tpu.memory_space<vmem>>, vector<16xi32>,
    %get3A_75 = arith.constant 80 : index
    %get3A_76 = tpu.vector_load %arg6[%get3A_75] {strides = array<i32>} : memref<1024xi32, #tpu.memory_space<vmem>>, vector<16xi32>,
    %shift_right_logical3A_77 = arith.constant 3 : i32
    %shift_right_logical3A_78 = vector.broadcast %shift_right_logical3A_77 : i32 to vector<16xi32>
    %shift_right_logical3A_79 = arith.shrui %get3A_76, %shift_right_logical3A_78 : vector<16xi32>
    %swap3A_80 = arith.constant 0 : i32
    %swap3A_81 = arith.index_cast %swap3A_80 : i32 to index
    %swap3A_82 = arith.constant 80 : index
    %swap3A_83 = tpu.vector_load %arg7[%swap3A_81, %swap3A_82] {strides = array<i32>} : memref<8x128xi32, #tpu.memory_space<vmem>>, vector<16xi32>,
    tpu.vector_store %arg7[%swap3A_81, %swap3A_82], %shift_right_logical3A_79 {strides = array<i32>} : memref<8x128xi32, #tpu.memory_space<vmem>>, vector<16xi32>,
    %get3A_84 = arith.constant 96 : index
    %get3A_85 = tpu.vector_load %arg6[%get3A_84] {strides = array<i32>} : memref<1024xi32, #tpu.memory_space<vmem>>, vector<16xi32>,
    %shift_right_logical3A_86 = arith.constant 3 : i32
    %shift_right_logical3A_87 = vector.broadcast %shift_right_logical3A_86 : i32 to vector<16xi32>
    %shift_right_logical3A_88 = arith.shrui %get3A_85, %shift_right_logical3A_87 : vector<16xi32>
    %swap3A_89 = arith.constant 0 : i32
    %swap3A_90 = arith.index_cast %swap3A_89 : i32 to index
    %swap3A_91 = arith.constant 96 : index
    %swap3A_92 = tpu.vector_load %arg7[%swap3A_90, %swap3A_91] {strides = array<i32>} : memref<8x128xi32, #tpu.memory_space<vmem>>, vector<16xi32>,
    tpu.vector_store %arg7[%swap3A_90, %swap3A_91], %shift_right_logical3A_88 {strides = array<i32>} : memref<8x128xi32, #tpu.memory_space<vmem>>, vector<16xi32>,
    %get3A_93 = arith.constant 112 : index
    %get3A_94 = tpu.vector_load %arg6[%get3A_93] {strides = array<i32>} : memref<1024xi32, #tpu.memory_space<vmem>>, vector<16xi32>,
    %shift_right_logical3A_95 = arith.constant 3 : i32
    %shift_right_logical3A_96 = vector.broadcast %shift_right_logical3A_95 : i32 to vector<16xi32>
    %shift_right_logical3A_97 = arith.shrui %get3A_94, %shift_right_logical3A_96 : vector<16xi32>
    %swap3A_98 = arith.constant 0 : i32
    %swap3A_99 = arith.index_cast %swap3A_98 : i32 to index
    %swap3A_100 = arith.constant 112 : index
    %swap3A_101 = tpu.vector_load %arg7[%swap3A_99, %swap3A_100] {strides = array<i32>} : memref<8x128xi32, #tpu.memory_space<vmem>>, vector<16xi32>,
    tpu.vector_store %arg7[%swap3A_99, %swap3A_100], %shift_right_logical3A_97 {strides = array<i32>} : memref<8x128xi32, #tpu.memory_space<vmem>>, vector<16xi32>,
    %get3A_102 = arith.constant 128 : index
    %get3A_103 = tpu.vector_load %arg6[%get3A_102] {strides = array<i32>} : memref<1024xi32, #tpu.memory_space<vmem>>, vector<16xi32>,
    %shift_right_logical3A_104 = arith.constant 3 : i32
    %shift_right_logical3A_105 = vector.broadcast %shift_right_logical3A_104 : i32 to vector<16xi32>
    %shift_right_logical3A_106 = arith.shrui %get3A_103, %shift_right_logical3A_105 : vector<16xi32>
    %swap3A_107 = arith.constant 1 : i32
    %swap3A_108 = arith.index_cast %swap3A_107 : i32 to index
    %swap3A_109 = arith.constant 0 : index
    %swap3A_110 = tpu.vector_load %arg7[%swap3A_108, %swap3A_109] {strides = array<i32>} : memref<8x128xi32, #tpu.memory_space<vmem>>, vector<16xi32>,
    tpu.vector_store %arg7[%swap3A_108, %swap3A_109], %shift_right_logical3A_106 {strides = array<i32>} : memref<8x128xi32, #tpu.memory_space<vmem>>, vector<16xi32>,
    %get3A_111 = arith.constant 144 : index
    %get3A_112 = tpu.vector_load %arg6[%get3A_111] {strides = array<i32>} : memref<1024xi32, #tpu.memory_space<vmem>>, vector<16xi32>,
    %shift_right_logical3A_113 = arith.constant 3 : i32
    %shift_right_logical3A_114 = vector.broadcast %shift_right_logical3A_113 : i32 to vector<16xi32>
    %shift_right_logical3A_115 = arith.shrui %get3A_112, %shift_right_logical3A_114 : vector<16xi32>
    %swap3A_116 = arith.constant 1 : i32
    %swap3A_117 = arith.index_cast %swap3A_116 : i32 to index
    %swap3A_118 = arith.constant 16 : index
    %swap3A_119 = tpu.vector_load %arg7[%swap3A_117, %swap3A_118] {strides = array<i32>} : memref<8x128xi32, #tpu.memory_space<vmem>>, vector<16xi32>,
    tpu.vector_store %arg7[%swap3A_117, %swap3A_118], %shift_right_logical3A_115 {strides = array<i32>} : memref<8x128xi32, #tpu.memory_space<vmem>>, vector<16xi32>,
    %get3A_120 = arith.constant 160 : index
    %get3A_121 = tpu.vector_load %arg6[%get3A_120] {strides = array<i32>} : memref<1024xi32, #tpu.memory_space<vmem>>, vector<16xi32>,
    %shift_right_logical3A_122 = arith.constant 3 : i32
    %shift_right_logical3A_123 = vector.broadcast %shift_right_logical3A_122 : i32 to vector<16xi32>
    %shift_right_logical3A_124 = arith.shrui %get3A_121, %shift_right_logical3A_123 : vector<16xi32>
    %swap3A_125 = arith.constant 1 : i32
    %swap3A_126 = arith.index_cast %swap3A_125 : i32 to index
    %swap3A_127 = arith.constant 32 : index
    %swap3A_128 = tpu.vector_load %arg7[%swap3A_126, %swap3A_127] {strides = array<i32>} : memref<8x128xi32, #tpu.memory_space<vmem>>, vector<16xi32>,
    tpu.vector_store %arg7[%swap3A_126, %swap3A_127], %shift_right_logical3A_124 {strides = array<i32>} : memref<8x128xi32, #tpu.memory_space<vmem>>, vector<16xi32>,
    %get3A_129 = arith.constant 176 : index
    %get3A_130 = tpu.vector_load %arg6[%get3A_129] {strides = array<i32>} : memref<1024xi32, #tpu.memory_space<vmem>>, vector<16xi32>,
    %shift_right_logical3A_131 = arith.constant 3 : i32
    %shift_right_logical3A_132 = vector.broadcast %shift_right_logical3A_131 : i32 to vector<16xi32>
    %shift_right_logical3A_133 = arith.shrui %get3A_130, %shift_right_logical3A_132 : vector<16xi32>
    %swap3A_134 = arith.constant 1 : i32
    %swap3A_135 = arith.index_cast %swap3A_134 : i32 to index
    %swap3A_136 = arith.constant 48 : index
    %swap3A_137 = tpu.vector_load %arg7[%swap3A_135, %swap3A_136] {strides = array<i32>} : memref<8x128xi32, #tpu.memory_space<vmem>>, vector<16xi32>,
    tpu.vector_store %arg7[%swap3A_135, %swap3A_136], %shift_right_logical3A_133 {strides = array<i32>} : memref<8x128xi32, #tpu.memory_space<vmem>>, vector<16xi32>,
    %get3A_138 = arith.constant 192 : index
    %get3A_139 = tpu.vector_load %arg6[%get3A_138] {strides = array<i32>} : memref<1024xi32, #tpu.memory_space<vmem>>, vector<16xi32>,
    %shift_right_logical3A_140 = arith.constant 3 : i32
    %shift_right_logical3A_141 = vector.broadcast %shift_right_logical3A_140 : i32 to vector<16xi32>
    %shift_right_logical3A_142 = arith.shrui %get3A_139, %shift_right_logical3A_141 : vector<16xi32>
    %swap3A_143 = arith.constant 1 : i32
    %swap3A_144 = arith.index_cast %swap3A_143 : i32 to index
    %swap3A_145 = arith.constant 64 : index
    %swap3A_146 = tpu.vector_load %arg7[%swap3A_144, %swap3A_145] {strides = array<i32>} : memref<8x128xi32, #tpu.memory_space<vmem>>, vector<16xi32>,
    tpu.vector_store %arg7[%swap3A_144, %swap3A_145], %shift_right_logical3A_142 {strides = array<i32>} : memref<8x128xi32, #tpu.memory_space<vmem>>, vector<16xi32>,
    %get3A_147 = arith.constant 208 : index
    %get3A_148 = tpu.vector_load %arg6[%get3A_147] {strides = array<i32>} : memref<1024xi32, #tpu.memory_space<vmem>>, vector<16xi32>,
    %shift_right_logical3A_149 = arith.constant 3 : i32
    %shift_right_logical3A_150 = vector.broadcast %shift_right_logical3A_149 : i32 to vector<16xi32>
    %shift_right_logical3A_151 = arith.shrui %get3A_148, %shift_right_logical3A_150 : vector<16xi32>
    %swap3A_152 = arith.constant 1 : i32
    %swap3A_153 = arith.index_cast %swap3A_152 : i32 to index
    %swap3A_154 = arith.constant 80 : index
    %swap3A_155 = tpu.vector_load %arg7[%swap3A_153, %swap3A_154] {strides = array<i32>} : memref<8x128xi32, #tpu.memory_space<vmem>>, vector<16xi32>,
    tpu.vector_store %arg7[%swap3A_153, %swap3A_154], %shift_right_logical3A_151 {strides = array<i32>} : memref<8x128xi32, #tpu.memory_space<vmem>>, vector<16xi32>,
    %get3A_156 = arith.constant 224 : index
    %get3A_157 = tpu.vector_load %arg6[%get3A_156] {strides = array<i32>} : memref<1024xi32, #tpu.memory_space<vmem>>, vector<16xi32>,
    %shift_right_logical3A_158 = arith.constant 3 : i32
    %shift_right_logical3A_159 = vector.broadcast %shift_right_logical3A_158 : i32 to vector<16xi32>
    %shift_right_logical3A_160 = arith.shrui %get3A_157, %shift_right_logical3A_159 : vector<16xi32>
    %swap3A_161 = arith.constant 1 : i32
    %swap3A_162 = arith.index_cast %swap3A_161 : i32 to index
    %swap3A_163 = arith.constant 96 : index
    %swap3A_164 = tpu.vector_load %arg7[%swap3A_162, %swap3A_163] {strides = array<i32>} : memref<8x128xi32, #tpu.memory_space<vmem>>, vector<16xi32>,
    tpu.vector_store %arg7[%swap3A_162, %swap3A_163], %shift_right_logical3A_160 {strides = array<i32>} : memref<8x128xi32, #tpu.memory_space<vmem>>, vector<16xi32>,
    %get3A_165 = arith.constant 240 : index
    %get3A_166 = tpu.vector_load %arg6[%get3A_165] {strides = array<i32>} : memref<1024xi32, #tpu.memory_space<vmem>>, vector<16xi32>,
    %shift_right_logical3A_167 = arith.constant 3 : i32
    %shift_right_logical3A_168 = vector.broadcast %shift_right_logical3A_167 : i32 to vector<16xi32>
    %shift_right_logical3A_169 = arith.shrui %get3A_166, %shift_right_logical3A_168 : vector<16xi32>
    %swap3A_170 = arith.constant 1 : i32
    %swap3A_171 = arith.index_cast %swap3A_170 : i32 to index
    %swap3A_172 = arith.constant 112 : index
    %swap3A_173 = tpu.vector_load %arg7[%swap3A_171, %swap3A_172] {strides = array<i32>} : memref<8x128xi32, #tpu.memory_space<vmem>>, vector<16xi32>,
    tpu.vector_store %arg7[%swap3A_171, %swap3A_172], %shift_right_logical3A_169 {strides = array<i32>} : memref<8x128xi32, #tpu.memory_space<vmem>>, vector<16xi32>,
    %get3A_174 = arith.constant 256 : index
    %get3A_175 = tpu.vector_load %arg6[%get3A_174] {strides = array<i32>} : memref<1024xi32, #tpu.memory_space<vmem>>, vector<16xi32>,
    %shift_right_logical3A_176 = arith.constant 3 : i32
    %shift_right_logical3A_177 = vector.broadcast %shift_right_logical3A_176 : i32 to vector<16xi32>
    %shift_right_logical3A_178 = arith.shrui %get3A_175, %shift_right_logical3A_177 : vector<16xi32>
    %swap3A_179 = arith.constant 2 : i32
    %swap3A_180 = arith.index_cast %swap3A_179 : i32 to index
    %swap3A_181 = arith.constant 0 : index
    %swap3A_182 = tpu.vector_load %arg7[%swap3A_180, %swap3A_181] {strides = array<i32>} : memref<8x128xi32, #tpu.memory_space<vmem>>, vector<16xi32>,
    tpu.vector_store %arg7[%swap3A_180, %swap3A_181], %shift_right_logical3A_178 {strides = array<i32>} : memref<8x128xi32, #tpu.memory_space<vmem>>, vector<16xi32>,
    %get3A_183 = arith.constant 272 : index
    %get3A_184 = tpu.vector_load %arg6[%get3A_183] {strides = array<i32>} : memref<1024xi32, #tpu.memory_space<vmem>>, vector<16xi32>,
    %shift_right_logical3A_185 = arith.constant 3 : i32
    %shift_right_logical3A_186 = vector.broadcast %shift_right_logical3A_185 : i32 to vector<16xi32>
    %shift_right_logical3A_187 = arith.shrui %get3A_184, %shift_right_logical3A_186 : vector<16xi32>
    %swap3A_188 = arith.constant 2 : i32
    %swap3A_189 = arith.index_cast %swap3A_188 : i32 to index
    %swap3A_190 = arith.constant 16 : index
    %swap3A_191 = tpu.vector_load %arg7[%swap3A_189, %swap3A_190] {strides = array<i32>} : memref<8x128xi32, #tpu.memory_space<vmem>>, vector<16xi32>,
    tpu.vector_store %arg7[%swap3A_189, %swap3A_190], %shift_right_logical3A_187 {strides = array<i32>} : memref<8x128xi32, #tpu.memory_space<vmem>>, vector<16xi32>,
    %get3A_192 = arith.constant 288 : index
    %get3A_193 = tpu.vector_load %arg6[%get3A_192] {strides = array<i32>} : memref<1024xi32, #tpu.memory_space<vmem>>, vector<16xi32>,
    %shift_right_logical3A_194 = arith.constant 3 : i32
    %shift_right_logical3A_195 = vector.broadcast %shift_right_logical3A_194 : i32 to vector<16xi32>
    %shift_right_logical3A_196 = arith.shrui %get3A_193, %shift_right_logical3A_195 : vector<16xi32>
    %swap3A_197 = arith.constant 2 : i32
    %swap3A_198 = arith.index_cast %swap3A_197 : i32 to index
    %swap3A_199 = arith.constant 32 : index
    %swap3A_200 = tpu.vector_load %arg7[%swap3A_198, %swap3A_199] {strides = array<i32>} : memref<8x128xi32, #tpu.memory_space<vmem>>, vector<16xi32>,
    tpu.vector_store %arg7[%swap3A_198, %swap3A_199], %shift_right_logical3A_196 {strides = array<i32>} : memref<8x128xi32, #tpu.memory_space<vmem>>, vector<16xi32>,
    %get3A_201 = arith.constant 304 : index
    %get3A_202 = tpu.vector_load %arg6[%get3A_201] {strides = array<i32>} : memref<1024xi32, #tpu.memory_space<vmem>>, vector<16xi32>,
    %shift_right_logical3A_203 = arith.constant 3 : i32
    %shift_right_logical3A_204 = vector.broadcast %shift_right_logical3A_203 : i32 to vector<16xi32>
    %shift_right_logical3A_205 = arith.shrui %get3A_202, %shift_right_logical3A_204 : vector<16xi32>
    %swap3A_206 = arith.constant 2 : i32
    %swap3A_207 = arith.index_cast %swap3A_206 : i32 to index
    %swap3A_208 = arith.constant 48 : index
    %swap3A_209 = tpu.vector_load %arg7[%swap3A_207, %swap3A_208] {strides = array<i32>} : memref<8x128xi32, #tpu.memory_space<vmem>>, vector<16xi32>,
    tpu.vector_store %arg7[%swap3A_207, %swap3A_208], %shift_right_logical3A_205 {strides = array<i32>} : memref<8x128xi32, #tpu.memory_space<vmem>>, vector<16xi32>,
    %get3A_210 = arith.constant 320 : index
    %get3A_211 = tpu.vector_load %arg6[%get3A_210] {strides = array<i32>} : memref<1024xi32, #tpu.memory_space<vmem>>, vector<16xi32>,
    %shift_right_logical3A_212 = arith.constant 3 : i32
    %shift_right_logical3A_213 = vector.broadcast %shift_right_logical3A_212 : i32 to vector<16xi32>
    %shift_right_logical3A_214 = arith.shrui %get3A_211, %shift_right_logical3A_213 : vector<16xi32>
    %swap3A_215 = arith.constant 2 : i32
    %swap3A_216 = arith.index_cast %swap3A_215 : i32 to index
    %swap3A_217 = arith.constant 64 : index
    %swap3A_218 = tpu.vector_load %arg7[%swap3A_216, %swap3A_217] {strides = array<i32>} : memref<8x128xi32, #tpu.memory_space<vmem>>, vector<16xi32>,
    tpu.vector_store %arg7[%swap3A_216, %swap3A_217], %shift_right_logical3A_214 {strides = array<i32>} : memref<8x128xi32, #tpu.memory_space<vmem>>, vector<16xi32>,
    %get3A_219 = arith.constant 336 : index
    %get3A_220 = tpu.vector_load %arg6[%get3A_219] {strides = array<i32>} : memref<1024xi32, #tpu.memory_space<vmem>>, vector<16xi32>,
    %shift_right_logical3A_221 = arith.constant 3 : i32
    %shift_right_logical3A_222 = vector.broadcast %shift_right_logical3A_221 : i32 to vector<16xi32>
    %shift_right_logical3A_223 = arith.shrui %get3A_220, %shift_right_logical3A_222 : vector<16xi32>
    %swap3A_224 = arith.constant 2 : i32
    %swap3A_225 = arith.index_cast %swap3A_224 : i32 to index
    %swap3A_226 = arith.constant 80 : index
    %swap3A_227 = tpu.vector_load %arg7[%swap3A_225, %swap3A_226] {strides = array<i32>} : memref<8x128xi32, #tpu.memory_space<vmem>>, vector<16xi32>,
    tpu.vector_store %arg7[%swap3A_225, %swap3A_226], %shift_right_logical3A_223 {strides = array<i32>} : memref<8x128xi32, #tpu.memory_space<vmem>>, vector<16xi32>,
    %get3A_228 = arith.constant 352 : index
    %get3A_229 = tpu.vector_load %arg6[%get3A_228] {strides = array<i32>} : memref<1024xi32, #tpu.memory_space<vmem>>, vector<16xi32>,
    %shift_right_logical3A_230 = arith.constant 3 : i32
    %shift_right_logical3A_231 = vector.broadcast %shift_right_logical3A_230 : i32 to vector<16xi32>
    %shift_right_logical3A_232 = arith.shrui %get3A_229, %shift_right_logical3A_231 : vector<16xi32>
    %swap3A_233 = arith.constant 2 : i32
    %swap3A_234 = arith.index_cast %swap3A_233 : i32 to index
    %swap3A_235 = arith.constant 96 : index
    %swap3A_236 = tpu.vector_load %arg7[%swap3A_234, %swap3A_235] {strides = array<i32>} : memref<8x128xi32, #tpu.memory_space<vmem>>, vector<16xi32>,
    tpu.vector_store %arg7[%swap3A_234, %swap3A_235], %shift_right_logical3A_232 {strides = array<i32>} : memref<8x128xi32, #tpu.memory_space<vmem>>, vector<16xi32>,
    %get3A_237 = arith.constant 368 : index
    %get3A_238 = tpu.vector_load %arg6[%get3A_237] {strides = array<i32>} : memref<1024xi32, #tpu.memory_space<vmem>>, vector<16xi32>,
    %shift_right_logical3A_239 = arith.constant 3 : i32
    %shift_right_logical3A_240 = vector.broadcast %shift_right_logical3A_239 : i32 to vector<16xi32>
    %shift_right_logical3A_241 = arith.shrui %get3A_238, %shift_right_logical3A_240 : vector<16xi32>
    %swap3A_242 = arith.constant 2 : i32
    %swap3A_243 = arith.index_cast %swap3A_242 : i32 to index
    %swap3A_244 = arith.constant 112 : index
    %swap3A_245 = tpu.vector_load %arg7[%swap3A_243, %swap3A_244] {strides = array<i32>} : memref<8x128xi32, #tpu.memory_space<vmem>>, vector<16xi32>,
    tpu.vector_store %arg7[%swap3A_243, %swap3A_244], %shift_right_logical3A_241 {strides = array<i32>} : memref<8x128xi32, #tpu.memory_space<vmem>>, vector<16xi32>,
    %get3A_246 = arith.constant 384 : index
    %get3A_247 = tpu.vector_load %arg6[%get3A_246] {strides = array<i32>} : memref<1024xi32, #tpu.memory_space<vmem>>, vector<16xi32>,
    %shift_right_logical3A_248 = arith.constant 3 : i32
    %shift_right_logical3A_249 = vector.broadcast %shift_right_logical3A_248 : i32 to vector<16xi32>
    %shift_right_logical3A_250 = arith.shrui %get3A_247, %shift_right_logical3A_249 : vector<16xi32>
    %swap3A_251 = arith.constant 3 : i32
    %swap3A_252 = arith.index_cast %swap3A_251 : i32 to index
    %swap3A_253 = arith.constant 0 : index
    %swap3A_254 = tpu.vector_load %arg7[%swap3A_252, %swap3A_253] {strides = array<i32>} : memref<8x128xi32, #tpu.memory_space<vmem>>, vector<16xi32>,
    tpu.vector_store %arg7[%swap3A_252, %swap3A_253], %shift_right_logical3A_250 {strides = array<i32>} : memref<8x128xi32, #tpu.memory_space<vmem>>, vector<16xi32>,
    %get3A_255 = arith.constant 400 : index
    %get3A_256 = tpu.vector_load %arg6[%get3A_255] {strides = array<i32>} : memref<1024xi32, #tpu.memory_space<vmem>>, vector<16xi32>,
    %shift_right_logical3A_257 = arith.constant 3 : i32
    %shift_right_logical3A_258 = vector.broadcast %shift_right_logical3A_257 : i32 to vector<16xi32>
    %shift_right_logical3A_259 = arith.shrui %get3A_256, %shift_right_logical3A_258 : vector<16xi32>
    %swap3A_260 = arith.constant 3 : i32
    %swap3A_261 = arith.index_cast %swap3A_260 : i32 to index
    %swap3A_262 = arith.constant 16 : index
    %swap3A_263 = tpu.vector_load %arg7[%swap3A_261, %swap3A_262] {strides = array<i32>} : memref<8x128xi32, #tpu.memory_space<vmem>>, vector<16xi32>,
    tpu.vector_store %arg7[%swap3A_261, %swap3A_262], %shift_right_logical3A_259 {strides = array<i32>} : memref<8x128xi32, #tpu.memory_space<vmem>>, vector<16xi32>,
    %get3A_264 = arith.constant 416 : index
    %get3A_265 = tpu.vector_load %arg6[%get3A_264] {strides = array<i32>} : memref<1024xi32, #tpu.memory_space<vmem>>, vector<16xi32>,
    %shift_right_logical3A_266 = arith.constant 3 : i32
    %shift_right_logical3A_267 = vector.broadcast %shift_right_logical3A_266 : i32 to vector<16xi32>
    %shift_right_logical3A_268 = arith.shrui %get3A_265, %shift_right_logical3A_267 : vector<16xi32>
    %swap3A_269 = arith.constant 3 : i32
    %swap3A_270 = arith.index_cast %swap3A_269 : i32 to index
    %swap3A_271 = arith.constant 32 : index
    %swap3A_272 = tpu.vector_load %arg7[%swap3A_270, %swap3A_271] {strides = array<i32>} : memref<8x128xi32, #tpu.memory_space<vmem>>, vector<16xi32>,
    tpu.vector_store %arg7[%swap3A_270, %swap3A_271], %shift_right_logical3A_268 {strides = array<i32>} : memref<8x128xi32, #tpu.memory_space<vmem>>, vector<16xi32>,
    %get3A_273 = arith.constant 432 : index
    %get3A_274 = tpu.vector_load %arg6[%get3A_273] {strides = array<i32>} : memref<1024xi32, #tpu.memory_space<vmem>>, vector<16xi32>,
    %shift_right_logical3A_275 = arith.constant 3 : i32
    %shift_right_logical3A_276 = vector.broadcast %shift_right_logical3A_275 : i32 to vector<16xi32>
    %shift_right_logical3A_277 = arith.shrui %get3A_274, %shift_right_logical3A_276 : vector<16xi32>
    %swap3A_278 = arith.constant 3 : i32
    %swap3A_279 = arith.index_cast %swap3A_278 : i32 to index
    %swap3A_280 = arith.constant 48 : index
    %swap3A_281 = tpu.vector_load %arg7[%swap3A_279, %swap3A_280] {strides = array<i32>} : memref<8x128xi32, #tpu.memory_space<vmem>>, vector<16xi32>,
    tpu.vector_store %arg7[%swap3A_279, %swap3A_280], %shift_right_logical3A_277 {strides = array<i32>} : memref<8x128xi32, #tpu.memory_space<vmem>>, vector<16xi32>,
    %get3A_282 = arith.constant 448 : index
    %get3A_283 = tpu.vector_load %arg6[%get3A_282] {strides = array<i32>} : memref<1024xi32, #tpu.memory_space<vmem>>, vector<16xi32>,
    %shift_right_logical3A_284 = arith.constant 3 : i32
    %shift_right_logical3A_285 = vector.broadcast %shift_right_logical3A_284 : i32 to vector<16xi32>
    %shift_right_logical3A_286 = arith.shrui %get3A_283, %shift_right_logical3A_285 : vector<16xi32>
    %swap3A_287 = arith.constant 3 : i32
    %swap3A_288 = arith.index_cast %swap3A_287 : i32 to index
    %swap3A_289 = arith.constant 64 : index
    %swap3A_290 = tpu.vector_load %arg7[%swap3A_288, %swap3A_289] {strides = array<i32>} : memref<8x128xi32, #tpu.memory_space<vmem>>, vector<16xi32>,
    tpu.vector_store %arg7[%swap3A_288, %swap3A_289], %shift_right_logical3A_286 {strides = array<i32>} : memref<8x128xi32, #tpu.memory_space<vmem>>, vector<16xi32>,
    %get3A_291 = arith.constant 464 : index
    %get3A_292 = tpu.vector_load %arg6[%get3A_291] {strides = array<i32>} : memref<1024xi32, #tpu.memory_space<vmem>>, vector<16xi32>,
    %shift_right_logical3A_293 = arith.constant 3 : i32
    %shift_right_logical3A_294 = vector.broadcast %shift_right_logical3A_293 : i32 to vector<16xi32>
    %shift_right_logical3A_295 = arith.shrui %get3A_292, %shift_right_logical3A_294 : vector<16xi32>
    %swap3A_296 = arith.constant 3 : i32
    %swap3A_297 = arith.index_cast %swap3A_296 : i32 to index
    %swap3A_298 = arith.constant 80 : index
    %swap3A_299 = tpu.vector_load %arg7[%swap3A_297, %swap3A_298] {strides = array<i32>} : memref<8x128xi32, #tpu.memory_space<vmem>>, vector<16xi32>,
    tpu.vector_store %arg7[%swap3A_297, %swap3A_298], %shift_right_logical3A_295 {strides = array<i32>} : memref<8x128xi32, #tpu.memory_space<vmem>>, vector<16xi32>,
    %get3A_300 = arith.constant 480 : index
    %get3A_301 = tpu.vector_load %arg6[%get3A_300] {strides = array<i32>} : memref<1024xi32, #tpu.memory_space<vmem>>, vector<16xi32>,
    %shift_right_logical3A_302 = arith.constant 3 : i32
    %shift_right_logical3A_303 = vector.broadcast %shift_right_logical3A_302 : i32 to vector<16xi32>
    %shift_right_logical3A_304 = arith.shrui %get3A_301, %shift_right_logical3A_303 : vector<16xi32>
    %swap3A_305 = arith.constant 3 : i32
    %swap3A_306 = arith.index_cast %swap3A_305 : i32 to index
    %swap3A_307 = arith.constant 96 : index
    %swap3A_308 = tpu.vector_load %arg7[%swap3A_306, %swap3A_307] {strides = array<i32>} : memref<8x128xi32, #tpu.memory_space<vmem>>, vector<16xi32>,
    tpu.vector_store %arg7[%swap3A_306, %swap3A_307], %shift_right_logical3A_304 {strides = array<i32>} : memref<8x128xi32, #tpu.memory_space<vmem>>, vector<16xi32>,
    %get3A_309 = arith.constant 496 : index
    %get3A_310 = tpu.vector_load %arg6[%get3A_309] {strides = array<i32>} : memref<1024xi32, #tpu.memory_space<vmem>>, vector<16xi32>,
    %shift_right_logical3A_311 = arith.constant 3 : i32
    %shift_right_logical3A_312 = vector.broadcast %shift_right_logical3A_311 : i32 to vector<16xi32>
    %shift_right_logical3A_313 = arith.shrui %get3A_310, %shift_right_logical3A_312 : vector<16xi32>
    %swap3A_314 = arith.constant 3 : i32
    %swap3A_315 = arith.index_cast %swap3A_314 : i32 to index
    %swap3A_316 = arith.constant 112 : index
    %swap3A_317 = tpu.vector_load %arg7[%swap3A_315, %swap3A_316] {strides = array<i32>} : memref<8x128xi32, #tpu.memory_space<vmem>>, vector<16xi32>,
    tpu.vector_store %arg7[%swap3A_315, %swap3A_316], %shift_right_logical3A_313 {strides = array<i32>} : memref<8x128xi32, #tpu.memory_space<vmem>>, vector<16xi32>,
    %get3A_318 = arith.constant 512 : index
    %get3A_319 = tpu.vector_load %arg6[%get3A_318] {strides = array<i32>} : memref<1024xi32, #tpu.memory_space<vmem>>, vector<16xi32>,
    %shift_right_logical3A_320 = arith.constant 3 : i32
    %shift_right_logical3A_321 = vector.broadcast %shift_right_logical3A_320 : i32 to vector<16xi32>
    %shift_right_logical3A_322 = arith.shrui %get3A_319, %shift_right_logical3A_321 : vector<16xi32>
    %swap3A_323 = arith.constant 4 : i32
    %swap3A_324 = arith.index_cast %swap3A_323 : i32 to index
    %swap3A_325 = arith.constant 0 : index
    %swap3A_326 = tpu.vector_load %arg7[%swap3A_324, %swap3A_325] {strides = array<i32>} : memref<8x128xi32, #tpu.memory_space<vmem>>, vector<16xi32>,
    tpu.vector_store %arg7[%swap3A_324, %swap3A_325], %shift_right_logical3A_322 {strides = array<i32>} : memref<8x128xi32, #tpu.memory_space<vmem>>, vector<16xi32>,
    %get3A_327 = arith.constant 528 : index
    %get3A_328 = tpu.vector_load %arg6[%get3A_327] {strides = array<i32>} : memref<1024xi32, #tpu.memory_space<vmem>>, vector<16xi32>,
    %shift_right_logical3A_329 = arith.constant 3 : i32
    %shift_right_logical3A_330 = vector.broadcast %shift_right_logical3A_329 : i32 to vector<16xi32>
    %shift_right_logical3A_331 = arith.shrui %get3A_328, %shift_right_logical3A_330 : vector<16xi32>
    %swap3A_332 = arith.constant 4 : i32
    %swap3A_333 = arith.index_cast %swap3A_332 : i32 to index
    %swap3A_334 = arith.constant 16 : index
    %swap3A_335 = tpu.vector_load %arg7[%swap3A_333, %swap3A_334] {strides = array<i32>} : memref<8x128xi32, #tpu.memory_space<vmem>>, vector<16xi32>,
    tpu.vector_store %arg7[%swap3A_333, %swap3A_334], %shift_right_logical3A_331 {strides = array<i32>} : memref<8x128xi32, #tpu.memory_space<vmem>>, vector<16xi32>,
    %get3A_336 = arith.constant 544 : index
    %get3A_337 = tpu.vector_load %arg6[%get3A_336] {strides = array<i32>} : memref<1024xi32, #tpu.memory_space<vmem>>, vector<16xi32>,
    %shift_right_logical3A_338 = arith.constant 3 : i32
    %shift_right_logical3A_339 = vector.broadcast %shift_right_logical3A_338 : i32 to vector<16xi32>
    %shift_right_logical3A_340 = arith.shrui %get3A_337, %shift_right_logical3A_339 : vector<16xi32>
    %swap3A_341 = arith.constant 4 : i32
    %swap3A_342 = arith.index_cast %swap3A_341 : i32 to index
    %swap3A_343 = arith.constant 32 : index
    %swap3A_344 = tpu.vector_load %arg7[%swap3A_342, %swap3A_343] {strides = array<i32>} : memref<8x128xi32, #tpu.memory_space<vmem>>, vector<16xi32>,
    tpu.vector_store %arg7[%swap3A_342, %swap3A_343], %shift_right_logical3A_340 {strides = array<i32>} : memref<8x128xi32, #tpu.memory_space<vmem>>, vector<16xi32>,
    %get3A_345 = arith.constant 560 : index
    %get3A_346 = tpu.vector_load %arg6[%get3A_345] {strides = array<i32>} : memref<1024xi32, #tpu.memory_space<vmem>>, vector<16xi32>,
    %shift_right_logical3A_347 = arith.constant 3 : i32
    %shift_right_logical3A_348 = vector.broadcast %shift_right_logical3A_347 : i32 to vector<16xi32>
    %shift_right_logical3A_349 = arith.shrui %get3A_346, %shift_right_logical3A_348 : vector<16xi32>
    %swap3A_350 = arith.constant 4 : i32
    %swap3A_351 = arith.index_cast %swap3A_350 : i32 to index
    %swap3A_352 = arith.constant 48 : index
    %swap3A_353 = tpu.vector_load %arg7[%swap3A_351, %swap3A_352] {strides = array<i32>} : memref<8x128xi32, #tpu.memory_space<vmem>>, vector<16xi32>,
    tpu.vector_store %arg7[%swap3A_351, %swap3A_352], %shift_right_logical3A_349 {strides = array<i32>} : memref<8x128xi32, #tpu.memory_space<vmem>>, vector<16xi32>,
    %get3A_354 = arith.constant 576 : index
    %get3A_355 = tpu.vector_load %arg6[%get3A_354] {strides = array<i32>} : memref<1024xi32, #tpu.memory_space<vmem>>, vector<16xi32>,
    %shift_right_logical3A_356 = arith.constant 3 : i32
    %shift_right_logical3A_357 = vector.broadcast %shift_right_logical3A_356 : i32 to vector<16xi32>
    %shift_right_logical3A_358 = arith.shrui %get3A_355, %shift_right_logical3A_357 : vector<16xi32>
    %swap3A_359 = arith.constant 4 : i32
    %swap3A_360 = arith.index_cast %swap3A_359 : i32 to index
    %swap3A_361 = arith.constant 64 : index
    %swap3A_362 = tpu.vector_load %arg7[%swap3A_360, %swap3A_361] {strides = array<i32>} : memref<8x128xi32, #tpu.memory_space<vmem>>, vector<16xi32>,
    tpu.vector_store %arg7[%swap3A_360, %swap3A_361], %shift_right_logical3A_358 {strides = array<i32>} : memref<8x128xi32, #tpu.memory_space<vmem>>, vector<16xi32>,
    %get3A_363 = arith.constant 592 : index
    %get3A_364 = tpu.vector_load %arg6[%get3A_363] {strides = array<i32>} : memref<1024xi32, #tpu.memory_space<vmem>>, vector<16xi32>,
    %shift_right_logical3A_365 = arith.constant 3 : i32
    %shift_right_logical3A_366 = vector.broadcast %shift_right_logical3A_365 : i32 to vector<16xi32>
    %shift_right_logical3A_367 = arith.shrui %get3A_364, %shift_right_logical3A_366 : vector<16xi32>
    %swap3A_368 = arith.constant 4 : i32
    %swap3A_369 = arith.index_cast %swap3A_368 : i32 to index
    %swap3A_370 = arith.constant 80 : index
    %swap3A_371 = tpu.vector_load %arg7[%swap3A_369, %swap3A_370] {strides = array<i32>} : memref<8x128xi32, #tpu.memory_space<vmem>>, vector<16xi32>,
    tpu.vector_store %arg7[%swap3A_369, %swap3A_370], %shift_right_logical3A_367 {strides = array<i32>} : memref<8x128xi32, #tpu.memory_space<vmem>>, vector<16xi32>,
    %get3A_372 = arith.constant 608 : index
    %get3A_373 = tpu.vector_load %arg6[%get3A_372] {strides = array<i32>} : memref<1024xi32, #tpu.memory_space<vmem>>, vector<16xi32>,
    %shift_right_logical3A_374 = arith.constant 3 : i32
    %shift_right_logical3A_375 = vector.broadcast %shift_right_logical3A_374 : i32 to vector<16xi32>
    %shift_right_logical3A_376 = arith.shrui %get3A_373, %shift_right_logical3A_375 : vector<16xi32>
    %swap3A_377 = arith.constant 4 : i32
    %swap3A_378 = arith.index_cast %swap3A_377 : i32 to index
    %swap3A_379 = arith.constant 96 : index
    %swap3A_380 = tpu.vector_load %arg7[%swap3A_378, %swap3A_379] {strides = array<i32>} : memref<8x128xi32, #tpu.memory_space<vmem>>, vector<16xi32>,
    tpu.vector_store %arg7[%swap3A_378, %swap3A_379], %shift_right_logical3A_376 {strides = array<i32>} : memref<8x128xi32, #tpu.memory_space<vmem>>, vector<16xi32>,
    %get3A_381 = arith.constant 624 : index
    %get3A_382 = tpu.vector_load %arg6[%get3A_381] {strides = array<i32>} : memref<1024xi32, #tpu.memory_space<vmem>>, vector<16xi32>,
    %shift_right_logical3A_383 = arith.constant 3 : i32
    %shift_right_logical3A_384 = vector.broadcast %shift_right_logical3A_383 : i32 to vector<16xi32>
    %shift_right_logical3A_385 = arith.shrui %get3A_382, %shift_right_logical3A_384 : vector<16xi32>
    %swap3A_386 = arith.constant 4 : i32
    %swap3A_387 = arith.index_cast %swap3A_386 : i32 to index
    %swap3A_388 = arith.constant 112 : index
    %swap3A_389 = tpu.vector_load %arg7[%swap3A_387, %swap3A_388] {strides = array<i32>} : memref<8x128xi32, #tpu.memory_space<vmem>>, vector<16xi32>,
    tpu.vector_store %arg7[%swap3A_387, %swap3A_388], %shift_right_logical3A_385 {strides = array<i32>} : memref<8x128xi32, #tpu.memory_space<vmem>>, vector<16xi32>,
    %get3A_390 = arith.constant 640 : index
    %get3A_391 = tpu.vector_load %arg6[%get3A_390] {strides = array<i32>} : memref<1024xi32, #tpu.memory_space<vmem>>, vector<16xi32>,
    %shift_right_logical3A_392 = arith.constant 3 : i32
    %shift_right_logical3A_393 = vector.broadcast %shift_right_logical3A_392 : i32 to vector<16xi32>
    %shift_right_logical3A_394 = arith.shrui %get3A_391, %shift_right_logical3A_393 : vector<16xi32>
    %swap3A_395 = arith.constant 5 : i32
    %swap3A_396 = arith.index_cast %swap3A_395 : i32 to index
    %swap3A_397 = arith.constant 0 : index
    %swap3A_398 = tpu.vector_load %arg7[%swap3A_396, %swap3A_397] {strides = array<i32>} : memref<8x128xi32, #tpu.memory_space<vmem>>, vector<16xi32>,
    tpu.vector_store %arg7[%swap3A_396, %swap3A_397], %shift_right_logical3A_394 {strides = array<i32>} : memref<8x128xi32, #tpu.memory_space<vmem>>, vector<16xi32>,
    %get3A_399 = arith.constant 656 : index
    %get3A_400 = tpu.vector_load %arg6[%get3A_399] {strides = array<i32>} : memref<1024xi32, #tpu.memory_space<vmem>>, vector<16xi32>,
    %shift_right_logical3A_401 = arith.constant 3 : i32
    %shift_right_logical3A_402 = vector.broadcast %shift_right_logical3A_401 : i32 to vector<16xi32>
    %shift_right_logical3A_403 = arith.shrui %get3A_400, %shift_right_logical3A_402 : vector<16xi32>
    %swap3A_404 = arith.constant 5 : i32
    %swap3A_405 = arith.index_cast %swap3A_404 : i32 to index
    %swap3A_406 = arith.constant 16 : index
    %swap3A_407 = tpu.vector_load %arg7[%swap3A_405, %swap3A_406] {strides = array<i32>} : memref<8x128xi32, #tpu.memory_space<vmem>>, vector<16xi32>,
    tpu.vector_store %arg7[%swap3A_405, %swap3A_406], %shift_right_logical3A_403 {strides = array<i32>} : memref<8x128xi32, #tpu.memory_space<vmem>>, vector<16xi32>,
    %get3A_408 = arith.constant 672 : index
    %get3A_409 = tpu.vector_load %arg6[%get3A_408] {strides = array<i32>} : memref<1024xi32, #tpu.memory_space<vmem>>, vector<16xi32>,
    %shift_right_logical3A_410 = arith.constant 3 : i32
    %shift_right_logical3A_411 = vector.broadcast %shift_right_logical3A_410 : i32 to vector<16xi32>
    %shift_right_logical3A_412 = arith.shrui %get3A_409, %shift_right_logical3A_411 : vector<16xi32>
    %swap3A_413 = arith.constant 5 : i32
    %swap3A_414 = arith.index_cast %swap3A_413 : i32 to index
    %swap3A_415 = arith.constant 32 : index
    %swap3A_416 = tpu.vector_load %arg7[%swap3A_414, %swap3A_415] {strides = array<i32>} : memref<8x128xi32, #tpu.memory_space<vmem>>, vector<16xi32>,
    tpu.vector_store %arg7[%swap3A_414, %swap3A_415], %shift_right_logical3A_412 {strides = array<i32>} : memref<8x128xi32, #tpu.memory_space<vmem>>, vector<16xi32>,
    %get3A_417 = arith.constant 688 : index
    %get3A_418 = tpu.vector_load %arg6[%get3A_417] {strides = array<i32>} : memref<1024xi32, #tpu.memory_space<vmem>>, vector<16xi32>,
    %shift_right_logical3A_419 = arith.constant 3 : i32
    %shift_right_logical3A_420 = vector.broadcast %shift_right_logical3A_419 : i32 to vector<16xi32>
    %shift_right_logical3A_421 = arith.shrui %get3A_418, %shift_right_logical3A_420 : vector<16xi32>
    %swap3A_422 = arith.constant 5 : i32
    %swap3A_423 = arith.index_cast %swap3A_422 : i32 to index
    %swap3A_424 = arith.constant 48 : index
    %swap3A_425 = tpu.vector_load %arg7[%swap3A_423, %swap3A_424] {strides = array<i32>} : memref<8x128xi32, #tpu.memory_space<vmem>>, vector<16xi32>,
    tpu.vector_store %arg7[%swap3A_423, %swap3A_424], %shift_right_logical3A_421 {strides = array<i32>} : memref<8x128xi32, #tpu.memory_space<vmem>>, vector<16xi32>,
    %get3A_426 = arith.constant 704 : index
    %get3A_427 = tpu.vector_load %arg6[%get3A_426] {strides = array<i32>} : memref<1024xi32, #tpu.memory_space<vmem>>, vector<16xi32>,
    %shift_right_logical3A_428 = arith.constant 3 : i32
    %shift_right_logical3A_429 = vector.broadcast %shift_right_logical3A_428 : i32 to vector<16xi32>
    %shift_right_logical3A_430 = arith.shrui %get3A_427, %shift_right_logical3A_429 : vector<16xi32>
    %swap3A_431 = arith.constant 5 : i32
    %swap3A_432 = arith.index_cast %swap3A_431 : i32 to index
    %swap3A_433 = arith.constant 64 : index
    %swap3A_434 = tpu.vector_load %arg7[%swap3A_432, %swap3A_433] {strides = array<i32>} : memref<8x128xi32, #tpu.memory_space<vmem>>, vector<16xi32>,
    tpu.vector_store %arg7[%swap3A_432, %swap3A_433], %shift_right_logical3A_430 {strides = array<i32>} : memref<8x128xi32, #tpu.memory_space<vmem>>, vector<16xi32>,
    %get3A_435 = arith.constant 720 : index
    %get3A_436 = tpu.vector_load %arg6[%get3A_435] {strides = array<i32>} : memref<1024xi32, #tpu.memory_space<vmem>>, vector<16xi32>,
    %shift_right_logical3A_437 = arith.constant 3 : i32
    %shift_right_logical3A_438 = vector.broadcast %shift_right_logical3A_437 : i32 to vector<16xi32>
    %shift_right_logical3A_439 = arith.shrui %get3A_436, %shift_right_logical3A_438 : vector<16xi32>
    %swap3A_440 = arith.constant 5 : i32
    %swap3A_441 = arith.index_cast %swap3A_440 : i32 to index
    %swap3A_442 = arith.constant 80 : index
    %swap3A_443 = tpu.vector_load %arg7[%swap3A_441, %swap3A_442] {strides = array<i32>} : memref<8x128xi32, #tpu.memory_space<vmem>>, vector<16xi32>,
    tpu.vector_store %arg7[%swap3A_441, %swap3A_442], %shift_right_logical3A_439 {strides = array<i32>} : memref<8x128xi32, #tpu.memory_space<vmem>>, vector<16xi32>,
    %get3A_444 = arith.constant 736 : index
    %get3A_445 = tpu.vector_load %arg6[%get3A_444] {strides = array<i32>} : memref<1024xi32, #tpu.memory_space<vmem>>, vector<16xi32>,
    %shift_right_logical3A_446 = arith.constant 3 : i32
    %shift_right_logical3A_447 = vector.broadcast %shift_right_logical3A_446 : i32 to vector<16xi32>
    %shift_right_logical3A_448 = arith.shrui %get3A_445, %shift_right_logical3A_447 : vector<16xi32>
    %swap3A_449 = arith.constant 5 : i32
    %swap3A_450 = arith.index_cast %swap3A_449 : i32 to index
    %swap3A_451 = arith.constant 96 : index
    %swap3A_452 = tpu.vector_load %arg7[%swap3A_450, %swap3A_451] {strides = array<i32>} : memref<8x128xi32, #tpu.memory_space<vmem>>, vector<16xi32>,
    tpu.vector_store %arg7[%swap3A_450, %swap3A_451], %shift_right_logical3A_448 {strides = array<i32>} : memref<8x128xi32, #tpu.memory_space<vmem>>, vector<16xi32>,
    %get3A_453 = arith.constant 752 : index
    %get3A_454 = tpu.vector_load %arg6[%get3A_453] {strides = array<i32>} : memref<1024xi32, #tpu.memory_space<vmem>>, vector<16xi32>,
    %shift_right_logical3A_455 = arith.constant 3 : i32
    %shift_right_logical3A_456 = vector.broadcast %shift_right_logical3A_455 : i32 to vector<16xi32>
    %shift_right_logical3A_457 = arith.shrui %get3A_454, %shift_right_logical3A_456 : vector<16xi32>
    %swap3A_458 = arith.constant 5 : i32
    %swap3A_459 = arith.index_cast %swap3A_458 : i32 to index
    %swap3A_460 = arith.constant 112 : index
    %swap3A_461 = tpu.vector_load %arg7[%swap3A_459, %swap3A_460] {strides = array<i32>} : memref<8x128xi32, #tpu.memory_space<vmem>>, vector<16xi32>,
    tpu.vector_store %arg7[%swap3A_459, %swap3A_460], %shift_right_logical3A_457 {strides = array<i32>} : memref<8x128xi32, #tpu.memory_space<vmem>>, vector<16xi32>,
    %get3A_462 = arith.constant 768 : index
    %get3A_463 = tpu.vector_load %arg6[%get3A_462] {strides = array<i32>} : memref<1024xi32, #tpu.memory_space<vmem>>, vector<16xi32>,
    %shift_right_logical3A_464 = arith.constant 3 : i32
    %shift_right_logical3A_465 = vector.broadcast %shift_right_logical3A_464 : i32 to vector<16xi32>
    %shift_right_logical3A_466 = arith.shrui %get3A_463, %shift_right_logical3A_465 : vector<16xi32>
    %swap3A_467 = arith.constant 6 : i32
    %swap3A_468 = arith.index_cast %swap3A_467 : i32 to index
    %swap3A_469 = arith.constant 0 : index
    %swap3A_470 = tpu.vector_load %arg7[%swap3A_468, %swap3A_469] {strides = array<i32>} : memref<8x128xi32, #tpu.memory_space<vmem>>, vector<16xi32>,
    tpu.vector_store %arg7[%swap3A_468, %swap3A_469], %shift_right_logical3A_466 {strides = array<i32>} : memref<8x128xi32, #tpu.memory_space<vmem>>, vector<16xi32>,
    %get3A_471 = arith.constant 784 : index
    %get3A_472 = tpu.vector_load %arg6[%get3A_471] {strides = array<i32>} : memref<1024xi32, #tpu.memory_space<vmem>>, vector<16xi32>,
    %shift_right_logical3A_473 = arith.constant 3 : i32
    %shift_right_logical3A_474 = vector.broadcast %shift_right_logical3A_473 : i32 to vector<16xi32>
    %shift_right_logical3A_475 = arith.shrui %get3A_472, %shift_right_logical3A_474 : vector<16xi32>
    %swap3A_476 = arith.constant 6 : i32
    %swap3A_477 = arith.index_cast %swap3A_476 : i32 to index
    %swap3A_478 = arith.constant 16 : index
    %swap3A_479 = tpu.vector_load %arg7[%swap3A_477, %swap3A_478] {strides = array<i32>} : memref<8x128xi32, #tpu.memory_space<vmem>>, vector<16xi32>,
    tpu.vector_store %arg7[%swap3A_477, %swap3A_478], %shift_right_logical3A_475 {strides = array<i32>} : memref<8x128xi32, #tpu.memory_space<vmem>>, vector<16xi32>,
    %get3A_480 = arith.constant 800 : index
    %get3A_481 = tpu.vector_load %arg6[%get3A_480] {strides = array<i32>} : memref<1024xi32, #tpu.memory_space<vmem>>, vector<16xi32>,
    %shift_right_logical3A_482 = arith.constant 3 : i32
    %shift_right_logical3A_483 = vector.broadcast %shift_right_logical3A_482 : i32 to vector<16xi32>
    %shift_right_logical3A_484 = arith.shrui %get3A_481, %shift_right_logical3A_483 : vector<16xi32>
    %swap3A_485 = arith.constant 6 : i32
    %swap3A_486 = arith.index_cast %swap3A_485 : i32 to index
    %swap3A_487 = arith.constant 32 : index
    %swap3A_488 = tpu.vector_load %arg7[%swap3A_486, %swap3A_487] {strides = array<i32>} : memref<8x128xi32, #tpu.memory_space<vmem>>, vector<16xi32>,
    tpu.vector_store %arg7[%swap3A_486, %swap3A_487], %shift_right_logical3A_484 {strides = array<i32>} : memref<8x128xi32, #tpu.memory_space<vmem>>, vector<16xi32>,
    %get3A_489 = arith.constant 816 : index
    %get3A_490 = tpu.vector_load %arg6[%get3A_489] {strides = array<i32>} : memref<1024xi32, #tpu.memory_space<vmem>>, vector<16xi32>,
    %shift_right_logical3A_491 = arith.constant 3 : i32
    %shift_right_logical3A_492 = vector.broadcast %shift_right_logical3A_491 : i32 to vector<16xi32>
    %shift_right_logical3A_493 = arith.shrui %get3A_490, %shift_right_logical3A_492 : vector<16xi32>
    %swap3A_494 = arith.constant 6 : i32
    %swap3A_495 = arith.index_cast %swap3A_494 : i32 to index
    %swap3A_496 = arith.constant 48 : index
    %swap3A_497 = tpu.vector_load %arg7[%swap3A_495, %swap3A_496] {strides = array<i32>} : memref<8x128xi32, #tpu.memory_space<vmem>>, vector<16xi32>,
    tpu.vector_store %arg7[%swap3A_495, %swap3A_496], %shift_right_logical3A_493 {strides = array<i32>} : memref<8x128xi32, #tpu.memory_space<vmem>>, vector<16xi32>,
    %get3A_498 = arith.constant 832 : index
    %get3A_499 = tpu.vector_load %arg6[%get3A_498] {strides = array<i32>} : memref<1024xi32, #tpu.memory_space<vmem>>, vector<16xi32>,
    %shift_right_logical3A_500 = arith.constant 3 : i32
    %shift_right_logical3A_501 = vector.broadcast %shift_right_logical3A_500 : i32 to vector<16xi32>
    %shift_right_logical3A_502 = arith.shrui %get3A_499, %shift_right_logical3A_501 : vector<16xi32>
    %swap3A_503 = arith.constant 6 : i32
    %swap3A_504 = arith.index_cast %swap3A_503 : i32 to index
    %swap3A_505 = arith.constant 64 : index
    %swap3A_506 = tpu.vector_load %arg7[%swap3A_504, %swap3A_505] {strides = array<i32>} : memref<8x128xi32, #tpu.memory_space<vmem>>, vector<16xi32>,
    tpu.vector_store %arg7[%swap3A_504, %swap3A_505], %shift_right_logical3A_502 {strides = array<i32>} : memref<8x128xi32, #tpu.memory_space<vmem>>, vector<16xi32>,
    %get3A_507 = arith.constant 848 : index
    %get3A_508 = tpu.vector_load %arg6[%get3A_507] {strides = array<i32>} : memref<1024xi32, #tpu.memory_space<vmem>>, vector<16xi32>,
    %shift_right_logical3A_509 = arith.constant 3 : i32
    %shift_right_logical3A_510 = vector.broadcast %shift_right_logical3A_509 : i32 to vector<16xi32>
    %shift_right_logical3A_511 = arith.shrui %get3A_508, %shift_right_logical3A_510 : vector<16xi32>
    %swap3A_512 = arith.constant 6 : i32
    %swap3A_513 = arith.index_cast %swap3A_512 : i32 to index
    %swap3A_514 = arith.constant 80 : index
    %swap3A_515 = tpu.vector_load %arg7[%swap3A_513, %swap3A_514] {strides = array<i32>} : memref<8x128xi32, #tpu.memory_space<vmem>>, vector<16xi32>,
    tpu.vector_store %arg7[%swap3A_513, %swap3A_514], %shift_right_logical3A_511 {strides = array<i32>} : memref<8x128xi32, #tpu.memory_space<vmem>>, vector<16xi32>,
    %get3A_516 = arith.constant 864 : index
    %get3A_517 = tpu.vector_load %arg6[%get3A_516] {strides = array<i32>} : memref<1024xi32, #tpu.memory_space<vmem>>, vector<16xi32>,
    %shift_right_logical3A_518 = arith.constant 3 : i32
    %shift_right_logical3A_519 = vector.broadcast %shift_right_logical3A_518 : i32 to vector<16xi32>
    %shift_right_logical3A_520 = arith.shrui %get3A_517, %shift_right_logical3A_519 : vector<16xi32>
    %swap3A_521 = arith.constant 6 : i32
    %swap3A_522 = arith.index_cast %swap3A_521 : i32 to index
    %swap3A_523 = arith.constant 96 : index
    %swap3A_524 = tpu.vector_load %arg7[%swap3A_522, %swap3A_523] {strides = array<i32>} : memref<8x128xi32, #tpu.memory_space<vmem>>, vector<16xi32>,
    tpu.vector_store %arg7[%swap3A_522, %swap3A_523], %shift_right_logical3A_520 {strides = array<i32>} : memref<8x128xi32, #tpu.memory_space<vmem>>, vector<16xi32>,
    %get3A_525 = arith.constant 880 : index
    %get3A_526 = tpu.vector_load %arg6[%get3A_525] {strides = array<i32>} : memref<1024xi32, #tpu.memory_space<vmem>>, vector<16xi32>,
    %shift_right_logical3A_527 = arith.constant 3 : i32
    %shift_right_logical3A_528 = vector.broadcast %shift_right_logical3A_527 : i32 to vector<16xi32>
    %shift_right_logical3A_529 = arith.shrui %get3A_526, %shift_right_logical3A_528 : vector<16xi32>
    %swap3A_530 = arith.constant 6 : i32
    %swap3A_531 = arith.index_cast %swap3A_530 : i32 to index
    %swap3A_532 = arith.constant 112 : index
    %swap3A_533 = tpu.vector_load %arg7[%swap3A_531, %swap3A_532] {strides = array<i32>} : memref<8x128xi32, #tpu.memory_space<vmem>>, vector<16xi32>,
    tpu.vector_store %arg7[%swap3A_531, %swap3A_532], %shift_right_logical3A_529 {strides = array<i32>} : memref<8x128xi32, #tpu.memory_space<vmem>>, vector<16xi32>,
    %get3A_534 = arith.constant 896 : index
    %get3A_535 = tpu.vector_load %arg6[%get3A_534] {strides = array<i32>} : memref<1024xi32, #tpu.memory_space<vmem>>, vector<16xi32>,
    %shift_right_logical3A_536 = arith.constant 3 : i32
    %shift_right_logical3A_537 = vector.broadcast %shift_right_logical3A_536 : i32 to vector<16xi32>
    %shift_right_logical3A_538 = arith.shrui %get3A_535, %shift_right_logical3A_537 : vector<16xi32>
    %swap3A_539 = arith.constant 7 : i32
    %swap3A_540 = arith.index_cast %swap3A_539 : i32 to index
    %swap3A_541 = arith.constant 0 : index
    %swap3A_542 = tpu.vector_load %arg7[%swap3A_540, %swap3A_541] {strides = array<i32>} : memref<8x128xi32, #tpu.memory_space<vmem>>, vector<16xi32>,
    tpu.vector_store %arg7[%swap3A_540, %swap3A_541], %shift_right_logical3A_538 {strides = array<i32>} : memref<8x128xi32, #tpu.memory_space<vmem>>, vector<16xi32>,
    %get3A_543 = arith.constant 912 : index
    %get3A_544 = tpu.vector_load %arg6[%get3A_543] {strides = array<i32>} : memref<1024xi32, #tpu.memory_space<vmem>>, vector<16xi32>,
    %shift_right_logical3A_545 = arith.constant 3 : i32
    %shift_right_logical3A_546 = vector.broadcast %shift_right_logical3A_545 : i32 to vector<16xi32>
    %shift_right_logical3A_547 = arith.shrui %get3A_544, %shift_right_logical3A_546 : vector<16xi32>
    %swap3A_548 = arith.constant 7 : i32
    %swap3A_549 = arith.index_cast %swap3A_548 : i32 to index
    %swap3A_550 = arith.constant 16 : index
    %swap3A_551 = tpu.vector_load %arg7[%swap3A_549, %swap3A_550] {strides = array<i32>} : memref<8x128xi32, #tpu.memory_space<vmem>>, vector<16xi32>,
    tpu.vector_store %arg7[%swap3A_549, %swap3A_550], %shift_right_logical3A_547 {strides = array<i32>} : memref<8x128xi32, #tpu.memory_space<vmem>>, vector<16xi32>,
    %get3A_552 = arith.constant 928 : index
    %get3A_553 = tpu.vector_load %arg6[%get3A_552] {strides = array<i32>} : memref<1024xi32, #tpu.memory_space<vmem>>, vector<16xi32>,
    %shift_right_logical3A_554 = arith.constant 3 : i32
    %shift_right_logical3A_555 = vector.broadcast %shift_right_logical3A_554 : i32 to vector<16xi32>
    %shift_right_logical3A_556 = arith.shrui %get3A_553, %shift_right_logical3A_555 : vector<16xi32>
    %swap3A_557 = arith.constant 7 : i32
    %swap3A_558 = arith.index_cast %swap3A_557 : i32 to index
    %swap3A_559 = arith.constant 32 : index
    %swap3A_560 = tpu.vector_load %arg7[%swap3A_558, %swap3A_559] {strides = array<i32>} : memref<8x128xi32, #tpu.memory_space<vmem>>, vector<16xi32>,
    tpu.vector_store %arg7[%swap3A_558, %swap3A_559], %shift_right_logical3A_556 {strides = array<i32>} : memref<8x128xi32, #tpu.memory_space<vmem>>, vector<16xi32>,
    %get3A_561 = arith.constant 944 : index
    %get3A_562 = tpu.vector_load %arg6[%get3A_561] {strides = array<i32>} : memref<1024xi32, #tpu.memory_space<vmem>>, vector<16xi32>,
    %shift_right_logical3A_563 = arith.constant 3 : i32
    %shift_right_logical3A_564 = vector.broadcast %shift_right_logical3A_563 : i32 to vector<16xi32>
    %shift_right_logical3A_565 = arith.shrui %get3A_562, %shift_right_logical3A_564 : vector<16xi32>
    %swap3A_566 = arith.constant 7 : i32
    %swap3A_567 = arith.index_cast %swap3A_566 : i32 to index
    %swap3A_568 = arith.constant 48 : index
    %swap3A_569 = tpu.vector_load %arg7[%swap3A_567, %swap3A_568] {strides = array<i32>} : memref<8x128xi32, #tpu.memory_space<vmem>>, vector<16xi32>,
    tpu.vector_store %arg7[%swap3A_567, %swap3A_568], %shift_right_logical3A_565 {strides = array<i32>} : memref<8x128xi32, #tpu.memory_space<vmem>>, vector<16xi32>,
    %get3A_570 = arith.constant 960 : index
    %get3A_571 = tpu.vector_load %arg6[%get3A_570] {strides = array<i32>} : memref<1024xi32, #tpu.memory_space<vmem>>, vector<16xi32>,
    %shift_right_logical3A_572 = arith.constant 3 : i32
    %shift_right_logical3A_573 = vector.broadcast %shift_right_logical3A_572 : i32 to vector<16xi32>
    %shift_right_logical3A_574 = arith.shrui %get3A_571, %shift_right_logical3A_573 : vector<16xi32>
    %swap3A_575 = arith.constant 7 : i32
    %swap3A_576 = arith.index_cast %swap3A_575 : i32 to index
    %swap3A_577 = arith.constant 64 : index
    %swap3A_578 = tpu.vector_load %arg7[%swap3A_576, %swap3A_577] {strides = array<i32>} : memref<8x128xi32, #tpu.memory_space<vmem>>, vector<16xi32>,
    tpu.vector_store %arg7[%swap3A_576, %swap3A_577], %shift_right_logical3A_574 {strides = array<i32>} : memref<8x128xi32, #tpu.memory_space<vmem>>, vector<16xi32>,
    %get3A_579 = arith.constant 976 : index
    %get3A_580 = tpu.vector_load %arg6[%get3A_579] {strides = array<i32>} : memref<1024xi32, #tpu.memory_space<vmem>>, vector<16xi32>,
    %shift_right_logical3A_581 = arith.constant 3 : i32
    %shift_right_logical3A_582 = vector.broadcast %shift_right_logical3A_581 : i32 to vector<16xi32>
    %shift_right_logical3A_583 = arith.shrui %get3A_580, %shift_right_logical3A_582 : vector<16xi32>
    %swap3A_584 = arith.constant 7 : i32
    %swap3A_585 = arith.index_cast %swap3A_584 : i32 to index
    %swap3A_586 = arith.constant 80 : index
    %swap3A_587 = tpu.vector_load %arg7[%swap3A_585, %swap3A_586] {strides = array<i32>} : memref<8x128xi32, #tpu.memory_space<vmem>>, vector<16xi32>,
    tpu.vector_store %arg7[%swap3A_585, %swap3A_586], %shift_right_logical3A_583 {strides = array<i32>} : memref<8x128xi32, #tpu.memory_space<vmem>>, vector<16xi32>,
    %get3A_588 = arith.constant 992 : index
    %get3A_589 = tpu.vector_load %arg6[%get3A_588] {strides = array<i32>} : memref<1024xi32, #tpu.memory_space<vmem>>, vector<16xi32>,
    %shift_right_logical3A_590 = arith.constant 3 : i32
    %shift_right_logical3A_591 = vector.broadcast %shift_right_logical3A_590 : i32 to vector<16xi32>
    %shift_right_logical3A_592 = arith.shrui %get3A_589, %shift_right_logical3A_591 : vector<16xi32>
    %swap3A_593 = arith.constant 7 : i32
    %swap3A_594 = arith.index_cast %swap3A_593 : i32 to index
    %swap3A_595 = arith.constant 96 : index
    %swap3A_596 = tpu.vector_load %arg7[%swap3A_594, %swap3A_595] {strides = array<i32>} : memref<8x128xi32, #tpu.memory_space<vmem>>, vector<16xi32>,
    tpu.vector_store %arg7[%swap3A_594, %swap3A_595], %shift_right_logical3A_592 {strides = array<i32>} : memref<8x128xi32, #tpu.memory_space<vmem>>, vector<16xi32>,
    %get3A_597 = arith.constant 1008 : index
    %get3A_598 = tpu.vector_load %arg6[%get3A_597] {strides = array<i32>} : memref<1024xi32, #tpu.memory_space<vmem>>, vector<16xi32>,
    %shift_right_logical3A_599 = arith.constant 3 : i32
    %shift_right_logical3A_600 = vector.broadcast %shift_right_logical3A_599 : i32 to vector<16xi32>
    %shift_right_logical3A_601 = arith.shrui %get3A_598, %shift_right_logical3A_600 : vector<16xi32>
    %swap3A_602 = arith.constant 7 : i32
    %swap3A_603 = arith.index_cast %swap3A_602 : i32 to index
    %swap3A_604 = arith.constant 112 : index
    %swap3A_605 = tpu.vector_load %arg7[%swap3A_603, %swap3A_604] {strides = array<i32>} : memref<8x128xi32, #tpu.memory_space<vmem>>, vector<16xi32>,
    tpu.vector_store %arg7[%swap3A_603, %swap3A_604], %shift_right_logical3A_601 {strides = array<i32>} : memref<8x128xi32, #tpu.memory_space<vmem>>, vector<16xi32>,
    %dma_start3A = arith.constant 0 : i32
    %dma_start3A_606 = arith.constant 0 : i32
    %dma_start3A_607 = arith.constant 0 : i32
    %dma_start3A_608 = tpu.memref_slice %arg8[%dma_start3A_606, %dma_start3A_607] : memref<1024x16xf32, #tpu.memory_space<vmem>> -> memref<128x16xf32, #tpu.memory_space<vmem>>
    %dma_start3A_609 = arith.constant 0 : i32
    %dma_start3A_610 = tpu.memref_slice %arg7[%dma_start3A, %dma_start3A_609] : memref<8x128xi32, #tpu.memory_space<vmem>> -> memref<1x128xi32, #tpu.memory_space<vmem>>
    %dma_start3A_611 = tpu.memref_squeeze %dma_start3A_610 : memref<1x128xi32, #tpu.memory_space<vmem>> -> memref<128xi32, #tpu.memory_space<vmem>>
    %dma_start3A_612 = arith.constant 0 : i32
    %dma_start3A_613 = arith.constant 0 : i32
    %dma_start3A_614 = tpu.memref_slice %arg3[%dma_start3A_612, %dma_start3A_613] : memref<12500x16xf32, #tpu.memory_space<hbm>> -> memref<12500x16xf32, #tpu.memory_space<hbm>>
    tpu.enqueue_indirect_dma source(%dma_start3A_614 : memref<12500x16xf32, #tpu.memory_space<hbm>>) target(%dma_start3A_608 : memref<128x16xf32, #tpu.memory_space<vmem>>) offsets(%dma_start3A_611 : memref<128xi32, #tpu.memory_space<vmem>>) semaphore(%arg11 : memref<!tpu.dma_semaphore, #tpu.memory_space<semaphore_mem>>)
    %dma_start3A_615 = arith.constant 1 : i32
    %dma_start3A_616 = arith.constant 128 : i32
    %dma_start3A_617 = arith.constant 0 : i32
    %dma_start3A_618 = tpu.memref_slice %arg8[%dma_start3A_616, %dma_start3A_617] : memref<1024x16xf32, #tpu.memory_space<vmem>> -> memref<128x16xf32, #tpu.memory_space<vmem>>
    %dma_start3A_619 = arith.constant 0 : i32
    %dma_start3A_620 = tpu.memref_slice %arg7[%dma_start3A_615, %dma_start3A_619] : memref<8x128xi32, #tpu.memory_space<vmem>> -> memref<1x128xi32, #tpu.memory_space<vmem>>
    %dma_start3A_621 = tpu.memref_squeeze %dma_start3A_620 : memref<1x128xi32, #tpu.memory_space<vmem>> -> memref<128xi32, #tpu.memory_space<vmem>>
    %dma_start3A_622 = arith.constant 0 : i32
    %dma_start3A_623 = arith.constant 0 : i32
    %dma_start3A_624 = tpu.memref_slice %arg3[%dma_start3A_622, %dma_start3A_623] : memref<12500x16xf32, #tpu.memory_space<hbm>> -> memref<12500x16xf32, #tpu.memory_space<hbm>>
    tpu.enqueue_indirect_dma source(%dma_start3A_624 : memref<12500x16xf32, #tpu.memory_space<hbm>>) target(%dma_start3A_618 : memref<128x16xf32, #tpu.memory_space<vmem>>) offsets(%dma_start3A_621 : memref<128xi32, #tpu.memory_space<vmem>>) semaphore(%arg11 : memref<!tpu.dma_semaphore, #tpu.memory_space<semaphore_mem>>)
    %dma_start3A_625 = arith.constant 2 : i32
    %dma_start3A_626 = arith.constant 256 : i32
    %dma_start3A_627 = arith.constant 0 : i32
    %dma_start3A_628 = tpu.memref_slice %arg8[%dma_start3A_626, %dma_start3A_627] : memref<1024x16xf32, #tpu.memory_space<vmem>> -> memref<128x16xf32, #tpu.memory_space<vmem>>
    %dma_start3A_629 = arith.constant 0 : i32
    %dma_start3A_630 = tpu.memref_slice %arg7[%dma_start3A_625, %dma_start3A_629] : memref<8x128xi32, #tpu.memory_space<vmem>> -> memref<1x128xi32, #tpu.memory_space<vmem>>
    %dma_start3A_631 = tpu.memref_squeeze %dma_start3A_630 : memref<1x128xi32, #tpu.memory_space<vmem>> -> memref<128xi32, #tpu.memory_space<vmem>>
    %dma_start3A_632 = arith.constant 0 : i32
    %dma_start3A_633 = arith.constant 0 : i32
    %dma_start3A_634 = tpu.memref_slice %arg3[%dma_start3A_632, %dma_start3A_633] : memref<12500x16xf32, #tpu.memory_space<hbm>> -> memref<12500x16xf32, #tpu.memory_space<hbm>>
    tpu.enqueue_indirect_dma source(%dma_start3A_634 : memref<12500x16xf32, #tpu.memory_space<hbm>>) target(%dma_start3A_628 : memref<128x16xf32, #tpu.memory_space<vmem>>) offsets(%dma_start3A_631 : memref<128xi32, #tpu.memory_space<vmem>>) semaphore(%arg11 : memref<!tpu.dma_semaphore, #tpu.memory_space<semaphore_mem>>)
    %dma_start3A_635 = arith.constant 3 : i32
    %dma_start3A_636 = arith.constant 384 : i32
    %dma_start3A_637 = arith.constant 0 : i32
    %dma_start3A_638 = tpu.memref_slice %arg8[%dma_start3A_636, %dma_start3A_637] : memref<1024x16xf32, #tpu.memory_space<vmem>> -> memref<128x16xf32, #tpu.memory_space<vmem>>
    %dma_start3A_639 = arith.constant 0 : i32
    %dma_start3A_640 = tpu.memref_slice %arg7[%dma_start3A_635, %dma_start3A_639] : memref<8x128xi32, #tpu.memory_space<vmem>> -> memref<1x128xi32, #tpu.memory_space<vmem>>
    %dma_start3A_641 = tpu.memref_squeeze %dma_start3A_640 : memref<1x128xi32, #tpu.memory_space<vmem>> -> memref<128xi32, #tpu.memory_space<vmem>>
    %dma_start3A_642 = arith.constant 0 : i32
    %dma_start3A_643 = arith.constant 0 : i32
    %dma_start3A_644 = tpu.memref_slice %arg3[%dma_start3A_642, %dma_start3A_643] : memref<12500x16xf32, #tpu.memory_space<hbm>> -> memref<12500x16xf32, #tpu.memory_space<hbm>>
    tpu.enqueue_indirect_dma source(%dma_start3A_644 : memref<12500x16xf32, #tpu.memory_space<hbm>>) target(%dma_start3A_638 : memref<128x16xf32, #tpu.memory_space<vmem>>) offsets(%dma_start3A_641 : memref<128xi32, #tpu.memory_space<vmem>>) semaphore(%arg11 : memref<!tpu.dma_semaphore, #tpu.memory_space<semaphore_mem>>)
    %dma_start3A_645 = arith.constant 4 : i32
    %dma_start3A_646 = arith.constant 512 : i32
    %dma_start3A_647 = arith.constant 0 : i32
    %dma_start3A_648 = tpu.memref_slice %arg8[%dma_start3A_646, %dma_start3A_647] : memref<1024x16xf32, #tpu.memory_space<vmem>> -> memref<128x16xf32, #tpu.memory_space<vmem>>
    %dma_start3A_649 = arith.constant 0 : i32
    %dma_start3A_650 = tpu.memref_slice %arg7[%dma_start3A_645, %dma_start3A_649] : memref<8x128xi32, #tpu.memory_space<vmem>> -> memref<1x128xi32, #tpu.memory_space<vmem>>
    %dma_start3A_651 = tpu.memref_squeeze %dma_start3A_650 : memref<1x128xi32, #tpu.memory_space<vmem>> -> memref<128xi32, #tpu.memory_space<vmem>>
    %dma_start3A_652 = arith.constant 0 : i32
    %dma_start3A_653 = arith.constant 0 : i32
    %dma_start3A_654 = tpu.memref_slice %arg3[%dma_start3A_652, %dma_start3A_653] : memref<12500x16xf32, #tpu.memory_space<hbm>> -> memref<12500x16xf32, #tpu.memory_space<hbm>>
    tpu.enqueue_indirect_dma source(%dma_start3A_654 : memref<12500x16xf32, #tpu.memory_space<hbm>>) target(%dma_start3A_648 : memref<128x16xf32, #tpu.memory_space<vmem>>) offsets(%dma_start3A_651 : memref<128xi32, #tpu.memory_space<vmem>>) semaphore(%arg11 : memref<!tpu.dma_semaphore, #tpu.memory_space<semaphore_mem>>)
    %dma_start3A_655 = arith.constant 5 : i32
    %dma_start3A_656 = arith.constant 640 : i32
    %dma_start3A_657 = arith.constant 0 : i32
    %dma_start3A_658 = tpu.memref_slice %arg8[%dma_start3A_656, %dma_start3A_657] : memref<1024x16xf32, #tpu.memory_space<vmem>> -> memref<128x16xf32, #tpu.memory_space<vmem>>
    %dma_start3A_659 = arith.constant 0 : i32
    %dma_start3A_660 = tpu.memref_slice %arg7[%dma_start3A_655, %dma_start3A_659] : memref<8x128xi32, #tpu.memory_space<vmem>> -> memref<1x128xi32, #tpu.memory_space<vmem>>
    %dma_start3A_661 = tpu.memref_squeeze %dma_start3A_660 : memref<1x128xi32, #tpu.memory_space<vmem>> -> memref<128xi32, #tpu.memory_space<vmem>>
    %dma_start3A_662 = arith.constant 0 : i32
    %dma_start3A_663 = arith.constant 0 : i32
    %dma_start3A_664 = tpu.memref_slice %arg3[%dma_start3A_662, %dma_start3A_663] : memref<12500x16xf32, #tpu.memory_space<hbm>> -> memref<12500x16xf32, #tpu.memory_space<hbm>>
    tpu.enqueue_indirect_dma source(%dma_start3A_664 : memref<12500x16xf32, #tpu.memory_space<hbm>>) target(%dma_start3A_658 : memref<128x16xf32, #tpu.memory_space<vmem>>) offsets(%dma_start3A_661 : memref<128xi32, #tpu.memory_space<vmem>>) semaphore(%arg11 : memref<!tpu.dma_semaphore, #tpu.memory_space<semaphore_mem>>)
    %dma_start3A_665 = arith.constant 6 : i32
    %dma_start3A_666 = arith.constant 768 : i32
    %dma_start3A_667 = arith.constant 0 : i32
    %dma_start3A_668 = tpu.memref_slice %arg8[%dma_start3A_666, %dma_start3A_667] : memref<1024x16xf32, #tpu.memory_space<vmem>> -> memref<128x16xf32, #tpu.memory_space<vmem>>
    %dma_start3A_669 = arith.constant 0 : i32
    %dma_start3A_670 = tpu.memref_slice %arg7[%dma_start3A_665, %dma_start3A_669] : memref<8x128xi32, #tpu.memory_space<vmem>> -> memref<1x128xi32, #tpu.memory_space<vmem>>
    %dma_start3A_671 = tpu.memref_squeeze %dma_start3A_670 : memref<1x128xi32, #tpu.memory_space<vmem>> -> memref<128xi32, #tpu.memory_space<vmem>>
    %dma_start3A_672 = arith.constant 0 : i32
    %dma_start3A_673 = arith.constant 0 : i32
    %dma_start3A_674 = tpu.memref_slice %arg3[%dma_start3A_672, %dma_start3A_673] : memref<12500x16xf32, #tpu.memory_space<hbm>> -> memref<12500x16xf32, #tpu.memory_space<hbm>>
    tpu.enqueue_indirect_dma source(%dma_start3A_674 : memref<12500x16xf32, #tpu.memory_space<hbm>>) target(%dma_start3A_668 : memref<128x16xf32, #tpu.memory_space<vmem>>) offsets(%dma_start3A_671 : memref<128xi32, #tpu.memory_space<vmem>>) semaphore(%arg11 : memref<!tpu.dma_semaphore, #tpu.memory_space<semaphore_mem>>)
    %dma_start3A_675 = arith.constant 7 : i32
    %dma_start3A_676 = arith.constant 896 : i32
    %dma_start3A_677 = arith.constant 0 : i32
    %dma_start3A_678 = tpu.memref_slice %arg8[%dma_start3A_676, %dma_start3A_677] : memref<1024x16xf32, #tpu.memory_space<vmem>> -> memref<128x16xf32, #tpu.memory_space<vmem>>
    %dma_start3A_679 = arith.constant 0 : i32
    %dma_start3A_680 = tpu.memref_slice %arg7[%dma_start3A_675, %dma_start3A_679] : memref<8x128xi32, #tpu.memory_space<vmem>> -> memref<1x128xi32, #tpu.memory_space<vmem>>
    %dma_start3A_681 = tpu.memref_squeeze %dma_start3A_680 : memref<1x128xi32, #tpu.memory_space<vmem>> -> memref<128xi32, #tpu.memory_space<vmem>>
    %dma_start3A_682 = arith.constant 0 : i32
    %dma_start3A_683 = arith.constant 0 : i32
    %dma_start3A_684 = tpu.memref_slice %arg3[%dma_start3A_682, %dma_start3A_683] : memref<12500x16xf32, #tpu.memory_space<hbm>> -> memref<12500x16xf32, #tpu.memory_space<hbm>>
    tpu.enqueue_indirect_dma source(%dma_start3A_684 : memref<12500x16xf32, #tpu.memory_space<hbm>>) target(%dma_start3A_678 : memref<128x16xf32, #tpu.memory_space<vmem>>) offsets(%dma_start3A_681 : memref<128xi32, #tpu.memory_space<vmem>>) semaphore(%arg11 : memref<!tpu.dma_semaphore, #tpu.memory_space<semaphore_mem>>)
    %dma_wait3A = arith.constant 0 : i32
    %dma_wait3A_685 = arith.constant 0 : i32
    %dma_wait3A_686 = arith.constant 0 : i32
    %dma_wait3A_687 = tpu.memref_slice %arg8[%dma_wait3A_685, %dma_wait3A_686] : memref<1024x16xf32, #tpu.memory_space<vmem>> -> memref<128x16xf32, #tpu.memory_space<vmem>>
    %dma_wait3A_688 = arith.constant 0 : i32
    %dma_wait3A_689 = tpu.memref_slice %arg7[%dma_wait3A, %dma_wait3A_688] : memref<8x128xi32, #tpu.memory_space<vmem>> -> memref<1x128xi32, #tpu.memory_space<vmem>>
    %dma_wait3A_690 = tpu.memref_squeeze %dma_wait3A_689 : memref<1x128xi32, #tpu.memory_space<vmem>> -> memref<128xi32, #tpu.memory_space<vmem>>
    %dma_wait3A_691 = arith.constant 0 : i32
    %dma_wait3A_692 = arith.constant 0 : i32
    %dma_wait3A_693 = tpu.memref_slice %arg3[%dma_wait3A_691, %dma_wait3A_692] : memref<12500x16xf32, #tpu.memory_space<hbm>> -> memref<12500x16xf32, #tpu.memory_space<hbm>>
    tpu.wait_indirect_dma semaphore(%arg11 : memref<!tpu.dma_semaphore, #tpu.memory_space<semaphore_mem>>) src(%dma_wait3A_693 : memref<12500x16xf32, #tpu.memory_space<hbm>>) dst(%dma_wait3A_687 : memref<128x16xf32, #tpu.memory_space<vmem>>)
    %dma_wait3A_694 = arith.constant 1 : i32
    %dma_wait3A_695 = arith.constant 128 : i32
    %dma_wait3A_696 = arith.constant 0 : i32
    %dma_wait3A_697 = tpu.memref_slice %arg8[%dma_wait3A_695, %dma_wait3A_696] : memref<1024x16xf32, #tpu.memory_space<vmem>> -> memref<128x16xf32, #tpu.memory_space<vmem>>
    %dma_wait3A_698 = arith.constant 0 : i32
    %dma_wait3A_699 = tpu.memref_slice %arg7[%dma_wait3A_694, %dma_wait3A_698] : memref<8x128xi32, #tpu.memory_space<vmem>> -> memref<1x128xi32, #tpu.memory_space<vmem>>
    %dma_wait3A_700 = tpu.memref_squeeze %dma_wait3A_699 : memref<1x128xi32, #tpu.memory_space<vmem>> -> memref<128xi32, #tpu.memory_space<vmem>>
    %dma_wait3A_701 = arith.constant 0 : i32
    %dma_wait3A_702 = arith.constant 0 : i32
    %dma_wait3A_703 = tpu.memref_slice %arg3[%dma_wait3A_701, %dma_wait3A_702] : memref<12500x16xf32, #tpu.memory_space<hbm>> -> memref<12500x16xf32, #tpu.memory_space<hbm>>
    tpu.wait_indirect_dma semaphore(%arg11 : memref<!tpu.dma_semaphore, #tpu.memory_space<semaphore_mem>>) src(%dma_wait3A_703 : memref<12500x16xf32, #tpu.memory_space<hbm>>) dst(%dma_wait3A_697 : memref<128x16xf32, #tpu.memory_space<vmem>>)
    %dma_wait3A_704 = arith.constant 2 : i32
    %dma_wait3A_705 = arith.constant 256 : i32
    %dma_wait3A_706 = arith.constant 0 : i32
    %dma_wait3A_707 = tpu.memref_slice %arg8[%dma_wait3A_705, %dma_wait3A_706] : memref<1024x16xf32, #tpu.memory_space<vmem>> -> memref<128x16xf32, #tpu.memory_space<vmem>>
    %dma_wait3A_708 = arith.constant 0 : i32
    %dma_wait3A_709 = tpu.memref_slice %arg7[%dma_wait3A_704, %dma_wait3A_708] : memref<8x128xi32, #tpu.memory_space<vmem>> -> memref<1x128xi32, #tpu.memory_space<vmem>>
    %dma_wait3A_710 = tpu.memref_squeeze %dma_wait3A_709 : memref<1x128xi32, #tpu.memory_space<vmem>> -> memref<128xi32, #tpu.memory_space<vmem>>
    %dma_wait3A_711 = arith.constant 0 : i32
    %dma_wait3A_712 = arith.constant 0 : i32
    %dma_wait3A_713 = tpu.memref_slice %arg3[%dma_wait3A_711, %dma_wait3A_712] : memref<12500x16xf32, #tpu.memory_space<hbm>> -> memref<12500x16xf32, #tpu.memory_space<hbm>>
    tpu.wait_indirect_dma semaphore(%arg11 : memref<!tpu.dma_semaphore, #tpu.memory_space<semaphore_mem>>) src(%dma_wait3A_713 : memref<12500x16xf32, #tpu.memory_space<hbm>>) dst(%dma_wait3A_707 : memref<128x16xf32, #tpu.memory_space<vmem>>)
    %dma_wait3A_714 = arith.constant 3 : i32
    %dma_wait3A_715 = arith.constant 384 : i32
    %dma_wait3A_716 = arith.constant 0 : i32
    %dma_wait3A_717 = tpu.memref_slice %arg8[%dma_wait3A_715, %dma_wait3A_716] : memref<1024x16xf32, #tpu.memory_space<vmem>> -> memref<128x16xf32, #tpu.memory_space<vmem>>
    %dma_wait3A_718 = arith.constant 0 : i32
    %dma_wait3A_719 = tpu.memref_slice %arg7[%dma_wait3A_714, %dma_wait3A_718] : memref<8x128xi32, #tpu.memory_space<vmem>> -> memref<1x128xi32, #tpu.memory_space<vmem>>
    %dma_wait3A_720 = tpu.memref_squeeze %dma_wait3A_719 : memref<1x128xi32, #tpu.memory_space<vmem>> -> memref<128xi32, #tpu.memory_space<vmem>>
    %dma_wait3A_721 = arith.constant 0 : i32
    %dma_wait3A_722 = arith.constant 0 : i32
    %dma_wait3A_723 = tpu.memref_slice %arg3[%dma_wait3A_721, %dma_wait3A_722] : memref<12500x16xf32, #tpu.memory_space<hbm>> -> memref<12500x16xf32, #tpu.memory_space<hbm>>
    tpu.wait_indirect_dma semaphore(%arg11 : memref<!tpu.dma_semaphore, #tpu.memory_space<semaphore_mem>>) src(%dma_wait3A_723 : memref<12500x16xf32, #tpu.memory_space<hbm>>) dst(%dma_wait3A_717 : memref<128x16xf32, #tpu.memory_space<vmem>>)
    %dma_wait3A_724 = arith.constant 4 : i32
    %dma_wait3A_725 = arith.constant 512 : i32
    %dma_wait3A_726 = arith.constant 0 : i32
    %dma_wait3A_727 = tpu.memref_slice %arg8[%dma_wait3A_725, %dma_wait3A_726] : memref<1024x16xf32, #tpu.memory_space<vmem>> -> memref<128x16xf32, #tpu.memory_space<vmem>>
    %dma_wait3A_728 = arith.constant 0 : i32
    %dma_wait3A_729 = tpu.memref_slice %arg7[%dma_wait3A_724, %dma_wait3A_728] : memref<8x128xi32, #tpu.memory_space<vmem>> -> memref<1x128xi32, #tpu.memory_space<vmem>>
    %dma_wait3A_730 = tpu.memref_squeeze %dma_wait3A_729 : memref<1x128xi32, #tpu.memory_space<vmem>> -> memref<128xi32, #tpu.memory_space<vmem>>
    %dma_wait3A_731 = arith.constant 0 : i32
    %dma_wait3A_732 = arith.constant 0 : i32
    %dma_wait3A_733 = tpu.memref_slice %arg3[%dma_wait3A_731, %dma_wait3A_732] : memref<12500x16xf32, #tpu.memory_space<hbm>> -> memref<12500x16xf32, #tpu.memory_space<hbm>>
    tpu.wait_indirect_dma semaphore(%arg11 : memref<!tpu.dma_semaphore, #tpu.memory_space<semaphore_mem>>) src(%dma_wait3A_733 : memref<12500x16xf32, #tpu.memory_space<hbm>>) dst(%dma_wait3A_727 : memref<128x16xf32, #tpu.memory_space<vmem>>)
    %dma_wait3A_734 = arith.constant 5 : i32
    %dma_wait3A_735 = arith.constant 640 : i32
    %dma_wait3A_736 = arith.constant 0 : i32
    %dma_wait3A_737 = tpu.memref_slice %arg8[%dma_wait3A_735, %dma_wait3A_736] : memref<1024x16xf32, #tpu.memory_space<vmem>> -> memref<128x16xf32, #tpu.memory_space<vmem>>
    %dma_wait3A_738 = arith.constant 0 : i32
    %dma_wait3A_739 = tpu.memref_slice %arg7[%dma_wait3A_734, %dma_wait3A_738] : memref<8x128xi32, #tpu.memory_space<vmem>> -> memref<1x128xi32, #tpu.memory_space<vmem>>
    %dma_wait3A_740 = tpu.memref_squeeze %dma_wait3A_739 : memref<1x128xi32, #tpu.memory_space<vmem>> -> memref<128xi32, #tpu.memory_space<vmem>>
    %dma_wait3A_741 = arith.constant 0 : i32
    %dma_wait3A_742 = arith.constant 0 : i32
    %dma_wait3A_743 = tpu.memref_slice %arg3[%dma_wait3A_741, %dma_wait3A_742] : memref<12500x16xf32, #tpu.memory_space<hbm>> -> memref<12500x16xf32, #tpu.memory_space<hbm>>
    tpu.wait_indirect_dma semaphore(%arg11 : memref<!tpu.dma_semaphore, #tpu.memory_space<semaphore_mem>>) src(%dma_wait3A_743 : memref<12500x16xf32, #tpu.memory_space<hbm>>) dst(%dma_wait3A_737 : memref<128x16xf32, #tpu.memory_space<vmem>>)
    %dma_wait3A_744 = arith.constant 6 : i32
    %dma_wait3A_745 = arith.constant 768 : i32
    %dma_wait3A_746 = arith.constant 0 : i32
    %dma_wait3A_747 = tpu.memref_slice %arg8[%dma_wait3A_745, %dma_wait3A_746] : memref<1024x16xf32, #tpu.memory_space<vmem>> -> memref<128x16xf32, #tpu.memory_space<vmem>>
    %dma_wait3A_748 = arith.constant 0 : i32
    %dma_wait3A_749 = tpu.memref_slice %arg7[%dma_wait3A_744, %dma_wait3A_748] : memref<8x128xi32, #tpu.memory_space<vmem>> -> memref<1x128xi32, #tpu.memory_space<vmem>>
    %dma_wait3A_750 = tpu.memref_squeeze %dma_wait3A_749 : memref<1x128xi32, #tpu.memory_space<vmem>> -> memref<128xi32, #tpu.memory_space<vmem>>
    %dma_wait3A_751 = arith.constant 0 : i32
    %dma_wait3A_752 = arith.constant 0 : i32
    %dma_wait3A_753 = tpu.memref_slice %arg3[%dma_wait3A_751, %dma_wait3A_752] : memref<12500x16xf32, #tpu.memory_space<hbm>> -> memref<12500x16xf32, #tpu.memory_space<hbm>>
    tpu.wait_indirect_dma semaphore(%arg11 : memref<!tpu.dma_semaphore, #tpu.memory_space<semaphore_mem>>) src(%dma_wait3A_753 : memref<12500x16xf32, #tpu.memory_space<hbm>>) dst(%dma_wait3A_747 : memref<128x16xf32, #tpu.memory_space<vmem>>)
    %dma_wait3A_754 = arith.constant 7 : i32
    %dma_wait3A_755 = arith.constant 896 : i32
    %dma_wait3A_756 = arith.constant 0 : i32
    %dma_wait3A_757 = tpu.memref_slice %arg8[%dma_wait3A_755, %dma_wait3A_756] : memref<1024x16xf32, #tpu.memory_space<vmem>> -> memref<128x16xf32, #tpu.memory_space<vmem>>
    %dma_wait3A_758 = arith.constant 0 : i32
    %dma_wait3A_759 = tpu.memref_slice %arg7[%dma_wait3A_754, %dma_wait3A_758] : memref<8x128xi32, #tpu.memory_space<vmem>> -> memref<1x128xi32, #tpu.memory_space<vmem>>
    %dma_wait3A_760 = tpu.memref_squeeze %dma_wait3A_759 : memref<1x128xi32, #tpu.memory_space<vmem>> -> memref<128xi32, #tpu.memory_space<vmem>>
    %dma_wait3A_761 = arith.constant 0 : i32
    %dma_wait3A_762 = arith.constant 0 : i32
    %dma_wait3A_763 = tpu.memref_slice %arg3[%dma_wait3A_761, %dma_wait3A_762] : memref<12500x16xf32, #tpu.memory_space<hbm>> -> memref<12500x16xf32, #tpu.memory_space<hbm>>
    tpu.wait_indirect_dma semaphore(%arg11 : memref<!tpu.dma_semaphore, #tpu.memory_space<semaphore_mem>>) src(%dma_wait3A_763 : memref<12500x16xf32, #tpu.memory_space<hbm>>) dst(%dma_wait3A_757 : memref<128x16xf32, #tpu.memory_space<vmem>>)
    %get3A_764 = arith.constant 0 : index
    %get3A_765 = tpu.vector_load %arg6[%get3A_764] {strides = array<i32>} : memref<1024xi32, #tpu.memory_space<vmem>>, vector<16xi32>,
    %and3A_766 = arith.constant 7 : i32
    %and3A_767 = vector.broadcast %and3A_766 : i32 to vector<16xi32>
    %and3A_768 = arith.andi %get3A_765, %and3A_767 : vector<16xi32>
    %mul3A_769 = arith.constant 2 : i32
    %mul3A_770 = vector.broadcast %mul3A_769 : i32 to vector<16xi32>
    %mul3A_771 = arith.muli %and3A_768, %mul3A_770 : vector<16xi32>
    %iota3A = tpu.iota {dimensions = array<i32: 0>} : vector<16xi32>
    %add3A_772 = arith.constant 0 : i32
    %add3A_773 = vector.broadcast %add3A_772 : i32 to vector<16xi32>
    %add3A_774 = arith.addi %add3A_773, %iota3A : vector<16xi32>
    %gather3A = tpu.vector_load_idx %arg8[%add3A_774, %mul3A_771] : memref<1024x16xf32, #tpu.memory_space<vmem>>[vector<16xi32>, vector<16xi32>], vector<16xf32>,
    %swap3A_775 = arith.constant 0 : index
    %swap3A_776 = tpu.vector_load %arg9[%swap3A_775] {strides = array<i32>} : memref<1024xf32, #tpu.memory_space<vmem>>, vector<16xf32>,
    tpu.vector_store %arg9[%swap3A_775], %gather3A {strides = array<i32>} : memref<1024xf32, #tpu.memory_space<vmem>>, vector<16xf32>,
    %add3A_777 = arith.constant 1 : i32
    %add3A_778 = vector.broadcast %add3A_777 : i32 to vector<16xi32>
    %add3A_779 = arith.addi %mul3A_771, %add3A_778 : vector<16xi32>
    %gather3A_780 = tpu.vector_load_idx %arg8[%add3A_774, %add3A_779] : memref<1024x16xf32, #tpu.memory_space<vmem>>[vector<16xi32>, vector<16xi32>], vector<16xf32>,
    %swap3A_781 = arith.constant 0 : index
    %swap3A_782 = tpu.vector_load %arg10[%swap3A_781] {strides = array<i32>} : memref<1024xf32, #tpu.memory_space<vmem>>, vector<16xf32>,
    tpu.vector_store %arg10[%swap3A_781], %gather3A_780 {strides = array<i32>} : memref<1024xf32, #tpu.memory_space<vmem>>, vector<16xf32>,
    %get3A_783 = arith.constant 16 : index
    %get3A_784 = tpu.vector_load %arg6[%get3A_783] {strides = array<i32>} : memref<1024xi32, #tpu.memory_space<vmem>>, vector<16xi32>,
    %and3A_785 = arith.constant 7 : i32
    %and3A_786 = vector.broadcast %and3A_785 : i32 to vector<16xi32>
    %and3A_787 = arith.andi %get3A_784, %and3A_786 : vector<16xi32>
    %mul3A_788 = arith.constant 2 : i32
    %mul3A_789 = vector.broadcast %mul3A_788 : i32 to vector<16xi32>
    %mul3A_790 = arith.muli %and3A_787, %mul3A_789 : vector<16xi32>
    %iota3A_791 = tpu.iota {dimensions = array<i32: 0>} : vector<16xi32>
    %add3A_792 = arith.constant 16 : i32
    %add3A_793 = vector.broadcast %add3A_792 : i32 to vector<16xi32>
    %add3A_794 = arith.addi %add3A_793, %iota3A_791 : vector<16xi32>
    %gather3A_795 = tpu.vector_load_idx %arg8[%add3A_794, %mul3A_790] : memref<1024x16xf32, #tpu.memory_space<vmem>>[vector<16xi32>, vector<16xi32>], vector<16xf32>,
    %swap3A_796 = arith.constant 16 : index
    %swap3A_797 = tpu.vector_load %arg9[%swap3A_796] {strides = array<i32>} : memref<1024xf32, #tpu.memory_space<vmem>>, vector<16xf32>,
    tpu.vector_store %arg9[%swap3A_796], %gather3A_795 {strides = array<i32>} : memref<1024xf32, #tpu.memory_space<vmem>>, vector<16xf32>,
    %add3A_798 = arith.constant 1 : i32
    %add3A_799 = vector.broadcast %add3A_798 : i32 to vector<16xi32>
    %add3A_800 = arith.addi %mul3A_790, %add3A_799 : vector<16xi32>
    %gather3A_801 = tpu.vector_load_idx %arg8[%add3A_794, %add3A_800] : memref<1024x16xf32, #tpu.memory_space<vmem>>[vector<16xi32>, vector<16xi32>], vector<16xf32>,
    %swap3A_802 = arith.constant 16 : index
    %swap3A_803 = tpu.vector_load %arg10[%swap3A_802] {strides = array<i32>} : memref<1024xf32, #tpu.memory_space<vmem>>, vector<16xf32>,
    tpu.vector_store %arg10[%swap3A_802], %gather3A_801 {strides = array<i32>} : memref<1024xf32, #tpu.memory_space<vmem>>, vector<16xf32>,
    %get3A_804 = arith.constant 32 : index
    %get3A_805 = tpu.vector_load %arg6[%get3A_804] {strides = array<i32>} : memref<1024xi32, #tpu.memory_space<vmem>>, vector<16xi32>,
    %and3A_806 = arith.constant 7 : i32
    %and3A_807 = vector.broadcast %and3A_806 : i32 to vector<16xi32>
    %and3A_808 = arith.andi %get3A_805, %and3A_807 : vector<16xi32>
    %mul3A_809 = arith.constant 2 : i32
    %mul3A_810 = vector.broadcast %mul3A_809 : i32 to vector<16xi32>
    %mul3A_811 = arith.muli %and3A_808, %mul3A_810 : vector<16xi32>
    %iota3A_812 = tpu.iota {dimensions = array<i32: 0>} : vector<16xi32>
    %add3A_813 = arith.constant 32 : i32
    %add3A_814 = vector.broadcast %add3A_813 : i32 to vector<16xi32>
    %add3A_815 = arith.addi %add3A_814, %iota3A_812 : vector<16xi32>
    %gather3A_816 = tpu.vector_load_idx %arg8[%add3A_815, %mul3A_811] : memref<1024x16xf32, #tpu.memory_space<vmem>>[vector<16xi32>, vector<16xi32>], vector<16xf32>,
    %swap3A_817 = arith.constant 32 : index
    %swap3A_818 = tpu.vector_load %arg9[%swap3A_817] {strides = array<i32>} : memref<1024xf32, #tpu.memory_space<vmem>>, vector<16xf32>,
    tpu.vector_store %arg9[%swap3A_817], %gather3A_816 {strides = array<i32>} : memref<1024xf32, #tpu.memory_space<vmem>>, vector<16xf32>,
    %add3A_819 = arith.constant 1 : i32
    %add3A_820 = vector.broadcast %add3A_819 : i32 to vector<16xi32>
    %add3A_821 = arith.addi %mul3A_811, %add3A_820 : vector<16xi32>
    %gather3A_822 = tpu.vector_load_idx %arg8[%add3A_815, %add3A_821] : memref<1024x16xf32, #tpu.memory_space<vmem>>[vector<16xi32>, vector<16xi32>], vector<16xf32>,
    %swap3A_823 = arith.constant 32 : index
    %swap3A_824 = tpu.vector_load %arg10[%swap3A_823] {strides = array<i32>} : memref<1024xf32, #tpu.memory_space<vmem>>, vector<16xf32>,
    tpu.vector_store %arg10[%swap3A_823], %gather3A_822 {strides = array<i32>} : memref<1024xf32, #tpu.memory_space<vmem>>, vector<16xf32>,
    %get3A_825 = arith.constant 48 : index
    %get3A_826 = tpu.vector_load %arg6[%get3A_825] {strides = array<i32>} : memref<1024xi32, #tpu.memory_space<vmem>>, vector<16xi32>,
    %and3A_827 = arith.constant 7 : i32
    %and3A_828 = vector.broadcast %and3A_827 : i32 to vector<16xi32>
    %and3A_829 = arith.andi %get3A_826, %and3A_828 : vector<16xi32>
    %mul3A_830 = arith.constant 2 : i32
    %mul3A_831 = vector.broadcast %mul3A_830 : i32 to vector<16xi32>
    %mul3A_832 = arith.muli %and3A_829, %mul3A_831 : vector<16xi32>
    %iota3A_833 = tpu.iota {dimensions = array<i32: 0>} : vector<16xi32>
    %add3A_834 = arith.constant 48 : i32
    %add3A_835 = vector.broadcast %add3A_834 : i32 to vector<16xi32>
    %add3A_836 = arith.addi %add3A_835, %iota3A_833 : vector<16xi32>
    %gather3A_837 = tpu.vector_load_idx %arg8[%add3A_836, %mul3A_832] : memref<1024x16xf32, #tpu.memory_space<vmem>>[vector<16xi32>, vector<16xi32>], vector<16xf32>,
    %swap3A_838 = arith.constant 48 : index
    %swap3A_839 = tpu.vector_load %arg9[%swap3A_838] {strides = array<i32>} : memref<1024xf32, #tpu.memory_space<vmem>>, vector<16xf32>,
    tpu.vector_store %arg9[%swap3A_838], %gather3A_837 {strides = array<i32>} : memref<1024xf32, #tpu.memory_space<vmem>>, vector<16xf32>,
    %add3A_840 = arith.constant 1 : i32
    %add3A_841 = vector.broadcast %add3A_840 : i32 to vector<16xi32>
    %add3A_842 = arith.addi %mul3A_832, %add3A_841 : vector<16xi32>
    %gather3A_843 = tpu.vector_load_idx %arg8[%add3A_836, %add3A_842] : memref<1024x16xf32, #tpu.memory_space<vmem>>[vector<16xi32>, vector<16xi32>], vector<16xf32>,
    %swap3A_844 = arith.constant 48 : index
    %swap3A_845 = tpu.vector_load %arg10[%swap3A_844] {strides = array<i32>} : memref<1024xf32, #tpu.memory_space<vmem>>, vector<16xf32>,
    tpu.vector_store %arg10[%swap3A_844], %gather3A_843 {strides = array<i32>} : memref<1024xf32, #tpu.memory_space<vmem>>, vector<16xf32>,
    %get3A_846 = arith.constant 64 : index
    %get3A_847 = tpu.vector_load %arg6[%get3A_846] {strides = array<i32>} : memref<1024xi32, #tpu.memory_space<vmem>>, vector<16xi32>,
    %and3A_848 = arith.constant 7 : i32
    %and3A_849 = vector.broadcast %and3A_848 : i32 to vector<16xi32>
    %and3A_850 = arith.andi %get3A_847, %and3A_849 : vector<16xi32>
    %mul3A_851 = arith.constant 2 : i32
    %mul3A_852 = vector.broadcast %mul3A_851 : i32 to vector<16xi32>
    %mul3A_853 = arith.muli %and3A_850, %mul3A_852 : vector<16xi32>
    %iota3A_854 = tpu.iota {dimensions = array<i32: 0>} : vector<16xi32>
    %add3A_855 = arith.constant 64 : i32
    %add3A_856 = vector.broadcast %add3A_855 : i32 to vector<16xi32>
    %add3A_857 = arith.addi %add3A_856, %iota3A_854 : vector<16xi32>
    %gather3A_858 = tpu.vector_load_idx %arg8[%add3A_857, %mul3A_853] : memref<1024x16xf32, #tpu.memory_space<vmem>>[vector<16xi32>, vector<16xi32>], vector<16xf32>,
    %swap3A_859 = arith.constant 64 : index
    %swap3A_860 = tpu.vector_load %arg9[%swap3A_859] {strides = array<i32>} : memref<1024xf32, #tpu.memory_space<vmem>>, vector<16xf32>,
    tpu.vector_store %arg9[%swap3A_859], %gather3A_858 {strides = array<i32>} : memref<1024xf32, #tpu.memory_space<vmem>>, vector<16xf32>,
    %add3A_861 = arith.constant 1 : i32
    %add3A_862 = vector.broadcast %add3A_861 : i32 to vector<16xi32>
    %add3A_863 = arith.addi %mul3A_853, %add3A_862 : vector<16xi32>
    %gather3A_864 = tpu.vector_load_idx %arg8[%add3A_857, %add3A_863] : memref<1024x16xf32, #tpu.memory_space<vmem>>[vector<16xi32>, vector<16xi32>], vector<16xf32>,
    %swap3A_865 = arith.constant 64 : index
    %swap3A_866 = tpu.vector_load %arg10[%swap3A_865] {strides = array<i32>} : memref<1024xf32, #tpu.memory_space<vmem>>, vector<16xf32>,
    tpu.vector_store %arg10[%swap3A_865], %gather3A_864 {strides = array<i32>} : memref<1024xf32, #tpu.memory_space<vmem>>, vector<16xf32>,
    %get3A_867 = arith.constant 80 : index
    %get3A_868 = tpu.vector_load %arg6[%get3A_867] {strides = array<i32>} : memref<1024xi32, #tpu.memory_space<vmem>>, vector<16xi32>,
    %and3A_869 = arith.constant 7 : i32
    %and3A_870 = vector.broadcast %and3A_869 : i32 to vector<16xi32>
    %and3A_871 = arith.andi %get3A_868, %and3A_870 : vector<16xi32>
    %mul3A_872 = arith.constant 2 : i32
    %mul3A_873 = vector.broadcast %mul3A_872 : i32 to vector<16xi32>
    %mul3A_874 = arith.muli %and3A_871, %mul3A_873 : vector<16xi32>
    %iota3A_875 = tpu.iota {dimensions = array<i32: 0>} : vector<16xi32>
    %add3A_876 = arith.constant 80 : i32
    %add3A_877 = vector.broadcast %add3A_876 : i32 to vector<16xi32>
    %add3A_878 = arith.addi %add3A_877, %iota3A_875 : vector<16xi32>
    %gather3A_879 = tpu.vector_load_idx %arg8[%add3A_878, %mul3A_874] : memref<1024x16xf32, #tpu.memory_space<vmem>>[vector<16xi32>, vector<16xi32>], vector<16xf32>,
    %swap3A_880 = arith.constant 80 : index
    %swap3A_881 = tpu.vector_load %arg9[%swap3A_880] {strides = array<i32>} : memref<1024xf32, #tpu.memory_space<vmem>>, vector<16xf32>,
    tpu.vector_store %arg9[%swap3A_880], %gather3A_879 {strides = array<i32>} : memref<1024xf32, #tpu.memory_space<vmem>>, vector<16xf32>,
    %add3A_882 = arith.constant 1 : i32
    %add3A_883 = vector.broadcast %add3A_882 : i32 to vector<16xi32>
    %add3A_884 = arith.addi %mul3A_874, %add3A_883 : vector<16xi32>
    %gather3A_885 = tpu.vector_load_idx %arg8[%add3A_878, %add3A_884] : memref<1024x16xf32, #tpu.memory_space<vmem>>[vector<16xi32>, vector<16xi32>], vector<16xf32>,
    %swap3A_886 = arith.constant 80 : index
    %swap3A_887 = tpu.vector_load %arg10[%swap3A_886] {strides = array<i32>} : memref<1024xf32, #tpu.memory_space<vmem>>, vector<16xf32>,
    tpu.vector_store %arg10[%swap3A_886], %gather3A_885 {strides = array<i32>} : memref<1024xf32, #tpu.memory_space<vmem>>, vector<16xf32>,
    %get3A_888 = arith.constant 96 : index
    %get3A_889 = tpu.vector_load %arg6[%get3A_888] {strides = array<i32>} : memref<1024xi32, #tpu.memory_space<vmem>>, vector<16xi32>,
    %and3A_890 = arith.constant 7 : i32
    %and3A_891 = vector.broadcast %and3A_890 : i32 to vector<16xi32>
    %and3A_892 = arith.andi %get3A_889, %and3A_891 : vector<16xi32>
    %mul3A_893 = arith.constant 2 : i32
    %mul3A_894 = vector.broadcast %mul3A_893 : i32 to vector<16xi32>
    %mul3A_895 = arith.muli %and3A_892, %mul3A_894 : vector<16xi32>
    %iota3A_896 = tpu.iota {dimensions = array<i32: 0>} : vector<16xi32>
    %add3A_897 = arith.constant 96 : i32
    %add3A_898 = vector.broadcast %add3A_897 : i32 to vector<16xi32>
    %add3A_899 = arith.addi %add3A_898, %iota3A_896 : vector<16xi32>
    %gather3A_900 = tpu.vector_load_idx %arg8[%add3A_899, %mul3A_895] : memref<1024x16xf32, #tpu.memory_space<vmem>>[vector<16xi32>, vector<16xi32>], vector<16xf32>,
    %swap3A_901 = arith.constant 96 : index
    %swap3A_902 = tpu.vector_load %arg9[%swap3A_901] {strides = array<i32>} : memref<1024xf32, #tpu.memory_space<vmem>>, vector<16xf32>,
    tpu.vector_store %arg9[%swap3A_901], %gather3A_900 {strides = array<i32>} : memref<1024xf32, #tpu.memory_space<vmem>>, vector<16xf32>,
    %add3A_903 = arith.constant 1 : i32
    %add3A_904 = vector.broadcast %add3A_903 : i32 to vector<16xi32>
    %add3A_905 = arith.addi %mul3A_895, %add3A_904 : vector<16xi32>
    %gather3A_906 = tpu.vector_load_idx %arg8[%add3A_899, %add3A_905] : memref<1024x16xf32, #tpu.memory_space<vmem>>[vector<16xi32>, vector<16xi32>], vector<16xf32>,
    %swap3A_907 = arith.constant 96 : index
    %swap3A_908 = tpu.vector_load %arg10[%swap3A_907] {strides = array<i32>} : memref<1024xf32, #tpu.memory_space<vmem>>, vector<16xf32>,
    tpu.vector_store %arg10[%swap3A_907], %gather3A_906 {strides = array<i32>} : memref<1024xf32, #tpu.memory_space<vmem>>, vector<16xf32>,
    %get3A_909 = arith.constant 112 : index
    %get3A_910 = tpu.vector_load %arg6[%get3A_909] {strides = array<i32>} : memref<1024xi32, #tpu.memory_space<vmem>>, vector<16xi32>,
    %and3A_911 = arith.constant 7 : i32
    %and3A_912 = vector.broadcast %and3A_911 : i32 to vector<16xi32>
    %and3A_913 = arith.andi %get3A_910, %and3A_912 : vector<16xi32>
    %mul3A_914 = arith.constant 2 : i32
    %mul3A_915 = vector.broadcast %mul3A_914 : i32 to vector<16xi32>
    %mul3A_916 = arith.muli %and3A_913, %mul3A_915 : vector<16xi32>
    %iota3A_917 = tpu.iota {dimensions = array<i32: 0>} : vector<16xi32>
    %add3A_918 = arith.constant 112 : i32
    %add3A_919 = vector.broadcast %add3A_918 : i32 to vector<16xi32>
    %add3A_920 = arith.addi %add3A_919, %iota3A_917 : vector<16xi32>
    %gather3A_921 = tpu.vector_load_idx %arg8[%add3A_920, %mul3A_916] : memref<1024x16xf32, #tpu.memory_space<vmem>>[vector<16xi32>, vector<16xi32>], vector<16xf32>,
    %swap3A_922 = arith.constant 112 : index
    %swap3A_923 = tpu.vector_load %arg9[%swap3A_922] {strides = array<i32>} : memref<1024xf32, #tpu.memory_space<vmem>>, vector<16xf32>,
    tpu.vector_store %arg9[%swap3A_922], %gather3A_921 {strides = array<i32>} : memref<1024xf32, #tpu.memory_space<vmem>>, vector<16xf32>,
    %add3A_924 = arith.constant 1 : i32
    %add3A_925 = vector.broadcast %add3A_924 : i32 to vector<16xi32>
    %add3A_926 = arith.addi %mul3A_916, %add3A_925 : vector<16xi32>
    %gather3A_927 = tpu.vector_load_idx %arg8[%add3A_920, %add3A_926] : memref<1024x16xf32, #tpu.memory_space<vmem>>[vector<16xi32>, vector<16xi32>], vector<16xf32>,
    %swap3A_928 = arith.constant 112 : index
    %swap3A_929 = tpu.vector_load %arg10[%swap3A_928] {strides = array<i32>} : memref<1024xf32, #tpu.memory_space<vmem>>, vector<16xf32>,
    tpu.vector_store %arg10[%swap3A_928], %gather3A_927 {strides = array<i32>} : memref<1024xf32, #tpu.memory_space<vmem>>, vector<16xf32>,
    %get3A_930 = arith.constant 128 : index
    %get3A_931 = tpu.vector_load %arg6[%get3A_930] {strides = array<i32>} : memref<1024xi32, #tpu.memory_space<vmem>>, vector<16xi32>,
    %and3A_932 = arith.constant 7 : i32
    %and3A_933 = vector.broadcast %and3A_932 : i32 to vector<16xi32>
    %and3A_934 = arith.andi %get3A_931, %and3A_933 : vector<16xi32>
    %mul3A_935 = arith.constant 2 : i32
    %mul3A_936 = vector.broadcast %mul3A_935 : i32 to vector<16xi32>
    %mul3A_937 = arith.muli %and3A_934, %mul3A_936 : vector<16xi32>
    %iota3A_938 = tpu.iota {dimensions = array<i32: 0>} : vector<16xi32>
    %add3A_939 = arith.constant 128 : i32
    %add3A_940 = vector.broadcast %add3A_939 : i32 to vector<16xi32>
    %add3A_941 = arith.addi %add3A_940, %iota3A_938 : vector<16xi32>
    %gather3A_942 = tpu.vector_load_idx %arg8[%add3A_941, %mul3A_937] : memref<1024x16xf32, #tpu.memory_space<vmem>>[vector<16xi32>, vector<16xi32>], vector<16xf32>,
    %swap3A_943 = arith.constant 128 : index
    %swap3A_944 = tpu.vector_load %arg9[%swap3A_943] {strides = array<i32>} : memref<1024xf32, #tpu.memory_space<vmem>>, vector<16xf32>,
    tpu.vector_store %arg9[%swap3A_943], %gather3A_942 {strides = array<i32>} : memref<1024xf32, #tpu.memory_space<vmem>>, vector<16xf32>,
    %add3A_945 = arith.constant 1 : i32
    %add3A_946 = vector.broadcast %add3A_945 : i32 to vector<16xi32>
    %add3A_947 = arith.addi %mul3A_937, %add3A_946 : vector<16xi32>
    %gather3A_948 = tpu.vector_load_idx %arg8[%add3A_941, %add3A_947] : memref<1024x16xf32, #tpu.memory_space<vmem>>[vector<16xi32>, vector<16xi32>], vector<16xf32>,
    %swap3A_949 = arith.constant 128 : index
    %swap3A_950 = tpu.vector_load %arg10[%swap3A_949] {strides = array<i32>} : memref<1024xf32, #tpu.memory_space<vmem>>, vector<16xf32>,
    tpu.vector_store %arg10[%swap3A_949], %gather3A_948 {strides = array<i32>} : memref<1024xf32, #tpu.memory_space<vmem>>, vector<16xf32>,
    %get3A_951 = arith.constant 144 : index
    %get3A_952 = tpu.vector_load %arg6[%get3A_951] {strides = array<i32>} : memref<1024xi32, #tpu.memory_space<vmem>>, vector<16xi32>,
    %and3A_953 = arith.constant 7 : i32
    %and3A_954 = vector.broadcast %and3A_953 : i32 to vector<16xi32>
    %and3A_955 = arith.andi %get3A_952, %and3A_954 : vector<16xi32>
    %mul3A_956 = arith.constant 2 : i32
    %mul3A_957 = vector.broadcast %mul3A_956 : i32 to vector<16xi32>
    %mul3A_958 = arith.muli %and3A_955, %mul3A_957 : vector<16xi32>
    %iota3A_959 = tpu.iota {dimensions = array<i32: 0>} : vector<16xi32>
    %add3A_960 = arith.constant 144 : i32
    %add3A_961 = vector.broadcast %add3A_960 : i32 to vector<16xi32>
    %add3A_962 = arith.addi %add3A_961, %iota3A_959 : vector<16xi32>
    %gather3A_963 = tpu.vector_load_idx %arg8[%add3A_962, %mul3A_958] : memref<1024x16xf32, #tpu.memory_space<vmem>>[vector<16xi32>, vector<16xi32>], vector<16xf32>,
    %swap3A_964 = arith.constant 144 : index
    %swap3A_965 = tpu.vector_load %arg9[%swap3A_964] {strides = array<i32>} : memref<1024xf32, #tpu.memory_space<vmem>>, vector<16xf32>,
    tpu.vector_store %arg9[%swap3A_964], %gather3A_963 {strides = array<i32>} : memref<1024xf32, #tpu.memory_space<vmem>>, vector<16xf32>,
    %add3A_966 = arith.constant 1 : i32
    %add3A_967 = vector.broadcast %add3A_966 : i32 to vector<16xi32>
    %add3A_968 = arith.addi %mul3A_958, %add3A_967 : vector<16xi32>
    %gather3A_969 = tpu.vector_load_idx %arg8[%add3A_962, %add3A_968] : memref<1024x16xf32, #tpu.memory_space<vmem>>[vector<16xi32>, vector<16xi32>], vector<16xf32>,
    %swap3A_970 = arith.constant 144 : index
    %swap3A_971 = tpu.vector_load %arg10[%swap3A_970] {strides = array<i32>} : memref<1024xf32, #tpu.memory_space<vmem>>, vector<16xf32>,
    tpu.vector_store %arg10[%swap3A_970], %gather3A_969 {strides = array<i32>} : memref<1024xf32, #tpu.memory_space<vmem>>, vector<16xf32>,
    %get3A_972 = arith.constant 160 : index
    %get3A_973 = tpu.vector_load %arg6[%get3A_972] {strides = array<i32>} : memref<1024xi32, #tpu.memory_space<vmem>>, vector<16xi32>,
    %and3A_974 = arith.constant 7 : i32
    %and3A_975 = vector.broadcast %and3A_974 : i32 to vector<16xi32>
    %and3A_976 = arith.andi %get3A_973, %and3A_975 : vector<16xi32>
    %mul3A_977 = arith.constant 2 : i32
    %mul3A_978 = vector.broadcast %mul3A_977 : i32 to vector<16xi32>
    %mul3A_979 = arith.muli %and3A_976, %mul3A_978 : vector<16xi32>
    %iota3A_980 = tpu.iota {dimensions = array<i32: 0>} : vector<16xi32>
    %add3A_981 = arith.constant 160 : i32
    %add3A_982 = vector.broadcast %add3A_981 : i32 to vector<16xi32>
    %add3A_983 = arith.addi %add3A_982, %iota3A_980 : vector<16xi32>
    %gather3A_984 = tpu.vector_load_idx %arg8[%add3A_983, %mul3A_979] : memref<1024x16xf32, #tpu.memory_space<vmem>>[vector<16xi32>, vector<16xi32>], vector<16xf32>,
    %swap3A_985 = arith.constant 160 : index
    %swap3A_986 = tpu.vector_load %arg9[%swap3A_985] {strides = array<i32>} : memref<1024xf32, #tpu.memory_space<vmem>>, vector<16xf32>,
    tpu.vector_store %arg9[%swap3A_985], %gather3A_984 {strides = array<i32>} : memref<1024xf32, #tpu.memory_space<vmem>>, vector<16xf32>,
    %add3A_987 = arith.constant 1 : i32
    %add3A_988 = vector.broadcast %add3A_987 : i32 to vector<16xi32>
    %add3A_989 = arith.addi %mul3A_979, %add3A_988 : vector<16xi32>
    %gather3A_990 = tpu.vector_load_idx %arg8[%add3A_983, %add3A_989] : memref<1024x16xf32, #tpu.memory_space<vmem>>[vector<16xi32>, vector<16xi32>], vector<16xf32>,
    %swap3A_991 = arith.constant 160 : index
    %swap3A_992 = tpu.vector_load %arg10[%swap3A_991] {strides = array<i32>} : memref<1024xf32, #tpu.memory_space<vmem>>, vector<16xf32>,
    tpu.vector_store %arg10[%swap3A_991], %gather3A_990 {strides = array<i32>} : memref<1024xf32, #tpu.memory_space<vmem>>, vector<16xf32>,
    %get3A_993 = arith.constant 176 : index
    %get3A_994 = tpu.vector_load %arg6[%get3A_993] {strides = array<i32>} : memref<1024xi32, #tpu.memory_space<vmem>>, vector<16xi32>,
    %and3A_995 = arith.constant 7 : i32
    %and3A_996 = vector.broadcast %and3A_995 : i32 to vector<16xi32>
    %and3A_997 = arith.andi %get3A_994, %and3A_996 : vector<16xi32>
    %mul3A_998 = arith.constant 2 : i32
    %mul3A_999 = vector.broadcast %mul3A_998 : i32 to vector<16xi32>
    %mul3A_1000 = arith.muli %and3A_997, %mul3A_999 : vector<16xi32>
    %iota3A_1001 = tpu.iota {dimensions = array<i32: 0>} : vector<16xi32>
    %add3A_1002 = arith.constant 176 : i32
    %add3A_1003 = vector.broadcast %add3A_1002 : i32 to vector<16xi32>
    %add3A_1004 = arith.addi %add3A_1003, %iota3A_1001 : vector<16xi32>
    %gather3A_1005 = tpu.vector_load_idx %arg8[%add3A_1004, %mul3A_1000] : memref<1024x16xf32, #tpu.memory_space<vmem>>[vector<16xi32>, vector<16xi32>], vector<16xf32>,
    %swap3A_1006 = arith.constant 176 : index
    %swap3A_1007 = tpu.vector_load %arg9[%swap3A_1006] {strides = array<i32>} : memref<1024xf32, #tpu.memory_space<vmem>>, vector<16xf32>,
    tpu.vector_store %arg9[%swap3A_1006], %gather3A_1005 {strides = array<i32>} : memref<1024xf32, #tpu.memory_space<vmem>>, vector<16xf32>,
    %add3A_1008 = arith.constant 1 : i32
    %add3A_1009 = vector.broadcast %add3A_1008 : i32 to vector<16xi32>
    %add3A_1010 = arith.addi %mul3A_1000, %add3A_1009 : vector<16xi32>
    %gather3A_1011 = tpu.vector_load_idx %arg8[%add3A_1004, %add3A_1010] : memref<1024x16xf32, #tpu.memory_space<vmem>>[vector<16xi32>, vector<16xi32>], vector<16xf32>,
    %swap3A_1012 = arith.constant 176 : index
    %swap3A_1013 = tpu.vector_load %arg10[%swap3A_1012] {strides = array<i32>} : memref<1024xf32, #tpu.memory_space<vmem>>, vector<16xf32>,
    tpu.vector_store %arg10[%swap3A_1012], %gather3A_1011 {strides = array<i32>} : memref<1024xf32, #tpu.memory_space<vmem>>, vector<16xf32>,
    %get3A_1014 = arith.constant 192 : index
    %get3A_1015 = tpu.vector_load %arg6[%get3A_1014] {strides = array<i32>} : memref<1024xi32, #tpu.memory_space<vmem>>, vector<16xi32>,
    %and3A_1016 = arith.constant 7 : i32
    %and3A_1017 = vector.broadcast %and3A_1016 : i32 to vector<16xi32>
    %and3A_1018 = arith.andi %get3A_1015, %and3A_1017 : vector<16xi32>
    %mul3A_1019 = arith.constant 2 : i32
    %mul3A_1020 = vector.broadcast %mul3A_1019 : i32 to vector<16xi32>
    %mul3A_1021 = arith.muli %and3A_1018, %mul3A_1020 : vector<16xi32>
    %iota3A_1022 = tpu.iota {dimensions = array<i32: 0>} : vector<16xi32>
    %add3A_1023 = arith.constant 192 : i32
    %add3A_1024 = vector.broadcast %add3A_1023 : i32 to vector<16xi32>
    %add3A_1025 = arith.addi %add3A_1024, %iota3A_1022 : vector<16xi32>
    %gather3A_1026 = tpu.vector_load_idx %arg8[%add3A_1025, %mul3A_1021] : memref<1024x16xf32, #tpu.memory_space<vmem>>[vector<16xi32>, vector<16xi32>], vector<16xf32>,
    %swap3A_1027 = arith.constant 192 : index
    %swap3A_1028 = tpu.vector_load %arg9[%swap3A_1027] {strides = array<i32>} : memref<1024xf32, #tpu.memory_space<vmem>>, vector<16xf32>,
    tpu.vector_store %arg9[%swap3A_1027], %gather3A_1026 {strides = array<i32>} : memref<1024xf32, #tpu.memory_space<vmem>>, vector<16xf32>,
    %add3A_1029 = arith.constant 1 : i32
    %add3A_1030 = vector.broadcast %add3A_1029 : i32 to vector<16xi32>
    %add3A_1031 = arith.addi %mul3A_1021, %add3A_1030 : vector<16xi32>
    %gather3A_1032 = tpu.vector_load_idx %arg8[%add3A_1025, %add3A_1031] : memref<1024x16xf32, #tpu.memory_space<vmem>>[vector<16xi32>, vector<16xi32>], vector<16xf32>,
    %swap3A_1033 = arith.constant 192 : index
    %swap3A_1034 = tpu.vector_load %arg10[%swap3A_1033] {strides = array<i32>} : memref<1024xf32, #tpu.memory_space<vmem>>, vector<16xf32>,
    tpu.vector_store %arg10[%swap3A_1033], %gather3A_1032 {strides = array<i32>} : memref<1024xf32, #tpu.memory_space<vmem>>, vector<16xf32>,
    %get3A_1035 = arith.constant 208 : index
    %get3A_1036 = tpu.vector_load %arg6[%get3A_1035] {strides = array<i32>} : memref<1024xi32, #tpu.memory_space<vmem>>, vector<16xi32>,
    %and3A_1037 = arith.constant 7 : i32
    %and3A_1038 = vector.broadcast %and3A_1037 : i32 to vector<16xi32>
    %and3A_1039 = arith.andi %get3A_1036, %and3A_1038 : vector<16xi32>
    %mul3A_1040 = arith.constant 2 : i32
    %mul3A_1041 = vector.broadcast %mul3A_1040 : i32 to vector<16xi32>
    %mul3A_1042 = arith.muli %and3A_1039, %mul3A_1041 : vector<16xi32>
    %iota3A_1043 = tpu.iota {dimensions = array<i32: 0>} : vector<16xi32>
    %add3A_1044 = arith.constant 208 : i32
    %add3A_1045 = vector.broadcast %add3A_1044 : i32 to vector<16xi32>
    %add3A_1046 = arith.addi %add3A_1045, %iota3A_1043 : vector<16xi32>
    %gather3A_1047 = tpu.vector_load_idx %arg8[%add3A_1046, %mul3A_1042] : memref<1024x16xf32, #tpu.memory_space<vmem>>[vector<16xi32>, vector<16xi32>], vector<16xf32>,
    %swap3A_1048 = arith.constant 208 : index
    %swap3A_1049 = tpu.vector_load %arg9[%swap3A_1048] {strides = array<i32>} : memref<1024xf32, #tpu.memory_space<vmem>>, vector<16xf32>,
    tpu.vector_store %arg9[%swap3A_1048], %gather3A_1047 {strides = array<i32>} : memref<1024xf32, #tpu.memory_space<vmem>>, vector<16xf32>,
    %add3A_1050 = arith.constant 1 : i32
    %add3A_1051 = vector.broadcast %add3A_1050 : i32 to vector<16xi32>
    %add3A_1052 = arith.addi %mul3A_1042, %add3A_1051 : vector<16xi32>
    %gather3A_1053 = tpu.vector_load_idx %arg8[%add3A_1046, %add3A_1052] : memref<1024x16xf32, #tpu.memory_space<vmem>>[vector<16xi32>, vector<16xi32>], vector<16xf32>,
    %swap3A_1054 = arith.constant 208 : index
    %swap3A_1055 = tpu.vector_load %arg10[%swap3A_1054] {strides = array<i32>} : memref<1024xf32, #tpu.memory_space<vmem>>, vector<16xf32>,
    tpu.vector_store %arg10[%swap3A_1054], %gather3A_1053 {strides = array<i32>} : memref<1024xf32, #tpu.memory_space<vmem>>, vector<16xf32>,
    %get3A_1056 = arith.constant 224 : index
    %get3A_1057 = tpu.vector_load %arg6[%get3A_1056] {strides = array<i32>} : memref<1024xi32, #tpu.memory_space<vmem>>, vector<16xi32>,
    %and3A_1058 = arith.constant 7 : i32
    %and3A_1059 = vector.broadcast %and3A_1058 : i32 to vector<16xi32>
    %and3A_1060 = arith.andi %get3A_1057, %and3A_1059 : vector<16xi32>
    %mul3A_1061 = arith.constant 2 : i32
    %mul3A_1062 = vector.broadcast %mul3A_1061 : i32 to vector<16xi32>
    %mul3A_1063 = arith.muli %and3A_1060, %mul3A_1062 : vector<16xi32>
    %iota3A_1064 = tpu.iota {dimensions = array<i32: 0>} : vector<16xi32>
    %add3A_1065 = arith.constant 224 : i32
    %add3A_1066 = vector.broadcast %add3A_1065 : i32 to vector<16xi32>
    %add3A_1067 = arith.addi %add3A_1066, %iota3A_1064 : vector<16xi32>
    %gather3A_1068 = tpu.vector_load_idx %arg8[%add3A_1067, %mul3A_1063] : memref<1024x16xf32, #tpu.memory_space<vmem>>[vector<16xi32>, vector<16xi32>], vector<16xf32>,
    %swap3A_1069 = arith.constant 224 : index
    %swap3A_1070 = tpu.vector_load %arg9[%swap3A_1069] {strides = array<i32>} : memref<1024xf32, #tpu.memory_space<vmem>>, vector<16xf32>,
    tpu.vector_store %arg9[%swap3A_1069], %gather3A_1068 {strides = array<i32>} : memref<1024xf32, #tpu.memory_space<vmem>>, vector<16xf32>,
    %add3A_1071 = arith.constant 1 : i32
    %add3A_1072 = vector.broadcast %add3A_1071 : i32 to vector<16xi32>
    %add3A_1073 = arith.addi %mul3A_1063, %add3A_1072 : vector<16xi32>
    %gather3A_1074 = tpu.vector_load_idx %arg8[%add3A_1067, %add3A_1073] : memref<1024x16xf32, #tpu.memory_space<vmem>>[vector<16xi32>, vector<16xi32>], vector<16xf32>,
    %swap3A_1075 = arith.constant 224 : index
    %swap3A_1076 = tpu.vector_load %arg10[%swap3A_1075] {strides = array<i32>} : memref<1024xf32, #tpu.memory_space<vmem>>, vector<16xf32>,
    tpu.vector_store %arg10[%swap3A_1075], %gather3A_1074 {strides = array<i32>} : memref<1024xf32, #tpu.memory_space<vmem>>, vector<16xf32>,
    %get3A_1077 = arith.constant 240 : index
    %get3A_1078 = tpu.vector_load %arg6[%get3A_1077] {strides = array<i32>} : memref<1024xi32, #tpu.memory_space<vmem>>, vector<16xi32>,
    %and3A_1079 = arith.constant 7 : i32
    %and3A_1080 = vector.broadcast %and3A_1079 : i32 to vector<16xi32>
    %and3A_1081 = arith.andi %get3A_1078, %and3A_1080 : vector<16xi32>
    %mul3A_1082 = arith.constant 2 : i32
    %mul3A_1083 = vector.broadcast %mul3A_1082 : i32 to vector<16xi32>
    %mul3A_1084 = arith.muli %and3A_1081, %mul3A_1083 : vector<16xi32>
    %iota3A_1085 = tpu.iota {dimensions = array<i32: 0>} : vector<16xi32>
    %add3A_1086 = arith.constant 240 : i32
    %add3A_1087 = vector.broadcast %add3A_1086 : i32 to vector<16xi32>
    %add3A_1088 = arith.addi %add3A_1087, %iota3A_1085 : vector<16xi32>
    %gather3A_1089 = tpu.vector_load_idx %arg8[%add3A_1088, %mul3A_1084] : memref<1024x16xf32, #tpu.memory_space<vmem>>[vector<16xi32>, vector<16xi32>], vector<16xf32>,
    %swap3A_1090 = arith.constant 240 : index
    %swap3A_1091 = tpu.vector_load %arg9[%swap3A_1090] {strides = array<i32>} : memref<1024xf32, #tpu.memory_space<vmem>>, vector<16xf32>,
    tpu.vector_store %arg9[%swap3A_1090], %gather3A_1089 {strides = array<i32>} : memref<1024xf32, #tpu.memory_space<vmem>>, vector<16xf32>,
    %add3A_1092 = arith.constant 1 : i32
    %add3A_1093 = vector.broadcast %add3A_1092 : i32 to vector<16xi32>
    %add3A_1094 = arith.addi %mul3A_1084, %add3A_1093 : vector<16xi32>
    %gather3A_1095 = tpu.vector_load_idx %arg8[%add3A_1088, %add3A_1094] : memref<1024x16xf32, #tpu.memory_space<vmem>>[vector<16xi32>, vector<16xi32>], vector<16xf32>,
    %swap3A_1096 = arith.constant 240 : index
    %swap3A_1097 = tpu.vector_load %arg10[%swap3A_1096] {strides = array<i32>} : memref<1024xf32, #tpu.memory_space<vmem>>, vector<16xf32>,
    tpu.vector_store %arg10[%swap3A_1096], %gather3A_1095 {strides = array<i32>} : memref<1024xf32, #tpu.memory_space<vmem>>, vector<16xf32>,
    %get3A_1098 = arith.constant 256 : index
    %get3A_1099 = tpu.vector_load %arg6[%get3A_1098] {strides = array<i32>} : memref<1024xi32, #tpu.memory_space<vmem>>, vector<16xi32>,
    %and3A_1100 = arith.constant 7 : i32
    %and3A_1101 = vector.broadcast %and3A_1100 : i32 to vector<16xi32>
    %and3A_1102 = arith.andi %get3A_1099, %and3A_1101 : vector<16xi32>
    %mul3A_1103 = arith.constant 2 : i32
    %mul3A_1104 = vector.broadcast %mul3A_1103 : i32 to vector<16xi32>
    %mul3A_1105 = arith.muli %and3A_1102, %mul3A_1104 : vector<16xi32>
    %iota3A_1106 = tpu.iota {dimensions = array<i32: 0>} : vector<16xi32>
    %add3A_1107 = arith.constant 256 : i32
    %add3A_1108 = vector.broadcast %add3A_1107 : i32 to vector<16xi32>
    %add3A_1109 = arith.addi %add3A_1108, %iota3A_1106 : vector<16xi32>
    %gather3A_1110 = tpu.vector_load_idx %arg8[%add3A_1109, %mul3A_1105] : memref<1024x16xf32, #tpu.memory_space<vmem>>[vector<16xi32>, vector<16xi32>], vector<16xf32>,
    %swap3A_1111 = arith.constant 256 : index
    %swap3A_1112 = tpu.vector_load %arg9[%swap3A_1111] {strides = array<i32>} : memref<1024xf32, #tpu.memory_space<vmem>>, vector<16xf32>,
    tpu.vector_store %arg9[%swap3A_1111], %gather3A_1110 {strides = array<i32>} : memref<1024xf32, #tpu.memory_space<vmem>>, vector<16xf32>,
    %add3A_1113 = arith.constant 1 : i32
    %add3A_1114 = vector.broadcast %add3A_1113 : i32 to vector<16xi32>
    %add3A_1115 = arith.addi %mul3A_1105, %add3A_1114 : vector<16xi32>
    %gather3A_1116 = tpu.vector_load_idx %arg8[%add3A_1109, %add3A_1115] : memref<1024x16xf32, #tpu.memory_space<vmem>>[vector<16xi32>, vector<16xi32>], vector<16xf32>,
    %swap3A_1117 = arith.constant 256 : index
    %swap3A_1118 = tpu.vector_load %arg10[%swap3A_1117] {strides = array<i32>} : memref<1024xf32, #tpu.memory_space<vmem>>, vector<16xf32>,
    tpu.vector_store %arg10[%swap3A_1117], %gather3A_1116 {strides = array<i32>} : memref<1024xf32, #tpu.memory_space<vmem>>, vector<16xf32>,
    %get3A_1119 = arith.constant 272 : index
    %get3A_1120 = tpu.vector_load %arg6[%get3A_1119] {strides = array<i32>} : memref<1024xi32, #tpu.memory_space<vmem>>, vector<16xi32>,
    %and3A_1121 = arith.constant 7 : i32
    %and3A_1122 = vector.broadcast %and3A_1121 : i32 to vector<16xi32>
    %and3A_1123 = arith.andi %get3A_1120, %and3A_1122 : vector<16xi32>
    %mul3A_1124 = arith.constant 2 : i32
    %mul3A_1125 = vector.broadcast %mul3A_1124 : i32 to vector<16xi32>
    %mul3A_1126 = arith.muli %and3A_1123, %mul3A_1125 : vector<16xi32>
    %iota3A_1127 = tpu.iota {dimensions = array<i32: 0>} : vector<16xi32>
    %add3A_1128 = arith.constant 272 : i32
    %add3A_1129 = vector.broadcast %add3A_1128 : i32 to vector<16xi32>
    %add3A_1130 = arith.addi %add3A_1129, %iota3A_1127 : vector<16xi32>
    %gather3A_1131 = tpu.vector_load_idx %arg8[%add3A_1130, %mul3A_1126] : memref<1024x16xf32, #tpu.memory_space<vmem>>[vector<16xi32>, vector<16xi32>], vector<16xf32>,
    %swap3A_1132 = arith.constant 272 : index
    %swap3A_1133 = tpu.vector_load %arg9[%swap3A_1132] {strides = array<i32>} : memref<1024xf32, #tpu.memory_space<vmem>>, vector<16xf32>,
    tpu.vector_store %arg9[%swap3A_1132], %gather3A_1131 {strides = array<i32>} : memref<1024xf32, #tpu.memory_space<vmem>>, vector<16xf32>,
    %add3A_1134 = arith.constant 1 : i32
    %add3A_1135 = vector.broadcast %add3A_1134 : i32 to vector<16xi32>
    %add3A_1136 = arith.addi %mul3A_1126, %add3A_1135 : vector<16xi32>
    %gather3A_1137 = tpu.vector_load_idx %arg8[%add3A_1130, %add3A_1136] : memref<1024x16xf32, #tpu.memory_space<vmem>>[vector<16xi32>, vector<16xi32>], vector<16xf32>,
    %swap3A_1138 = arith.constant 272 : index
    %swap3A_1139 = tpu.vector_load %arg10[%swap3A_1138] {strides = array<i32>} : memref<1024xf32, #tpu.memory_space<vmem>>, vector<16xf32>,
    tpu.vector_store %arg10[%swap3A_1138], %gather3A_1137 {strides = array<i32>} : memref<1024xf32, #tpu.memory_space<vmem>>, vector<16xf32>,
    %get3A_1140 = arith.constant 288 : index
    %get3A_1141 = tpu.vector_load %arg6[%get3A_1140] {strides = array<i32>} : memref<1024xi32, #tpu.memory_space<vmem>>, vector<16xi32>,
    %and3A_1142 = arith.constant 7 : i32
    %and3A_1143 = vector.broadcast %and3A_1142 : i32 to vector<16xi32>
    %and3A_1144 = arith.andi %get3A_1141, %and3A_1143 : vector<16xi32>
    %mul3A_1145 = arith.constant 2 : i32
    %mul3A_1146 = vector.broadcast %mul3A_1145 : i32 to vector<16xi32>
    %mul3A_1147 = arith.muli %and3A_1144, %mul3A_1146 : vector<16xi32>
    %iota3A_1148 = tpu.iota {dimensions = array<i32: 0>} : vector<16xi32>
    %add3A_1149 = arith.constant 288 : i32
    %add3A_1150 = vector.broadcast %add3A_1149 : i32 to vector<16xi32>
    %add3A_1151 = arith.addi %add3A_1150, %iota3A_1148 : vector<16xi32>
    %gather3A_1152 = tpu.vector_load_idx %arg8[%add3A_1151, %mul3A_1147] : memref<1024x16xf32, #tpu.memory_space<vmem>>[vector<16xi32>, vector<16xi32>], vector<16xf32>,
    %swap3A_1153 = arith.constant 288 : index
    %swap3A_1154 = tpu.vector_load %arg9[%swap3A_1153] {strides = array<i32>} : memref<1024xf32, #tpu.memory_space<vmem>>, vector<16xf32>,
    tpu.vector_store %arg9[%swap3A_1153], %gather3A_1152 {strides = array<i32>} : memref<1024xf32, #tpu.memory_space<vmem>>, vector<16xf32>,
    %add3A_1155 = arith.constant 1 : i32
    %add3A_1156 = vector.broadcast %add3A_1155 : i32 to vector<16xi32>
    %add3A_1157 = arith.addi %mul3A_1147, %add3A_1156 : vector<16xi32>
    %gather3A_1158 = tpu.vector_load_idx %arg8[%add3A_1151, %add3A_1157] : memref<1024x16xf32, #tpu.memory_space<vmem>>[vector<16xi32>, vector<16xi32>], vector<16xf32>,
    %swap3A_1159 = arith.constant 288 : index
    %swap3A_1160 = tpu.vector_load %arg10[%swap3A_1159] {strides = array<i32>} : memref<1024xf32, #tpu.memory_space<vmem>>, vector<16xf32>,
    tpu.vector_store %arg10[%swap3A_1159], %gather3A_1158 {strides = array<i32>} : memref<1024xf32, #tpu.memory_space<vmem>>, vector<16xf32>,
    %get3A_1161 = arith.constant 304 : index
    %get3A_1162 = tpu.vector_load %arg6[%get3A_1161] {strides = array<i32>} : memref<1024xi32, #tpu.memory_space<vmem>>, vector<16xi32>,
    %and3A_1163 = arith.constant 7 : i32
    %and3A_1164 = vector.broadcast %and3A_1163 : i32 to vector<16xi32>
    %and3A_1165 = arith.andi %get3A_1162, %and3A_1164 : vector<16xi32>
    %mul3A_1166 = arith.constant 2 : i32
    %mul3A_1167 = vector.broadcast %mul3A_1166 : i32 to vector<16xi32>
    %mul3A_1168 = arith.muli %and3A_1165, %mul3A_1167 : vector<16xi32>
    %iota3A_1169 = tpu.iota {dimensions = array<i32: 0>} : vector<16xi32>
    %add3A_1170 = arith.constant 304 : i32
    %add3A_1171 = vector.broadcast %add3A_1170 : i32 to vector<16xi32>
    %add3A_1172 = arith.addi %add3A_1171, %iota3A_1169 : vector<16xi32>
    %gather3A_1173 = tpu.vector_load_idx %arg8[%add3A_1172, %mul3A_1168] : memref<1024x16xf32, #tpu.memory_space<vmem>>[vector<16xi32>, vector<16xi32>], vector<16xf32>,
    %swap3A_1174 = arith.constant 304 : index
    %swap3A_1175 = tpu.vector_load %arg9[%swap3A_1174] {strides = array<i32>} : memref<1024xf32, #tpu.memory_space<vmem>>, vector<16xf32>,
    tpu.vector_store %arg9[%swap3A_1174], %gather3A_1173 {strides = array<i32>} : memref<1024xf32, #tpu.memory_space<vmem>>, vector<16xf32>,
    %add3A_1176 = arith.constant 1 : i32
    %add3A_1177 = vector.broadcast %add3A_1176 : i32 to vector<16xi32>
    %add3A_1178 = arith.addi %mul3A_1168, %add3A_1177 : vector<16xi32>
    %gather3A_1179 = tpu.vector_load_idx %arg8[%add3A_1172, %add3A_1178] : memref<1024x16xf32, #tpu.memory_space<vmem>>[vector<16xi32>, vector<16xi32>], vector<16xf32>,
    %swap3A_1180 = arith.constant 304 : index
    %swap3A_1181 = tpu.vector_load %arg10[%swap3A_1180] {strides = array<i32>} : memref<1024xf32, #tpu.memory_space<vmem>>, vector<16xf32>,
    tpu.vector_store %arg10[%swap3A_1180], %gather3A_1179 {strides = array<i32>} : memref<1024xf32, #tpu.memory_space<vmem>>, vector<16xf32>,
    %get3A_1182 = arith.constant 320 : index
    %get3A_1183 = tpu.vector_load %arg6[%get3A_1182] {strides = array<i32>} : memref<1024xi32, #tpu.memory_space<vmem>>, vector<16xi32>,
    %and3A_1184 = arith.constant 7 : i32
    %and3A_1185 = vector.broadcast %and3A_1184 : i32 to vector<16xi32>
    %and3A_1186 = arith.andi %get3A_1183, %and3A_1185 : vector<16xi32>
    %mul3A_1187 = arith.constant 2 : i32
    %mul3A_1188 = vector.broadcast %mul3A_1187 : i32 to vector<16xi32>
    %mul3A_1189 = arith.muli %and3A_1186, %mul3A_1188 : vector<16xi32>
    %iota3A_1190 = tpu.iota {dimensions = array<i32: 0>} : vector<16xi32>
    %add3A_1191 = arith.constant 320 : i32
    %add3A_1192 = vector.broadcast %add3A_1191 : i32 to vector<16xi32>
    %add3A_1193 = arith.addi %add3A_1192, %iota3A_1190 : vector<16xi32>
    %gather3A_1194 = tpu.vector_load_idx %arg8[%add3A_1193, %mul3A_1189] : memref<1024x16xf32, #tpu.memory_space<vmem>>[vector<16xi32>, vector<16xi32>], vector<16xf32>,
    %swap3A_1195 = arith.constant 320 : index
    %swap3A_1196 = tpu.vector_load %arg9[%swap3A_1195] {strides = array<i32>} : memref<1024xf32, #tpu.memory_space<vmem>>, vector<16xf32>,
    tpu.vector_store %arg9[%swap3A_1195], %gather3A_1194 {strides = array<i32>} : memref<1024xf32, #tpu.memory_space<vmem>>, vector<16xf32>,
    %add3A_1197 = arith.constant 1 : i32
    %add3A_1198 = vector.broadcast %add3A_1197 : i32 to vector<16xi32>
    %add3A_1199 = arith.addi %mul3A_1189, %add3A_1198 : vector<16xi32>
    %gather3A_1200 = tpu.vector_load_idx %arg8[%add3A_1193, %add3A_1199] : memref<1024x16xf32, #tpu.memory_space<vmem>>[vector<16xi32>, vector<16xi32>], vector<16xf32>,
    %swap3A_1201 = arith.constant 320 : index
    %swap3A_1202 = tpu.vector_load %arg10[%swap3A_1201] {strides = array<i32>} : memref<1024xf32, #tpu.memory_space<vmem>>, vector<16xf32>,
    tpu.vector_store %arg10[%swap3A_1201], %gather3A_1200 {strides = array<i32>} : memref<1024xf32, #tpu.memory_space<vmem>>, vector<16xf32>,
    %get3A_1203 = arith.constant 336 : index
    %get3A_1204 = tpu.vector_load %arg6[%get3A_1203] {strides = array<i32>} : memref<1024xi32, #tpu.memory_space<vmem>>, vector<16xi32>,
    %and3A_1205 = arith.constant 7 : i32
    %and3A_1206 = vector.broadcast %and3A_1205 : i32 to vector<16xi32>
    %and3A_1207 = arith.andi %get3A_1204, %and3A_1206 : vector<16xi32>
    %mul3A_1208 = arith.constant 2 : i32
    %mul3A_1209 = vector.broadcast %mul3A_1208 : i32 to vector<16xi32>
    %mul3A_1210 = arith.muli %and3A_1207, %mul3A_1209 : vector<16xi32>
    %iota3A_1211 = tpu.iota {dimensions = array<i32: 0>} : vector<16xi32>
    %add3A_1212 = arith.constant 336 : i32
    %add3A_1213 = vector.broadcast %add3A_1212 : i32 to vector<16xi32>
    %add3A_1214 = arith.addi %add3A_1213, %iota3A_1211 : vector<16xi32>
    %gather3A_1215 = tpu.vector_load_idx %arg8[%add3A_1214, %mul3A_1210] : memref<1024x16xf32, #tpu.memory_space<vmem>>[vector<16xi32>, vector<16xi32>], vector<16xf32>,
    %swap3A_1216 = arith.constant 336 : index
    %swap3A_1217 = tpu.vector_load %arg9[%swap3A_1216] {strides = array<i32>} : memref<1024xf32, #tpu.memory_space<vmem>>, vector<16xf32>,
    tpu.vector_store %arg9[%swap3A_1216], %gather3A_1215 {strides = array<i32>} : memref<1024xf32, #tpu.memory_space<vmem>>, vector<16xf32>,
    %add3A_1218 = arith.constant 1 : i32
    %add3A_1219 = vector.broadcast %add3A_1218 : i32 to vector<16xi32>
    %add3A_1220 = arith.addi %mul3A_1210, %add3A_1219 : vector<16xi32>
    %gather3A_1221 = tpu.vector_load_idx %arg8[%add3A_1214, %add3A_1220] : memref<1024x16xf32, #tpu.memory_space<vmem>>[vector<16xi32>, vector<16xi32>], vector<16xf32>,
    %swap3A_1222 = arith.constant 336 : index
    %swap3A_1223 = tpu.vector_load %arg10[%swap3A_1222] {strides = array<i32>} : memref<1024xf32, #tpu.memory_space<vmem>>, vector<16xf32>,
    tpu.vector_store %arg10[%swap3A_1222], %gather3A_1221 {strides = array<i32>} : memref<1024xf32, #tpu.memory_space<vmem>>, vector<16xf32>,
    %get3A_1224 = arith.constant 352 : index
    %get3A_1225 = tpu.vector_load %arg6[%get3A_1224] {strides = array<i32>} : memref<1024xi32, #tpu.memory_space<vmem>>, vector<16xi32>,
    %and3A_1226 = arith.constant 7 : i32
    %and3A_1227 = vector.broadcast %and3A_1226 : i32 to vector<16xi32>
    %and3A_1228 = arith.andi %get3A_1225, %and3A_1227 : vector<16xi32>
    %mul3A_1229 = arith.constant 2 : i32
    %mul3A_1230 = vector.broadcast %mul3A_1229 : i32 to vector<16xi32>
    %mul3A_1231 = arith.muli %and3A_1228, %mul3A_1230 : vector<16xi32>
    %iota3A_1232 = tpu.iota {dimensions = array<i32: 0>} : vector<16xi32>
    %add3A_1233 = arith.constant 352 : i32
    %add3A_1234 = vector.broadcast %add3A_1233 : i32 to vector<16xi32>
    %add3A_1235 = arith.addi %add3A_1234, %iota3A_1232 : vector<16xi32>
    %gather3A_1236 = tpu.vector_load_idx %arg8[%add3A_1235, %mul3A_1231] : memref<1024x16xf32, #tpu.memory_space<vmem>>[vector<16xi32>, vector<16xi32>], vector<16xf32>,
    %swap3A_1237 = arith.constant 352 : index
    %swap3A_1238 = tpu.vector_load %arg9[%swap3A_1237] {strides = array<i32>} : memref<1024xf32, #tpu.memory_space<vmem>>, vector<16xf32>,
    tpu.vector_store %arg9[%swap3A_1237], %gather3A_1236 {strides = array<i32>} : memref<1024xf32, #tpu.memory_space<vmem>>, vector<16xf32>,
    %add3A_1239 = arith.constant 1 : i32
    %add3A_1240 = vector.broadcast %add3A_1239 : i32 to vector<16xi32>
    %add3A_1241 = arith.addi %mul3A_1231, %add3A_1240 : vector<16xi32>
    %gather3A_1242 = tpu.vector_load_idx %arg8[%add3A_1235, %add3A_1241] : memref<1024x16xf32, #tpu.memory_space<vmem>>[vector<16xi32>, vector<16xi32>], vector<16xf32>,
    %swap3A_1243 = arith.constant 352 : index
    %swap3A_1244 = tpu.vector_load %arg10[%swap3A_1243] {strides = array<i32>} : memref<1024xf32, #tpu.memory_space<vmem>>, vector<16xf32>,
    tpu.vector_store %arg10[%swap3A_1243], %gather3A_1242 {strides = array<i32>} : memref<1024xf32, #tpu.memory_space<vmem>>, vector<16xf32>,
    %get3A_1245 = arith.constant 368 : index
    %get3A_1246 = tpu.vector_load %arg6[%get3A_1245] {strides = array<i32>} : memref<1024xi32, #tpu.memory_space<vmem>>, vector<16xi32>,
    %and3A_1247 = arith.constant 7 : i32
    %and3A_1248 = vector.broadcast %and3A_1247 : i32 to vector<16xi32>
    %and3A_1249 = arith.andi %get3A_1246, %and3A_1248 : vector<16xi32>
    %mul3A_1250 = arith.constant 2 : i32
    %mul3A_1251 = vector.broadcast %mul3A_1250 : i32 to vector<16xi32>
    %mul3A_1252 = arith.muli %and3A_1249, %mul3A_1251 : vector<16xi32>
    %iota3A_1253 = tpu.iota {dimensions = array<i32: 0>} : vector<16xi32>
    %add3A_1254 = arith.constant 368 : i32
    %add3A_1255 = vector.broadcast %add3A_1254 : i32 to vector<16xi32>
    %add3A_1256 = arith.addi %add3A_1255, %iota3A_1253 : vector<16xi32>
    %gather3A_1257 = tpu.vector_load_idx %arg8[%add3A_1256, %mul3A_1252] : memref<1024x16xf32, #tpu.memory_space<vmem>>[vector<16xi32>, vector<16xi32>], vector<16xf32>,
    %swap3A_1258 = arith.constant 368 : index
    %swap3A_1259 = tpu.vector_load %arg9[%swap3A_1258] {strides = array<i32>} : memref<1024xf32, #tpu.memory_space<vmem>>, vector<16xf32>,
    tpu.vector_store %arg9[%swap3A_1258], %gather3A_1257 {strides = array<i32>} : memref<1024xf32, #tpu.memory_space<vmem>>, vector<16xf32>,
    %add3A_1260 = arith.constant 1 : i32
    %add3A_1261 = vector.broadcast %add3A_1260 : i32 to vector<16xi32>
    %add3A_1262 = arith.addi %mul3A_1252, %add3A_1261 : vector<16xi32>
    %gather3A_1263 = tpu.vector_load_idx %arg8[%add3A_1256, %add3A_1262] : memref<1024x16xf32, #tpu.memory_space<vmem>>[vector<16xi32>, vector<16xi32>], vector<16xf32>,
    %swap3A_1264 = arith.constant 368 : index
    %swap3A_1265 = tpu.vector_load %arg10[%swap3A_1264] {strides = array<i32>} : memref<1024xf32, #tpu.memory_space<vmem>>, vector<16xf32>,
    tpu.vector_store %arg10[%swap3A_1264], %gather3A_1263 {strides = array<i32>} : memref<1024xf32, #tpu.memory_space<vmem>>, vector<16xf32>,
    %get3A_1266 = arith.constant 384 : index
    %get3A_1267 = tpu.vector_load %arg6[%get3A_1266] {strides = array<i32>} : memref<1024xi32, #tpu.memory_space<vmem>>, vector<16xi32>,
    %and3A_1268 = arith.constant 7 : i32
    %and3A_1269 = vector.broadcast %and3A_1268 : i32 to vector<16xi32>
    %and3A_1270 = arith.andi %get3A_1267, %and3A_1269 : vector<16xi32>
    %mul3A_1271 = arith.constant 2 : i32
    %mul3A_1272 = vector.broadcast %mul3A_1271 : i32 to vector<16xi32>
    %mul3A_1273 = arith.muli %and3A_1270, %mul3A_1272 : vector<16xi32>
    %iota3A_1274 = tpu.iota {dimensions = array<i32: 0>} : vector<16xi32>
    %add3A_1275 = arith.constant 384 : i32
    %add3A_1276 = vector.broadcast %add3A_1275 : i32 to vector<16xi32>
    %add3A_1277 = arith.addi %add3A_1276, %iota3A_1274 : vector<16xi32>
    %gather3A_1278 = tpu.vector_load_idx %arg8[%add3A_1277, %mul3A_1273] : memref<1024x16xf32, #tpu.memory_space<vmem>>[vector<16xi32>, vector<16xi32>], vector<16xf32>,
    %swap3A_1279 = arith.constant 384 : index
    %swap3A_1280 = tpu.vector_load %arg9[%swap3A_1279] {strides = array<i32>} : memref<1024xf32, #tpu.memory_space<vmem>>, vector<16xf32>,
    tpu.vector_store %arg9[%swap3A_1279], %gather3A_1278 {strides = array<i32>} : memref<1024xf32, #tpu.memory_space<vmem>>, vector<16xf32>,
    %add3A_1281 = arith.constant 1 : i32
    %add3A_1282 = vector.broadcast %add3A_1281 : i32 to vector<16xi32>
    %add3A_1283 = arith.addi %mul3A_1273, %add3A_1282 : vector<16xi32>
    %gather3A_1284 = tpu.vector_load_idx %arg8[%add3A_1277, %add3A_1283] : memref<1024x16xf32, #tpu.memory_space<vmem>>[vector<16xi32>, vector<16xi32>], vector<16xf32>,
    %swap3A_1285 = arith.constant 384 : index
    %swap3A_1286 = tpu.vector_load %arg10[%swap3A_1285] {strides = array<i32>} : memref<1024xf32, #tpu.memory_space<vmem>>, vector<16xf32>,
    tpu.vector_store %arg10[%swap3A_1285], %gather3A_1284 {strides = array<i32>} : memref<1024xf32, #tpu.memory_space<vmem>>, vector<16xf32>,
    %get3A_1287 = arith.constant 400 : index
    %get3A_1288 = tpu.vector_load %arg6[%get3A_1287] {strides = array<i32>} : memref<1024xi32, #tpu.memory_space<vmem>>, vector<16xi32>,
    %and3A_1289 = arith.constant 7 : i32
    %and3A_1290 = vector.broadcast %and3A_1289 : i32 to vector<16xi32>
    %and3A_1291 = arith.andi %get3A_1288, %and3A_1290 : vector<16xi32>
    %mul3A_1292 = arith.constant 2 : i32
    %mul3A_1293 = vector.broadcast %mul3A_1292 : i32 to vector<16xi32>
    %mul3A_1294 = arith.muli %and3A_1291, %mul3A_1293 : vector<16xi32>
    %iota3A_1295 = tpu.iota {dimensions = array<i32: 0>} : vector<16xi32>
    %add3A_1296 = arith.constant 400 : i32
    %add3A_1297 = vector.broadcast %add3A_1296 : i32 to vector<16xi32>
    %add3A_1298 = arith.addi %add3A_1297, %iota3A_1295 : vector<16xi32>
    %gather3A_1299 = tpu.vector_load_idx %arg8[%add3A_1298, %mul3A_1294] : memref<1024x16xf32, #tpu.memory_space<vmem>>[vector<16xi32>, vector<16xi32>], vector<16xf32>,
    %swap3A_1300 = arith.constant 400 : index
    %swap3A_1301 = tpu.vector_load %arg9[%swap3A_1300] {strides = array<i32>} : memref<1024xf32, #tpu.memory_space<vmem>>, vector<16xf32>,
    tpu.vector_store %arg9[%swap3A_1300], %gather3A_1299 {strides = array<i32>} : memref<1024xf32, #tpu.memory_space<vmem>>, vector<16xf32>,
    %add3A_1302 = arith.constant 1 : i32
    %add3A_1303 = vector.broadcast %add3A_1302 : i32 to vector<16xi32>
    %add3A_1304 = arith.addi %mul3A_1294, %add3A_1303 : vector<16xi32>
    %gather3A_1305 = tpu.vector_load_idx %arg8[%add3A_1298, %add3A_1304] : memref<1024x16xf32, #tpu.memory_space<vmem>>[vector<16xi32>, vector<16xi32>], vector<16xf32>,
    %swap3A_1306 = arith.constant 400 : index
    %swap3A_1307 = tpu.vector_load %arg10[%swap3A_1306] {strides = array<i32>} : memref<1024xf32, #tpu.memory_space<vmem>>, vector<16xf32>,
    tpu.vector_store %arg10[%swap3A_1306], %gather3A_1305 {strides = array<i32>} : memref<1024xf32, #tpu.memory_space<vmem>>, vector<16xf32>,
    %get3A_1308 = arith.constant 416 : index
    %get3A_1309 = tpu.vector_load %arg6[%get3A_1308] {strides = array<i32>} : memref<1024xi32, #tpu.memory_space<vmem>>, vector<16xi32>,
    %and3A_1310 = arith.constant 7 : i32
    %and3A_1311 = vector.broadcast %and3A_1310 : i32 to vector<16xi32>
    %and3A_1312 = arith.andi %get3A_1309, %and3A_1311 : vector<16xi32>
    %mul3A_1313 = arith.constant 2 : i32
    %mul3A_1314 = vector.broadcast %mul3A_1313 : i32 to vector<16xi32>
    %mul3A_1315 = arith.muli %and3A_1312, %mul3A_1314 : vector<16xi32>
    %iota3A_1316 = tpu.iota {dimensions = array<i32: 0>} : vector<16xi32>
    %add3A_1317 = arith.constant 416 : i32
    %add3A_1318 = vector.broadcast %add3A_1317 : i32 to vector<16xi32>
    %add3A_1319 = arith.addi %add3A_1318, %iota3A_1316 : vector<16xi32>
    %gather3A_1320 = tpu.vector_load_idx %arg8[%add3A_1319, %mul3A_1315] : memref<1024x16xf32, #tpu.memory_space<vmem>>[vector<16xi32>, vector<16xi32>], vector<16xf32>,
    %swap3A_1321 = arith.constant 416 : index
    %swap3A_1322 = tpu.vector_load %arg9[%swap3A_1321] {strides = array<i32>} : memref<1024xf32, #tpu.memory_space<vmem>>, vector<16xf32>,
    tpu.vector_store %arg9[%swap3A_1321], %gather3A_1320 {strides = array<i32>} : memref<1024xf32, #tpu.memory_space<vmem>>, vector<16xf32>,
    %add3A_1323 = arith.constant 1 : i32
    %add3A_1324 = vector.broadcast %add3A_1323 : i32 to vector<16xi32>
    %add3A_1325 = arith.addi %mul3A_1315, %add3A_1324 : vector<16xi32>
    %gather3A_1326 = tpu.vector_load_idx %arg8[%add3A_1319, %add3A_1325] : memref<1024x16xf32, #tpu.memory_space<vmem>>[vector<16xi32>, vector<16xi32>], vector<16xf32>,
    %swap3A_1327 = arith.constant 416 : index
    %swap3A_1328 = tpu.vector_load %arg10[%swap3A_1327] {strides = array<i32>} : memref<1024xf32, #tpu.memory_space<vmem>>, vector<16xf32>,
    tpu.vector_store %arg10[%swap3A_1327], %gather3A_1326 {strides = array<i32>} : memref<1024xf32, #tpu.memory_space<vmem>>, vector<16xf32>,
    %get3A_1329 = arith.constant 432 : index
    %get3A_1330 = tpu.vector_load %arg6[%get3A_1329] {strides = array<i32>} : memref<1024xi32, #tpu.memory_space<vmem>>, vector<16xi32>,
    %and3A_1331 = arith.constant 7 : i32
    %and3A_1332 = vector.broadcast %and3A_1331 : i32 to vector<16xi32>
    %and3A_1333 = arith.andi %get3A_1330, %and3A_1332 : vector<16xi32>
    %mul3A_1334 = arith.constant 2 : i32
    %mul3A_1335 = vector.broadcast %mul3A_1334 : i32 to vector<16xi32>
    %mul3A_1336 = arith.muli %and3A_1333, %mul3A_1335 : vector<16xi32>
    %iota3A_1337 = tpu.iota {dimensions = array<i32: 0>} : vector<16xi32>
    %add3A_1338 = arith.constant 432 : i32
    %add3A_1339 = vector.broadcast %add3A_1338 : i32 to vector<16xi32>
    %add3A_1340 = arith.addi %add3A_1339, %iota3A_1337 : vector<16xi32>
    %gather3A_1341 = tpu.vector_load_idx %arg8[%add3A_1340, %mul3A_1336] : memref<1024x16xf32, #tpu.memory_space<vmem>>[vector<16xi32>, vector<16xi32>], vector<16xf32>,
    %swap3A_1342 = arith.constant 432 : index
    %swap3A_1343 = tpu.vector_load %arg9[%swap3A_1342] {strides = array<i32>} : memref<1024xf32, #tpu.memory_space<vmem>>, vector<16xf32>,
    tpu.vector_store %arg9[%swap3A_1342], %gather3A_1341 {strides = array<i32>} : memref<1024xf32, #tpu.memory_space<vmem>>, vector<16xf32>,
    %add3A_1344 = arith.constant 1 : i32
    %add3A_1345 = vector.broadcast %add3A_1344 : i32 to vector<16xi32>
    %add3A_1346 = arith.addi %mul3A_1336, %add3A_1345 : vector<16xi32>
    %gather3A_1347 = tpu.vector_load_idx %arg8[%add3A_1340, %add3A_1346] : memref<1024x16xf32, #tpu.memory_space<vmem>>[vector<16xi32>, vector<16xi32>], vector<16xf32>,
    %swap3A_1348 = arith.constant 432 : index
    %swap3A_1349 = tpu.vector_load %arg10[%swap3A_1348] {strides = array<i32>} : memref<1024xf32, #tpu.memory_space<vmem>>, vector<16xf32>,
    tpu.vector_store %arg10[%swap3A_1348], %gather3A_1347 {strides = array<i32>} : memref<1024xf32, #tpu.memory_space<vmem>>, vector<16xf32>,
    %get3A_1350 = arith.constant 448 : index
    %get3A_1351 = tpu.vector_load %arg6[%get3A_1350] {strides = array<i32>} : memref<1024xi32, #tpu.memory_space<vmem>>, vector<16xi32>,
    %and3A_1352 = arith.constant 7 : i32
    %and3A_1353 = vector.broadcast %and3A_1352 : i32 to vector<16xi32>
    %and3A_1354 = arith.andi %get3A_1351, %and3A_1353 : vector<16xi32>
    %mul3A_1355 = arith.constant 2 : i32
    %mul3A_1356 = vector.broadcast %mul3A_1355 : i32 to vector<16xi32>
    %mul3A_1357 = arith.muli %and3A_1354, %mul3A_1356 : vector<16xi32>
    %iota3A_1358 = tpu.iota {dimensions = array<i32: 0>} : vector<16xi32>
    %add3A_1359 = arith.constant 448 : i32
    %add3A_1360 = vector.broadcast %add3A_1359 : i32 to vector<16xi32>
    %add3A_1361 = arith.addi %add3A_1360, %iota3A_1358 : vector<16xi32>
    %gather3A_1362 = tpu.vector_load_idx %arg8[%add3A_1361, %mul3A_1357] : memref<1024x16xf32, #tpu.memory_space<vmem>>[vector<16xi32>, vector<16xi32>], vector<16xf32>,
    %swap3A_1363 = arith.constant 448 : index
    %swap3A_1364 = tpu.vector_load %arg9[%swap3A_1363] {strides = array<i32>} : memref<1024xf32, #tpu.memory_space<vmem>>, vector<16xf32>,
    tpu.vector_store %arg9[%swap3A_1363], %gather3A_1362 {strides = array<i32>} : memref<1024xf32, #tpu.memory_space<vmem>>, vector<16xf32>,
    %add3A_1365 = arith.constant 1 : i32
    %add3A_1366 = vector.broadcast %add3A_1365 : i32 to vector<16xi32>
    %add3A_1367 = arith.addi %mul3A_1357, %add3A_1366 : vector<16xi32>
    %gather3A_1368 = tpu.vector_load_idx %arg8[%add3A_1361, %add3A_1367] : memref<1024x16xf32, #tpu.memory_space<vmem>>[vector<16xi32>, vector<16xi32>], vector<16xf32>,
    %swap3A_1369 = arith.constant 448 : index
    %swap3A_1370 = tpu.vector_load %arg10[%swap3A_1369] {strides = array<i32>} : memref<1024xf32, #tpu.memory_space<vmem>>, vector<16xf32>,
    tpu.vector_store %arg10[%swap3A_1369], %gather3A_1368 {strides = array<i32>} : memref<1024xf32, #tpu.memory_space<vmem>>, vector<16xf32>,
    %get3A_1371 = arith.constant 464 : index
    %get3A_1372 = tpu.vector_load %arg6[%get3A_1371] {strides = array<i32>} : memref<1024xi32, #tpu.memory_space<vmem>>, vector<16xi32>,
    %and3A_1373 = arith.constant 7 : i32
    %and3A_1374 = vector.broadcast %and3A_1373 : i32 to vector<16xi32>
    %and3A_1375 = arith.andi %get3A_1372, %and3A_1374 : vector<16xi32>
    %mul3A_1376 = arith.constant 2 : i32
    %mul3A_1377 = vector.broadcast %mul3A_1376 : i32 to vector<16xi32>
    %mul3A_1378 = arith.muli %and3A_1375, %mul3A_1377 : vector<16xi32>
    %iota3A_1379 = tpu.iota {dimensions = array<i32: 0>} : vector<16xi32>
    %add3A_1380 = arith.constant 464 : i32
    %add3A_1381 = vector.broadcast %add3A_1380 : i32 to vector<16xi32>
    %add3A_1382 = arith.addi %add3A_1381, %iota3A_1379 : vector<16xi32>
    %gather3A_1383 = tpu.vector_load_idx %arg8[%add3A_1382, %mul3A_1378] : memref<1024x16xf32, #tpu.memory_space<vmem>>[vector<16xi32>, vector<16xi32>], vector<16xf32>,
    %swap3A_1384 = arith.constant 464 : index
    %swap3A_1385 = tpu.vector_load %arg9[%swap3A_1384] {strides = array<i32>} : memref<1024xf32, #tpu.memory_space<vmem>>, vector<16xf32>,
    tpu.vector_store %arg9[%swap3A_1384], %gather3A_1383 {strides = array<i32>} : memref<1024xf32, #tpu.memory_space<vmem>>, vector<16xf32>,
    %add3A_1386 = arith.constant 1 : i32
    %add3A_1387 = vector.broadcast %add3A_1386 : i32 to vector<16xi32>
    %add3A_1388 = arith.addi %mul3A_1378, %add3A_1387 : vector<16xi32>
    %gather3A_1389 = tpu.vector_load_idx %arg8[%add3A_1382, %add3A_1388] : memref<1024x16xf32, #tpu.memory_space<vmem>>[vector<16xi32>, vector<16xi32>], vector<16xf32>,
    %swap3A_1390 = arith.constant 464 : index
    %swap3A_1391 = tpu.vector_load %arg10[%swap3A_1390] {strides = array<i32>} : memref<1024xf32, #tpu.memory_space<vmem>>, vector<16xf32>,
    tpu.vector_store %arg10[%swap3A_1390], %gather3A_1389 {strides = array<i32>} : memref<1024xf32, #tpu.memory_space<vmem>>, vector<16xf32>,
    %get3A_1392 = arith.constant 480 : index
    %get3A_1393 = tpu.vector_load %arg6[%get3A_1392] {strides = array<i32>} : memref<1024xi32, #tpu.memory_space<vmem>>, vector<16xi32>,
    %and3A_1394 = arith.constant 7 : i32
    %and3A_1395 = vector.broadcast %and3A_1394 : i32 to vector<16xi32>
    %and3A_1396 = arith.andi %get3A_1393, %and3A_1395 : vector<16xi32>
    %mul3A_1397 = arith.constant 2 : i32
    %mul3A_1398 = vector.broadcast %mul3A_1397 : i32 to vector<16xi32>
    %mul3A_1399 = arith.muli %and3A_1396, %mul3A_1398 : vector<16xi32>
    %iota3A_1400 = tpu.iota {dimensions = array<i32: 0>} : vector<16xi32>
    %add3A_1401 = arith.constant 480 : i32
    %add3A_1402 = vector.broadcast %add3A_1401 : i32 to vector<16xi32>
    %add3A_1403 = arith.addi %add3A_1402, %iota3A_1400 : vector<16xi32>
    %gather3A_1404 = tpu.vector_load_idx %arg8[%add3A_1403, %mul3A_1399] : memref<1024x16xf32, #tpu.memory_space<vmem>>[vector<16xi32>, vector<16xi32>], vector<16xf32>,
    %swap3A_1405 = arith.constant 480 : index
    %swap3A_1406 = tpu.vector_load %arg9[%swap3A_1405] {strides = array<i32>} : memref<1024xf32, #tpu.memory_space<vmem>>, vector<16xf32>,
    tpu.vector_store %arg9[%swap3A_1405], %gather3A_1404 {strides = array<i32>} : memref<1024xf32, #tpu.memory_space<vmem>>, vector<16xf32>,
    %add3A_1407 = arith.constant 1 : i32
    %add3A_1408 = vector.broadcast %add3A_1407 : i32 to vector<16xi32>
    %add3A_1409 = arith.addi %mul3A_1399, %add3A_1408 : vector<16xi32>
    %gather3A_1410 = tpu.vector_load_idx %arg8[%add3A_1403, %add3A_1409] : memref<1024x16xf32, #tpu.memory_space<vmem>>[vector<16xi32>, vector<16xi32>], vector<16xf32>,
    %swap3A_1411 = arith.constant 480 : index
    %swap3A_1412 = tpu.vector_load %arg10[%swap3A_1411] {strides = array<i32>} : memref<1024xf32, #tpu.memory_space<vmem>>, vector<16xf32>,
    tpu.vector_store %arg10[%swap3A_1411], %gather3A_1410 {strides = array<i32>} : memref<1024xf32, #tpu.memory_space<vmem>>, vector<16xf32>,
    %get3A_1413 = arith.constant 496 : index
    %get3A_1414 = tpu.vector_load %arg6[%get3A_1413] {strides = array<i32>} : memref<1024xi32, #tpu.memory_space<vmem>>, vector<16xi32>,
    %and3A_1415 = arith.constant 7 : i32
    %and3A_1416 = vector.broadcast %and3A_1415 : i32 to vector<16xi32>
    %and3A_1417 = arith.andi %get3A_1414, %and3A_1416 : vector<16xi32>
    %mul3A_1418 = arith.constant 2 : i32
    %mul3A_1419 = vector.broadcast %mul3A_1418 : i32 to vector<16xi32>
    %mul3A_1420 = arith.muli %and3A_1417, %mul3A_1419 : vector<16xi32>
    %iota3A_1421 = tpu.iota {dimensions = array<i32: 0>} : vector<16xi32>
    %add3A_1422 = arith.constant 496 : i32
    %add3A_1423 = vector.broadcast %add3A_1422 : i32 to vector<16xi32>
    %add3A_1424 = arith.addi %add3A_1423, %iota3A_1421 : vector<16xi32>
    %gather3A_1425 = tpu.vector_load_idx %arg8[%add3A_1424, %mul3A_1420] : memref<1024x16xf32, #tpu.memory_space<vmem>>[vector<16xi32>, vector<16xi32>], vector<16xf32>,
    %swap3A_1426 = arith.constant 496 : index
    %swap3A_1427 = tpu.vector_load %arg9[%swap3A_1426] {strides = array<i32>} : memref<1024xf32, #tpu.memory_space<vmem>>, vector<16xf32>,
    tpu.vector_store %arg9[%swap3A_1426], %gather3A_1425 {strides = array<i32>} : memref<1024xf32, #tpu.memory_space<vmem>>, vector<16xf32>,
    %add3A_1428 = arith.constant 1 : i32
    %add3A_1429 = vector.broadcast %add3A_1428 : i32 to vector<16xi32>
    %add3A_1430 = arith.addi %mul3A_1420, %add3A_1429 : vector<16xi32>
    %gather3A_1431 = tpu.vector_load_idx %arg8[%add3A_1424, %add3A_1430] : memref<1024x16xf32, #tpu.memory_space<vmem>>[vector<16xi32>, vector<16xi32>], vector<16xf32>,
    %swap3A_1432 = arith.constant 496 : index
    %swap3A_1433 = tpu.vector_load %arg10[%swap3A_1432] {strides = array<i32>} : memref<1024xf32, #tpu.memory_space<vmem>>, vector<16xf32>,
    tpu.vector_store %arg10[%swap3A_1432], %gather3A_1431 {strides = array<i32>} : memref<1024xf32, #tpu.memory_space<vmem>>, vector<16xf32>,
    %get3A_1434 = arith.constant 512 : index
    %get3A_1435 = tpu.vector_load %arg6[%get3A_1434] {strides = array<i32>} : memref<1024xi32, #tpu.memory_space<vmem>>, vector<16xi32>,
    %and3A_1436 = arith.constant 7 : i32
    %and3A_1437 = vector.broadcast %and3A_1436 : i32 to vector<16xi32>
    %and3A_1438 = arith.andi %get3A_1435, %and3A_1437 : vector<16xi32>
    %mul3A_1439 = arith.constant 2 : i32
    %mul3A_1440 = vector.broadcast %mul3A_1439 : i32 to vector<16xi32>
    %mul3A_1441 = arith.muli %and3A_1438, %mul3A_1440 : vector<16xi32>
    %iota3A_1442 = tpu.iota {dimensions = array<i32: 0>} : vector<16xi32>
    %add3A_1443 = arith.constant 512 : i32
    %add3A_1444 = vector.broadcast %add3A_1443 : i32 to vector<16xi32>
    %add3A_1445 = arith.addi %add3A_1444, %iota3A_1442 : vector<16xi32>
    %gather3A_1446 = tpu.vector_load_idx %arg8[%add3A_1445, %mul3A_1441] : memref<1024x16xf32, #tpu.memory_space<vmem>>[vector<16xi32>, vector<16xi32>], vector<16xf32>,
    %swap3A_1447 = arith.constant 512 : index
    %swap3A_1448 = tpu.vector_load %arg9[%swap3A_1447] {strides = array<i32>} : memref<1024xf32, #tpu.memory_space<vmem>>, vector<16xf32>,
    tpu.vector_store %arg9[%swap3A_1447], %gather3A_1446 {strides = array<i32>} : memref<1024xf32, #tpu.memory_space<vmem>>, vector<16xf32>,
    %add3A_1449 = arith.constant 1 : i32
    %add3A_1450 = vector.broadcast %add3A_1449 : i32 to vector<16xi32>
    %add3A_1451 = arith.addi %mul3A_1441, %add3A_1450 : vector<16xi32>
    %gather3A_1452 = tpu.vector_load_idx %arg8[%add3A_1445, %add3A_1451] : memref<1024x16xf32, #tpu.memory_space<vmem>>[vector<16xi32>, vector<16xi32>], vector<16xf32>,
    %swap3A_1453 = arith.constant 512 : index
    %swap3A_1454 = tpu.vector_load %arg10[%swap3A_1453] {strides = array<i32>} : memref<1024xf32, #tpu.memory_space<vmem>>, vector<16xf32>,
    tpu.vector_store %arg10[%swap3A_1453], %gather3A_1452 {strides = array<i32>} : memref<1024xf32, #tpu.memory_space<vmem>>, vector<16xf32>,
    %get3A_1455 = arith.constant 528 : index
    %get3A_1456 = tpu.vector_load %arg6[%get3A_1455] {strides = array<i32>} : memref<1024xi32, #tpu.memory_space<vmem>>, vector<16xi32>,
    %and3A_1457 = arith.constant 7 : i32
    %and3A_1458 = vector.broadcast %and3A_1457 : i32 to vector<16xi32>
    %and3A_1459 = arith.andi %get3A_1456, %and3A_1458 : vector<16xi32>
    %mul3A_1460 = arith.constant 2 : i32
    %mul3A_1461 = vector.broadcast %mul3A_1460 : i32 to vector<16xi32>
    %mul3A_1462 = arith.muli %and3A_1459, %mul3A_1461 : vector<16xi32>
    %iota3A_1463 = tpu.iota {dimensions = array<i32: 0>} : vector<16xi32>
    %add3A_1464 = arith.constant 528 : i32
    %add3A_1465 = vector.broadcast %add3A_1464 : i32 to vector<16xi32>
    %add3A_1466 = arith.addi %add3A_1465, %iota3A_1463 : vector<16xi32>
    %gather3A_1467 = tpu.vector_load_idx %arg8[%add3A_1466, %mul3A_1462] : memref<1024x16xf32, #tpu.memory_space<vmem>>[vector<16xi32>, vector<16xi32>], vector<16xf32>,
    %swap3A_1468 = arith.constant 528 : index
    %swap3A_1469 = tpu.vector_load %arg9[%swap3A_1468] {strides = array<i32>} : memref<1024xf32, #tpu.memory_space<vmem>>, vector<16xf32>,
    tpu.vector_store %arg9[%swap3A_1468], %gather3A_1467 {strides = array<i32>} : memref<1024xf32, #tpu.memory_space<vmem>>, vector<16xf32>,
    %add3A_1470 = arith.constant 1 : i32
    %add3A_1471 = vector.broadcast %add3A_1470 : i32 to vector<16xi32>
    %add3A_1472 = arith.addi %mul3A_1462, %add3A_1471 : vector<16xi32>
    %gather3A_1473 = tpu.vector_load_idx %arg8[%add3A_1466, %add3A_1472] : memref<1024x16xf32, #tpu.memory_space<vmem>>[vector<16xi32>, vector<16xi32>], vector<16xf32>,
    %swap3A_1474 = arith.constant 528 : index
    %swap3A_1475 = tpu.vector_load %arg10[%swap3A_1474] {strides = array<i32>} : memref<1024xf32, #tpu.memory_space<vmem>>, vector<16xf32>,
    tpu.vector_store %arg10[%swap3A_1474], %gather3A_1473 {strides = array<i32>} : memref<1024xf32, #tpu.memory_space<vmem>>, vector<16xf32>,
    %get3A_1476 = arith.constant 544 : index
    %get3A_1477 = tpu.vector_load %arg6[%get3A_1476] {strides = array<i32>} : memref<1024xi32, #tpu.memory_space<vmem>>, vector<16xi32>,
    %and3A_1478 = arith.constant 7 : i32
    %and3A_1479 = vector.broadcast %and3A_1478 : i32 to vector<16xi32>
    %and3A_1480 = arith.andi %get3A_1477, %and3A_1479 : vector<16xi32>
    %mul3A_1481 = arith.constant 2 : i32
    %mul3A_1482 = vector.broadcast %mul3A_1481 : i32 to vector<16xi32>
    %mul3A_1483 = arith.muli %and3A_1480, %mul3A_1482 : vector<16xi32>
    %iota3A_1484 = tpu.iota {dimensions = array<i32: 0>} : vector<16xi32>
    %add3A_1485 = arith.constant 544 : i32
    %add3A_1486 = vector.broadcast %add3A_1485 : i32 to vector<16xi32>
    %add3A_1487 = arith.addi %add3A_1486, %iota3A_1484 : vector<16xi32>
    %gather3A_1488 = tpu.vector_load_idx %arg8[%add3A_1487, %mul3A_1483] : memref<1024x16xf32, #tpu.memory_space<vmem>>[vector<16xi32>, vector<16xi32>], vector<16xf32>,
    %swap3A_1489 = arith.constant 544 : index
    %swap3A_1490 = tpu.vector_load %arg9[%swap3A_1489] {strides = array<i32>} : memref<1024xf32, #tpu.memory_space<vmem>>, vector<16xf32>,
    tpu.vector_store %arg9[%swap3A_1489], %gather3A_1488 {strides = array<i32>} : memref<1024xf32, #tpu.memory_space<vmem>>, vector<16xf32>,
    %add3A_1491 = arith.constant 1 : i32
    %add3A_1492 = vector.broadcast %add3A_1491 : i32 to vector<16xi32>
    %add3A_1493 = arith.addi %mul3A_1483, %add3A_1492 : vector<16xi32>
    %gather3A_1494 = tpu.vector_load_idx %arg8[%add3A_1487, %add3A_1493] : memref<1024x16xf32, #tpu.memory_space<vmem>>[vector<16xi32>, vector<16xi32>], vector<16xf32>,
    %swap3A_1495 = arith.constant 544 : index
    %swap3A_1496 = tpu.vector_load %arg10[%swap3A_1495] {strides = array<i32>} : memref<1024xf32, #tpu.memory_space<vmem>>, vector<16xf32>,
    tpu.vector_store %arg10[%swap3A_1495], %gather3A_1494 {strides = array<i32>} : memref<1024xf32, #tpu.memory_space<vmem>>, vector<16xf32>,
    %get3A_1497 = arith.constant 560 : index
    %get3A_1498 = tpu.vector_load %arg6[%get3A_1497] {strides = array<i32>} : memref<1024xi32, #tpu.memory_space<vmem>>, vector<16xi32>,
    %and3A_1499 = arith.constant 7 : i32
    %and3A_1500 = vector.broadcast %and3A_1499 : i32 to vector<16xi32>
    %and3A_1501 = arith.andi %get3A_1498, %and3A_1500 : vector<16xi32>
    %mul3A_1502 = arith.constant 2 : i32
    %mul3A_1503 = vector.broadcast %mul3A_1502 : i32 to vector<16xi32>
    %mul3A_1504 = arith.muli %and3A_1501, %mul3A_1503 : vector<16xi32>
    %iota3A_1505 = tpu.iota {dimensions = array<i32: 0>} : vector<16xi32>
    %add3A_1506 = arith.constant 560 : i32
    %add3A_1507 = vector.broadcast %add3A_1506 : i32 to vector<16xi32>
    %add3A_1508 = arith.addi %add3A_1507, %iota3A_1505 : vector<16xi32>
    %gather3A_1509 = tpu.vector_load_idx %arg8[%add3A_1508, %mul3A_1504] : memref<1024x16xf32, #tpu.memory_space<vmem>>[vector<16xi32>, vector<16xi32>], vector<16xf32>,
    %swap3A_1510 = arith.constant 560 : index
    %swap3A_1511 = tpu.vector_load %arg9[%swap3A_1510] {strides = array<i32>} : memref<1024xf32, #tpu.memory_space<vmem>>, vector<16xf32>,
    tpu.vector_store %arg9[%swap3A_1510], %gather3A_1509 {strides = array<i32>} : memref<1024xf32, #tpu.memory_space<vmem>>, vector<16xf32>,
    %add3A_1512 = arith.constant 1 : i32
    %add3A_1513 = vector.broadcast %add3A_1512 : i32 to vector<16xi32>
    %add3A_1514 = arith.addi %mul3A_1504, %add3A_1513 : vector<16xi32>
    %gather3A_1515 = tpu.vector_load_idx %arg8[%add3A_1508, %add3A_1514] : memref<1024x16xf32, #tpu.memory_space<vmem>>[vector<16xi32>, vector<16xi32>], vector<16xf32>,
    %swap3A_1516 = arith.constant 560 : index
    %swap3A_1517 = tpu.vector_load %arg10[%swap3A_1516] {strides = array<i32>} : memref<1024xf32, #tpu.memory_space<vmem>>, vector<16xf32>,
    tpu.vector_store %arg10[%swap3A_1516], %gather3A_1515 {strides = array<i32>} : memref<1024xf32, #tpu.memory_space<vmem>>, vector<16xf32>,
    %get3A_1518 = arith.constant 576 : index
    %get3A_1519 = tpu.vector_load %arg6[%get3A_1518] {strides = array<i32>} : memref<1024xi32, #tpu.memory_space<vmem>>, vector<16xi32>,
    %and3A_1520 = arith.constant 7 : i32
    %and3A_1521 = vector.broadcast %and3A_1520 : i32 to vector<16xi32>
    %and3A_1522 = arith.andi %get3A_1519, %and3A_1521 : vector<16xi32>
    %mul3A_1523 = arith.constant 2 : i32
    %mul3A_1524 = vector.broadcast %mul3A_1523 : i32 to vector<16xi32>
    %mul3A_1525 = arith.muli %and3A_1522, %mul3A_1524 : vector<16xi32>
    %iota3A_1526 = tpu.iota {dimensions = array<i32: 0>} : vector<16xi32>
    %add3A_1527 = arith.constant 576 : i32
    %add3A_1528 = vector.broadcast %add3A_1527 : i32 to vector<16xi32>
    %add3A_1529 = arith.addi %add3A_1528, %iota3A_1526 : vector<16xi32>
    %gather3A_1530 = tpu.vector_load_idx %arg8[%add3A_1529, %mul3A_1525] : memref<1024x16xf32, #tpu.memory_space<vmem>>[vector<16xi32>, vector<16xi32>], vector<16xf32>,
    %swap3A_1531 = arith.constant 576 : index
    %swap3A_1532 = tpu.vector_load %arg9[%swap3A_1531] {strides = array<i32>} : memref<1024xf32, #tpu.memory_space<vmem>>, vector<16xf32>,
    tpu.vector_store %arg9[%swap3A_1531], %gather3A_1530 {strides = array<i32>} : memref<1024xf32, #tpu.memory_space<vmem>>, vector<16xf32>,
    %add3A_1533 = arith.constant 1 : i32
    %add3A_1534 = vector.broadcast %add3A_1533 : i32 to vector<16xi32>
    %add3A_1535 = arith.addi %mul3A_1525, %add3A_1534 : vector<16xi32>
    %gather3A_1536 = tpu.vector_load_idx %arg8[%add3A_1529, %add3A_1535] : memref<1024x16xf32, #tpu.memory_space<vmem>>[vector<16xi32>, vector<16xi32>], vector<16xf32>,
    %swap3A_1537 = arith.constant 576 : index
    %swap3A_1538 = tpu.vector_load %arg10[%swap3A_1537] {strides = array<i32>} : memref<1024xf32, #tpu.memory_space<vmem>>, vector<16xf32>,
    tpu.vector_store %arg10[%swap3A_1537], %gather3A_1536 {strides = array<i32>} : memref<1024xf32, #tpu.memory_space<vmem>>, vector<16xf32>,
    %get3A_1539 = arith.constant 592 : index
    %get3A_1540 = tpu.vector_load %arg6[%get3A_1539] {strides = array<i32>} : memref<1024xi32, #tpu.memory_space<vmem>>, vector<16xi32>,
    %and3A_1541 = arith.constant 7 : i32
    %and3A_1542 = vector.broadcast %and3A_1541 : i32 to vector<16xi32>
    %and3A_1543 = arith.andi %get3A_1540, %and3A_1542 : vector<16xi32>
    %mul3A_1544 = arith.constant 2 : i32
    %mul3A_1545 = vector.broadcast %mul3A_1544 : i32 to vector<16xi32>
    %mul3A_1546 = arith.muli %and3A_1543, %mul3A_1545 : vector<16xi32>
    %iota3A_1547 = tpu.iota {dimensions = array<i32: 0>} : vector<16xi32>
    %add3A_1548 = arith.constant 592 : i32
    %add3A_1549 = vector.broadcast %add3A_1548 : i32 to vector<16xi32>
    %add3A_1550 = arith.addi %add3A_1549, %iota3A_1547 : vector<16xi32>
    %gather3A_1551 = tpu.vector_load_idx %arg8[%add3A_1550, %mul3A_1546] : memref<1024x16xf32, #tpu.memory_space<vmem>>[vector<16xi32>, vector<16xi32>], vector<16xf32>,
    %swap3A_1552 = arith.constant 592 : index
    %swap3A_1553 = tpu.vector_load %arg9[%swap3A_1552] {strides = array<i32>} : memref<1024xf32, #tpu.memory_space<vmem>>, vector<16xf32>,
    tpu.vector_store %arg9[%swap3A_1552], %gather3A_1551 {strides = array<i32>} : memref<1024xf32, #tpu.memory_space<vmem>>, vector<16xf32>,
    %add3A_1554 = arith.constant 1 : i32
    %add3A_1555 = vector.broadcast %add3A_1554 : i32 to vector<16xi32>
    %add3A_1556 = arith.addi %mul3A_1546, %add3A_1555 : vector<16xi32>
    %gather3A_1557 = tpu.vector_load_idx %arg8[%add3A_1550, %add3A_1556] : memref<1024x16xf32, #tpu.memory_space<vmem>>[vector<16xi32>, vector<16xi32>], vector<16xf32>,
    %swap3A_1558 = arith.constant 592 : index
    %swap3A_1559 = tpu.vector_load %arg10[%swap3A_1558] {strides = array<i32>} : memref<1024xf32, #tpu.memory_space<vmem>>, vector<16xf32>,
    tpu.vector_store %arg10[%swap3A_1558], %gather3A_1557 {strides = array<i32>} : memref<1024xf32, #tpu.memory_space<vmem>>, vector<16xf32>,
    %get3A_1560 = arith.constant 608 : index
    %get3A_1561 = tpu.vector_load %arg6[%get3A_1560] {strides = array<i32>} : memref<1024xi32, #tpu.memory_space<vmem>>, vector<16xi32>,
    %and3A_1562 = arith.constant 7 : i32
    %and3A_1563 = vector.broadcast %and3A_1562 : i32 to vector<16xi32>
    %and3A_1564 = arith.andi %get3A_1561, %and3A_1563 : vector<16xi32>
    %mul3A_1565 = arith.constant 2 : i32
    %mul3A_1566 = vector.broadcast %mul3A_1565 : i32 to vector<16xi32>
    %mul3A_1567 = arith.muli %and3A_1564, %mul3A_1566 : vector<16xi32>
    %iota3A_1568 = tpu.iota {dimensions = array<i32: 0>} : vector<16xi32>
    %add3A_1569 = arith.constant 608 : i32
    %add3A_1570 = vector.broadcast %add3A_1569 : i32 to vector<16xi32>
    %add3A_1571 = arith.addi %add3A_1570, %iota3A_1568 : vector<16xi32>
    %gather3A_1572 = tpu.vector_load_idx %arg8[%add3A_1571, %mul3A_1567] : memref<1024x16xf32, #tpu.memory_space<vmem>>[vector<16xi32>, vector<16xi32>], vector<16xf32>,
    %swap3A_1573 = arith.constant 608 : index
    %swap3A_1574 = tpu.vector_load %arg9[%swap3A_1573] {strides = array<i32>} : memref<1024xf32, #tpu.memory_space<vmem>>, vector<16xf32>,
    tpu.vector_store %arg9[%swap3A_1573], %gather3A_1572 {strides = array<i32>} : memref<1024xf32, #tpu.memory_space<vmem>>, vector<16xf32>,
    %add3A_1575 = arith.constant 1 : i32
    %add3A_1576 = vector.broadcast %add3A_1575 : i32 to vector<16xi32>
    %add3A_1577 = arith.addi %mul3A_1567, %add3A_1576 : vector<16xi32>
    %gather3A_1578 = tpu.vector_load_idx %arg8[%add3A_1571, %add3A_1577] : memref<1024x16xf32, #tpu.memory_space<vmem>>[vector<16xi32>, vector<16xi32>], vector<16xf32>,
    %swap3A_1579 = arith.constant 608 : index
    %swap3A_1580 = tpu.vector_load %arg10[%swap3A_1579] {strides = array<i32>} : memref<1024xf32, #tpu.memory_space<vmem>>, vector<16xf32>,
    tpu.vector_store %arg10[%swap3A_1579], %gather3A_1578 {strides = array<i32>} : memref<1024xf32, #tpu.memory_space<vmem>>, vector<16xf32>,
    %get3A_1581 = arith.constant 624 : index
    %get3A_1582 = tpu.vector_load %arg6[%get3A_1581] {strides = array<i32>} : memref<1024xi32, #tpu.memory_space<vmem>>, vector<16xi32>,
    %and3A_1583 = arith.constant 7 : i32
    %and3A_1584 = vector.broadcast %and3A_1583 : i32 to vector<16xi32>
    %and3A_1585 = arith.andi %get3A_1582, %and3A_1584 : vector<16xi32>
    %mul3A_1586 = arith.constant 2 : i32
    %mul3A_1587 = vector.broadcast %mul3A_1586 : i32 to vector<16xi32>
    %mul3A_1588 = arith.muli %and3A_1585, %mul3A_1587 : vector<16xi32>
    %iota3A_1589 = tpu.iota {dimensions = array<i32: 0>} : vector<16xi32>
    %add3A_1590 = arith.constant 624 : i32
    %add3A_1591 = vector.broadcast %add3A_1590 : i32 to vector<16xi32>
    %add3A_1592 = arith.addi %add3A_1591, %iota3A_1589 : vector<16xi32>
    %gather3A_1593 = tpu.vector_load_idx %arg8[%add3A_1592, %mul3A_1588] : memref<1024x16xf32, #tpu.memory_space<vmem>>[vector<16xi32>, vector<16xi32>], vector<16xf32>,
    %swap3A_1594 = arith.constant 624 : index
    %swap3A_1595 = tpu.vector_load %arg9[%swap3A_1594] {strides = array<i32>} : memref<1024xf32, #tpu.memory_space<vmem>>, vector<16xf32>,
    tpu.vector_store %arg9[%swap3A_1594], %gather3A_1593 {strides = array<i32>} : memref<1024xf32, #tpu.memory_space<vmem>>, vector<16xf32>,
    %add3A_1596 = arith.constant 1 : i32
    %add3A_1597 = vector.broadcast %add3A_1596 : i32 to vector<16xi32>
    %add3A_1598 = arith.addi %mul3A_1588, %add3A_1597 : vector<16xi32>
    %gather3A_1599 = tpu.vector_load_idx %arg8[%add3A_1592, %add3A_1598] : memref<1024x16xf32, #tpu.memory_space<vmem>>[vector<16xi32>, vector<16xi32>], vector<16xf32>,
    %swap3A_1600 = arith.constant 624 : index
    %swap3A_1601 = tpu.vector_load %arg10[%swap3A_1600] {strides = array<i32>} : memref<1024xf32, #tpu.memory_space<vmem>>, vector<16xf32>,
    tpu.vector_store %arg10[%swap3A_1600], %gather3A_1599 {strides = array<i32>} : memref<1024xf32, #tpu.memory_space<vmem>>, vector<16xf32>,
    %get3A_1602 = arith.constant 640 : index
    %get3A_1603 = tpu.vector_load %arg6[%get3A_1602] {strides = array<i32>} : memref<1024xi32, #tpu.memory_space<vmem>>, vector<16xi32>,
    %and3A_1604 = arith.constant 7 : i32
    %and3A_1605 = vector.broadcast %and3A_1604 : i32 to vector<16xi32>
    %and3A_1606 = arith.andi %get3A_1603, %and3A_1605 : vector<16xi32>
    %mul3A_1607 = arith.constant 2 : i32
    %mul3A_1608 = vector.broadcast %mul3A_1607 : i32 to vector<16xi32>
    %mul3A_1609 = arith.muli %and3A_1606, %mul3A_1608 : vector<16xi32>
    %iota3A_1610 = tpu.iota {dimensions = array<i32: 0>} : vector<16xi32>
    %add3A_1611 = arith.constant 640 : i32
    %add3A_1612 = vector.broadcast %add3A_1611 : i32 to vector<16xi32>
    %add3A_1613 = arith.addi %add3A_1612, %iota3A_1610 : vector<16xi32>
    %gather3A_1614 = tpu.vector_load_idx %arg8[%add3A_1613, %mul3A_1609] : memref<1024x16xf32, #tpu.memory_space<vmem>>[vector<16xi32>, vector<16xi32>], vector<16xf32>,
    %swap3A_1615 = arith.constant 640 : index
    %swap3A_1616 = tpu.vector_load %arg9[%swap3A_1615] {strides = array<i32>} : memref<1024xf32, #tpu.memory_space<vmem>>, vector<16xf32>,
    tpu.vector_store %arg9[%swap3A_1615], %gather3A_1614 {strides = array<i32>} : memref<1024xf32, #tpu.memory_space<vmem>>, vector<16xf32>,
    %add3A_1617 = arith.constant 1 : i32
    %add3A_1618 = vector.broadcast %add3A_1617 : i32 to vector<16xi32>
    %add3A_1619 = arith.addi %mul3A_1609, %add3A_1618 : vector<16xi32>
    %gather3A_1620 = tpu.vector_load_idx %arg8[%add3A_1613, %add3A_1619] : memref<1024x16xf32, #tpu.memory_space<vmem>>[vector<16xi32>, vector<16xi32>], vector<16xf32>,
    %swap3A_1621 = arith.constant 640 : index
    %swap3A_1622 = tpu.vector_load %arg10[%swap3A_1621] {strides = array<i32>} : memref<1024xf32, #tpu.memory_space<vmem>>, vector<16xf32>,
    tpu.vector_store %arg10[%swap3A_1621], %gather3A_1620 {strides = array<i32>} : memref<1024xf32, #tpu.memory_space<vmem>>, vector<16xf32>,
    %get3A_1623 = arith.constant 656 : index
    %get3A_1624 = tpu.vector_load %arg6[%get3A_1623] {strides = array<i32>} : memref<1024xi32, #tpu.memory_space<vmem>>, vector<16xi32>,
    %and3A_1625 = arith.constant 7 : i32
    %and3A_1626 = vector.broadcast %and3A_1625 : i32 to vector<16xi32>
    %and3A_1627 = arith.andi %get3A_1624, %and3A_1626 : vector<16xi32>
    %mul3A_1628 = arith.constant 2 : i32
    %mul3A_1629 = vector.broadcast %mul3A_1628 : i32 to vector<16xi32>
    %mul3A_1630 = arith.muli %and3A_1627, %mul3A_1629 : vector<16xi32>
    %iota3A_1631 = tpu.iota {dimensions = array<i32: 0>} : vector<16xi32>
    %add3A_1632 = arith.constant 656 : i32
    %add3A_1633 = vector.broadcast %add3A_1632 : i32 to vector<16xi32>
    %add3A_1634 = arith.addi %add3A_1633, %iota3A_1631 : vector<16xi32>
    %gather3A_1635 = tpu.vector_load_idx %arg8[%add3A_1634, %mul3A_1630] : memref<1024x16xf32, #tpu.memory_space<vmem>>[vector<16xi32>, vector<16xi32>], vector<16xf32>,
    %swap3A_1636 = arith.constant 656 : index
    %swap3A_1637 = tpu.vector_load %arg9[%swap3A_1636] {strides = array<i32>} : memref<1024xf32, #tpu.memory_space<vmem>>, vector<16xf32>,
    tpu.vector_store %arg9[%swap3A_1636], %gather3A_1635 {strides = array<i32>} : memref<1024xf32, #tpu.memory_space<vmem>>, vector<16xf32>,
    %add3A_1638 = arith.constant 1 : i32
    %add3A_1639 = vector.broadcast %add3A_1638 : i32 to vector<16xi32>
    %add3A_1640 = arith.addi %mul3A_1630, %add3A_1639 : vector<16xi32>
    %gather3A_1641 = tpu.vector_load_idx %arg8[%add3A_1634, %add3A_1640] : memref<1024x16xf32, #tpu.memory_space<vmem>>[vector<16xi32>, vector<16xi32>], vector<16xf32>,
    %swap3A_1642 = arith.constant 656 : index
    %swap3A_1643 = tpu.vector_load %arg10[%swap3A_1642] {strides = array<i32>} : memref<1024xf32, #tpu.memory_space<vmem>>, vector<16xf32>,
    tpu.vector_store %arg10[%swap3A_1642], %gather3A_1641 {strides = array<i32>} : memref<1024xf32, #tpu.memory_space<vmem>>, vector<16xf32>,
    %get3A_1644 = arith.constant 672 : index
    %get3A_1645 = tpu.vector_load %arg6[%get3A_1644] {strides = array<i32>} : memref<1024xi32, #tpu.memory_space<vmem>>, vector<16xi32>,
    %and3A_1646 = arith.constant 7 : i32
    %and3A_1647 = vector.broadcast %and3A_1646 : i32 to vector<16xi32>
    %and3A_1648 = arith.andi %get3A_1645, %and3A_1647 : vector<16xi32>
    %mul3A_1649 = arith.constant 2 : i32
    %mul3A_1650 = vector.broadcast %mul3A_1649 : i32 to vector<16xi32>
    %mul3A_1651 = arith.muli %and3A_1648, %mul3A_1650 : vector<16xi32>
    %iota3A_1652 = tpu.iota {dimensions = array<i32: 0>} : vector<16xi32>
    %add3A_1653 = arith.constant 672 : i32
    %add3A_1654 = vector.broadcast %add3A_1653 : i32 to vector<16xi32>
    %add3A_1655 = arith.addi %add3A_1654, %iota3A_1652 : vector<16xi32>
    %gather3A_1656 = tpu.vector_load_idx %arg8[%add3A_1655, %mul3A_1651] : memref<1024x16xf32, #tpu.memory_space<vmem>>[vector<16xi32>, vector<16xi32>], vector<16xf32>,
    %swap3A_1657 = arith.constant 672 : index
    %swap3A_1658 = tpu.vector_load %arg9[%swap3A_1657] {strides = array<i32>} : memref<1024xf32, #tpu.memory_space<vmem>>, vector<16xf32>,
    tpu.vector_store %arg9[%swap3A_1657], %gather3A_1656 {strides = array<i32>} : memref<1024xf32, #tpu.memory_space<vmem>>, vector<16xf32>,
    %add3A_1659 = arith.constant 1 : i32
    %add3A_1660 = vector.broadcast %add3A_1659 : i32 to vector<16xi32>
    %add3A_1661 = arith.addi %mul3A_1651, %add3A_1660 : vector<16xi32>
    %gather3A_1662 = tpu.vector_load_idx %arg8[%add3A_1655, %add3A_1661] : memref<1024x16xf32, #tpu.memory_space<vmem>>[vector<16xi32>, vector<16xi32>], vector<16xf32>,
    %swap3A_1663 = arith.constant 672 : index
    %swap3A_1664 = tpu.vector_load %arg10[%swap3A_1663] {strides = array<i32>} : memref<1024xf32, #tpu.memory_space<vmem>>, vector<16xf32>,
    tpu.vector_store %arg10[%swap3A_1663], %gather3A_1662 {strides = array<i32>} : memref<1024xf32, #tpu.memory_space<vmem>>, vector<16xf32>,
    %get3A_1665 = arith.constant 688 : index
    %get3A_1666 = tpu.vector_load %arg6[%get3A_1665] {strides = array<i32>} : memref<1024xi32, #tpu.memory_space<vmem>>, vector<16xi32>,
    %and3A_1667 = arith.constant 7 : i32
    %and3A_1668 = vector.broadcast %and3A_1667 : i32 to vector<16xi32>
    %and3A_1669 = arith.andi %get3A_1666, %and3A_1668 : vector<16xi32>
    %mul3A_1670 = arith.constant 2 : i32
    %mul3A_1671 = vector.broadcast %mul3A_1670 : i32 to vector<16xi32>
    %mul3A_1672 = arith.muli %and3A_1669, %mul3A_1671 : vector<16xi32>
    %iota3A_1673 = tpu.iota {dimensions = array<i32: 0>} : vector<16xi32>
    %add3A_1674 = arith.constant 688 : i32
    %add3A_1675 = vector.broadcast %add3A_1674 : i32 to vector<16xi32>
    %add3A_1676 = arith.addi %add3A_1675, %iota3A_1673 : vector<16xi32>
    %gather3A_1677 = tpu.vector_load_idx %arg8[%add3A_1676, %mul3A_1672] : memref<1024x16xf32, #tpu.memory_space<vmem>>[vector<16xi32>, vector<16xi32>], vector<16xf32>,
    %swap3A_1678 = arith.constant 688 : index
    %swap3A_1679 = tpu.vector_load %arg9[%swap3A_1678] {strides = array<i32>} : memref<1024xf32, #tpu.memory_space<vmem>>, vector<16xf32>,
    tpu.vector_store %arg9[%swap3A_1678], %gather3A_1677 {strides = array<i32>} : memref<1024xf32, #tpu.memory_space<vmem>>, vector<16xf32>,
    %add3A_1680 = arith.constant 1 : i32
    %add3A_1681 = vector.broadcast %add3A_1680 : i32 to vector<16xi32>
    %add3A_1682 = arith.addi %mul3A_1672, %add3A_1681 : vector<16xi32>
    %gather3A_1683 = tpu.vector_load_idx %arg8[%add3A_1676, %add3A_1682] : memref<1024x16xf32, #tpu.memory_space<vmem>>[vector<16xi32>, vector<16xi32>], vector<16xf32>,
    %swap3A_1684 = arith.constant 688 : index
    %swap3A_1685 = tpu.vector_load %arg10[%swap3A_1684] {strides = array<i32>} : memref<1024xf32, #tpu.memory_space<vmem>>, vector<16xf32>,
    tpu.vector_store %arg10[%swap3A_1684], %gather3A_1683 {strides = array<i32>} : memref<1024xf32, #tpu.memory_space<vmem>>, vector<16xf32>,
    %get3A_1686 = arith.constant 704 : index
    %get3A_1687 = tpu.vector_load %arg6[%get3A_1686] {strides = array<i32>} : memref<1024xi32, #tpu.memory_space<vmem>>, vector<16xi32>,
    %and3A_1688 = arith.constant 7 : i32
    %and3A_1689 = vector.broadcast %and3A_1688 : i32 to vector<16xi32>
    %and3A_1690 = arith.andi %get3A_1687, %and3A_1689 : vector<16xi32>
    %mul3A_1691 = arith.constant 2 : i32
    %mul3A_1692 = vector.broadcast %mul3A_1691 : i32 to vector<16xi32>
    %mul3A_1693 = arith.muli %and3A_1690, %mul3A_1692 : vector<16xi32>
    %iota3A_1694 = tpu.iota {dimensions = array<i32: 0>} : vector<16xi32>
    %add3A_1695 = arith.constant 704 : i32
    %add3A_1696 = vector.broadcast %add3A_1695 : i32 to vector<16xi32>
    %add3A_1697 = arith.addi %add3A_1696, %iota3A_1694 : vector<16xi32>
    %gather3A_1698 = tpu.vector_load_idx %arg8[%add3A_1697, %mul3A_1693] : memref<1024x16xf32, #tpu.memory_space<vmem>>[vector<16xi32>, vector<16xi32>], vector<16xf32>,
    %swap3A_1699 = arith.constant 704 : index
    %swap3A_1700 = tpu.vector_load %arg9[%swap3A_1699] {strides = array<i32>} : memref<1024xf32, #tpu.memory_space<vmem>>, vector<16xf32>,
    tpu.vector_store %arg9[%swap3A_1699], %gather3A_1698 {strides = array<i32>} : memref<1024xf32, #tpu.memory_space<vmem>>, vector<16xf32>,
    %add3A_1701 = arith.constant 1 : i32
    %add3A_1702 = vector.broadcast %add3A_1701 : i32 to vector<16xi32>
    %add3A_1703 = arith.addi %mul3A_1693, %add3A_1702 : vector<16xi32>
    %gather3A_1704 = tpu.vector_load_idx %arg8[%add3A_1697, %add3A_1703] : memref<1024x16xf32, #tpu.memory_space<vmem>>[vector<16xi32>, vector<16xi32>], vector<16xf32>,
    %swap3A_1705 = arith.constant 704 : index
    %swap3A_1706 = tpu.vector_load %arg10[%swap3A_1705] {strides = array<i32>} : memref<1024xf32, #tpu.memory_space<vmem>>, vector<16xf32>,
    tpu.vector_store %arg10[%swap3A_1705], %gather3A_1704 {strides = array<i32>} : memref<1024xf32, #tpu.memory_space<vmem>>, vector<16xf32>,
    %get3A_1707 = arith.constant 720 : index
    %get3A_1708 = tpu.vector_load %arg6[%get3A_1707] {strides = array<i32>} : memref<1024xi32, #tpu.memory_space<vmem>>, vector<16xi32>,
    %and3A_1709 = arith.constant 7 : i32
    %and3A_1710 = vector.broadcast %and3A_1709 : i32 to vector<16xi32>
    %and3A_1711 = arith.andi %get3A_1708, %and3A_1710 : vector<16xi32>
    %mul3A_1712 = arith.constant 2 : i32
    %mul3A_1713 = vector.broadcast %mul3A_1712 : i32 to vector<16xi32>
    %mul3A_1714 = arith.muli %and3A_1711, %mul3A_1713 : vector<16xi32>
    %iota3A_1715 = tpu.iota {dimensions = array<i32: 0>} : vector<16xi32>
    %add3A_1716 = arith.constant 720 : i32
    %add3A_1717 = vector.broadcast %add3A_1716 : i32 to vector<16xi32>
    %add3A_1718 = arith.addi %add3A_1717, %iota3A_1715 : vector<16xi32>
    %gather3A_1719 = tpu.vector_load_idx %arg8[%add3A_1718, %mul3A_1714] : memref<1024x16xf32, #tpu.memory_space<vmem>>[vector<16xi32>, vector<16xi32>], vector<16xf32>,
    %swap3A_1720 = arith.constant 720 : index
    %swap3A_1721 = tpu.vector_load %arg9[%swap3A_1720] {strides = array<i32>} : memref<1024xf32, #tpu.memory_space<vmem>>, vector<16xf32>,
    tpu.vector_store %arg9[%swap3A_1720], %gather3A_1719 {strides = array<i32>} : memref<1024xf32, #tpu.memory_space<vmem>>, vector<16xf32>,
    %add3A_1722 = arith.constant 1 : i32
    %add3A_1723 = vector.broadcast %add3A_1722 : i32 to vector<16xi32>
    %add3A_1724 = arith.addi %mul3A_1714, %add3A_1723 : vector<16xi32>
    %gather3A_1725 = tpu.vector_load_idx %arg8[%add3A_1718, %add3A_1724] : memref<1024x16xf32, #tpu.memory_space<vmem>>[vector<16xi32>, vector<16xi32>], vector<16xf32>,
    %swap3A_1726 = arith.constant 720 : index
    %swap3A_1727 = tpu.vector_load %arg10[%swap3A_1726] {strides = array<i32>} : memref<1024xf32, #tpu.memory_space<vmem>>, vector<16xf32>,
    tpu.vector_store %arg10[%swap3A_1726], %gather3A_1725 {strides = array<i32>} : memref<1024xf32, #tpu.memory_space<vmem>>, vector<16xf32>,
    %get3A_1728 = arith.constant 736 : index
    %get3A_1729 = tpu.vector_load %arg6[%get3A_1728] {strides = array<i32>} : memref<1024xi32, #tpu.memory_space<vmem>>, vector<16xi32>,
    %and3A_1730 = arith.constant 7 : i32
    %and3A_1731 = vector.broadcast %and3A_1730 : i32 to vector<16xi32>
    %and3A_1732 = arith.andi %get3A_1729, %and3A_1731 : vector<16xi32>
    %mul3A_1733 = arith.constant 2 : i32
    %mul3A_1734 = vector.broadcast %mul3A_1733 : i32 to vector<16xi32>
    %mul3A_1735 = arith.muli %and3A_1732, %mul3A_1734 : vector<16xi32>
    %iota3A_1736 = tpu.iota {dimensions = array<i32: 0>} : vector<16xi32>
    %add3A_1737 = arith.constant 736 : i32
    %add3A_1738 = vector.broadcast %add3A_1737 : i32 to vector<16xi32>
    %add3A_1739 = arith.addi %add3A_1738, %iota3A_1736 : vector<16xi32>
    %gather3A_1740 = tpu.vector_load_idx %arg8[%add3A_1739, %mul3A_1735] : memref<1024x16xf32, #tpu.memory_space<vmem>>[vector<16xi32>, vector<16xi32>], vector<16xf32>,
    %swap3A_1741 = arith.constant 736 : index
    %swap3A_1742 = tpu.vector_load %arg9[%swap3A_1741] {strides = array<i32>} : memref<1024xf32, #tpu.memory_space<vmem>>, vector<16xf32>,
    tpu.vector_store %arg9[%swap3A_1741], %gather3A_1740 {strides = array<i32>} : memref<1024xf32, #tpu.memory_space<vmem>>, vector<16xf32>,
    %add3A_1743 = arith.constant 1 : i32
    %add3A_1744 = vector.broadcast %add3A_1743 : i32 to vector<16xi32>
    %add3A_1745 = arith.addi %mul3A_1735, %add3A_1744 : vector<16xi32>
    %gather3A_1746 = tpu.vector_load_idx %arg8[%add3A_1739, %add3A_1745] : memref<1024x16xf32, #tpu.memory_space<vmem>>[vector<16xi32>, vector<16xi32>], vector<16xf32>,
    %swap3A_1747 = arith.constant 736 : index
    %swap3A_1748 = tpu.vector_load %arg10[%swap3A_1747] {strides = array<i32>} : memref<1024xf32, #tpu.memory_space<vmem>>, vector<16xf32>,
    tpu.vector_store %arg10[%swap3A_1747], %gather3A_1746 {strides = array<i32>} : memref<1024xf32, #tpu.memory_space<vmem>>, vector<16xf32>,
    %get3A_1749 = arith.constant 752 : index
    %get3A_1750 = tpu.vector_load %arg6[%get3A_1749] {strides = array<i32>} : memref<1024xi32, #tpu.memory_space<vmem>>, vector<16xi32>,
    %and3A_1751 = arith.constant 7 : i32
    %and3A_1752 = vector.broadcast %and3A_1751 : i32 to vector<16xi32>
    %and3A_1753 = arith.andi %get3A_1750, %and3A_1752 : vector<16xi32>
    %mul3A_1754 = arith.constant 2 : i32
    %mul3A_1755 = vector.broadcast %mul3A_1754 : i32 to vector<16xi32>
    %mul3A_1756 = arith.muli %and3A_1753, %mul3A_1755 : vector<16xi32>
    %iota3A_1757 = tpu.iota {dimensions = array<i32: 0>} : vector<16xi32>
    %add3A_1758 = arith.constant 752 : i32
    %add3A_1759 = vector.broadcast %add3A_1758 : i32 to vector<16xi32>
    %add3A_1760 = arith.addi %add3A_1759, %iota3A_1757 : vector<16xi32>
    %gather3A_1761 = tpu.vector_load_idx %arg8[%add3A_1760, %mul3A_1756] : memref<1024x16xf32, #tpu.memory_space<vmem>>[vector<16xi32>, vector<16xi32>], vector<16xf32>,
    %swap3A_1762 = arith.constant 752 : index
    %swap3A_1763 = tpu.vector_load %arg9[%swap3A_1762] {strides = array<i32>} : memref<1024xf32, #tpu.memory_space<vmem>>, vector<16xf32>,
    tpu.vector_store %arg9[%swap3A_1762], %gather3A_1761 {strides = array<i32>} : memref<1024xf32, #tpu.memory_space<vmem>>, vector<16xf32>,
    %add3A_1764 = arith.constant 1 : i32
    %add3A_1765 = vector.broadcast %add3A_1764 : i32 to vector<16xi32>
    %add3A_1766 = arith.addi %mul3A_1756, %add3A_1765 : vector<16xi32>
    %gather3A_1767 = tpu.vector_load_idx %arg8[%add3A_1760, %add3A_1766] : memref<1024x16xf32, #tpu.memory_space<vmem>>[vector<16xi32>, vector<16xi32>], vector<16xf32>,
    %swap3A_1768 = arith.constant 752 : index
    %swap3A_1769 = tpu.vector_load %arg10[%swap3A_1768] {strides = array<i32>} : memref<1024xf32, #tpu.memory_space<vmem>>, vector<16xf32>,
    tpu.vector_store %arg10[%swap3A_1768], %gather3A_1767 {strides = array<i32>} : memref<1024xf32, #tpu.memory_space<vmem>>, vector<16xf32>,
    %get3A_1770 = arith.constant 768 : index
    %get3A_1771 = tpu.vector_load %arg6[%get3A_1770] {strides = array<i32>} : memref<1024xi32, #tpu.memory_space<vmem>>, vector<16xi32>,
    %and3A_1772 = arith.constant 7 : i32
    %and3A_1773 = vector.broadcast %and3A_1772 : i32 to vector<16xi32>
    %and3A_1774 = arith.andi %get3A_1771, %and3A_1773 : vector<16xi32>
    %mul3A_1775 = arith.constant 2 : i32
    %mul3A_1776 = vector.broadcast %mul3A_1775 : i32 to vector<16xi32>
    %mul3A_1777 = arith.muli %and3A_1774, %mul3A_1776 : vector<16xi32>
    %iota3A_1778 = tpu.iota {dimensions = array<i32: 0>} : vector<16xi32>
    %add3A_1779 = arith.constant 768 : i32
    %add3A_1780 = vector.broadcast %add3A_1779 : i32 to vector<16xi32>
    %add3A_1781 = arith.addi %add3A_1780, %iota3A_1778 : vector<16xi32>
    %gather3A_1782 = tpu.vector_load_idx %arg8[%add3A_1781, %mul3A_1777] : memref<1024x16xf32, #tpu.memory_space<vmem>>[vector<16xi32>, vector<16xi32>], vector<16xf32>,
    %swap3A_1783 = arith.constant 768 : index
    %swap3A_1784 = tpu.vector_load %arg9[%swap3A_1783] {strides = array<i32>} : memref<1024xf32, #tpu.memory_space<vmem>>, vector<16xf32>,
    tpu.vector_store %arg9[%swap3A_1783], %gather3A_1782 {strides = array<i32>} : memref<1024xf32, #tpu.memory_space<vmem>>, vector<16xf32>,
    %add3A_1785 = arith.constant 1 : i32
    %add3A_1786 = vector.broadcast %add3A_1785 : i32 to vector<16xi32>
    %add3A_1787 = arith.addi %mul3A_1777, %add3A_1786 : vector<16xi32>
    %gather3A_1788 = tpu.vector_load_idx %arg8[%add3A_1781, %add3A_1787] : memref<1024x16xf32, #tpu.memory_space<vmem>>[vector<16xi32>, vector<16xi32>], vector<16xf32>,
    %swap3A_1789 = arith.constant 768 : index
    %swap3A_1790 = tpu.vector_load %arg10[%swap3A_1789] {strides = array<i32>} : memref<1024xf32, #tpu.memory_space<vmem>>, vector<16xf32>,
    tpu.vector_store %arg10[%swap3A_1789], %gather3A_1788 {strides = array<i32>} : memref<1024xf32, #tpu.memory_space<vmem>>, vector<16xf32>,
    %get3A_1791 = arith.constant 784 : index
    %get3A_1792 = tpu.vector_load %arg6[%get3A_1791] {strides = array<i32>} : memref<1024xi32, #tpu.memory_space<vmem>>, vector<16xi32>,
    %and3A_1793 = arith.constant 7 : i32
    %and3A_1794 = vector.broadcast %and3A_1793 : i32 to vector<16xi32>
    %and3A_1795 = arith.andi %get3A_1792, %and3A_1794 : vector<16xi32>
    %mul3A_1796 = arith.constant 2 : i32
    %mul3A_1797 = vector.broadcast %mul3A_1796 : i32 to vector<16xi32>
    %mul3A_1798 = arith.muli %and3A_1795, %mul3A_1797 : vector<16xi32>
    %iota3A_1799 = tpu.iota {dimensions = array<i32: 0>} : vector<16xi32>
    %add3A_1800 = arith.constant 784 : i32
    %add3A_1801 = vector.broadcast %add3A_1800 : i32 to vector<16xi32>
    %add3A_1802 = arith.addi %add3A_1801, %iota3A_1799 : vector<16xi32>
    %gather3A_1803 = tpu.vector_load_idx %arg8[%add3A_1802, %mul3A_1798] : memref<1024x16xf32, #tpu.memory_space<vmem>>[vector<16xi32>, vector<16xi32>], vector<16xf32>,
    %swap3A_1804 = arith.constant 784 : index
    %swap3A_1805 = tpu.vector_load %arg9[%swap3A_1804] {strides = array<i32>} : memref<1024xf32, #tpu.memory_space<vmem>>, vector<16xf32>,
    tpu.vector_store %arg9[%swap3A_1804], %gather3A_1803 {strides = array<i32>} : memref<1024xf32, #tpu.memory_space<vmem>>, vector<16xf32>,
    %add3A_1806 = arith.constant 1 : i32
    %add3A_1807 = vector.broadcast %add3A_1806 : i32 to vector<16xi32>
    %add3A_1808 = arith.addi %mul3A_1798, %add3A_1807 : vector<16xi32>
    %gather3A_1809 = tpu.vector_load_idx %arg8[%add3A_1802, %add3A_1808] : memref<1024x16xf32, #tpu.memory_space<vmem>>[vector<16xi32>, vector<16xi32>], vector<16xf32>,
    %swap3A_1810 = arith.constant 784 : index
    %swap3A_1811 = tpu.vector_load %arg10[%swap3A_1810] {strides = array<i32>} : memref<1024xf32, #tpu.memory_space<vmem>>, vector<16xf32>,
    tpu.vector_store %arg10[%swap3A_1810], %gather3A_1809 {strides = array<i32>} : memref<1024xf32, #tpu.memory_space<vmem>>, vector<16xf32>,
    %get3A_1812 = arith.constant 800 : index
    %get3A_1813 = tpu.vector_load %arg6[%get3A_1812] {strides = array<i32>} : memref<1024xi32, #tpu.memory_space<vmem>>, vector<16xi32>,
    %and3A_1814 = arith.constant 7 : i32
    %and3A_1815 = vector.broadcast %and3A_1814 : i32 to vector<16xi32>
    %and3A_1816 = arith.andi %get3A_1813, %and3A_1815 : vector<16xi32>
    %mul3A_1817 = arith.constant 2 : i32
    %mul3A_1818 = vector.broadcast %mul3A_1817 : i32 to vector<16xi32>
    %mul3A_1819 = arith.muli %and3A_1816, %mul3A_1818 : vector<16xi32>
    %iota3A_1820 = tpu.iota {dimensions = array<i32: 0>} : vector<16xi32>
    %add3A_1821 = arith.constant 800 : i32
    %add3A_1822 = vector.broadcast %add3A_1821 : i32 to vector<16xi32>
    %add3A_1823 = arith.addi %add3A_1822, %iota3A_1820 : vector<16xi32>
    %gather3A_1824 = tpu.vector_load_idx %arg8[%add3A_1823, %mul3A_1819] : memref<1024x16xf32, #tpu.memory_space<vmem>>[vector<16xi32>, vector<16xi32>], vector<16xf32>,
    %swap3A_1825 = arith.constant 800 : index
    %swap3A_1826 = tpu.vector_load %arg9[%swap3A_1825] {strides = array<i32>} : memref<1024xf32, #tpu.memory_space<vmem>>, vector<16xf32>,
    tpu.vector_store %arg9[%swap3A_1825], %gather3A_1824 {strides = array<i32>} : memref<1024xf32, #tpu.memory_space<vmem>>, vector<16xf32>,
    %add3A_1827 = arith.constant 1 : i32
    %add3A_1828 = vector.broadcast %add3A_1827 : i32 to vector<16xi32>
    %add3A_1829 = arith.addi %mul3A_1819, %add3A_1828 : vector<16xi32>
    %gather3A_1830 = tpu.vector_load_idx %arg8[%add3A_1823, %add3A_1829] : memref<1024x16xf32, #tpu.memory_space<vmem>>[vector<16xi32>, vector<16xi32>], vector<16xf32>,
    %swap3A_1831 = arith.constant 800 : index
    %swap3A_1832 = tpu.vector_load %arg10[%swap3A_1831] {strides = array<i32>} : memref<1024xf32, #tpu.memory_space<vmem>>, vector<16xf32>,
    tpu.vector_store %arg10[%swap3A_1831], %gather3A_1830 {strides = array<i32>} : memref<1024xf32, #tpu.memory_space<vmem>>, vector<16xf32>,
    %get3A_1833 = arith.constant 816 : index
    %get3A_1834 = tpu.vector_load %arg6[%get3A_1833] {strides = array<i32>} : memref<1024xi32, #tpu.memory_space<vmem>>, vector<16xi32>,
    %and3A_1835 = arith.constant 7 : i32
    %and3A_1836 = vector.broadcast %and3A_1835 : i32 to vector<16xi32>
    %and3A_1837 = arith.andi %get3A_1834, %and3A_1836 : vector<16xi32>
    %mul3A_1838 = arith.constant 2 : i32
    %mul3A_1839 = vector.broadcast %mul3A_1838 : i32 to vector<16xi32>
    %mul3A_1840 = arith.muli %and3A_1837, %mul3A_1839 : vector<16xi32>
    %iota3A_1841 = tpu.iota {dimensions = array<i32: 0>} : vector<16xi32>
    %add3A_1842 = arith.constant 816 : i32
    %add3A_1843 = vector.broadcast %add3A_1842 : i32 to vector<16xi32>
    %add3A_1844 = arith.addi %add3A_1843, %iota3A_1841 : vector<16xi32>
    %gather3A_1845 = tpu.vector_load_idx %arg8[%add3A_1844, %mul3A_1840] : memref<1024x16xf32, #tpu.memory_space<vmem>>[vector<16xi32>, vector<16xi32>], vector<16xf32>,
    %swap3A_1846 = arith.constant 816 : index
    %swap3A_1847 = tpu.vector_load %arg9[%swap3A_1846] {strides = array<i32>} : memref<1024xf32, #tpu.memory_space<vmem>>, vector<16xf32>,
    tpu.vector_store %arg9[%swap3A_1846], %gather3A_1845 {strides = array<i32>} : memref<1024xf32, #tpu.memory_space<vmem>>, vector<16xf32>,
    %add3A_1848 = arith.constant 1 : i32
    %add3A_1849 = vector.broadcast %add3A_1848 : i32 to vector<16xi32>
    %add3A_1850 = arith.addi %mul3A_1840, %add3A_1849 : vector<16xi32>
    %gather3A_1851 = tpu.vector_load_idx %arg8[%add3A_1844, %add3A_1850] : memref<1024x16xf32, #tpu.memory_space<vmem>>[vector<16xi32>, vector<16xi32>], vector<16xf32>,
    %swap3A_1852 = arith.constant 816 : index
    %swap3A_1853 = tpu.vector_load %arg10[%swap3A_1852] {strides = array<i32>} : memref<1024xf32, #tpu.memory_space<vmem>>, vector<16xf32>,
    tpu.vector_store %arg10[%swap3A_1852], %gather3A_1851 {strides = array<i32>} : memref<1024xf32, #tpu.memory_space<vmem>>, vector<16xf32>,
    %get3A_1854 = arith.constant 832 : index
    %get3A_1855 = tpu.vector_load %arg6[%get3A_1854] {strides = array<i32>} : memref<1024xi32, #tpu.memory_space<vmem>>, vector<16xi32>,
    %and3A_1856 = arith.constant 7 : i32
    %and3A_1857 = vector.broadcast %and3A_1856 : i32 to vector<16xi32>
    %and3A_1858 = arith.andi %get3A_1855, %and3A_1857 : vector<16xi32>
    %mul3A_1859 = arith.constant 2 : i32
    %mul3A_1860 = vector.broadcast %mul3A_1859 : i32 to vector<16xi32>
    %mul3A_1861 = arith.muli %and3A_1858, %mul3A_1860 : vector<16xi32>
    %iota3A_1862 = tpu.iota {dimensions = array<i32: 0>} : vector<16xi32>
    %add3A_1863 = arith.constant 832 : i32
    %add3A_1864 = vector.broadcast %add3A_1863 : i32 to vector<16xi32>
    %add3A_1865 = arith.addi %add3A_1864, %iota3A_1862 : vector<16xi32>
    %gather3A_1866 = tpu.vector_load_idx %arg8[%add3A_1865, %mul3A_1861] : memref<1024x16xf32, #tpu.memory_space<vmem>>[vector<16xi32>, vector<16xi32>], vector<16xf32>,
    %swap3A_1867 = arith.constant 832 : index
    %swap3A_1868 = tpu.vector_load %arg9[%swap3A_1867] {strides = array<i32>} : memref<1024xf32, #tpu.memory_space<vmem>>, vector<16xf32>,
    tpu.vector_store %arg9[%swap3A_1867], %gather3A_1866 {strides = array<i32>} : memref<1024xf32, #tpu.memory_space<vmem>>, vector<16xf32>,
    %add3A_1869 = arith.constant 1 : i32
    %add3A_1870 = vector.broadcast %add3A_1869 : i32 to vector<16xi32>
    %add3A_1871 = arith.addi %mul3A_1861, %add3A_1870 : vector<16xi32>
    %gather3A_1872 = tpu.vector_load_idx %arg8[%add3A_1865, %add3A_1871] : memref<1024x16xf32, #tpu.memory_space<vmem>>[vector<16xi32>, vector<16xi32>], vector<16xf32>,
    %swap3A_1873 = arith.constant 832 : index
    %swap3A_1874 = tpu.vector_load %arg10[%swap3A_1873] {strides = array<i32>} : memref<1024xf32, #tpu.memory_space<vmem>>, vector<16xf32>,
    tpu.vector_store %arg10[%swap3A_1873], %gather3A_1872 {strides = array<i32>} : memref<1024xf32, #tpu.memory_space<vmem>>, vector<16xf32>,
    %get3A_1875 = arith.constant 848 : index
    %get3A_1876 = tpu.vector_load %arg6[%get3A_1875] {strides = array<i32>} : memref<1024xi32, #tpu.memory_space<vmem>>, vector<16xi32>,
    %and3A_1877 = arith.constant 7 : i32
    %and3A_1878 = vector.broadcast %and3A_1877 : i32 to vector<16xi32>
    %and3A_1879 = arith.andi %get3A_1876, %and3A_1878 : vector<16xi32>
    %mul3A_1880 = arith.constant 2 : i32
    %mul3A_1881 = vector.broadcast %mul3A_1880 : i32 to vector<16xi32>
    %mul3A_1882 = arith.muli %and3A_1879, %mul3A_1881 : vector<16xi32>
    %iota3A_1883 = tpu.iota {dimensions = array<i32: 0>} : vector<16xi32>
    %add3A_1884 = arith.constant 848 : i32
    %add3A_1885 = vector.broadcast %add3A_1884 : i32 to vector<16xi32>
    %add3A_1886 = arith.addi %add3A_1885, %iota3A_1883 : vector<16xi32>
    %gather3A_1887 = tpu.vector_load_idx %arg8[%add3A_1886, %mul3A_1882] : memref<1024x16xf32, #tpu.memory_space<vmem>>[vector<16xi32>, vector<16xi32>], vector<16xf32>,
    %swap3A_1888 = arith.constant 848 : index
    %swap3A_1889 = tpu.vector_load %arg9[%swap3A_1888] {strides = array<i32>} : memref<1024xf32, #tpu.memory_space<vmem>>, vector<16xf32>,
    tpu.vector_store %arg9[%swap3A_1888], %gather3A_1887 {strides = array<i32>} : memref<1024xf32, #tpu.memory_space<vmem>>, vector<16xf32>,
    %add3A_1890 = arith.constant 1 : i32
    %add3A_1891 = vector.broadcast %add3A_1890 : i32 to vector<16xi32>
    %add3A_1892 = arith.addi %mul3A_1882, %add3A_1891 : vector<16xi32>
    %gather3A_1893 = tpu.vector_load_idx %arg8[%add3A_1886, %add3A_1892] : memref<1024x16xf32, #tpu.memory_space<vmem>>[vector<16xi32>, vector<16xi32>], vector<16xf32>,
    %swap3A_1894 = arith.constant 848 : index
    %swap3A_1895 = tpu.vector_load %arg10[%swap3A_1894] {strides = array<i32>} : memref<1024xf32, #tpu.memory_space<vmem>>, vector<16xf32>,
    tpu.vector_store %arg10[%swap3A_1894], %gather3A_1893 {strides = array<i32>} : memref<1024xf32, #tpu.memory_space<vmem>>, vector<16xf32>,
    %get3A_1896 = arith.constant 864 : index
    %get3A_1897 = tpu.vector_load %arg6[%get3A_1896] {strides = array<i32>} : memref<1024xi32, #tpu.memory_space<vmem>>, vector<16xi32>,
    %and3A_1898 = arith.constant 7 : i32
    %and3A_1899 = vector.broadcast %and3A_1898 : i32 to vector<16xi32>
    %and3A_1900 = arith.andi %get3A_1897, %and3A_1899 : vector<16xi32>
    %mul3A_1901 = arith.constant 2 : i32
    %mul3A_1902 = vector.broadcast %mul3A_1901 : i32 to vector<16xi32>
    %mul3A_1903 = arith.muli %and3A_1900, %mul3A_1902 : vector<16xi32>
    %iota3A_1904 = tpu.iota {dimensions = array<i32: 0>} : vector<16xi32>
    %add3A_1905 = arith.constant 864 : i32
    %add3A_1906 = vector.broadcast %add3A_1905 : i32 to vector<16xi32>
    %add3A_1907 = arith.addi %add3A_1906, %iota3A_1904 : vector<16xi32>
    %gather3A_1908 = tpu.vector_load_idx %arg8[%add3A_1907, %mul3A_1903] : memref<1024x16xf32, #tpu.memory_space<vmem>>[vector<16xi32>, vector<16xi32>], vector<16xf32>,
    %swap3A_1909 = arith.constant 864 : index
    %swap3A_1910 = tpu.vector_load %arg9[%swap3A_1909] {strides = array<i32>} : memref<1024xf32, #tpu.memory_space<vmem>>, vector<16xf32>,
    tpu.vector_store %arg9[%swap3A_1909], %gather3A_1908 {strides = array<i32>} : memref<1024xf32, #tpu.memory_space<vmem>>, vector<16xf32>,
    %add3A_1911 = arith.constant 1 : i32
    %add3A_1912 = vector.broadcast %add3A_1911 : i32 to vector<16xi32>
    %add3A_1913 = arith.addi %mul3A_1903, %add3A_1912 : vector<16xi32>
    %gather3A_1914 = tpu.vector_load_idx %arg8[%add3A_1907, %add3A_1913] : memref<1024x16xf32, #tpu.memory_space<vmem>>[vector<16xi32>, vector<16xi32>], vector<16xf32>,
    %swap3A_1915 = arith.constant 864 : index
    %swap3A_1916 = tpu.vector_load %arg10[%swap3A_1915] {strides = array<i32>} : memref<1024xf32, #tpu.memory_space<vmem>>, vector<16xf32>,
    tpu.vector_store %arg10[%swap3A_1915], %gather3A_1914 {strides = array<i32>} : memref<1024xf32, #tpu.memory_space<vmem>>, vector<16xf32>,
    %get3A_1917 = arith.constant 880 : index
    %get3A_1918 = tpu.vector_load %arg6[%get3A_1917] {strides = array<i32>} : memref<1024xi32, #tpu.memory_space<vmem>>, vector<16xi32>,
    %and3A_1919 = arith.constant 7 : i32
    %and3A_1920 = vector.broadcast %and3A_1919 : i32 to vector<16xi32>
    %and3A_1921 = arith.andi %get3A_1918, %and3A_1920 : vector<16xi32>
    %mul3A_1922 = arith.constant 2 : i32
    %mul3A_1923 = vector.broadcast %mul3A_1922 : i32 to vector<16xi32>
    %mul3A_1924 = arith.muli %and3A_1921, %mul3A_1923 : vector<16xi32>
    %iota3A_1925 = tpu.iota {dimensions = array<i32: 0>} : vector<16xi32>
    %add3A_1926 = arith.constant 880 : i32
    %add3A_1927 = vector.broadcast %add3A_1926 : i32 to vector<16xi32>
    %add3A_1928 = arith.addi %add3A_1927, %iota3A_1925 : vector<16xi32>
    %gather3A_1929 = tpu.vector_load_idx %arg8[%add3A_1928, %mul3A_1924] : memref<1024x16xf32, #tpu.memory_space<vmem>>[vector<16xi32>, vector<16xi32>], vector<16xf32>,
    %swap3A_1930 = arith.constant 880 : index
    %swap3A_1931 = tpu.vector_load %arg9[%swap3A_1930] {strides = array<i32>} : memref<1024xf32, #tpu.memory_space<vmem>>, vector<16xf32>,
    tpu.vector_store %arg9[%swap3A_1930], %gather3A_1929 {strides = array<i32>} : memref<1024xf32, #tpu.memory_space<vmem>>, vector<16xf32>,
    %add3A_1932 = arith.constant 1 : i32
    %add3A_1933 = vector.broadcast %add3A_1932 : i32 to vector<16xi32>
    %add3A_1934 = arith.addi %mul3A_1924, %add3A_1933 : vector<16xi32>
    %gather3A_1935 = tpu.vector_load_idx %arg8[%add3A_1928, %add3A_1934] : memref<1024x16xf32, #tpu.memory_space<vmem>>[vector<16xi32>, vector<16xi32>], vector<16xf32>,
    %swap3A_1936 = arith.constant 880 : index
    %swap3A_1937 = tpu.vector_load %arg10[%swap3A_1936] {strides = array<i32>} : memref<1024xf32, #tpu.memory_space<vmem>>, vector<16xf32>,
    tpu.vector_store %arg10[%swap3A_1936], %gather3A_1935 {strides = array<i32>} : memref<1024xf32, #tpu.memory_space<vmem>>, vector<16xf32>,
    %get3A_1938 = arith.constant 896 : index
    %get3A_1939 = tpu.vector_load %arg6[%get3A_1938] {strides = array<i32>} : memref<1024xi32, #tpu.memory_space<vmem>>, vector<16xi32>,
    %and3A_1940 = arith.constant 7 : i32
    %and3A_1941 = vector.broadcast %and3A_1940 : i32 to vector<16xi32>
    %and3A_1942 = arith.andi %get3A_1939, %and3A_1941 : vector<16xi32>
    %mul3A_1943 = arith.constant 2 : i32
    %mul3A_1944 = vector.broadcast %mul3A_1943 : i32 to vector<16xi32>
    %mul3A_1945 = arith.muli %and3A_1942, %mul3A_1944 : vector<16xi32>
    %iota3A_1946 = tpu.iota {dimensions = array<i32: 0>} : vector<16xi32>
    %add3A_1947 = arith.constant 896 : i32
    %add3A_1948 = vector.broadcast %add3A_1947 : i32 to vector<16xi32>
    %add3A_1949 = arith.addi %add3A_1948, %iota3A_1946 : vector<16xi32>
    %gather3A_1950 = tpu.vector_load_idx %arg8[%add3A_1949, %mul3A_1945] : memref<1024x16xf32, #tpu.memory_space<vmem>>[vector<16xi32>, vector<16xi32>], vector<16xf32>,
    %swap3A_1951 = arith.constant 896 : index
    %swap3A_1952 = tpu.vector_load %arg9[%swap3A_1951] {strides = array<i32>} : memref<1024xf32, #tpu.memory_space<vmem>>, vector<16xf32>,
    tpu.vector_store %arg9[%swap3A_1951], %gather3A_1950 {strides = array<i32>} : memref<1024xf32, #tpu.memory_space<vmem>>, vector<16xf32>,
    %add3A_1953 = arith.constant 1 : i32
    %add3A_1954 = vector.broadcast %add3A_1953 : i32 to vector<16xi32>
    %add3A_1955 = arith.addi %mul3A_1945, %add3A_1954 : vector<16xi32>
    %gather3A_1956 = tpu.vector_load_idx %arg8[%add3A_1949, %add3A_1955] : memref<1024x16xf32, #tpu.memory_space<vmem>>[vector<16xi32>, vector<16xi32>], vector<16xf32>,
    %swap3A_1957 = arith.constant 896 : index
    %swap3A_1958 = tpu.vector_load %arg10[%swap3A_1957] {strides = array<i32>} : memref<1024xf32, #tpu.memory_space<vmem>>, vector<16xf32>,
    tpu.vector_store %arg10[%swap3A_1957], %gather3A_1956 {strides = array<i32>} : memref<1024xf32, #tpu.memory_space<vmem>>, vector<16xf32>,
    %get3A_1959 = arith.constant 912 : index
    %get3A_1960 = tpu.vector_load %arg6[%get3A_1959] {strides = array<i32>} : memref<1024xi32, #tpu.memory_space<vmem>>, vector<16xi32>,
    %and3A_1961 = arith.constant 7 : i32
    %and3A_1962 = vector.broadcast %and3A_1961 : i32 to vector<16xi32>
    %and3A_1963 = arith.andi %get3A_1960, %and3A_1962 : vector<16xi32>
    %mul3A_1964 = arith.constant 2 : i32
    %mul3A_1965 = vector.broadcast %mul3A_1964 : i32 to vector<16xi32>
    %mul3A_1966 = arith.muli %and3A_1963, %mul3A_1965 : vector<16xi32>
    %iota3A_1967 = tpu.iota {dimensions = array<i32: 0>} : vector<16xi32>
    %add3A_1968 = arith.constant 912 : i32
    %add3A_1969 = vector.broadcast %add3A_1968 : i32 to vector<16xi32>
    %add3A_1970 = arith.addi %add3A_1969, %iota3A_1967 : vector<16xi32>
    %gather3A_1971 = tpu.vector_load_idx %arg8[%add3A_1970, %mul3A_1966] : memref<1024x16xf32, #tpu.memory_space<vmem>>[vector<16xi32>, vector<16xi32>], vector<16xf32>,
    %swap3A_1972 = arith.constant 912 : index
    %swap3A_1973 = tpu.vector_load %arg9[%swap3A_1972] {strides = array<i32>} : memref<1024xf32, #tpu.memory_space<vmem>>, vector<16xf32>,
    tpu.vector_store %arg9[%swap3A_1972], %gather3A_1971 {strides = array<i32>} : memref<1024xf32, #tpu.memory_space<vmem>>, vector<16xf32>,
    %add3A_1974 = arith.constant 1 : i32
    %add3A_1975 = vector.broadcast %add3A_1974 : i32 to vector<16xi32>
    %add3A_1976 = arith.addi %mul3A_1966, %add3A_1975 : vector<16xi32>
    %gather3A_1977 = tpu.vector_load_idx %arg8[%add3A_1970, %add3A_1976] : memref<1024x16xf32, #tpu.memory_space<vmem>>[vector<16xi32>, vector<16xi32>], vector<16xf32>,
    %swap3A_1978 = arith.constant 912 : index
    %swap3A_1979 = tpu.vector_load %arg10[%swap3A_1978] {strides = array<i32>} : memref<1024xf32, #tpu.memory_space<vmem>>, vector<16xf32>,
    tpu.vector_store %arg10[%swap3A_1978], %gather3A_1977 {strides = array<i32>} : memref<1024xf32, #tpu.memory_space<vmem>>, vector<16xf32>,
    %get3A_1980 = arith.constant 928 : index
    %get3A_1981 = tpu.vector_load %arg6[%get3A_1980] {strides = array<i32>} : memref<1024xi32, #tpu.memory_space<vmem>>, vector<16xi32>,
    %and3A_1982 = arith.constant 7 : i32
    %and3A_1983 = vector.broadcast %and3A_1982 : i32 to vector<16xi32>
    %and3A_1984 = arith.andi %get3A_1981, %and3A_1983 : vector<16xi32>
    %mul3A_1985 = arith.constant 2 : i32
    %mul3A_1986 = vector.broadcast %mul3A_1985 : i32 to vector<16xi32>
    %mul3A_1987 = arith.muli %and3A_1984, %mul3A_1986 : vector<16xi32>
    %iota3A_1988 = tpu.iota {dimensions = array<i32: 0>} : vector<16xi32>
    %add3A_1989 = arith.constant 928 : i32
    %add3A_1990 = vector.broadcast %add3A_1989 : i32 to vector<16xi32>
    %add3A_1991 = arith.addi %add3A_1990, %iota3A_1988 : vector<16xi32>
    %gather3A_1992 = tpu.vector_load_idx %arg8[%add3A_1991, %mul3A_1987] : memref<1024x16xf32, #tpu.memory_space<vmem>>[vector<16xi32>, vector<16xi32>], vector<16xf32>,
    %swap3A_1993 = arith.constant 928 : index
    %swap3A_1994 = tpu.vector_load %arg9[%swap3A_1993] {strides = array<i32>} : memref<1024xf32, #tpu.memory_space<vmem>>, vector<16xf32>,
    tpu.vector_store %arg9[%swap3A_1993], %gather3A_1992 {strides = array<i32>} : memref<1024xf32, #tpu.memory_space<vmem>>, vector<16xf32>,
    %add3A_1995 = arith.constant 1 : i32
    %add3A_1996 = vector.broadcast %add3A_1995 : i32 to vector<16xi32>
    %add3A_1997 = arith.addi %mul3A_1987, %add3A_1996 : vector<16xi32>
    %gather3A_1998 = tpu.vector_load_idx %arg8[%add3A_1991, %add3A_1997] : memref<1024x16xf32, #tpu.memory_space<vmem>>[vector<16xi32>, vector<16xi32>], vector<16xf32>,
    %swap3A_1999 = arith.constant 928 : index
    %swap3A_2000 = tpu.vector_load %arg10[%swap3A_1999] {strides = array<i32>} : memref<1024xf32, #tpu.memory_space<vmem>>, vector<16xf32>,
    tpu.vector_store %arg10[%swap3A_1999], %gather3A_1998 {strides = array<i32>} : memref<1024xf32, #tpu.memory_space<vmem>>, vector<16xf32>,
    %get3A_2001 = arith.constant 944 : index
    %get3A_2002 = tpu.vector_load %arg6[%get3A_2001] {strides = array<i32>} : memref<1024xi32, #tpu.memory_space<vmem>>, vector<16xi32>,
    %and3A_2003 = arith.constant 7 : i32
    %and3A_2004 = vector.broadcast %and3A_2003 : i32 to vector<16xi32>
    %and3A_2005 = arith.andi %get3A_2002, %and3A_2004 : vector<16xi32>
    %mul3A_2006 = arith.constant 2 : i32
    %mul3A_2007 = vector.broadcast %mul3A_2006 : i32 to vector<16xi32>
    %mul3A_2008 = arith.muli %and3A_2005, %mul3A_2007 : vector<16xi32>
    %iota3A_2009 = tpu.iota {dimensions = array<i32: 0>} : vector<16xi32>
    %add3A_2010 = arith.constant 944 : i32
    %add3A_2011 = vector.broadcast %add3A_2010 : i32 to vector<16xi32>
    %add3A_2012 = arith.addi %add3A_2011, %iota3A_2009 : vector<16xi32>
    %gather3A_2013 = tpu.vector_load_idx %arg8[%add3A_2012, %mul3A_2008] : memref<1024x16xf32, #tpu.memory_space<vmem>>[vector<16xi32>, vector<16xi32>], vector<16xf32>,
    %swap3A_2014 = arith.constant 944 : index
    %swap3A_2015 = tpu.vector_load %arg9[%swap3A_2014] {strides = array<i32>} : memref<1024xf32, #tpu.memory_space<vmem>>, vector<16xf32>,
    tpu.vector_store %arg9[%swap3A_2014], %gather3A_2013 {strides = array<i32>} : memref<1024xf32, #tpu.memory_space<vmem>>, vector<16xf32>,
    %add3A_2016 = arith.constant 1 : i32
    %add3A_2017 = vector.broadcast %add3A_2016 : i32 to vector<16xi32>
    %add3A_2018 = arith.addi %mul3A_2008, %add3A_2017 : vector<16xi32>
    %gather3A_2019 = tpu.vector_load_idx %arg8[%add3A_2012, %add3A_2018] : memref<1024x16xf32, #tpu.memory_space<vmem>>[vector<16xi32>, vector<16xi32>], vector<16xf32>,
    %swap3A_2020 = arith.constant 944 : index
    %swap3A_2021 = tpu.vector_load %arg10[%swap3A_2020] {strides = array<i32>} : memref<1024xf32, #tpu.memory_space<vmem>>, vector<16xf32>,
    tpu.vector_store %arg10[%swap3A_2020], %gather3A_2019 {strides = array<i32>} : memref<1024xf32, #tpu.memory_space<vmem>>, vector<16xf32>,
    %get3A_2022 = arith.constant 960 : index
    %get3A_2023 = tpu.vector_load %arg6[%get3A_2022] {strides = array<i32>} : memref<1024xi32, #tpu.memory_space<vmem>>, vector<16xi32>,
    %and3A_2024 = arith.constant 7 : i32
    %and3A_2025 = vector.broadcast %and3A_2024 : i32 to vector<16xi32>
    %and3A_2026 = arith.andi %get3A_2023, %and3A_2025 : vector<16xi32>
    %mul3A_2027 = arith.constant 2 : i32
    %mul3A_2028 = vector.broadcast %mul3A_2027 : i32 to vector<16xi32>
    %mul3A_2029 = arith.muli %and3A_2026, %mul3A_2028 : vector<16xi32>
    %iota3A_2030 = tpu.iota {dimensions = array<i32: 0>} : vector<16xi32>
    %add3A_2031 = arith.constant 960 : i32
    %add3A_2032 = vector.broadcast %add3A_2031 : i32 to vector<16xi32>
    %add3A_2033 = arith.addi %add3A_2032, %iota3A_2030 : vector<16xi32>
    %gather3A_2034 = tpu.vector_load_idx %arg8[%add3A_2033, %mul3A_2029] : memref<1024x16xf32, #tpu.memory_space<vmem>>[vector<16xi32>, vector<16xi32>], vector<16xf32>,
    %swap3A_2035 = arith.constant 960 : index
    %swap3A_2036 = tpu.vector_load %arg9[%swap3A_2035] {strides = array<i32>} : memref<1024xf32, #tpu.memory_space<vmem>>, vector<16xf32>,
    tpu.vector_store %arg9[%swap3A_2035], %gather3A_2034 {strides = array<i32>} : memref<1024xf32, #tpu.memory_space<vmem>>, vector<16xf32>,
    %add3A_2037 = arith.constant 1 : i32
    %add3A_2038 = vector.broadcast %add3A_2037 : i32 to vector<16xi32>
    %add3A_2039 = arith.addi %mul3A_2029, %add3A_2038 : vector<16xi32>
    %gather3A_2040 = tpu.vector_load_idx %arg8[%add3A_2033, %add3A_2039] : memref<1024x16xf32, #tpu.memory_space<vmem>>[vector<16xi32>, vector<16xi32>], vector<16xf32>,
    %swap3A_2041 = arith.constant 960 : index
    %swap3A_2042 = tpu.vector_load %arg10[%swap3A_2041] {strides = array<i32>} : memref<1024xf32, #tpu.memory_space<vmem>>, vector<16xf32>,
    tpu.vector_store %arg10[%swap3A_2041], %gather3A_2040 {strides = array<i32>} : memref<1024xf32, #tpu.memory_space<vmem>>, vector<16xf32>,
    %get3A_2043 = arith.constant 976 : index
    %get3A_2044 = tpu.vector_load %arg6[%get3A_2043] {strides = array<i32>} : memref<1024xi32, #tpu.memory_space<vmem>>, vector<16xi32>,
    %and3A_2045 = arith.constant 7 : i32
    %and3A_2046 = vector.broadcast %and3A_2045 : i32 to vector<16xi32>
    %and3A_2047 = arith.andi %get3A_2044, %and3A_2046 : vector<16xi32>
    %mul3A_2048 = arith.constant 2 : i32
    %mul3A_2049 = vector.broadcast %mul3A_2048 : i32 to vector<16xi32>
    %mul3A_2050 = arith.muli %and3A_2047, %mul3A_2049 : vector<16xi32>
    %iota3A_2051 = tpu.iota {dimensions = array<i32: 0>} : vector<16xi32>
    %add3A_2052 = arith.constant 976 : i32
    %add3A_2053 = vector.broadcast %add3A_2052 : i32 to vector<16xi32>
    %add3A_2054 = arith.addi %add3A_2053, %iota3A_2051 : vector<16xi32>
    %gather3A_2055 = tpu.vector_load_idx %arg8[%add3A_2054, %mul3A_2050] : memref<1024x16xf32, #tpu.memory_space<vmem>>[vector<16xi32>, vector<16xi32>], vector<16xf32>,
    %swap3A_2056 = arith.constant 976 : index
    %swap3A_2057 = tpu.vector_load %arg9[%swap3A_2056] {strides = array<i32>} : memref<1024xf32, #tpu.memory_space<vmem>>, vector<16xf32>,
    tpu.vector_store %arg9[%swap3A_2056], %gather3A_2055 {strides = array<i32>} : memref<1024xf32, #tpu.memory_space<vmem>>, vector<16xf32>,
    %add3A_2058 = arith.constant 1 : i32
    %add3A_2059 = vector.broadcast %add3A_2058 : i32 to vector<16xi32>
    %add3A_2060 = arith.addi %mul3A_2050, %add3A_2059 : vector<16xi32>
    %gather3A_2061 = tpu.vector_load_idx %arg8[%add3A_2054, %add3A_2060] : memref<1024x16xf32, #tpu.memory_space<vmem>>[vector<16xi32>, vector<16xi32>], vector<16xf32>,
    %swap3A_2062 = arith.constant 976 : index
    %swap3A_2063 = tpu.vector_load %arg10[%swap3A_2062] {strides = array<i32>} : memref<1024xf32, #tpu.memory_space<vmem>>, vector<16xf32>,
    tpu.vector_store %arg10[%swap3A_2062], %gather3A_2061 {strides = array<i32>} : memref<1024xf32, #tpu.memory_space<vmem>>, vector<16xf32>,
    %get3A_2064 = arith.constant 992 : index
    %get3A_2065 = tpu.vector_load %arg6[%get3A_2064] {strides = array<i32>} : memref<1024xi32, #tpu.memory_space<vmem>>, vector<16xi32>,
    %and3A_2066 = arith.constant 7 : i32
    %and3A_2067 = vector.broadcast %and3A_2066 : i32 to vector<16xi32>
    %and3A_2068 = arith.andi %get3A_2065, %and3A_2067 : vector<16xi32>
    %mul3A_2069 = arith.constant 2 : i32
    %mul3A_2070 = vector.broadcast %mul3A_2069 : i32 to vector<16xi32>
    %mul3A_2071 = arith.muli %and3A_2068, %mul3A_2070 : vector<16xi32>
    %iota3A_2072 = tpu.iota {dimensions = array<i32: 0>} : vector<16xi32>
    %add3A_2073 = arith.constant 992 : i32
    %add3A_2074 = vector.broadcast %add3A_2073 : i32 to vector<16xi32>
    %add3A_2075 = arith.addi %add3A_2074, %iota3A_2072 : vector<16xi32>
    %gather3A_2076 = tpu.vector_load_idx %arg8[%add3A_2075, %mul3A_2071] : memref<1024x16xf32, #tpu.memory_space<vmem>>[vector<16xi32>, vector<16xi32>], vector<16xf32>,
    %swap3A_2077 = arith.constant 992 : index
    %swap3A_2078 = tpu.vector_load %arg9[%swap3A_2077] {strides = array<i32>} : memref<1024xf32, #tpu.memory_space<vmem>>, vector<16xf32>,
    tpu.vector_store %arg9[%swap3A_2077], %gather3A_2076 {strides = array<i32>} : memref<1024xf32, #tpu.memory_space<vmem>>, vector<16xf32>,
    %add3A_2079 = arith.constant 1 : i32
    %add3A_2080 = vector.broadcast %add3A_2079 : i32 to vector<16xi32>
    %add3A_2081 = arith.addi %mul3A_2071, %add3A_2080 : vector<16xi32>
    %gather3A_2082 = tpu.vector_load_idx %arg8[%add3A_2075, %add3A_2081] : memref<1024x16xf32, #tpu.memory_space<vmem>>[vector<16xi32>, vector<16xi32>], vector<16xf32>,
    %swap3A_2083 = arith.constant 992 : index
    %swap3A_2084 = tpu.vector_load %arg10[%swap3A_2083] {strides = array<i32>} : memref<1024xf32, #tpu.memory_space<vmem>>, vector<16xf32>,
    tpu.vector_store %arg10[%swap3A_2083], %gather3A_2082 {strides = array<i32>} : memref<1024xf32, #tpu.memory_space<vmem>>, vector<16xf32>,
    %get3A_2085 = arith.constant 1008 : index
    %get3A_2086 = tpu.vector_load %arg6[%get3A_2085] {strides = array<i32>} : memref<1024xi32, #tpu.memory_space<vmem>>, vector<16xi32>,
    %and3A_2087 = arith.constant 7 : i32
    %and3A_2088 = vector.broadcast %and3A_2087 : i32 to vector<16xi32>
    %and3A_2089 = arith.andi %get3A_2086, %and3A_2088 : vector<16xi32>
    %mul3A_2090 = arith.constant 2 : i32
    %mul3A_2091 = vector.broadcast %mul3A_2090 : i32 to vector<16xi32>
    %mul3A_2092 = arith.muli %and3A_2089, %mul3A_2091 : vector<16xi32>
    %iota3A_2093 = tpu.iota {dimensions = array<i32: 0>} : vector<16xi32>
    %add3A_2094 = arith.constant 1008 : i32
    %add3A_2095 = vector.broadcast %add3A_2094 : i32 to vector<16xi32>
    %add3A_2096 = arith.addi %add3A_2095, %iota3A_2093 : vector<16xi32>
    %gather3A_2097 = tpu.vector_load_idx %arg8[%add3A_2096, %mul3A_2092] : memref<1024x16xf32, #tpu.memory_space<vmem>>[vector<16xi32>, vector<16xi32>], vector<16xf32>,
    %swap3A_2098 = arith.constant 1008 : index
    %swap3A_2099 = tpu.vector_load %arg9[%swap3A_2098] {strides = array<i32>} : memref<1024xf32, #tpu.memory_space<vmem>>, vector<16xf32>,
    tpu.vector_store %arg9[%swap3A_2098], %gather3A_2097 {strides = array<i32>} : memref<1024xf32, #tpu.memory_space<vmem>>, vector<16xf32>,
    %add3A_2100 = arith.constant 1 : i32
    %add3A_2101 = vector.broadcast %add3A_2100 : i32 to vector<16xi32>
    %add3A_2102 = arith.addi %mul3A_2092, %add3A_2101 : vector<16xi32>
    %gather3A_2103 = tpu.vector_load_idx %arg8[%add3A_2096, %add3A_2102] : memref<1024x16xf32, #tpu.memory_space<vmem>>[vector<16xi32>, vector<16xi32>], vector<16xf32>,
    %swap3A_2104 = arith.constant 1008 : index
    %swap3A_2105 = tpu.vector_load %arg10[%swap3A_2104] {strides = array<i32>} : memref<1024xf32, #tpu.memory_space<vmem>>, vector<16xf32>,
    tpu.vector_store %arg10[%swap3A_2104], %gather3A_2103 {strides = array<i32>} : memref<1024xf32, #tpu.memory_space<vmem>>, vector<16xf32>,
    "tpu.region"() ({
      %run_scoped3A = tpu.sem_alloc : memref<!tpu.dma_semaphore, #tpu.memory_space<semaphore_mem>>
      %dma_start3A_2106 = tpu.memref_slice %arg4[%select_n3A, %mul3A_32] : memref<16x2048xf32, #tpu.memory_space<hbm>> -> memref<1x1024xf32, #tpu.memory_space<hbm>>
      %dma_start3A_2107 = tpu.memref_squeeze %dma_start3A_2106 : memref<1x1024xf32, #tpu.memory_space<hbm>> -> memref<1024xf32, #tpu.memory_space<hbm>>
      %dma_start3A_2108 = tpu.memref_slice %arg4[%select_n3A, %mul3A_32] : memref<16x2048xf32, #tpu.memory_space<hbm>> -> memref<1x1024xf32, #tpu.memory_space<hbm>>
      %dma_start3A_2109 = tpu.memref_squeeze %dma_start3A_2108 : memref<1x1024xf32, #tpu.memory_space<hbm>> -> memref<1024xf32, #tpu.memory_space<hbm>>
      tpu.enqueue_dma source(%arg9 : memref<1024xf32, #tpu.memory_space<vmem>>) target(%dma_start3A_2109 : memref<1024xf32, #tpu.memory_space<hbm>>) target_semaphore(%run_scoped3A : memref<!tpu.dma_semaphore, #tpu.memory_space<semaphore_mem>>)
      %dma_wait3A_2110 = tpu.memref_slice %arg4[%select_n3A, %mul3A_32] : memref<16x2048xf32, #tpu.memory_space<hbm>> -> memref<1x1024xf32, #tpu.memory_space<hbm>>
      %dma_wait3A_2111 = tpu.memref_squeeze %dma_wait3A_2110 : memref<1x1024xf32, #tpu.memory_space<hbm>> -> memref<1024xf32, #tpu.memory_space<hbm>>
      %dma_wait3A_2112 = tpu.memref_slice %arg4[%select_n3A, %mul3A_32] : memref<16x2048xf32, #tpu.memory_space<hbm>> -> memref<1x1024xf32, #tpu.memory_space<hbm>>
      %dma_wait3A_2113 = tpu.memref_squeeze %dma_wait3A_2112 : memref<1x1024xf32, #tpu.memory_space<hbm>> -> memref<1024xf32, #tpu.memory_space<hbm>>
      tpu.wait_dma2 semaphore(%run_scoped3A : memref<!tpu.dma_semaphore, #tpu.memory_space<semaphore_mem>>) src(%arg9 : memref<1024xf32, #tpu.memory_space<vmem>>) dst(%dma_wait3A_2113 : memref<1024xf32, #tpu.memory_space<hbm>>)
      tpu.yield
    }) : () -> ()
    "tpu.region"() ({
      %run_scoped3A = tpu.sem_alloc : memref<!tpu.dma_semaphore, #tpu.memory_space<semaphore_mem>>
      %dma_start3A_2106 = tpu.memref_slice %arg5[%select_n3A, %mul3A_32] : memref<16x2048xf32, #tpu.memory_space<hbm>> -> memref<1x1024xf32, #tpu.memory_space<hbm>>
      %dma_start3A_2107 = tpu.memref_squeeze %dma_start3A_2106 : memref<1x1024xf32, #tpu.memory_space<hbm>> -> memref<1024xf32, #tpu.memory_space<hbm>>
      %dma_start3A_2108 = tpu.memref_slice %arg5[%select_n3A, %mul3A_32] : memref<16x2048xf32, #tpu.memory_space<hbm>> -> memref<1x1024xf32, #tpu.memory_space<hbm>>
      %dma_start3A_2109 = tpu.memref_squeeze %dma_start3A_2108 : memref<1x1024xf32, #tpu.memory_space<hbm>> -> memref<1024xf32, #tpu.memory_space<hbm>>
      tpu.enqueue_dma source(%arg10 : memref<1024xf32, #tpu.memory_space<vmem>>) target(%dma_start3A_2109 : memref<1024xf32, #tpu.memory_space<hbm>>) target_semaphore(%run_scoped3A : memref<!tpu.dma_semaphore, #tpu.memory_space<semaphore_mem>>)
      %dma_wait3A_2110 = tpu.memref_slice %arg5[%select_n3A, %mul3A_32] : memref<16x2048xf32, #tpu.memory_space<hbm>> -> memref<1x1024xf32, #tpu.memory_space<hbm>>
      %dma_wait3A_2111 = tpu.memref_squeeze %dma_wait3A_2110 : memref<1x1024xf32, #tpu.memory_space<hbm>> -> memref<1024xf32, #tpu.memory_space<hbm>>
      %dma_wait3A_2112 = tpu.memref_slice %arg5[%select_n3A, %mul3A_32] : memref<16x2048xf32, #tpu.memory_space<hbm>> -> memref<1x1024xf32, #tpu.memory_space<hbm>>
      %dma_wait3A_2113 = tpu.memref_squeeze %dma_wait3A_2112 : memref<1x1024xf32, #tpu.memory_space<hbm>> -> memref<1024xf32, #tpu.memory_space<hbm>>
      tpu.wait_dma2 semaphore(%run_scoped3A : memref<!tpu.dma_semaphore, #tpu.memory_space<semaphore_mem>>) src(%arg10 : memref<1024xf32, #tpu.memory_space<vmem>>) dst(%dma_wait3A_2113 : memref<1024xf32, #tpu.memory_space<hbm>>)
      tpu.yield
    }) : () -> ()
    return
  }
}

module attributes {stable_mosaic.version = 14 : i64} {
  func.func @_bkt_body(%arg0: memref<16x2048xi32, #tpu.memory_space<vmem>>, %arg1: memref<16x2048xi32, #tpu.memory_space<vmem>>, %arg2: memref<16x2048xf32, #tpu.memory_space<vmem>>, %arg3: memref<16x2048xf32, #tpu.memory_space<vmem>>, %arg4: memref<1x16xi32, #tpu.memory_space<vmem>>, %arg5: memref<3x50000xf32, #tpu.memory_space<vmem>>, %arg6: memref<2x50000xf32, #tpu.memory_space<vmem>>, %arg7: memref<16x2048x2xf32, #tpu.memory_space<vmem>>) attributes {dimension_semantics = [], scalar_prefetch = 0 : i64, scratch_operands = 0 : i64, tpu.core_type = #tpu.core_type<tc>} {
    %get3A = arith.constant 0 : index
    %get3A_0 = arith.constant 0 : index
    %get3A_1 = vector.load %arg0[%get3A, %get3A_0] : memref<16x2048xi32, #tpu.memory_space<vmem>>, vector<16x2048xi32>
    %get3A_2 = arith.constant 0 : index
    %get3A_3 = arith.constant 0 : index
    %get3A_4 = vector.load %arg1[%get3A_2, %get3A_3] : memref<16x2048xi32, #tpu.memory_space<vmem>>, vector<16x2048xi32>
    %get3A_5 = arith.constant 0 : index
    %get3A_6 = arith.constant 0 : index
    %get3A_7 = vector.load %arg2[%get3A_5, %get3A_6] : memref<16x2048xf32, #tpu.memory_space<vmem>>, vector<16x2048xf32>
    %get3A_8 = arith.constant 0 : index
    %get3A_9 = arith.constant 0 : index
    %get3A_10 = vector.load %arg3[%get3A_8, %get3A_9] : memref<16x2048xf32, #tpu.memory_space<vmem>>, vector<16x2048xf32>
    %get3A_11 = arith.constant 0 : index
    %get3A_12 = arith.constant 0 : index
    %get3A_13 = vector.load %arg4[%get3A_11, %get3A_12] : memref<1x16xi32, #tpu.memory_space<vmem>>, vector<1x16xi32>
    %iota3A = tpu.iota {dimensions = array<i32: 0>} : vector<50000x16xi32>
    %eq3A = vector.broadcast %get3A_13 : vector<1x16xi32> to vector<50000x16xi32>
    %eq3A_14 = arith.cmpi eq, %iota3A, %eq3A : vector<50000x16xi32>
    %convert_element_type3A = arith.extui %eq3A_14 : vector<50000x16xi1> to vector<50000x16xi32>
    %convert_element_type3A_15 = arith.sitofp %convert_element_type3A : vector<50000x16xi32> to vector<50000x16xf32>
    %get3A_16 = arith.constant 0 : index
    %get3A_17 = arith.constant 0 : index
    %get3A_18 = vector.load %arg5[%get3A_16, %get3A_17] : memref<3x50000xf32, #tpu.memory_space<vmem>>, vector<3x50000xf32>
    %convert_element_type3A_19 = arith.truncf %get3A_18 : vector<3x50000xf32> to vector<3x50000xbf16>
    %convert_element_type3A_20 = arith.extf %convert_element_type3A_19 : vector<3x50000xbf16> to vector<3x50000xf32>
    %sub3A = arith.subf %get3A_18, %convert_element_type3A_20 : vector<3x50000xf32>
    %dot_general3A = arith.constant dense<0.000000e+00> : vector<16x3xf32>
    %dot_general3A_21 = tpu.matmul %convert_element_type3A_15, %convert_element_type3A_20, %dot_general3A {dimension_numbers = #tpu.dot_dimension_numbers<[0], [1], [1], [0], [0, 1, 1, 0], [], []>, transpose_lhs_hint = false} : vector<50000x16xf32>, vector<3x50000xf32>, vector<16x3xf32> -> vector<16x3xf32>
    %dot_general3A_22 = arith.constant dense<0.000000e+00> : vector<16x3xf32>
    %dot_general3A_23 = tpu.matmul %convert_element_type3A_15, %sub3A, %dot_general3A_22 {dimension_numbers = #tpu.dot_dimension_numbers<[0], [1], [1], [0], [0, 1, 1, 0], [], []>, transpose_lhs_hint = false} : vector<50000x16xf32>, vector<3x50000xf32>, vector<16x3xf32> -> vector<16x3xf32>
    %add3A = arith.addf %dot_general3A_21, %dot_general3A_23 : vector<16x3xf32>
    %get3A_24 = arith.constant 0 : index
    %get3A_25 = arith.constant 0 : index
    %get3A_26 = vector.load %arg6[%get3A_24, %get3A_25] : memref<2x50000xf32, #tpu.memory_space<vmem>>, vector<2x50000xf32>
    %convert_element_type3A_27 = arith.truncf %get3A_26 : vector<2x50000xf32> to vector<2x50000xbf16>
    %convert_element_type3A_28 = arith.extf %convert_element_type3A_27 : vector<2x50000xbf16> to vector<2x50000xf32>
    %sub3A_29 = arith.subf %get3A_26, %convert_element_type3A_28 : vector<2x50000xf32>
    %dot_general3A_30 = arith.constant dense<0.000000e+00> : vector<16x2xf32>
    %dot_general3A_31 = tpu.matmul %convert_element_type3A_15, %convert_element_type3A_28, %dot_general3A_30 {dimension_numbers = #tpu.dot_dimension_numbers<[0], [1], [1], [0], [0, 1, 1, 0], [], []>, transpose_lhs_hint = false} : vector<50000x16xf32>, vector<2x50000xf32>, vector<16x2xf32> -> vector<16x2xf32>
    %dot_general3A_32 = arith.constant dense<0.000000e+00> : vector<16x2xf32>
    %dot_general3A_33 = tpu.matmul %convert_element_type3A_15, %sub3A_29, %dot_general3A_32 {dimension_numbers = #tpu.dot_dimension_numbers<[0], [1], [1], [0], [0, 1, 1, 0], [], []>, transpose_lhs_hint = false} : vector<50000x16xf32>, vector<2x50000xf32>, vector<16x2xf32> -> vector<16x2xf32>
    %add3A_34 = arith.addf %dot_general3A_31, %dot_general3A_33 : vector<16x2xf32>
    %iota3A_35 = tpu.iota {dimensions = array<i32: 0>} : vector<5x16x1xi32>
    %convert_element_type3A_36 = arith.sitofp %iota3A_35 : vector<5x16x1xi32> to vector<5x16x1xf32>
    %reshape3A = vector.shape_cast %convert_element_type3A_36 : vector<5x16x1xf32> to vector<80x1xf32>
    %sub3A_37 = arith.constant 2.000000e+00 : f32
    %sub3A_38 = vector.broadcast %sub3A_37 : f32 to vector<80x1xf32>
    %sub3A_39 = arith.subf %reshape3A, %sub3A_38 : vector<80x1xf32>
    %slice3A = vector.extract_strided_slice %add3A_34 {offsets = [0, 0], sizes = [16, 1], strides = [1, 1]} : vector<16x2xf32> to vector<16x1xf32>
    %broadcast_in_dim3A = vector.shape_cast %slice3A : vector<16x1xf32> to vector<1x16x1xf32>
    %broadcast_in_dim3A_40 = vector.shape_cast %broadcast_in_dim3A : vector<1x16x1xf32> to vector<1x16x1xf32>
    %broadcast_in_dim3A_41 = vector.broadcast %broadcast_in_dim3A_40 : vector<1x16x1xf32> to vector<5x16x1xf32>
    %reshape3A_42 = vector.shape_cast %broadcast_in_dim3A_41 : vector<5x16x1xf32> to vector<80x1xf32>
    %slice3A_43 = vector.extract_strided_slice %add3A_34 {offsets = [0, 1], sizes = [16, 1], strides = [1, 1]} : vector<16x2xf32> to vector<16x1xf32>
    %broadcast_in_dim3A_44 = vector.shape_cast %slice3A_43 : vector<16x1xf32> to vector<1x16x1xf32>
    %broadcast_in_dim3A_45 = vector.shape_cast %broadcast_in_dim3A_44 : vector<1x16x1xf32> to vector<1x16x1xf32>
    %broadcast_in_dim3A_46 = vector.broadcast %broadcast_in_dim3A_45 : vector<1x16x1xf32> to vector<5x16x1xf32>
    %reshape3A_47 = vector.shape_cast %broadcast_in_dim3A_46 : vector<5x16x1xf32> to vector<80x1xf32>
    %slice3A_48 = vector.extract_strided_slice %add3A {offsets = [0, 0], sizes = [16, 1], strides = [1, 1]} : vector<16x3xf32> to vector<16x1xf32>
    %broadcast_in_dim3A_49 = vector.shape_cast %slice3A_48 : vector<16x1xf32> to vector<1x16x1xf32>
    %broadcast_in_dim3A_50 = vector.shape_cast %broadcast_in_dim3A_49 : vector<1x16x1xf32> to vector<1x16x1xf32>
    %broadcast_in_dim3A_51 = vector.broadcast %broadcast_in_dim3A_50 : vector<1x16x1xf32> to vector<5x16x1xf32>
    %reshape3A_52 = vector.shape_cast %broadcast_in_dim3A_51 : vector<5x16x1xf32> to vector<80x1xf32>
    %neg3A = arith.constant 0.000000e+00 : f32
    %neg3A_53 = vector.broadcast %neg3A : f32 to vector<80x1xf32>
    %neg3A_54 = arith.subf %neg3A_53, %reshape3A_52 : vector<80x1xf32>
    %exp3A = math.exp %neg3A_54 : vector<80x1xf32>
    %add3A_55 = arith.constant 1.000000e+00 : f32
    %add3A_56 = vector.broadcast %add3A_55 : f32 to vector<80x1xf32>
    %add3A_57 = arith.addf %add3A_56, %exp3A : vector<80x1xf32>
    %div3A = arith.constant 1.000000e+00 : f32
    %div3A_58 = vector.broadcast %div3A : f32 to vector<80x1xf32>
    %div3A_59 = arith.divf %div3A_58, %add3A_57 : vector<80x1xf32>
    %slice3A_60 = vector.extract_strided_slice %add3A {offsets = [0, 1], sizes = [16, 1], strides = [1, 1]} : vector<16x3xf32> to vector<16x1xf32>
    %broadcast_in_dim3A_61 = vector.shape_cast %slice3A_60 : vector<16x1xf32> to vector<1x16x1xf32>
    %broadcast_in_dim3A_62 = vector.shape_cast %broadcast_in_dim3A_61 : vector<1x16x1xf32> to vector<1x16x1xf32>
    %broadcast_in_dim3A_63 = vector.broadcast %broadcast_in_dim3A_62 : vector<1x16x1xf32> to vector<5x16x1xf32>
    %reshape3A_64 = vector.shape_cast %broadcast_in_dim3A_63 : vector<5x16x1xf32> to vector<80x1xf32>
    %neg3A_65 = arith.constant 0.000000e+00 : f32
    %neg3A_66 = vector.broadcast %neg3A_65 : f32 to vector<80x1xf32>
    %neg3A_67 = arith.subf %neg3A_66, %reshape3A_64 : vector<80x1xf32>
    %exp3A_68 = math.exp %neg3A_67 : vector<80x1xf32>
    %add3A_69 = arith.constant 1.000000e+00 : f32
    %add3A_70 = vector.broadcast %add3A_69 : f32 to vector<80x1xf32>
    %add3A_71 = arith.addf %add3A_70, %exp3A_68 : vector<80x1xf32>
    %div3A_72 = arith.constant 1.000000e+00 : f32
    %div3A_73 = vector.broadcast %div3A_72 : f32 to vector<80x1xf32>
    %div3A_74 = arith.divf %div3A_73, %add3A_71 : vector<80x1xf32>
    %slice3A_75 = vector.extract_strided_slice %add3A {offsets = [0, 2], sizes = [16, 1], strides = [1, 1]} : vector<16x3xf32> to vector<16x1xf32>
    %broadcast_in_dim3A_76 = vector.shape_cast %slice3A_75 : vector<16x1xf32> to vector<1x16x1xf32>
    %broadcast_in_dim3A_77 = vector.shape_cast %broadcast_in_dim3A_76 : vector<1x16x1xf32> to vector<1x16x1xf32>
    %broadcast_in_dim3A_78 = vector.broadcast %broadcast_in_dim3A_77 : vector<1x16x1xf32> to vector<5x16x1xf32>
    %reshape3A_79 = vector.shape_cast %broadcast_in_dim3A_78 : vector<5x16x1xf32> to vector<80x1xf32>
    %neg3A_80 = arith.constant 0.000000e+00 : f32
    %neg3A_81 = vector.broadcast %neg3A_80 : f32 to vector<80x1xf32>
    %neg3A_82 = arith.subf %neg3A_81, %reshape3A_79 : vector<80x1xf32>
    %exp3A_83 = math.exp %neg3A_82 : vector<80x1xf32>
    %add3A_84 = arith.constant 1.000000e+00 : f32
    %add3A_85 = vector.broadcast %add3A_84 : f32 to vector<80x1xf32>
    %add3A_86 = arith.addf %add3A_85, %exp3A_83 : vector<80x1xf32>
    %div3A_87 = arith.constant 1.000000e+00 : f32
    %div3A_88 = vector.broadcast %div3A_87 : f32 to vector<80x1xf32>
    %div3A_89 = arith.divf %div3A_88, %add3A_86 : vector<80x1xf32>
    %broadcast_in_dim3A_90 = vector.shape_cast %get3A_7 : vector<16x2048xf32> to vector<1x16x2048xf32>
    %broadcast_in_dim3A_91 = vector.shape_cast %broadcast_in_dim3A_90 : vector<1x16x2048xf32> to vector<1x16x2048xf32>
    %broadcast_in_dim3A_92 = vector.broadcast %broadcast_in_dim3A_91 : vector<1x16x2048xf32> to vector<5x16x2048xf32>
    %reshape3A_93 = vector.shape_cast %broadcast_in_dim3A_92 : vector<5x16x2048xf32> to vector<80x2048xf32>
    %broadcast_in_dim3A_94 = vector.shape_cast %get3A_10 : vector<16x2048xf32> to vector<1x16x2048xf32>
    %broadcast_in_dim3A_95 = vector.shape_cast %broadcast_in_dim3A_94 : vector<1x16x2048xf32> to vector<1x16x2048xf32>
    %broadcast_in_dim3A_96 = vector.broadcast %broadcast_in_dim3A_95 : vector<1x16x2048xf32> to vector<5x16x2048xf32>
    %reshape3A_97 = vector.shape_cast %broadcast_in_dim3A_96 : vector<5x16x2048xf32> to vector<80x2048xf32>
    %add3A_98 = arith.addf %sub3A_39, %reshape3A_42 : vector<80x1xf32>
    %add3A_99 = vector.broadcast %add3A_98 : vector<80x1xf32> to vector<80x2048xf32>
    %add3A_100 = arith.addf %add3A_99, %reshape3A_93 : vector<80x2048xf32>
    %neg3A_101 = arith.constant 0.000000e+00 : f32
    %neg3A_102 = vector.broadcast %neg3A_101 : f32 to vector<80x2048xf32>
    %neg3A_103 = arith.subf %neg3A_102, %add3A_100 : vector<80x2048xf32>
    %exp3A_104 = math.exp %neg3A_103 : vector<80x2048xf32>
    %add3A_105 = arith.constant 1.000000e+00 : f32
    %add3A_106 = vector.broadcast %add3A_105 : f32 to vector<80x2048xf32>
    %add3A_107 = arith.addf %add3A_106, %exp3A_104 : vector<80x2048xf32>
    %div3A_108 = arith.constant 1.000000e+00 : f32
    %div3A_109 = vector.broadcast %div3A_108 : f32 to vector<80x2048xf32>
    %div3A_110 = arith.divf %div3A_109, %add3A_107 : vector<80x2048xf32>
    %add3A_111 = vector.broadcast %reshape3A_47 : vector<80x1xf32> to vector<80x2048xf32>
    %add3A_112 = arith.addf %add3A_111, %reshape3A_97 : vector<80x2048xf32>
    %sub3A_113 = vector.broadcast %sub3A_39 : vector<80x1xf32> to vector<80x2048xf32>
    %sub3A_114 = arith.subf %add3A_112, %sub3A_113 : vector<80x2048xf32>
    %neg3A_115 = arith.constant 0.000000e+00 : f32
    %neg3A_116 = vector.broadcast %neg3A_115 : f32 to vector<80x2048xf32>
    %neg3A_117 = arith.subf %neg3A_116, %sub3A_114 : vector<80x2048xf32>
    %exp3A_118 = math.exp %neg3A_117 : vector<80x2048xf32>
    %add3A_119 = arith.constant 1.000000e+00 : f32
    %add3A_120 = vector.broadcast %add3A_119 : f32 to vector<80x2048xf32>
    %add3A_121 = arith.addf %add3A_120, %exp3A_118 : vector<80x2048xf32>
    %div3A_122 = arith.constant 1.000000e+00 : f32
    %div3A_123 = vector.broadcast %div3A_122 : f32 to vector<80x2048xf32>
    %div3A_124 = arith.divf %div3A_123, %add3A_121 : vector<80x2048xf32>
    %eq3A_125 = arith.constant 1 : i32
    %eq3A_126 = vector.broadcast %eq3A_125 : i32 to vector<16x2048xi32>
    %eq3A_127 = arith.cmpi eq, %get3A_1, %eq3A_126 : vector<16x2048xi32>
    %broadcast_in_dim3A_128 = vector.shape_cast %eq3A_127 : vector<16x2048xi1> to vector<1x16x2048xi1>
    %broadcast_in_dim3A_129 = vector.shape_cast %broadcast_in_dim3A_128 : vector<1x16x2048xi1> to vector<1x16x2048xi1>
    %broadcast_in_dim3A_130 = vector.broadcast %broadcast_in_dim3A_129 : vector<1x16x2048xi1> to vector<5x16x2048xi1>
    %reshape3A_131 = vector.shape_cast %broadcast_in_dim3A_130 : vector<5x16x2048xi1> to vector<80x2048xi1>
    %sub3A_132 = arith.constant 1.000000e+00 : f32
    %sub3A_133 = vector.broadcast %sub3A_132 : f32 to vector<80x2048xf32>
    %sub3A_134 = arith.subf %sub3A_133, %div3A_110 : vector<80x2048xf32>
    %select_n3A = arith.select %reshape3A_131, %div3A_110, %sub3A_134 : vector<80x2048xi1>, vector<80x2048xf32>
    %sub3A_135 = arith.constant 1.000000e+00 : f32
    %sub3A_136 = vector.broadcast %sub3A_135 : f32 to vector<80x2048xf32>
    %sub3A_137 = arith.subf %sub3A_136, %div3A_124 : vector<80x2048xf32>
    %select_n3A_138 = arith.select %reshape3A_131, %div3A_124, %sub3A_137 : vector<80x2048xi1>, vector<80x2048xf32>
    %sub3A_139 = arith.constant 1.000000e+00 : f32
    %sub3A_140 = vector.broadcast %sub3A_139 : f32 to vector<80x1xf32>
    %sub3A_141 = arith.subf %sub3A_140, %div3A_59 : vector<80x1xf32>
    %mul3A = vector.broadcast %sub3A_141 : vector<80x1xf32> to vector<80x2048xf32>
    %mul3A_142 = arith.mulf %mul3A, %select_n3A : vector<80x2048xf32>
    %broadcast_in_dim3A_143 = arith.constant 1.000000e+00 : f32
    %broadcast_in_dim3A_144 = vector.broadcast %broadcast_in_dim3A_143 : f32 to vector<80x1xf32>
    %slice3A_145 = vector.extract_strided_slice %mul3A_142 {offsets = [0, 0], sizes = [80, 2047], strides = [1, 1]} : vector<80x2048xf32> to vector<80x2047xf32>
    %concatenate3A = tpu.concatenate %broadcast_in_dim3A_144, %slice3A_145 in 1 : vector<80x1xf32>, vector<80x2047xf32> -> vector<80x2048xf32>
    %mul3A_146 = vector.broadcast %div3A_74 : vector<80x1xf32> to vector<80x2048xf32>
    %mul3A_147 = arith.mulf %mul3A_146, %select_n3A_138 : vector<80x2048xf32>
    %broadcast_in_dim3A_148 = arith.constant 0.000000e+00 : f32
    %broadcast_in_dim3A_149 = vector.broadcast %broadcast_in_dim3A_148 : f32 to vector<80x1xf32>
    %slice3A_150 = vector.extract_strided_slice %mul3A_147 {offsets = [0, 0], sizes = [80, 2047], strides = [1, 1]} : vector<80x2048xf32> to vector<80x2047xf32>
    %concatenate3A_151 = tpu.concatenate %broadcast_in_dim3A_149, %slice3A_150 in 1 : vector<80x1xf32>, vector<80x2047xf32> -> vector<80x2048xf32>
    %mul3A_152 = vector.broadcast %div3A_59 : vector<80x1xf32> to vector<80x2048xf32>
    %mul3A_153 = arith.mulf %mul3A_152, %select_n3A : vector<80x2048xf32>
    %broadcast_in_dim3A_154 = arith.constant 0.000000e+00 : f32
    %broadcast_in_dim3A_155 = vector.broadcast %broadcast_in_dim3A_154 : f32 to vector<80x1xf32>
    %slice3A_156 = vector.extract_strided_slice %mul3A_153 {offsets = [0, 0], sizes = [80, 2047], strides = [1, 1]} : vector<80x2048xf32> to vector<80x2047xf32>
    %concatenate3A_157 = tpu.concatenate %broadcast_in_dim3A_155, %slice3A_156 in 1 : vector<80x1xf32>, vector<80x2047xf32> -> vector<80x2048xf32>
    %sub3A_158 = arith.constant 1.000000e+00 : f32
    %sub3A_159 = vector.broadcast %sub3A_158 : f32 to vector<80x1xf32>
    %sub3A_160 = arith.subf %sub3A_159, %div3A_74 : vector<80x1xf32>
    %mul3A_161 = vector.broadcast %sub3A_160 : vector<80x1xf32> to vector<80x2048xf32>
    %mul3A_162 = arith.mulf %mul3A_161, %select_n3A_138 : vector<80x2048xf32>
    %broadcast_in_dim3A_163 = arith.constant 1.000000e+00 : f32
    %broadcast_in_dim3A_164 = vector.broadcast %broadcast_in_dim3A_163 : f32 to vector<80x1xf32>
    %slice3A_165 = vector.extract_strided_slice %mul3A_162 {offsets = [0, 0], sizes = [80, 2047], strides = [1, 1]} : vector<80x2048xf32> to vector<80x2047xf32>
    %concatenate3A_166 = tpu.concatenate %broadcast_in_dim3A_164, %slice3A_165 in 1 : vector<80x1xf32>, vector<80x2047xf32> -> vector<80x2048xf32>
    %broadcast_in_dim3A_167 = arith.constant 1.000000e+00 : f32
    %broadcast_in_dim3A_168 = vector.broadcast %broadcast_in_dim3A_167 : f32 to vector<80x1xf32>
    %slice3A_169 = vector.extract_strided_slice %concatenate3A {offsets = [0, 0], sizes = [80, 2047], strides = [1, 1]} : vector<80x2048xf32> to vector<80x2047xf32>
    %concatenate3A_170 = tpu.concatenate %broadcast_in_dim3A_168, %slice3A_169 in 1 : vector<80x1xf32>, vector<80x2047xf32> -> vector<80x2048xf32>
    %broadcast_in_dim3A_171 = arith.constant 0.000000e+00 : f32
    %broadcast_in_dim3A_172 = vector.broadcast %broadcast_in_dim3A_171 : f32 to vector<80x1xf32>
    %slice3A_173 = vector.extract_strided_slice %concatenate3A_151 {offsets = [0, 0], sizes = [80, 2047], strides = [1, 1]} : vector<80x2048xf32> to vector<80x2047xf32>
    %concatenate3A_174 = tpu.concatenate %broadcast_in_dim3A_172, %slice3A_173 in 1 : vector<80x1xf32>, vector<80x2047xf32> -> vector<80x2048xf32>
    %broadcast_in_dim3A_175 = arith.constant 0.000000e+00 : f32
    %broadcast_in_dim3A_176 = vector.broadcast %broadcast_in_dim3A_175 : f32 to vector<80x1xf32>
    %slice3A_177 = vector.extract_strided_slice %concatenate3A_157 {offsets = [0, 0], sizes = [80, 2047], strides = [1, 1]} : vector<80x2048xf32> to vector<80x2047xf32>
    %concatenate3A_178 = tpu.concatenate %broadcast_in_dim3A_176, %slice3A_177 in 1 : vector<80x1xf32>, vector<80x2047xf32> -> vector<80x2048xf32>
    %broadcast_in_dim3A_179 = arith.constant 1.000000e+00 : f32
    %broadcast_in_dim3A_180 = vector.broadcast %broadcast_in_dim3A_179 : f32 to vector<80x1xf32>
    %slice3A_181 = vector.extract_strided_slice %concatenate3A_166 {offsets = [0, 0], sizes = [80, 2047], strides = [1, 1]} : vector<80x2048xf32> to vector<80x2047xf32>
    %concatenate3A_182 = tpu.concatenate %broadcast_in_dim3A_180, %slice3A_181 in 1 : vector<80x1xf32>, vector<80x2047xf32> -> vector<80x2048xf32>
    %mul3A_183 = arith.mulf %concatenate3A, %concatenate3A_170 : vector<80x2048xf32>
    %mul3A_184 = arith.mulf %concatenate3A_151, %concatenate3A_178 : vector<80x2048xf32>
    %add3A_185 = arith.addf %mul3A_183, %mul3A_184 : vector<80x2048xf32>
    %mul3A_186 = arith.mulf %concatenate3A, %concatenate3A_174 : vector<80x2048xf32>
    %mul3A_187 = arith.mulf %concatenate3A_151, %concatenate3A_182 : vector<80x2048xf32>
    %add3A_188 = arith.addf %mul3A_186, %mul3A_187 : vector<80x2048xf32>
    %mul3A_189 = arith.mulf %concatenate3A_157, %concatenate3A_170 : vector<80x2048xf32>
    %mul3A_190 = arith.mulf %concatenate3A_166, %concatenate3A_178 : vector<80x2048xf32>
    %add3A_191 = arith.addf %mul3A_189, %mul3A_190 : vector<80x2048xf32>
    %mul3A_192 = arith.mulf %concatenate3A_157, %concatenate3A_174 : vector<80x2048xf32>
    %mul3A_193 = arith.mulf %concatenate3A_166, %concatenate3A_182 : vector<80x2048xf32>
    %add3A_194 = arith.addf %mul3A_192, %mul3A_193 : vector<80x2048xf32>
    %add3A_195 = arith.addf %add3A_185, %add3A_188 : vector<80x2048xf32>
    %add3A_196 = arith.addf %add3A_195, %add3A_191 : vector<80x2048xf32>
    %add3A_197 = arith.addf %add3A_196, %add3A_194 : vector<80x2048xf32>
    %div3A_198 = arith.constant 1.000000e+00 : f32
    %div3A_199 = vector.broadcast %div3A_198 : f32 to vector<80x2048xf32>
    %div3A_200 = arith.divf %div3A_199, %add3A_197 : vector<80x2048xf32>
    %mul3A_201 = arith.mulf %add3A_185, %div3A_200 : vector<80x2048xf32>
    %mul3A_202 = arith.mulf %add3A_188, %div3A_200 : vector<80x2048xf32>
    %mul3A_203 = arith.mulf %add3A_191, %div3A_200 : vector<80x2048xf32>
    %mul3A_204 = arith.mulf %add3A_194, %div3A_200 : vector<80x2048xf32>
    %broadcast_in_dim3A_205 = arith.constant 1.000000e+00 : f32
    %broadcast_in_dim3A_206 = vector.broadcast %broadcast_in_dim3A_205 : f32 to vector<80x2xf32>
    %slice3A_207 = vector.extract_strided_slice %mul3A_201 {offsets = [0, 0], sizes = [80, 2046], strides = [1, 1]} : vector<80x2048xf32> to vector<80x2046xf32>
    %concatenate3A_208 = tpu.concatenate %broadcast_in_dim3A_206, %slice3A_207 in 1 : vector<80x2xf32>, vector<80x2046xf32> -> vector<80x2048xf32>
    %broadcast_in_dim3A_209 = arith.constant 0.000000e+00 : f32
    %broadcast_in_dim3A_210 = vector.broadcast %broadcast_in_dim3A_209 : f32 to vector<80x2xf32>
    %slice3A_211 = vector.extract_strided_slice %mul3A_202 {offsets = [0, 0], sizes = [80, 2046], strides = [1, 1]} : vector<80x2048xf32> to vector<80x2046xf32>
    %concatenate3A_212 = tpu.concatenate %broadcast_in_dim3A_210, %slice3A_211 in 1 : vector<80x2xf32>, vector<80x2046xf32> -> vector<80x2048xf32>
    %broadcast_in_dim3A_213 = arith.constant 0.000000e+00 : f32
    %broadcast_in_dim3A_214 = vector.broadcast %broadcast_in_dim3A_213 : f32 to vector<80x2xf32>
    %slice3A_215 = vector.extract_strided_slice %mul3A_203 {offsets = [0, 0], sizes = [80, 2046], strides = [1, 1]} : vector<80x2048xf32> to vector<80x2046xf32>
    %concatenate3A_216 = tpu.concatenate %broadcast_in_dim3A_214, %slice3A_215 in 1 : vector<80x2xf32>, vector<80x2046xf32> -> vector<80x2048xf32>
    %broadcast_in_dim3A_217 = arith.constant 1.000000e+00 : f32
    %broadcast_in_dim3A_218 = vector.broadcast %broadcast_in_dim3A_217 : f32 to vector<80x2xf32>
    %slice3A_219 = vector.extract_strided_slice %mul3A_204 {offsets = [0, 0], sizes = [80, 2046], strides = [1, 1]} : vector<80x2048xf32> to vector<80x2046xf32>
    %concatenate3A_220 = tpu.concatenate %broadcast_in_dim3A_218, %slice3A_219 in 1 : vector<80x2xf32>, vector<80x2046xf32> -> vector<80x2048xf32>
    %mul3A_221 = arith.mulf %mul3A_201, %concatenate3A_208 : vector<80x2048xf32>
    %mul3A_222 = arith.mulf %mul3A_202, %concatenate3A_216 : vector<80x2048xf32>
    %add3A_223 = arith.addf %mul3A_221, %mul3A_222 : vector<80x2048xf32>
    %mul3A_224 = arith.mulf %mul3A_201, %concatenate3A_212 : vector<80x2048xf32>
    %mul3A_225 = arith.mulf %mul3A_202, %concatenate3A_220 : vector<80x2048xf32>
    %add3A_226 = arith.addf %mul3A_224, %mul3A_225 : vector<80x2048xf32>
    %mul3A_227 = arith.mulf %mul3A_203, %concatenate3A_208 : vector<80x2048xf32>
    %mul3A_228 = arith.mulf %mul3A_204, %concatenate3A_216 : vector<80x2048xf32>
    %add3A_229 = arith.addf %mul3A_227, %mul3A_228 : vector<80x2048xf32>
    %mul3A_230 = arith.mulf %mul3A_203, %concatenate3A_212 : vector<80x2048xf32>
    %mul3A_231 = arith.mulf %mul3A_204, %concatenate3A_220 : vector<80x2048xf32>
    %add3A_232 = arith.addf %mul3A_230, %mul3A_231 : vector<80x2048xf32>
    %add3A_233 = arith.addf %add3A_223, %add3A_226 : vector<80x2048xf32>
    %add3A_234 = arith.addf %add3A_233, %add3A_229 : vector<80x2048xf32>
    %add3A_235 = arith.addf %add3A_234, %add3A_232 : vector<80x2048xf32>
    %div3A_236 = arith.constant 1.000000e+00 : f32
    %div3A_237 = vector.broadcast %div3A_236 : f32 to vector<80x2048xf32>
    %div3A_238 = arith.divf %div3A_237, %add3A_235 : vector<80x2048xf32>
    %mul3A_239 = arith.mulf %add3A_223, %div3A_238 : vector<80x2048xf32>
    %mul3A_240 = arith.mulf %add3A_226, %div3A_238 : vector<80x2048xf32>
    %mul3A_241 = arith.mulf %add3A_229, %div3A_238 : vector<80x2048xf32>
    %mul3A_242 = arith.mulf %add3A_232, %div3A_238 : vector<80x2048xf32>
    %broadcast_in_dim3A_243 = arith.constant 1.000000e+00 : f32
    %broadcast_in_dim3A_244 = vector.broadcast %broadcast_in_dim3A_243 : f32 to vector<80x4xf32>
    %slice3A_245 = vector.extract_strided_slice %mul3A_239 {offsets = [0, 0], sizes = [80, 2044], strides = [1, 1]} : vector<80x2048xf32> to vector<80x2044xf32>
    %concatenate3A_246 = tpu.concatenate %broadcast_in_dim3A_244, %slice3A_245 in 1 : vector<80x4xf32>, vector<80x2044xf32> -> vector<80x2048xf32>
    %broadcast_in_dim3A_247 = arith.constant 0.000000e+00 : f32
    %broadcast_in_dim3A_248 = vector.broadcast %broadcast_in_dim3A_247 : f32 to vector<80x4xf32>
    %slice3A_249 = vector.extract_strided_slice %mul3A_240 {offsets = [0, 0], sizes = [80, 2044], strides = [1, 1]} : vector<80x2048xf32> to vector<80x2044xf32>
    %concatenate3A_250 = tpu.concatenate %broadcast_in_dim3A_248, %slice3A_249 in 1 : vector<80x4xf32>, vector<80x2044xf32> -> vector<80x2048xf32>
    %broadcast_in_dim3A_251 = arith.constant 0.000000e+00 : f32
    %broadcast_in_dim3A_252 = vector.broadcast %broadcast_in_dim3A_251 : f32 to vector<80x4xf32>
    %slice3A_253 = vector.extract_strided_slice %mul3A_241 {offsets = [0, 0], sizes = [80, 2044], strides = [1, 1]} : vector<80x2048xf32> to vector<80x2044xf32>
    %concatenate3A_254 = tpu.concatenate %broadcast_in_dim3A_252, %slice3A_253 in 1 : vector<80x4xf32>, vector<80x2044xf32> -> vector<80x2048xf32>
    %broadcast_in_dim3A_255 = arith.constant 1.000000e+00 : f32
    %broadcast_in_dim3A_256 = vector.broadcast %broadcast_in_dim3A_255 : f32 to vector<80x4xf32>
    %slice3A_257 = vector.extract_strided_slice %mul3A_242 {offsets = [0, 0], sizes = [80, 2044], strides = [1, 1]} : vector<80x2048xf32> to vector<80x2044xf32>
    %concatenate3A_258 = tpu.concatenate %broadcast_in_dim3A_256, %slice3A_257 in 1 : vector<80x4xf32>, vector<80x2044xf32> -> vector<80x2048xf32>
    %mul3A_259 = arith.mulf %mul3A_239, %concatenate3A_246 : vector<80x2048xf32>
    %mul3A_260 = arith.mulf %mul3A_240, %concatenate3A_254 : vector<80x2048xf32>
    %add3A_261 = arith.addf %mul3A_259, %mul3A_260 : vector<80x2048xf32>
    %mul3A_262 = arith.mulf %mul3A_239, %concatenate3A_250 : vector<80x2048xf32>
    %mul3A_263 = arith.mulf %mul3A_240, %concatenate3A_258 : vector<80x2048xf32>
    %add3A_264 = arith.addf %mul3A_262, %mul3A_263 : vector<80x2048xf32>
    %mul3A_265 = arith.mulf %mul3A_241, %concatenate3A_246 : vector<80x2048xf32>
    %mul3A_266 = arith.mulf %mul3A_242, %concatenate3A_254 : vector<80x2048xf32>
    %add3A_267 = arith.addf %mul3A_265, %mul3A_266 : vector<80x2048xf32>
    %mul3A_268 = arith.mulf %mul3A_241, %concatenate3A_250 : vector<80x2048xf32>
    %mul3A_269 = arith.mulf %mul3A_242, %concatenate3A_258 : vector<80x2048xf32>
    %add3A_270 = arith.addf %mul3A_268, %mul3A_269 : vector<80x2048xf32>
    %add3A_271 = arith.addf %add3A_261, %add3A_264 : vector<80x2048xf32>
    %add3A_272 = arith.addf %add3A_271, %add3A_267 : vector<80x2048xf32>
    %add3A_273 = arith.addf %add3A_272, %add3A_270 : vector<80x2048xf32>
    %div3A_274 = arith.constant 1.000000e+00 : f32
    %div3A_275 = vector.broadcast %div3A_274 : f32 to vector<80x2048xf32>
    %div3A_276 = arith.divf %div3A_275, %add3A_273 : vector<80x2048xf32>
    %mul3A_277 = arith.mulf %add3A_261, %div3A_276 : vector<80x2048xf32>
    %mul3A_278 = arith.mulf %add3A_264, %div3A_276 : vector<80x2048xf32>
    %mul3A_279 = arith.mulf %add3A_267, %div3A_276 : vector<80x2048xf32>
    %mul3A_280 = arith.mulf %add3A_270, %div3A_276 : vector<80x2048xf32>
    %broadcast_in_dim3A_281 = arith.constant 1.000000e+00 : f32
    %broadcast_in_dim3A_282 = vector.broadcast %broadcast_in_dim3A_281 : f32 to vector<80x8xf32>
    %slice3A_283 = vector.extract_strided_slice %mul3A_277 {offsets = [0, 0], sizes = [80, 2040], strides = [1, 1]} : vector<80x2048xf32> to vector<80x2040xf32>
    %concatenate3A_284 = tpu.concatenate %broadcast_in_dim3A_282, %slice3A_283 in 1 : vector<80x8xf32>, vector<80x2040xf32> -> vector<80x2048xf32>
    %broadcast_in_dim3A_285 = arith.constant 0.000000e+00 : f32
    %broadcast_in_dim3A_286 = vector.broadcast %broadcast_in_dim3A_285 : f32 to vector<80x8xf32>
    %slice3A_287 = vector.extract_strided_slice %mul3A_278 {offsets = [0, 0], sizes = [80, 2040], strides = [1, 1]} : vector<80x2048xf32> to vector<80x2040xf32>
    %concatenate3A_288 = tpu.concatenate %broadcast_in_dim3A_286, %slice3A_287 in 1 : vector<80x8xf32>, vector<80x2040xf32> -> vector<80x2048xf32>
    %broadcast_in_dim3A_289 = arith.constant 0.000000e+00 : f32
    %broadcast_in_dim3A_290 = vector.broadcast %broadcast_in_dim3A_289 : f32 to vector<80x8xf32>
    %slice3A_291 = vector.extract_strided_slice %mul3A_279 {offsets = [0, 0], sizes = [80, 2040], strides = [1, 1]} : vector<80x2048xf32> to vector<80x2040xf32>
    %concatenate3A_292 = tpu.concatenate %broadcast_in_dim3A_290, %slice3A_291 in 1 : vector<80x8xf32>, vector<80x2040xf32> -> vector<80x2048xf32>
    %broadcast_in_dim3A_293 = arith.constant 1.000000e+00 : f32
    %broadcast_in_dim3A_294 = vector.broadcast %broadcast_in_dim3A_293 : f32 to vector<80x8xf32>
    %slice3A_295 = vector.extract_strided_slice %mul3A_280 {offsets = [0, 0], sizes = [80, 2040], strides = [1, 1]} : vector<80x2048xf32> to vector<80x2040xf32>
    %concatenate3A_296 = tpu.concatenate %broadcast_in_dim3A_294, %slice3A_295 in 1 : vector<80x8xf32>, vector<80x2040xf32> -> vector<80x2048xf32>
    %mul3A_297 = arith.mulf %mul3A_277, %concatenate3A_284 : vector<80x2048xf32>
    %mul3A_298 = arith.mulf %mul3A_278, %concatenate3A_292 : vector<80x2048xf32>
    %add3A_299 = arith.addf %mul3A_297, %mul3A_298 : vector<80x2048xf32>
    %mul3A_300 = arith.mulf %mul3A_277, %concatenate3A_288 : vector<80x2048xf32>
    %mul3A_301 = arith.mulf %mul3A_278, %concatenate3A_296 : vector<80x2048xf32>
    %add3A_302 = arith.addf %mul3A_300, %mul3A_301 : vector<80x2048xf32>
    %mul3A_303 = arith.mulf %mul3A_279, %concatenate3A_284 : vector<80x2048xf32>
    %mul3A_304 = arith.mulf %mul3A_280, %concatenate3A_292 : vector<80x2048xf32>
    %add3A_305 = arith.addf %mul3A_303, %mul3A_304 : vector<80x2048xf32>
    %mul3A_306 = arith.mulf %mul3A_279, %concatenate3A_288 : vector<80x2048xf32>
    %mul3A_307 = arith.mulf %mul3A_280, %concatenate3A_296 : vector<80x2048xf32>
    %add3A_308 = arith.addf %mul3A_306, %mul3A_307 : vector<80x2048xf32>
    %add3A_309 = arith.addf %add3A_299, %add3A_302 : vector<80x2048xf32>
    %add3A_310 = arith.addf %add3A_309, %add3A_305 : vector<80x2048xf32>
    %add3A_311 = arith.addf %add3A_310, %add3A_308 : vector<80x2048xf32>
    %div3A_312 = arith.constant 1.000000e+00 : f32
    %div3A_313 = vector.broadcast %div3A_312 : f32 to vector<80x2048xf32>
    %div3A_314 = arith.divf %div3A_313, %add3A_311 : vector<80x2048xf32>
    %mul3A_315 = arith.mulf %add3A_299, %div3A_314 : vector<80x2048xf32>
    %mul3A_316 = arith.mulf %add3A_302, %div3A_314 : vector<80x2048xf32>
    %mul3A_317 = arith.mulf %add3A_305, %div3A_314 : vector<80x2048xf32>
    %mul3A_318 = arith.mulf %add3A_308, %div3A_314 : vector<80x2048xf32>
    %broadcast_in_dim3A_319 = arith.constant 1.000000e+00 : f32
    %broadcast_in_dim3A_320 = vector.broadcast %broadcast_in_dim3A_319 : f32 to vector<80x16xf32>
    %slice3A_321 = vector.extract_strided_slice %mul3A_315 {offsets = [0, 0], sizes = [80, 2032], strides = [1, 1]} : vector<80x2048xf32> to vector<80x2032xf32>
    %concatenate3A_322 = tpu.concatenate %broadcast_in_dim3A_320, %slice3A_321 in 1 : vector<80x16xf32>, vector<80x2032xf32> -> vector<80x2048xf32>
    %broadcast_in_dim3A_323 = arith.constant 0.000000e+00 : f32
    %broadcast_in_dim3A_324 = vector.broadcast %broadcast_in_dim3A_323 : f32 to vector<80x16xf32>
    %slice3A_325 = vector.extract_strided_slice %mul3A_316 {offsets = [0, 0], sizes = [80, 2032], strides = [1, 1]} : vector<80x2048xf32> to vector<80x2032xf32>
    %concatenate3A_326 = tpu.concatenate %broadcast_in_dim3A_324, %slice3A_325 in 1 : vector<80x16xf32>, vector<80x2032xf32> -> vector<80x2048xf32>
    %broadcast_in_dim3A_327 = arith.constant 0.000000e+00 : f32
    %broadcast_in_dim3A_328 = vector.broadcast %broadcast_in_dim3A_327 : f32 to vector<80x16xf32>
    %slice3A_329 = vector.extract_strided_slice %mul3A_317 {offsets = [0, 0], sizes = [80, 2032], strides = [1, 1]} : vector<80x2048xf32> to vector<80x2032xf32>
    %concatenate3A_330 = tpu.concatenate %broadcast_in_dim3A_328, %slice3A_329 in 1 : vector<80x16xf32>, vector<80x2032xf32> -> vector<80x2048xf32>
    %broadcast_in_dim3A_331 = arith.constant 1.000000e+00 : f32
    %broadcast_in_dim3A_332 = vector.broadcast %broadcast_in_dim3A_331 : f32 to vector<80x16xf32>
    %slice3A_333 = vector.extract_strided_slice %mul3A_318 {offsets = [0, 0], sizes = [80, 2032], strides = [1, 1]} : vector<80x2048xf32> to vector<80x2032xf32>
    %concatenate3A_334 = tpu.concatenate %broadcast_in_dim3A_332, %slice3A_333 in 1 : vector<80x16xf32>, vector<80x2032xf32> -> vector<80x2048xf32>
    %mul3A_335 = arith.mulf %mul3A_315, %concatenate3A_322 : vector<80x2048xf32>
    %mul3A_336 = arith.mulf %mul3A_316, %concatenate3A_330 : vector<80x2048xf32>
    %add3A_337 = arith.addf %mul3A_335, %mul3A_336 : vector<80x2048xf32>
    %mul3A_338 = arith.mulf %mul3A_315, %concatenate3A_326 : vector<80x2048xf32>
    %mul3A_339 = arith.mulf %mul3A_316, %concatenate3A_334 : vector<80x2048xf32>
    %add3A_340 = arith.addf %mul3A_338, %mul3A_339 : vector<80x2048xf32>
    %mul3A_341 = arith.mulf %mul3A_317, %concatenate3A_322 : vector<80x2048xf32>
    %mul3A_342 = arith.mulf %mul3A_318, %concatenate3A_330 : vector<80x2048xf32>
    %add3A_343 = arith.addf %mul3A_341, %mul3A_342 : vector<80x2048xf32>
    %mul3A_344 = arith.mulf %mul3A_317, %concatenate3A_326 : vector<80x2048xf32>
    %mul3A_345 = arith.mulf %mul3A_318, %concatenate3A_334 : vector<80x2048xf32>
    %add3A_346 = arith.addf %mul3A_344, %mul3A_345 : vector<80x2048xf32>
    %add3A_347 = arith.addf %add3A_337, %add3A_340 : vector<80x2048xf32>
    %add3A_348 = arith.addf %add3A_347, %add3A_343 : vector<80x2048xf32>
    %add3A_349 = arith.addf %add3A_348, %add3A_346 : vector<80x2048xf32>
    %div3A_350 = arith.constant 1.000000e+00 : f32
    %div3A_351 = vector.broadcast %div3A_350 : f32 to vector<80x2048xf32>
    %div3A_352 = arith.divf %div3A_351, %add3A_349 : vector<80x2048xf32>
    %mul3A_353 = arith.mulf %add3A_337, %div3A_352 : vector<80x2048xf32>
    %mul3A_354 = arith.mulf %add3A_340, %div3A_352 : vector<80x2048xf32>
    %mul3A_355 = arith.mulf %add3A_343, %div3A_352 : vector<80x2048xf32>
    %mul3A_356 = arith.mulf %add3A_346, %div3A_352 : vector<80x2048xf32>
    %broadcast_in_dim3A_357 = arith.constant 1.000000e+00 : f32
    %broadcast_in_dim3A_358 = vector.broadcast %broadcast_in_dim3A_357 : f32 to vector<80x32xf32>
    %slice3A_359 = vector.extract_strided_slice %mul3A_353 {offsets = [0, 0], sizes = [80, 2016], strides = [1, 1]} : vector<80x2048xf32> to vector<80x2016xf32>
    %concatenate3A_360 = tpu.concatenate %broadcast_in_dim3A_358, %slice3A_359 in 1 : vector<80x32xf32>, vector<80x2016xf32> -> vector<80x2048xf32>
    %broadcast_in_dim3A_361 = arith.constant 0.000000e+00 : f32
    %broadcast_in_dim3A_362 = vector.broadcast %broadcast_in_dim3A_361 : f32 to vector<80x32xf32>
    %slice3A_363 = vector.extract_strided_slice %mul3A_354 {offsets = [0, 0], sizes = [80, 2016], strides = [1, 1]} : vector<80x2048xf32> to vector<80x2016xf32>
    %concatenate3A_364 = tpu.concatenate %broadcast_in_dim3A_362, %slice3A_363 in 1 : vector<80x32xf32>, vector<80x2016xf32> -> vector<80x2048xf32>
    %broadcast_in_dim3A_365 = arith.constant 0.000000e+00 : f32
    %broadcast_in_dim3A_366 = vector.broadcast %broadcast_in_dim3A_365 : f32 to vector<80x32xf32>
    %slice3A_367 = vector.extract_strided_slice %mul3A_355 {offsets = [0, 0], sizes = [80, 2016], strides = [1, 1]} : vector<80x2048xf32> to vector<80x2016xf32>
    %concatenate3A_368 = tpu.concatenate %broadcast_in_dim3A_366, %slice3A_367 in 1 : vector<80x32xf32>, vector<80x2016xf32> -> vector<80x2048xf32>
    %broadcast_in_dim3A_369 = arith.constant 1.000000e+00 : f32
    %broadcast_in_dim3A_370 = vector.broadcast %broadcast_in_dim3A_369 : f32 to vector<80x32xf32>
    %slice3A_371 = vector.extract_strided_slice %mul3A_356 {offsets = [0, 0], sizes = [80, 2016], strides = [1, 1]} : vector<80x2048xf32> to vector<80x2016xf32>
    %concatenate3A_372 = tpu.concatenate %broadcast_in_dim3A_370, %slice3A_371 in 1 : vector<80x32xf32>, vector<80x2016xf32> -> vector<80x2048xf32>
    %mul3A_373 = arith.mulf %mul3A_353, %concatenate3A_360 : vector<80x2048xf32>
    %mul3A_374 = arith.mulf %mul3A_354, %concatenate3A_368 : vector<80x2048xf32>
    %add3A_375 = arith.addf %mul3A_373, %mul3A_374 : vector<80x2048xf32>
    %mul3A_376 = arith.mulf %mul3A_353, %concatenate3A_364 : vector<80x2048xf32>
    %mul3A_377 = arith.mulf %mul3A_354, %concatenate3A_372 : vector<80x2048xf32>
    %add3A_378 = arith.addf %mul3A_376, %mul3A_377 : vector<80x2048xf32>
    %mul3A_379 = arith.mulf %mul3A_355, %concatenate3A_360 : vector<80x2048xf32>
    %mul3A_380 = arith.mulf %mul3A_356, %concatenate3A_368 : vector<80x2048xf32>
    %add3A_381 = arith.addf %mul3A_379, %mul3A_380 : vector<80x2048xf32>
    %mul3A_382 = arith.mulf %mul3A_355, %concatenate3A_364 : vector<80x2048xf32>
    %mul3A_383 = arith.mulf %mul3A_356, %concatenate3A_372 : vector<80x2048xf32>
    %add3A_384 = arith.addf %mul3A_382, %mul3A_383 : vector<80x2048xf32>
    %add3A_385 = arith.addf %add3A_375, %add3A_378 : vector<80x2048xf32>
    %add3A_386 = arith.addf %add3A_385, %add3A_381 : vector<80x2048xf32>
    %add3A_387 = arith.addf %add3A_386, %add3A_384 : vector<80x2048xf32>
    %div3A_388 = arith.constant 1.000000e+00 : f32
    %div3A_389 = vector.broadcast %div3A_388 : f32 to vector<80x2048xf32>
    %div3A_390 = arith.divf %div3A_389, %add3A_387 : vector<80x2048xf32>
    %mul3A_391 = arith.mulf %add3A_375, %div3A_390 : vector<80x2048xf32>
    %mul3A_392 = arith.mulf %add3A_378, %div3A_390 : vector<80x2048xf32>
    %mul3A_393 = arith.mulf %add3A_381, %div3A_390 : vector<80x2048xf32>
    %mul3A_394 = arith.mulf %add3A_384, %div3A_390 : vector<80x2048xf32>
    %broadcast_in_dim3A_395 = arith.constant 1.000000e+00 : f32
    %broadcast_in_dim3A_396 = vector.broadcast %broadcast_in_dim3A_395 : f32 to vector<80x64xf32>
    %slice3A_397 = vector.extract_strided_slice %mul3A_391 {offsets = [0, 0], sizes = [80, 1984], strides = [1, 1]} : vector<80x2048xf32> to vector<80x1984xf32>
    %concatenate3A_398 = tpu.concatenate %broadcast_in_dim3A_396, %slice3A_397 in 1 : vector<80x64xf32>, vector<80x1984xf32> -> vector<80x2048xf32>
    %broadcast_in_dim3A_399 = arith.constant 0.000000e+00 : f32
    %broadcast_in_dim3A_400 = vector.broadcast %broadcast_in_dim3A_399 : f32 to vector<80x64xf32>
    %slice3A_401 = vector.extract_strided_slice %mul3A_392 {offsets = [0, 0], sizes = [80, 1984], strides = [1, 1]} : vector<80x2048xf32> to vector<80x1984xf32>
    %concatenate3A_402 = tpu.concatenate %broadcast_in_dim3A_400, %slice3A_401 in 1 : vector<80x64xf32>, vector<80x1984xf32> -> vector<80x2048xf32>
    %broadcast_in_dim3A_403 = arith.constant 0.000000e+00 : f32
    %broadcast_in_dim3A_404 = vector.broadcast %broadcast_in_dim3A_403 : f32 to vector<80x64xf32>
    %slice3A_405 = vector.extract_strided_slice %mul3A_393 {offsets = [0, 0], sizes = [80, 1984], strides = [1, 1]} : vector<80x2048xf32> to vector<80x1984xf32>
    %concatenate3A_406 = tpu.concatenate %broadcast_in_dim3A_404, %slice3A_405 in 1 : vector<80x64xf32>, vector<80x1984xf32> -> vector<80x2048xf32>
    %broadcast_in_dim3A_407 = arith.constant 1.000000e+00 : f32
    %broadcast_in_dim3A_408 = vector.broadcast %broadcast_in_dim3A_407 : f32 to vector<80x64xf32>
    %slice3A_409 = vector.extract_strided_slice %mul3A_394 {offsets = [0, 0], sizes = [80, 1984], strides = [1, 1]} : vector<80x2048xf32> to vector<80x1984xf32>
    %concatenate3A_410 = tpu.concatenate %broadcast_in_dim3A_408, %slice3A_409 in 1 : vector<80x64xf32>, vector<80x1984xf32> -> vector<80x2048xf32>
    %mul3A_411 = arith.mulf %mul3A_391, %concatenate3A_398 : vector<80x2048xf32>
    %mul3A_412 = arith.mulf %mul3A_392, %concatenate3A_406 : vector<80x2048xf32>
    %add3A_413 = arith.addf %mul3A_411, %mul3A_412 : vector<80x2048xf32>
    %mul3A_414 = arith.mulf %mul3A_391, %concatenate3A_402 : vector<80x2048xf32>
    %mul3A_415 = arith.mulf %mul3A_392, %concatenate3A_410 : vector<80x2048xf32>
    %add3A_416 = arith.addf %mul3A_414, %mul3A_415 : vector<80x2048xf32>
    %mul3A_417 = arith.mulf %mul3A_393, %concatenate3A_398 : vector<80x2048xf32>
    %mul3A_418 = arith.mulf %mul3A_394, %concatenate3A_406 : vector<80x2048xf32>
    %add3A_419 = arith.addf %mul3A_417, %mul3A_418 : vector<80x2048xf32>
    %mul3A_420 = arith.mulf %mul3A_393, %concatenate3A_402 : vector<80x2048xf32>
    %mul3A_421 = arith.mulf %mul3A_394, %concatenate3A_410 : vector<80x2048xf32>
    %add3A_422 = arith.addf %mul3A_420, %mul3A_421 : vector<80x2048xf32>
    %add3A_423 = arith.addf %add3A_413, %add3A_416 : vector<80x2048xf32>
    %add3A_424 = arith.addf %add3A_423, %add3A_419 : vector<80x2048xf32>
    %add3A_425 = arith.addf %add3A_424, %add3A_422 : vector<80x2048xf32>
    %div3A_426 = arith.constant 1.000000e+00 : f32
    %div3A_427 = vector.broadcast %div3A_426 : f32 to vector<80x2048xf32>
    %div3A_428 = arith.divf %div3A_427, %add3A_425 : vector<80x2048xf32>
    %mul3A_429 = arith.mulf %add3A_413, %div3A_428 : vector<80x2048xf32>
    %mul3A_430 = arith.mulf %add3A_416, %div3A_428 : vector<80x2048xf32>
    %mul3A_431 = arith.mulf %add3A_419, %div3A_428 : vector<80x2048xf32>
    %mul3A_432 = arith.mulf %add3A_422, %div3A_428 : vector<80x2048xf32>
    %broadcast_in_dim3A_433 = arith.constant 1.000000e+00 : f32
    %broadcast_in_dim3A_434 = vector.broadcast %broadcast_in_dim3A_433 : f32 to vector<80x128xf32>
    %slice3A_435 = vector.extract_strided_slice %mul3A_429 {offsets = [0, 0], sizes = [80, 1920], strides = [1, 1]} : vector<80x2048xf32> to vector<80x1920xf32>
    %concatenate3A_436 = tpu.concatenate %broadcast_in_dim3A_434, %slice3A_435 in 1 : vector<80x128xf32>, vector<80x1920xf32> -> vector<80x2048xf32>
    %broadcast_in_dim3A_437 = arith.constant 0.000000e+00 : f32
    %broadcast_in_dim3A_438 = vector.broadcast %broadcast_in_dim3A_437 : f32 to vector<80x128xf32>
    %slice3A_439 = vector.extract_strided_slice %mul3A_430 {offsets = [0, 0], sizes = [80, 1920], strides = [1, 1]} : vector<80x2048xf32> to vector<80x1920xf32>
    %concatenate3A_440 = tpu.concatenate %broadcast_in_dim3A_438, %slice3A_439 in 1 : vector<80x128xf32>, vector<80x1920xf32> -> vector<80x2048xf32>
    %broadcast_in_dim3A_441 = arith.constant 0.000000e+00 : f32
    %broadcast_in_dim3A_442 = vector.broadcast %broadcast_in_dim3A_441 : f32 to vector<80x128xf32>
    %slice3A_443 = vector.extract_strided_slice %mul3A_431 {offsets = [0, 0], sizes = [80, 1920], strides = [1, 1]} : vector<80x2048xf32> to vector<80x1920xf32>
    %concatenate3A_444 = tpu.concatenate %broadcast_in_dim3A_442, %slice3A_443 in 1 : vector<80x128xf32>, vector<80x1920xf32> -> vector<80x2048xf32>
    %broadcast_in_dim3A_445 = arith.constant 1.000000e+00 : f32
    %broadcast_in_dim3A_446 = vector.broadcast %broadcast_in_dim3A_445 : f32 to vector<80x128xf32>
    %slice3A_447 = vector.extract_strided_slice %mul3A_432 {offsets = [0, 0], sizes = [80, 1920], strides = [1, 1]} : vector<80x2048xf32> to vector<80x1920xf32>
    %concatenate3A_448 = tpu.concatenate %broadcast_in_dim3A_446, %slice3A_447 in 1 : vector<80x128xf32>, vector<80x1920xf32> -> vector<80x2048xf32>
    %mul3A_449 = arith.mulf %mul3A_429, %concatenate3A_436 : vector<80x2048xf32>
    %mul3A_450 = arith.mulf %mul3A_430, %concatenate3A_444 : vector<80x2048xf32>
    %add3A_451 = arith.addf %mul3A_449, %mul3A_450 : vector<80x2048xf32>
    %mul3A_452 = arith.mulf %mul3A_429, %concatenate3A_440 : vector<80x2048xf32>
    %mul3A_453 = arith.mulf %mul3A_430, %concatenate3A_448 : vector<80x2048xf32>
    %add3A_454 = arith.addf %mul3A_452, %mul3A_453 : vector<80x2048xf32>
    %mul3A_455 = arith.mulf %mul3A_431, %concatenate3A_436 : vector<80x2048xf32>
    %mul3A_456 = arith.mulf %mul3A_432, %concatenate3A_444 : vector<80x2048xf32>
    %add3A_457 = arith.addf %mul3A_455, %mul3A_456 : vector<80x2048xf32>
    %mul3A_458 = arith.mulf %mul3A_431, %concatenate3A_440 : vector<80x2048xf32>
    %mul3A_459 = arith.mulf %mul3A_432, %concatenate3A_448 : vector<80x2048xf32>
    %add3A_460 = arith.addf %mul3A_458, %mul3A_459 : vector<80x2048xf32>
    %add3A_461 = arith.addf %add3A_451, %add3A_454 : vector<80x2048xf32>
    %add3A_462 = arith.addf %add3A_461, %add3A_457 : vector<80x2048xf32>
    %add3A_463 = arith.addf %add3A_462, %add3A_460 : vector<80x2048xf32>
    %div3A_464 = arith.constant 1.000000e+00 : f32
    %div3A_465 = vector.broadcast %div3A_464 : f32 to vector<80x2048xf32>
    %div3A_466 = arith.divf %div3A_465, %add3A_463 : vector<80x2048xf32>
    %mul3A_467 = arith.mulf %add3A_451, %div3A_466 : vector<80x2048xf32>
    %mul3A_468 = arith.mulf %add3A_454, %div3A_466 : vector<80x2048xf32>
    %mul3A_469 = arith.mulf %add3A_457, %div3A_466 : vector<80x2048xf32>
    %mul3A_470 = arith.mulf %add3A_460, %div3A_466 : vector<80x2048xf32>
    %broadcast_in_dim3A_471 = arith.constant 1.000000e+00 : f32
    %broadcast_in_dim3A_472 = vector.broadcast %broadcast_in_dim3A_471 : f32 to vector<80x256xf32>
    %slice3A_473 = vector.extract_strided_slice %mul3A_467 {offsets = [0, 0], sizes = [80, 1792], strides = [1, 1]} : vector<80x2048xf32> to vector<80x1792xf32>
    %concatenate3A_474 = tpu.concatenate %broadcast_in_dim3A_472, %slice3A_473 in 1 : vector<80x256xf32>, vector<80x1792xf32> -> vector<80x2048xf32>
    %broadcast_in_dim3A_475 = arith.constant 0.000000e+00 : f32
    %broadcast_in_dim3A_476 = vector.broadcast %broadcast_in_dim3A_475 : f32 to vector<80x256xf32>
    %slice3A_477 = vector.extract_strided_slice %mul3A_468 {offsets = [0, 0], sizes = [80, 1792], strides = [1, 1]} : vector<80x2048xf32> to vector<80x1792xf32>
    %concatenate3A_478 = tpu.concatenate %broadcast_in_dim3A_476, %slice3A_477 in 1 : vector<80x256xf32>, vector<80x1792xf32> -> vector<80x2048xf32>
    %broadcast_in_dim3A_479 = arith.constant 0.000000e+00 : f32
    %broadcast_in_dim3A_480 = vector.broadcast %broadcast_in_dim3A_479 : f32 to vector<80x256xf32>
    %slice3A_481 = vector.extract_strided_slice %mul3A_469 {offsets = [0, 0], sizes = [80, 1792], strides = [1, 1]} : vector<80x2048xf32> to vector<80x1792xf32>
    %concatenate3A_482 = tpu.concatenate %broadcast_in_dim3A_480, %slice3A_481 in 1 : vector<80x256xf32>, vector<80x1792xf32> -> vector<80x2048xf32>
    %broadcast_in_dim3A_483 = arith.constant 1.000000e+00 : f32
    %broadcast_in_dim3A_484 = vector.broadcast %broadcast_in_dim3A_483 : f32 to vector<80x256xf32>
    %slice3A_485 = vector.extract_strided_slice %mul3A_470 {offsets = [0, 0], sizes = [80, 1792], strides = [1, 1]} : vector<80x2048xf32> to vector<80x1792xf32>
    %concatenate3A_486 = tpu.concatenate %broadcast_in_dim3A_484, %slice3A_485 in 1 : vector<80x256xf32>, vector<80x1792xf32> -> vector<80x2048xf32>
    %mul3A_487 = arith.mulf %mul3A_467, %concatenate3A_474 : vector<80x2048xf32>
    %mul3A_488 = arith.mulf %mul3A_468, %concatenate3A_482 : vector<80x2048xf32>
    %add3A_489 = arith.addf %mul3A_487, %mul3A_488 : vector<80x2048xf32>
    %mul3A_490 = arith.mulf %mul3A_467, %concatenate3A_478 : vector<80x2048xf32>
    %mul3A_491 = arith.mulf %mul3A_468, %concatenate3A_486 : vector<80x2048xf32>
    %add3A_492 = arith.addf %mul3A_490, %mul3A_491 : vector<80x2048xf32>
    %mul3A_493 = arith.mulf %mul3A_469, %concatenate3A_474 : vector<80x2048xf32>
    %mul3A_494 = arith.mulf %mul3A_470, %concatenate3A_482 : vector<80x2048xf32>
    %add3A_495 = arith.addf %mul3A_493, %mul3A_494 : vector<80x2048xf32>
    %mul3A_496 = arith.mulf %mul3A_469, %concatenate3A_478 : vector<80x2048xf32>
    %mul3A_497 = arith.mulf %mul3A_470, %concatenate3A_486 : vector<80x2048xf32>
    %add3A_498 = arith.addf %mul3A_496, %mul3A_497 : vector<80x2048xf32>
    %add3A_499 = arith.addf %add3A_489, %add3A_492 : vector<80x2048xf32>
    %add3A_500 = arith.addf %add3A_499, %add3A_495 : vector<80x2048xf32>
    %add3A_501 = arith.addf %add3A_500, %add3A_498 : vector<80x2048xf32>
    %div3A_502 = arith.constant 1.000000e+00 : f32
    %div3A_503 = vector.broadcast %div3A_502 : f32 to vector<80x2048xf32>
    %div3A_504 = arith.divf %div3A_503, %add3A_501 : vector<80x2048xf32>
    %mul3A_505 = arith.mulf %add3A_489, %div3A_504 : vector<80x2048xf32>
    %mul3A_506 = arith.mulf %add3A_492, %div3A_504 : vector<80x2048xf32>
    %mul3A_507 = arith.mulf %add3A_495, %div3A_504 : vector<80x2048xf32>
    %mul3A_508 = arith.mulf %add3A_498, %div3A_504 : vector<80x2048xf32>
    %broadcast_in_dim3A_509 = arith.constant 1.000000e+00 : f32
    %broadcast_in_dim3A_510 = vector.broadcast %broadcast_in_dim3A_509 : f32 to vector<80x512xf32>
    %slice3A_511 = vector.extract_strided_slice %mul3A_505 {offsets = [0, 0], sizes = [80, 1536], strides = [1, 1]} : vector<80x2048xf32> to vector<80x1536xf32>
    %concatenate3A_512 = tpu.concatenate %broadcast_in_dim3A_510, %slice3A_511 in 1 : vector<80x512xf32>, vector<80x1536xf32> -> vector<80x2048xf32>
    %broadcast_in_dim3A_513 = arith.constant 0.000000e+00 : f32
    %broadcast_in_dim3A_514 = vector.broadcast %broadcast_in_dim3A_513 : f32 to vector<80x512xf32>
    %slice3A_515 = vector.extract_strided_slice %mul3A_506 {offsets = [0, 0], sizes = [80, 1536], strides = [1, 1]} : vector<80x2048xf32> to vector<80x1536xf32>
    %concatenate3A_516 = tpu.concatenate %broadcast_in_dim3A_514, %slice3A_515 in 1 : vector<80x512xf32>, vector<80x1536xf32> -> vector<80x2048xf32>
    %broadcast_in_dim3A_517 = arith.constant 0.000000e+00 : f32
    %broadcast_in_dim3A_518 = vector.broadcast %broadcast_in_dim3A_517 : f32 to vector<80x512xf32>
    %slice3A_519 = vector.extract_strided_slice %mul3A_507 {offsets = [0, 0], sizes = [80, 1536], strides = [1, 1]} : vector<80x2048xf32> to vector<80x1536xf32>
    %concatenate3A_520 = tpu.concatenate %broadcast_in_dim3A_518, %slice3A_519 in 1 : vector<80x512xf32>, vector<80x1536xf32> -> vector<80x2048xf32>
    %broadcast_in_dim3A_521 = arith.constant 1.000000e+00 : f32
    %broadcast_in_dim3A_522 = vector.broadcast %broadcast_in_dim3A_521 : f32 to vector<80x512xf32>
    %slice3A_523 = vector.extract_strided_slice %mul3A_508 {offsets = [0, 0], sizes = [80, 1536], strides = [1, 1]} : vector<80x2048xf32> to vector<80x1536xf32>
    %concatenate3A_524 = tpu.concatenate %broadcast_in_dim3A_522, %slice3A_523 in 1 : vector<80x512xf32>, vector<80x1536xf32> -> vector<80x2048xf32>
    %mul3A_525 = arith.mulf %mul3A_505, %concatenate3A_512 : vector<80x2048xf32>
    %mul3A_526 = arith.mulf %mul3A_506, %concatenate3A_520 : vector<80x2048xf32>
    %add3A_527 = arith.addf %mul3A_525, %mul3A_526 : vector<80x2048xf32>
    %mul3A_528 = arith.mulf %mul3A_505, %concatenate3A_516 : vector<80x2048xf32>
    %mul3A_529 = arith.mulf %mul3A_506, %concatenate3A_524 : vector<80x2048xf32>
    %add3A_530 = arith.addf %mul3A_528, %mul3A_529 : vector<80x2048xf32>
    %mul3A_531 = arith.mulf %mul3A_507, %concatenate3A_512 : vector<80x2048xf32>
    %mul3A_532 = arith.mulf %mul3A_508, %concatenate3A_520 : vector<80x2048xf32>
    %add3A_533 = arith.addf %mul3A_531, %mul3A_532 : vector<80x2048xf32>
    %mul3A_534 = arith.mulf %mul3A_507, %concatenate3A_516 : vector<80x2048xf32>
    %mul3A_535 = arith.mulf %mul3A_508, %concatenate3A_524 : vector<80x2048xf32>
    %add3A_536 = arith.addf %mul3A_534, %mul3A_535 : vector<80x2048xf32>
    %add3A_537 = arith.addf %add3A_527, %add3A_530 : vector<80x2048xf32>
    %add3A_538 = arith.addf %add3A_537, %add3A_533 : vector<80x2048xf32>
    %add3A_539 = arith.addf %add3A_538, %add3A_536 : vector<80x2048xf32>
    %div3A_540 = arith.constant 1.000000e+00 : f32
    %div3A_541 = vector.broadcast %div3A_540 : f32 to vector<80x2048xf32>
    %div3A_542 = arith.divf %div3A_541, %add3A_539 : vector<80x2048xf32>
    %mul3A_543 = arith.mulf %add3A_527, %div3A_542 : vector<80x2048xf32>
    %mul3A_544 = arith.mulf %add3A_530, %div3A_542 : vector<80x2048xf32>
    %mul3A_545 = arith.mulf %add3A_533, %div3A_542 : vector<80x2048xf32>
    %mul3A_546 = arith.mulf %add3A_536, %div3A_542 : vector<80x2048xf32>
    %broadcast_in_dim3A_547 = arith.constant 1.000000e+00 : f32
    %broadcast_in_dim3A_548 = vector.broadcast %broadcast_in_dim3A_547 : f32 to vector<80x1024xf32>
    %slice3A_549 = vector.extract_strided_slice %mul3A_543 {offsets = [0, 0], sizes = [80, 1024], strides = [1, 1]} : vector<80x2048xf32> to vector<80x1024xf32>
    %concatenate3A_550 = tpu.concatenate %broadcast_in_dim3A_548, %slice3A_549 in 1 : vector<80x1024xf32>, vector<80x1024xf32> -> vector<80x2048xf32>
    %broadcast_in_dim3A_551 = arith.constant 0.000000e+00 : f32
    %broadcast_in_dim3A_552 = vector.broadcast %broadcast_in_dim3A_551 : f32 to vector<80x1024xf32>
    %slice3A_553 = vector.extract_strided_slice %mul3A_544 {offsets = [0, 0], sizes = [80, 1024], strides = [1, 1]} : vector<80x2048xf32> to vector<80x1024xf32>
    %concatenate3A_554 = tpu.concatenate %broadcast_in_dim3A_552, %slice3A_553 in 1 : vector<80x1024xf32>, vector<80x1024xf32> -> vector<80x2048xf32>
    %broadcast_in_dim3A_555 = arith.constant 0.000000e+00 : f32
    %broadcast_in_dim3A_556 = vector.broadcast %broadcast_in_dim3A_555 : f32 to vector<80x1024xf32>
    %slice3A_557 = vector.extract_strided_slice %mul3A_545 {offsets = [0, 0], sizes = [80, 1024], strides = [1, 1]} : vector<80x2048xf32> to vector<80x1024xf32>
    %concatenate3A_558 = tpu.concatenate %broadcast_in_dim3A_556, %slice3A_557 in 1 : vector<80x1024xf32>, vector<80x1024xf32> -> vector<80x2048xf32>
    %broadcast_in_dim3A_559 = arith.constant 1.000000e+00 : f32
    %broadcast_in_dim3A_560 = vector.broadcast %broadcast_in_dim3A_559 : f32 to vector<80x1024xf32>
    %slice3A_561 = vector.extract_strided_slice %mul3A_546 {offsets = [0, 0], sizes = [80, 1024], strides = [1, 1]} : vector<80x2048xf32> to vector<80x1024xf32>
    %concatenate3A_562 = tpu.concatenate %broadcast_in_dim3A_560, %slice3A_561 in 1 : vector<80x1024xf32>, vector<80x1024xf32> -> vector<80x2048xf32>
    %mul3A_563 = arith.mulf %mul3A_543, %concatenate3A_550 : vector<80x2048xf32>
    %mul3A_564 = arith.mulf %mul3A_544, %concatenate3A_558 : vector<80x2048xf32>
    %add3A_565 = arith.addf %mul3A_563, %mul3A_564 : vector<80x2048xf32>
    %mul3A_566 = arith.mulf %mul3A_543, %concatenate3A_554 : vector<80x2048xf32>
    %mul3A_567 = arith.mulf %mul3A_544, %concatenate3A_562 : vector<80x2048xf32>
    %add3A_568 = arith.addf %mul3A_566, %mul3A_567 : vector<80x2048xf32>
    %mul3A_569 = arith.mulf %mul3A_545, %concatenate3A_550 : vector<80x2048xf32>
    %mul3A_570 = arith.mulf %mul3A_546, %concatenate3A_558 : vector<80x2048xf32>
    %add3A_571 = arith.addf %mul3A_569, %mul3A_570 : vector<80x2048xf32>
    %mul3A_572 = arith.mulf %mul3A_545, %concatenate3A_554 : vector<80x2048xf32>
    %mul3A_573 = arith.mulf %mul3A_546, %concatenate3A_562 : vector<80x2048xf32>
    %add3A_574 = arith.addf %mul3A_572, %mul3A_573 : vector<80x2048xf32>
    %add3A_575 = arith.addf %add3A_565, %add3A_568 : vector<80x2048xf32>
    %add3A_576 = arith.addf %add3A_575, %add3A_571 : vector<80x2048xf32>
    %add3A_577 = arith.addf %add3A_576, %add3A_574 : vector<80x2048xf32>
    %div3A_578 = arith.constant 1.000000e+00 : f32
    %div3A_579 = vector.broadcast %div3A_578 : f32 to vector<80x2048xf32>
    %div3A_580 = arith.divf %div3A_579, %add3A_577 : vector<80x2048xf32>
    %mul3A_581 = arith.mulf %add3A_565, %div3A_580 : vector<80x2048xf32>
    %mul3A_582 = arith.mulf %add3A_568, %div3A_580 : vector<80x2048xf32>
    %mul3A_583 = arith.mulf %add3A_571, %div3A_580 : vector<80x2048xf32>
    %mul3A_584 = arith.mulf %add3A_574, %div3A_580 : vector<80x2048xf32>
    %sub3A_585 = arith.constant 1.000000e+00 : f32
    %sub3A_586 = vector.broadcast %sub3A_585 : f32 to vector<80x1xf32>
    %sub3A_587 = arith.subf %sub3A_586, %div3A_89 : vector<80x1xf32>
    %mul3A_588 = vector.broadcast %sub3A_587 : vector<80x1xf32> to vector<80x2048xf32>
    %mul3A_589 = arith.mulf %mul3A_581, %mul3A_588 : vector<80x2048xf32>
    %mul3A_590 = vector.broadcast %div3A_89 : vector<80x1xf32> to vector<80x2048xf32>
    %mul3A_591 = arith.mulf %mul3A_582, %mul3A_590 : vector<80x2048xf32>
    %add3A_592 = arith.addf %mul3A_589, %mul3A_591 : vector<80x2048xf32>
    %sub3A_593 = arith.constant 1.000000e+00 : f32
    %sub3A_594 = vector.broadcast %sub3A_593 : f32 to vector<80x1xf32>
    %sub3A_595 = arith.subf %sub3A_594, %div3A_89 : vector<80x1xf32>
    %mul3A_596 = vector.broadcast %sub3A_595 : vector<80x1xf32> to vector<80x2048xf32>
    %mul3A_597 = arith.mulf %mul3A_583, %mul3A_596 : vector<80x2048xf32>
    %mul3A_598 = vector.broadcast %div3A_89 : vector<80x1xf32> to vector<80x2048xf32>
    %mul3A_599 = arith.mulf %mul3A_584, %mul3A_598 : vector<80x2048xf32>
    %add3A_600 = arith.addf %mul3A_597, %mul3A_599 : vector<80x2048xf32>
    %add3A_601 = arith.addf %add3A_592, %add3A_600 : vector<80x2048xf32>
    %div3A_602 = arith.constant 1.000000e+00 : f32
    %div3A_603 = vector.broadcast %div3A_602 : f32 to vector<80x2048xf32>
    %div3A_604 = arith.divf %div3A_603, %add3A_601 : vector<80x2048xf32>
    %mul3A_605 = arith.mulf %add3A_592, %div3A_110 : vector<80x2048xf32>
    %mul3A_606 = arith.mulf %add3A_600, %div3A_124 : vector<80x2048xf32>
    %add3A_607 = arith.addf %mul3A_605, %mul3A_606 : vector<80x2048xf32>
    %mul3A_608 = arith.mulf %add3A_607, %div3A_604 : vector<80x2048xf32>
    %sub3A_609 = arith.constant 1.000000e+00 : f32
    %sub3A_610 = vector.broadcast %sub3A_609 : f32 to vector<80x2048xf32>
    %sub3A_611 = arith.subf %sub3A_610, %div3A_110 : vector<80x2048xf32>
    %mul3A_612 = arith.mulf %add3A_592, %sub3A_611 : vector<80x2048xf32>
    %sub3A_613 = arith.constant 1.000000e+00 : f32
    %sub3A_614 = vector.broadcast %sub3A_613 : f32 to vector<80x2048xf32>
    %sub3A_615 = arith.subf %sub3A_614, %div3A_124 : vector<80x2048xf32>
    %mul3A_616 = arith.mulf %add3A_600, %sub3A_615 : vector<80x2048xf32>
    %add3A_617 = arith.addf %mul3A_612, %mul3A_616 : vector<80x2048xf32>
    %mul3A_618 = arith.mulf %add3A_617, %div3A_604 : vector<80x2048xf32>
    %jit3A = arith.constant 9.99999997E-7 : f32
    %jit3A_619 = arith.constant 0.999998986 : f32
    %max3A = vector.broadcast %jit3A : f32 to vector<80x2048xf32>
    %max3A_620 = arith.maximumf %max3A, %mul3A_608 : vector<80x2048xf32>
    %min3A = vector.broadcast %jit3A_619 : f32 to vector<80x2048xf32>
    %min3A_621 = arith.minimumf %min3A, %max3A_620 : vector<80x2048xf32>
    %log3A = math.log %min3A_621 : vector<80x2048xf32>
    %jit3A_622 = arith.constant 9.99999997E-7 : f32
    %jit3A_623 = arith.constant 0.999998986 : f32
    %max3A_624 = vector.broadcast %jit3A_622 : f32 to vector<80x2048xf32>
    %max3A_625 = arith.maximumf %max3A_624, %mul3A_618 : vector<80x2048xf32>
    %min3A_626 = vector.broadcast %jit3A_623 : f32 to vector<80x2048xf32>
    %min3A_627 = arith.minimumf %min3A_626, %max3A_625 : vector<80x2048xf32>
    %log3A_628 = math.log %min3A_627 : vector<80x2048xf32>
    %eq3A_629 = arith.constant 1 : i32
    %eq3A_630 = vector.broadcast %eq3A_629 : i32 to vector<16x2048xi32>
    %eq3A_631 = arith.cmpi eq, %get3A_4, %eq3A_630 : vector<16x2048xi32>
    %broadcast_in_dim3A_632 = vector.shape_cast %eq3A_631 : vector<16x2048xi1> to vector<1x16x2048xi1>
    %broadcast_in_dim3A_633 = vector.shape_cast %broadcast_in_dim3A_632 : vector<1x16x2048xi1> to vector<1x16x2048xi1>
    %broadcast_in_dim3A_634 = vector.broadcast %broadcast_in_dim3A_633 : vector<1x16x2048xi1> to vector<5x16x2048xi1>
    %reshape3A_635 = vector.shape_cast %broadcast_in_dim3A_634 : vector<5x16x2048xi1> to vector<80x2048xi1>
    %select_n3A_636 = arith.select %reshape3A_635, %log3A, %log3A_628 : vector<80x2048xi1>, vector<80x2048xf32>
    %broadcast_in_dim3A_637 = arith.constant 0.000000e+00 : f32
    %broadcast_in_dim3A_638 = vector.broadcast %broadcast_in_dim3A_637 : f32 to vector<80x1xf32>
    %slice3A_639 = vector.extract_strided_slice %select_n3A_636 {offsets = [0, 0], sizes = [80, 2047], strides = [1, 1]} : vector<80x2048xf32> to vector<80x2047xf32>
    %concatenate3A_640 = tpu.concatenate %broadcast_in_dim3A_638, %slice3A_639 in 1 : vector<80x1xf32>, vector<80x2047xf32> -> vector<80x2048xf32>
    %broadcast_in_dim3A_641 = arith.constant 0.000000e+00 : f32
    %broadcast_in_dim3A_642 = vector.broadcast %broadcast_in_dim3A_641 : f32 to vector<80x1xf32>
    %slice3A_643 = vector.extract_strided_slice %concatenate3A_640 {offsets = [0, 0], sizes = [80, 2047], strides = [1, 1]} : vector<80x2048xf32> to vector<80x2047xf32>
    %concatenate3A_644 = tpu.concatenate %broadcast_in_dim3A_642, %slice3A_643 in 1 : vector<80x1xf32>, vector<80x2047xf32> -> vector<80x2048xf32>
    %add3A_645 = arith.addf %concatenate3A_640, %concatenate3A_644 : vector<80x2048xf32>
    %broadcast_in_dim3A_646 = arith.constant 0.000000e+00 : f32
    %broadcast_in_dim3A_647 = vector.broadcast %broadcast_in_dim3A_646 : f32 to vector<80x2xf32>
    %slice3A_648 = vector.extract_strided_slice %add3A_645 {offsets = [0, 0], sizes = [80, 2046], strides = [1, 1]} : vector<80x2048xf32> to vector<80x2046xf32>
    %concatenate3A_649 = tpu.concatenate %broadcast_in_dim3A_647, %slice3A_648 in 1 : vector<80x2xf32>, vector<80x2046xf32> -> vector<80x2048xf32>
    %add3A_650 = arith.addf %add3A_645, %concatenate3A_649 : vector<80x2048xf32>
    %broadcast_in_dim3A_651 = arith.constant 0.000000e+00 : f32
    %broadcast_in_dim3A_652 = vector.broadcast %broadcast_in_dim3A_651 : f32 to vector<80x4xf32>
    %slice3A_653 = vector.extract_strided_slice %add3A_650 {offsets = [0, 0], sizes = [80, 2044], strides = [1, 1]} : vector<80x2048xf32> to vector<80x2044xf32>
    %concatenate3A_654 = tpu.concatenate %broadcast_in_dim3A_652, %slice3A_653 in 1 : vector<80x4xf32>, vector<80x2044xf32> -> vector<80x2048xf32>
    %add3A_655 = arith.addf %add3A_650, %concatenate3A_654 : vector<80x2048xf32>
    %broadcast_in_dim3A_656 = arith.constant 0.000000e+00 : f32
    %broadcast_in_dim3A_657 = vector.broadcast %broadcast_in_dim3A_656 : f32 to vector<80x8xf32>
    %slice3A_658 = vector.extract_strided_slice %add3A_655 {offsets = [0, 0], sizes = [80, 2040], strides = [1, 1]} : vector<80x2048xf32> to vector<80x2040xf32>
    %concatenate3A_659 = tpu.concatenate %broadcast_in_dim3A_657, %slice3A_658 in 1 : vector<80x8xf32>, vector<80x2040xf32> -> vector<80x2048xf32>
    %add3A_660 = arith.addf %add3A_655, %concatenate3A_659 : vector<80x2048xf32>
    %broadcast_in_dim3A_661 = arith.constant 0.000000e+00 : f32
    %broadcast_in_dim3A_662 = vector.broadcast %broadcast_in_dim3A_661 : f32 to vector<80x16xf32>
    %slice3A_663 = vector.extract_strided_slice %add3A_660 {offsets = [0, 0], sizes = [80, 2032], strides = [1, 1]} : vector<80x2048xf32> to vector<80x2032xf32>
    %concatenate3A_664 = tpu.concatenate %broadcast_in_dim3A_662, %slice3A_663 in 1 : vector<80x16xf32>, vector<80x2032xf32> -> vector<80x2048xf32>
    %add3A_665 = arith.addf %add3A_660, %concatenate3A_664 : vector<80x2048xf32>
    %broadcast_in_dim3A_666 = arith.constant 0.000000e+00 : f32
    %broadcast_in_dim3A_667 = vector.broadcast %broadcast_in_dim3A_666 : f32 to vector<80x32xf32>
    %slice3A_668 = vector.extract_strided_slice %add3A_665 {offsets = [0, 0], sizes = [80, 2016], strides = [1, 1]} : vector<80x2048xf32> to vector<80x2016xf32>
    %concatenate3A_669 = tpu.concatenate %broadcast_in_dim3A_667, %slice3A_668 in 1 : vector<80x32xf32>, vector<80x2016xf32> -> vector<80x2048xf32>
    %add3A_670 = arith.addf %add3A_665, %concatenate3A_669 : vector<80x2048xf32>
    %broadcast_in_dim3A_671 = arith.constant 0.000000e+00 : f32
    %broadcast_in_dim3A_672 = vector.broadcast %broadcast_in_dim3A_671 : f32 to vector<80x64xf32>
    %slice3A_673 = vector.extract_strided_slice %add3A_670 {offsets = [0, 0], sizes = [80, 1984], strides = [1, 1]} : vector<80x2048xf32> to vector<80x1984xf32>
    %concatenate3A_674 = tpu.concatenate %broadcast_in_dim3A_672, %slice3A_673 in 1 : vector<80x64xf32>, vector<80x1984xf32> -> vector<80x2048xf32>
    %add3A_675 = arith.addf %add3A_670, %concatenate3A_674 : vector<80x2048xf32>
    %broadcast_in_dim3A_676 = arith.constant 0.000000e+00 : f32
    %broadcast_in_dim3A_677 = vector.broadcast %broadcast_in_dim3A_676 : f32 to vector<80x128xf32>
    %slice3A_678 = vector.extract_strided_slice %add3A_675 {offsets = [0, 0], sizes = [80, 1920], strides = [1, 1]} : vector<80x2048xf32> to vector<80x1920xf32>
    %concatenate3A_679 = tpu.concatenate %broadcast_in_dim3A_677, %slice3A_678 in 1 : vector<80x128xf32>, vector<80x1920xf32> -> vector<80x2048xf32>
    %add3A_680 = arith.addf %add3A_675, %concatenate3A_679 : vector<80x2048xf32>
    %broadcast_in_dim3A_681 = arith.constant 0.000000e+00 : f32
    %broadcast_in_dim3A_682 = vector.broadcast %broadcast_in_dim3A_681 : f32 to vector<80x256xf32>
    %slice3A_683 = vector.extract_strided_slice %add3A_680 {offsets = [0, 0], sizes = [80, 1792], strides = [1, 1]} : vector<80x2048xf32> to vector<80x1792xf32>
    %concatenate3A_684 = tpu.concatenate %broadcast_in_dim3A_682, %slice3A_683 in 1 : vector<80x256xf32>, vector<80x1792xf32> -> vector<80x2048xf32>
    %add3A_685 = arith.addf %add3A_680, %concatenate3A_684 : vector<80x2048xf32>
    %broadcast_in_dim3A_686 = arith.constant 0.000000e+00 : f32
    %broadcast_in_dim3A_687 = vector.broadcast %broadcast_in_dim3A_686 : f32 to vector<80x512xf32>
    %slice3A_688 = vector.extract_strided_slice %add3A_685 {offsets = [0, 0], sizes = [80, 1536], strides = [1, 1]} : vector<80x2048xf32> to vector<80x1536xf32>
    %concatenate3A_689 = tpu.concatenate %broadcast_in_dim3A_687, %slice3A_688 in 1 : vector<80x512xf32>, vector<80x1536xf32> -> vector<80x2048xf32>
    %add3A_690 = arith.addf %add3A_685, %concatenate3A_689 : vector<80x2048xf32>
    %broadcast_in_dim3A_691 = arith.constant 0.000000e+00 : f32
    %broadcast_in_dim3A_692 = vector.broadcast %broadcast_in_dim3A_691 : f32 to vector<80x1024xf32>
    %slice3A_693 = vector.extract_strided_slice %add3A_690 {offsets = [0, 0], sizes = [80, 1024], strides = [1, 1]} : vector<80x2048xf32> to vector<80x1024xf32>
    %concatenate3A_694 = tpu.concatenate %broadcast_in_dim3A_692, %slice3A_693 in 1 : vector<80x1024xf32>, vector<80x1024xf32> -> vector<80x2048xf32>
    %add3A_695 = arith.addf %add3A_690, %concatenate3A_694 : vector<80x2048xf32>
    %reshape3A_696 = vector.shape_cast %add3A_695 : vector<80x2048xf32> to vector<5x16x2048xf32>
    %reshape3A_697 = vector.shape_cast %log3A_628 : vector<80x2048xf32> to vector<5x16x2048xf32>
    %reshape3A_698 = vector.shape_cast %log3A : vector<80x2048xf32> to vector<5x16x2048xf32>
    %reduce_max3A = arith.constant dense<0xFF800000> : vector<16x2048xf32>
    %reduce_max3A_699 = vector.multi_reduction <maximumf>, %reshape3A_696, %reduce_max3A [0] : vector<5x16x2048xf32> to vector<16x2048xf32>
    %broadcast_in_dim3A_700 = vector.shape_cast %reduce_max3A_699 : vector<16x2048xf32> to vector<1x16x2048xf32>
    %sub3A_701 = vector.broadcast %broadcast_in_dim3A_700 : vector<1x16x2048xf32> to vector<5x16x2048xf32>
    %sub3A_702 = arith.subf %reshape3A_696, %sub3A_701 : vector<5x16x2048xf32>
    %exp3A_703 = math.exp %sub3A_702 : vector<5x16x2048xf32>
    %reduce_sum3A = arith.constant dense<0.000000e+00> : vector<16x2048xf32>
    %reduce_sum3A_704 = vector.multi_reduction <add>, %exp3A_703, %reduce_sum3A [0] : vector<5x16x2048xf32> to vector<16x2048xf32>
    %log3A_705 = math.log %reduce_sum3A_704 : vector<16x2048xf32>
    %add3A_706 = arith.addf %log3A_705, %reduce_max3A_699 : vector<16x2048xf32>
    %broadcast_in_dim3A_707 = vector.shape_cast %add3A_706 : vector<16x2048xf32> to vector<1x16x2048xf32>
    %sub3A_708 = vector.broadcast %broadcast_in_dim3A_707 : vector<1x16x2048xf32> to vector<5x16x2048xf32>
    %sub3A_709 = arith.subf %reshape3A_696, %sub3A_708 : vector<5x16x2048xf32>
    %add3A_710 = arith.addf %reshape3A_697, %sub3A_709 : vector<5x16x2048xf32>
    %add3A_711 = arith.addf %reshape3A_698, %sub3A_709 : vector<5x16x2048xf32>
    %reduce_max3A_712 = arith.constant dense<0xFF800000> : vector<16x2048xf32>
    %reduce_max3A_713 = vector.multi_reduction <maximumf>, %add3A_710, %reduce_max3A_712 [0] : vector<5x16x2048xf32> to vector<16x2048xf32>
    %reduce_max3A_714 = arith.constant dense<0xFF800000> : vector<16x2048xf32>
    %reduce_max3A_715 = vector.multi_reduction <maximumf>, %add3A_711, %reduce_max3A_714 [0] : vector<5x16x2048xf32> to vector<16x2048xf32>
    %broadcast_in_dim3A_716 = vector.shape_cast %reduce_max3A_713 : vector<16x2048xf32> to vector<1x16x2048xf32>
    %sub3A_717 = vector.broadcast %broadcast_in_dim3A_716 : vector<1x16x2048xf32> to vector<5x16x2048xf32>
    %sub3A_718 = arith.subf %add3A_710, %sub3A_717 : vector<5x16x2048xf32>
    %exp3A_719 = math.exp %sub3A_718 : vector<5x16x2048xf32>
    %reduce_sum3A_720 = arith.constant dense<0.000000e+00> : vector<16x2048xf32>
    %reduce_sum3A_721 = vector.multi_reduction <add>, %exp3A_719, %reduce_sum3A_720 [0] : vector<5x16x2048xf32> to vector<16x2048xf32>
    %log3A_722 = math.log %reduce_sum3A_721 : vector<16x2048xf32>
    %add3A_723 = arith.addf %log3A_722, %reduce_max3A_713 : vector<16x2048xf32>
    %broadcast_in_dim3A_724 = vector.shape_cast %reduce_max3A_715 : vector<16x2048xf32> to vector<1x16x2048xf32>
    %sub3A_725 = vector.broadcast %broadcast_in_dim3A_724 : vector<1x16x2048xf32> to vector<5x16x2048xf32>
    %sub3A_726 = arith.subf %add3A_711, %sub3A_725 : vector<5x16x2048xf32>
    %exp3A_727 = math.exp %sub3A_726 : vector<5x16x2048xf32>
    %reduce_sum3A_728 = arith.constant dense<0.000000e+00> : vector<16x2048xf32>
    %reduce_sum3A_729 = vector.multi_reduction <add>, %exp3A_727, %reduce_sum3A_728 [0] : vector<5x16x2048xf32> to vector<16x2048xf32>
    %log3A_730 = math.log %reduce_sum3A_729 : vector<16x2048xf32>
    %add3A_731 = arith.addf %log3A_730, %reduce_max3A_715 : vector<16x2048xf32>
    %stack3A = vector.shape_cast %add3A_723 : vector<16x2048xf32> to vector<16x2048x1xf32>
    %stack3A_732 = vector.shape_cast %add3A_731 : vector<16x2048xf32> to vector<16x2048x1xf32>
    %stack3A_733 = tpu.concatenate %stack3A, %stack3A_732 in 2 : vector<16x2048x1xf32>, vector<16x2048x1xf32> -> vector<16x2048x2xf32>
    %swap3A = arith.constant 0 : index
    %swap3A_734 = arith.constant 0 : index
    %swap3A_735 = arith.constant 0 : index
    %swap3A_736 = vector.load %arg7[%swap3A, %swap3A_734, %swap3A_735] : memref<16x2048x2xf32, #tpu.memory_space<vmem>>, vector<16x2048x2xf32>
    tpu.vector_store %arg7[%swap3A, %swap3A_734, %swap3A_735], %stack3A_733 {strides = array<i32>} : memref<16x2048x2xf32, #tpu.memory_space<vmem>>, vector<16x2048x2xf32>,
    return
  }
}

</mosaic_0001>

<sc_bundles>
// kernel: kernel.4.cloned.1.call-start
scs
__scs_entry_jumppad:
0x0: {  	(pc) =	sbr.rel $0x88, $3  }
0x1: {  	(tag) =	ssettag $0x0;
	lr =	simm.s32 $0x1  }
0x2: {  	[smem:$0x3F9A] =	sst lr;
	_ =	strace $0xD0000000  }
0x3: {  	_ = 	snop  }
0x4: {  	_ = 	snop  }
0x5: {  	_ = 	snop  }
0x6: {  	_ = 	snop  }
0x7: {  	_ = 	snop  }
__scs_overlays_trampoline_lowered:
0x8: {  	[smem:$0x3FA9] =	sst s0  }
0x9: {  	[smem:$0x3FAA] =	sst s1  }
0xa: {  	[smem:$0x3FAB] =	sst s2  }
0xb: {  	[smem:$0x3FAC] =	sst s3  }
0xc: {  	[smem:$0x3FAD] =	sst s4  }
0xd: {  	[smem:$0x3FAE] =	sst s5  }
0xe: {  	[smem:$0x3FAF] =	sst s6  }
0xf: {  	[smem:$0x3FB0] =	sst s7  }
0x10: {  	[smem:$0x3FB1] =	sst s8  }
0x11: {  	[smem:$0x3FB2] =	sst s9;
	s0 =	simm.s32 @!p0 $0x0  }
0x12: {  	s1 =	sld [smem:$0x3F98];
	s0 =	simm.s32 @p0 $0x1  }
0x13: {  	[smem:$0x3FB3] =	sst s0;
	s0 =	simm.s32 @!p1 $0x0  }
0x14: {  	s2 =	sld [smem:$0x3F97];
	s0 =	simm.s32 @p1 $0x1  }
0x15: {  	[smem:$0x3FB4] =	sst s0;
	s0 =	simm.s32 @!p2 $0x0  }
0x16: {  	s3 =	sld [smem:$0x3FDB];
	s0 =	simm.s32 @p2 $0x1  }
0x17: {  	s4 =	simm.s32 $0x1BF5;
	[smem:$0x3FB6] =	sst s0  }
0x18: {  	s0 =	sld [smem:$0x3F99];
	_ =	swait.ge [sflag:s4], $0x0  }
0x19: {  	s7 =	sld [smem:$0x3F9A]  }
0x1a: {  	s8 =	sadd.s32 $0xFFFFE003, lr  }
0x1b: {  	s9 =	sadd.s32 $0xFFFFFEF7, lr;
	s5 =	simm.s32 $0xFFFFFFFF;
	p2 =	slt.u32 s8, $0xFFFFF086  }
0x1c: {  	p1 =	slt.u32 s9, $0xF7A;
	s5 =	simm.s32 @!p2 $0x0  }
0x1d: {  	s5 =	simm.s32 @p1 $0x1;
	p0 =	seq.s32 s7, s2  }
0x1e: {  	s7 =	smul.u32 @!p0 $0xF7A, s2;
	p2 =	seq.s32 @!p0 s5, $0x0  }
0x1f: {  	s9 =	smul.u32 $0xF7A, s1;
	s8 =	simm.s32 @!p0 $0x1BF5;
	p2 =	por !p2, p0  }
0x20: {  	[sflag:s8] =	ssyncset.s32 @!p0 $0xFFFFF086;
	s6 =	sadd.s32 @!p0 s3, s7;
	s7 =	simm.s32 @!p0 $0x108  }
0x21: {  	s3 =	sadd.s32 s3, s9;
	s6 =	sadd.s32 @!p0 $0x88, s6;
	s7 =	simm.s32 @p2 $0x1082  }
0x22: {  	[simem:s7], [sflag:s8] =	dma.local @!p0 [hbm:s6], $0xF7A  }
0x23: {  	s9 =	sor.u32 $0xD0000000, s2;
	s6 =	simm.s32 $0x108;
	_ =	swait.ge @!p0 [sflag:s8], $0x0  }
0x24: {  	s3 =	sadd.s32 $0x88, s3;
	s6 =	simm.s32 @!p1 $0x1082;
	[sflag:s4] =	ssyncset.s32 $0xFFFFF086  }
0x25: {  	[simem:s6], [sflag:s4] =	dma.local [hbm:s3], $0xF7A  }
0x26: {  	[smem:$0x3F9A] =	sst s1;
	(tag) =	ssettag s2;
	_ =	strace s9  }
0x27: {  	s1 =	sld [smem:$0x3FAA]  }
0x28: {  	s2 =	sld [smem:$0x3FAB]  }
0x29: {  	s4 =	sld [smem:$0x3FAD]  }
0x2a: {  	p0 =	seq.s32 s5, $0x0;
	s5 =	sld [smem:$0x3FAE]  }
0x2b: {  	s6 =	sld [smem:$0x3FAF]  }
0x2c: {  	s7 =	sld [smem:$0x3FB0]  }
0x2d: {  	s3 =	simm.s32 $0x108;
	s8 =	sld [smem:$0x3FB1]  }
0x2e: {  	s3 =	simm.s32 @!p0 $0x1082;
	s9 =	sld [smem:$0x3FB2]  }
0x2f: {  	lr =	sadd.s32 s0, s3;
	s0 =	sld [smem:$0x3FA9]  }
0x30: {  	s3 =	sld [smem:$0x3FAC]  }
0x31: {  	[smem:$0x3FB5] =	sst s10  }
0x32: {  	s10 =	sld [smem:$0x3FB3];
	_ =	sdelay $0x3  }
0x33: {  	p0 =	seq.s32 s10, $0x1;
	s10 =	sld [smem:$0x3FB5];
	_ =	sdelay $0x3  }
0x34: {  	[smem:$0x3FB5] =	sst s10  }
0x35: {  	s10 =	sld [smem:$0x3FB4];
	_ =	sdelay $0x3  }
0x36: {  	p1 =	seq.s32 s10, $0x1;
	s10 =	sld [smem:$0x3FB5];
	_ =	sdelay $0x3  }
0x37: {  	[smem:$0x3FB5] =	sst s10  }
0x38: {  	s10 =	sld [smem:$0x3FB6]  }
0x39: {  	_ = 	snop;
	(pc) =	sbr.ind lr, $3  }
0x3a: {  	_ = 	snop  }
0x3b: {  	_ = 	snop  }
0x3c: {  	p2 =	seq.s32 s10, $0x1;
	s10 =	sld [smem:$0x3FB5]  }
0x3d: {  	_ =	shalt  }
0x3e: {  	_ =	shalt  }
0x3f: {  	_ =	shalt  }
0x40: {  	_ =	shalt  }
0x41: {  	_ =	shalt  }
0x42: {  	_ =	shalt  }
0x43: {  	_ =	shalt  }
0x44: {  	_ =	shalt  }
0x45: {  	_ =	shalt  }
0x46: {  	_ =	shalt  }
0x47: {  	_ =	shalt  }
0x48: {  	_ =	shalt  }
0x49: {  	_ =	shalt  }
0x4a: {  	_ =	shalt  }
0x4b: {  	_ =	shalt  }
0x4c: {  	_ =	shalt  }
0x4d: {  	_ =	shalt  }
0x4e: {  	_ =	shalt  }
0x4f: {  	_ =	shalt  }
0x50: {  	_ =	shalt  }
0x51: {  	_ =	shalt  }
0x52: {  	_ =	shalt  }
0x53: {  	_ =	shalt  }
0x54: {  	_ =	shalt  }
0x55: {  	_ =	shalt  }
0x56: {  	_ =	shalt  }
0x57: {  	_ =	shalt  }
0x58: {  	_ =	shalt  }
0x59: {  	_ =	shalt  }
0x5a: {  	_ =	shalt  }
0x5b: {  	_ =	shalt  }
0x5c: {  	_ =	shalt  }
0x5d: {  	_ =	shalt  }
0x5e: {  	_ =	shalt  }
0x5f: {  	_ =	shalt  }
0x60: {  	_ =	shalt  }
0x61: {  	_ =	shalt  }
0x62: {  	_ =	shalt  }
0x63: {  	_ =	shalt  }
0x64: {  	_ =	shalt  }
0x65: {  	_ =	shalt  }
0x66: {  	_ =	shalt  }
0x67: {  	_ =	shalt  }
0x68: {  	_ =	shalt  }
0x69: {  	_ =	shalt  }
0x6a: {  	_ =	shalt  }
0x6b: {  	_ =	shalt  }
0x6c: {  	_ =	shalt  }
0x6d: {  	_ =	shalt  }
0x6e: {  	_ =	shalt  }
0x6f: {  	_ =	shalt  }
0x70: {  	_ =	shalt  }
0x71: {  	_ =	shalt  }
0x72: {  	_ =	shalt  }
0x73: {  	_ =	shalt  }
0x74: {  	_ =	shalt  }
0x75: {  	_ =	shalt  }
0x76: {  	_ =	shalt  }
0x77: {  	_ =	shalt  }
0x78: {  	_ =	shalt  }
0x79: {  	_ =	shalt  }
0x7a: {  	_ =	shalt  }
0x7b: {  	_ =	shalt  }
0x7c: {  	_ =	shalt  }
0x7d: {  	_ =	shalt  }
0x7e: {  	_ =	shalt  }
0x7f: {  	_ =	shalt  }
0x80: {  	_ =	shalt  }
0x81: {  	_ =	shalt  }
0x82: {  	_ =	shalt  }
0x83: {  	_ =	shalt  }
0x84: {  	_ =	shalt  }
0x85: {  	_ =	shalt  }
0x86: {  	_ =	shalt  }
0x87: {  	_ =	shalt  }
.Lfunc_end0:
.L_simem_size_0:
called_computation_lowered:
.L_overlay_start_0:
0x88: {  	s2 =	sld [smem:$0x3FD9]  }
0x89: {  	s3 =	sld [smem:$0x3FFE];
	_ =	sdelay $0x1  }
0x8a: {  	s1 =	srdreg.scid  }
0x8b: {  	s0 =	sand.u32 $0x1, s1  }
0x8c: {  	s17 =	sshll.u32 s0, $0xA;
	s2 =	sadd.s32 s3, s2  }
0x8d: {  	s2 =	sadd.s32 s2, s17  }
0x8e: {  	[smem:$0x3FC1] =	sst s2  }
0x8f: {  	_ = 	snop  }
0x90: {  	s2 =	sld [smem:$0x3FD0];
	(tm) =	ssettm $0x1  }
0x91: {  	s18 =	sld [smem:$0x3FFB];
	_ =	sdelay $0x3  }
0x92: {  	_ =	strace s18  }
0x93: {  	s3 =	sld [smem:$0x3FFC];
	_ =	sdelay $0x3  }
0x94: {  	_ =	strace s3  }
0x95: {  	s3 =	sld [smem:$0x3FFD];
	_ =	sdelay $0x3  }
0x96: {  	_ =	strace s3  }
0x97: {  	_ =	strace $0x8FFFFFFF  }
0x98: {  	s19 =	sld [smem:$0x3FDB];
	_ =	sdelay $0x1  }
0x99: {  	s4 =	simm.s32 $_scs_section_size  }
0x9a: {  	s5 =	simm.s32 $_size__tile_overlayer_lowered;
	s6 =	simm.s32 $_tile_overlayer_lowered  }
0x9b: {  	s22 =	simm.s32 $0x1BFF;
	s21 =	sshll.u32 s6, $0x1;
	s3 =	sadd.s32 s4, s19  }
0x9c: {  	s7 =	simm.s32 $0x0;
	s20 =	sshll.u32 s5, $0x1;
	s5 =	sadd.s32 s21, s3  }
0x9d: {  	[timem:s7], [sflag:s22] =	dma.local [hbm:s5], s20  }
0x9e: {  	_ =	swait.ge [sflag:s22], s20  }
0x9f: {  	s4 =	ssub.s32 $0x0, s20;
	[sflag:s22] =	ssyncset.done $0x0  }
0xa0: {  	[sflag:s22] =	ssyncadd.s32 s4;
	_ =	sdelay $0x1  }
0xa1: {  	s23 =	simm.s32 $0x1B8B  }
0xa2: {  	_ =	swait.ge [sflag:s23], $0x1  }
0xa3: {  	[sflag:s23] =	ssyncset.done $0x0  }
0xa4: {  	s25 =	simm.s32 $0x1B8E;
	s24 =	sld [smem:$0x3FFE];
	[sflag:s23] =	ssyncadd.s32 $0xFFFFFFFF  }
0xa5: {  	s26 =	simm.s32 $execute0_lowered;
	[smem:$0x3FD2] =	sst s25  }
0xa6: {  	s5 =	sshll.u32 s26, $0x1;
	_ =	strace $0x80000046;
	[dreg:$0x1] =	wrdreg $0xFFFFFFFF  }
0xa7: {  	s28 =	simm.s32 $_size_execute0_lowered;
	s3 =	sadd.s32 s3, s5;
	[dreg:$0x0] =	wrdreg $0x0  }
0xa8: {  	s5 =	sshll.u32 s28, $0x1;
	[dreg:$0x2] =	wrdreg s3  }
0xa9: {  	[dreg:$0x3] =	wrdreg s5  }
0xaa: {  	[dreg:$0x4] =	wrdreg $0xC0  }
0xab: {  	_ =	task [dreg:s7], $0x5FFFF  }
0xac: {  	[dreg:$0x1] =	wrdreg $0xFFFFFFFF  }
0xad: {  	[dreg:$0x0] =	wrdreg $0x60  }
0xae: {  	[dreg:$0x2] =	wrdreg s2  }
0xaf: {  	[dreg:$0x3] =	wrdreg s24  }
0xb0: {  	[dreg:$0x4] =	wrdreg $0x9  }
0xb1: {  	_ =	task.clear_ibuf [dreg:s7], $0x5FFFF;
	_ =	strace $0x90000046  }
0xb2: {  	s29 =	simm.s32 $0x9;
	_ =	strace $0x80000048  }
0xb3: {  	_ =	swait.ge [sflag:s29], $0x1  }
0xb4: {  	[sflag:s29] =	ssyncadd.s32 $0xFFFFFFFF  }
0xb5: {  	_ =	strace $0x90000048  }
0xb6: {  	_ =	sfence  }
0xb7: {  	s30 =	sld [smem:$0x0];
	_ =	sdelay $0x2  }
0xb8: {  	s31 =	sshll.u32 s1, $0xD;
	s1 =	sshrl.u32 s1, $0x2  }
0xb9: {  	s3 =	sand.u32 $0x4000, s31;
	s1 =	sadd.s32 s1, s30  }
0xba: {  	s0 =	sor.u32 s3, s0;
	s1 =	sshll.u32 s1, $0x11  }
0xbb: {  	s0 =	sor.u32 s1, s0  }
0xbc: {  	s0 =	sadd.s32 $0x8F2B, s0  }
0xbd: {  	[sflag:s0] =	ssyncadd.remote.s32 $0x1  }
0xbe: {  	_ =	sfence.sel $0xFFFF  }
0xbf: {  	[dreg:$0x0] =	wrdreg $0xFFFFFFFF;
	(pc) =	sbr.abs _section_cstart, $3  }
0xc0: {  	[dreg:$0x1] =	wrdreg $0xFFFFFFFF  }
0xc1: {  	_ =	task.clear_ibuf [dreg:s7], $0x2FFFF;
	_ =	strace $0x9FFFFFFF  }
0xc2: {  	(tm) =	ssettm $0x7FFFFFFF  }
0xc3: {  	_ =	shalt  }
tec
execute0_lowered:
.L_overlay_start_1:
0x0: {  	(tag) =	ssettag $0x1  }
0x1: {  	v0 =	vlaneseq.u32  }
0x2: {  	v0 =	vmul.u32 $0x10, v0;
	_ =	sdelay $0x1  }
0x3: {  	v1 =	vor.u32 $0x1, v0;
	v7 =	vor.u32 $0x301, v0;
	v8 =	vor.u32 $0x400, v0  }
0x4: {  	v9 =	vor.u32 $0x401, v0;
	v10 =	vor.u32 $0x500, v0;
	v11 =	vor.u32 $0x501, v0  }
0x5: {  	v12 =	vor.u32 $0x600, v0;
	v13 =	vor.u32 $0x601, v0;
	v14 =	vor.u32 $0x700, v0  }
0x6: {  	s1 =	srdreg.scid;
	v15 =	vor.u32 $0x701, v0;
	v16 =	vor.u32 $0x800, v0;
	v17 =	vor.u32 $0x801, v0  }
0x7: {  	s0 =	stileid.u32;
	s5 =	rddreg [dreg:$0x0];
	v18 =	vor.u32 $0x900, v0;
	v19 =	vor.u32 $0x901, v0;
	v20 =	vor.u32 $0xA00, v0  }
0x8: {  	s4 =	simm.s32 $0x1;
	s6 =	rddreg [dreg:$0x1];
	s2 =	simm.s32 $0x0;
	v21 =	vor.u32 $0xA01, v0;
	v22 =	vor.u32 $0xB00, v0;
	v23 =	vor.u32 $0xB01, v0  }
0x9: {  	s11 =	simm.s32 $0x400;
	s12 =	simm.s32 $0x800;
	s13 =	simm.s32 $0x480;
	v24 =	vor.u32 $0xC00, v0;
	v25 =	vor.u32 $0xC01, v0;
	v26 =	vor.u32 $0xD00, v0  }
0xa: {  	s14 =	simm.s32 $0x1000;
	s15 =	simm.s32 $0x500;
	s16 =	simm.s32 $0x1800;
	v27 =	vor.u32 $0xD01, v0;
	v28 =	vor.u32 $0xE00, v0;
	v29 =	vor.u32 $0xE01, v0  }
0xb: {  	s17 =	simm.s32 $0x580;
	s18 =	simm.s32 $0x2000;
	s3 =	sand.u32 $0x1, s1;
	v30 =	vor.u32 $0xF00, v0;
	v31 =	vor.u32 $0xF01, v0;
	v32 =	vor.u32 $0x1000, v0  }
0xc: {  	s19 =	simm.s32 $0x600;
	s20 =	simm.s32 $0x2800;
	s1 =	sor.u32 s3, s0;
	v33 =	vor.u32 $0x1001, v0;
	v34 =	vor.u32 $0x1100, v0;
	v35 =	vor.u32 $0x1101, v0  }
0xd: {  	s21 =	simm.s32 $0x680;
	p1 =	seq.s32 s3, $0x1;
	p0 =	seq.s32 s1, $0x0;
	v36 =	vor.u32 $0x1200, v0;
	v37 =	vor.u32 $0x1201, v0;
	v38 =	vor.u32 $0x1300, v0  }
0xe: {  	s22 =	simm.s32 $0x3000;
	s23 =	simm.s32 $0x700;
	v39 =	vor.u32 $0x1301, v0;
	v40 =	vor.u32 $0x1400, v0;
	v41 =	vor.u32 $0x1401, v0;
	p0 =	por !p0, !p1  }
0xf: {  	s24 =	simm.s32 $0x3800;
	s25 =	simm.s32 $0x780;
	v42 =	vor.u32 $0x1500, v0;
	v43 =	vor.u32 $0x1501, v0;
	[tilespmem:$0x1FFA0] =	vst v1;
	v1 =	vor.u32 $0x100, v0;
	p0 =	por !p0, !p0  }
0x10: {  	s26 =	simm.s32 $0x4000;
	s28 =	simm.s32 $0x4800;
	v44 =	vor.u32 $0x1600, v0;
	v45 =	vor.u32 $0x1601, v0;
	[tilespmem:$0x1FFB0] =	vst v1;
	v1 =	vor.u32 $0x101, v0;
	s4 =	simm.s32 @!p0 $0x0  }
0x11: {  	s29 =	simm.s32 $0x4C00;
	[smem:$0x7FF] =	sst s2;
	v46 =	vor.u32 $0x1700, v0;
	v47 =	vor.u32 $0x1701, v0;
	[tilespmem:$0x1FFC0] =	vst v1;
	v1 =	vor.u32 $0x200, v0;
	s4 =	ssub.s32 s0, s4  }
0x12: {  	s7 =	sshll.u32 s3, $0xA;
	s31 =	ssub.s32 $0x2, s3;
	v48 =	vor.u32 $0x1800, v0;
	v49 =	vor.u32 $0x1801, v0;
	[tilespmem:$0x1FFD0] =	vst v1;
	v1 =	vor.u32 $0x201, v0;
	s4 =	sshll.u32 s4, $0xB  }
0x13: {  	s3 =	sadd.s32 $0x187E00, s6;
	s9 =	sshrl.u32 s31, $0x1;
	v50 =	vor.u32 $0x1900, v0;
	v51 =	vor.u32 $0x1901, v0;
	[tilespmem:$0x1FFE0] =	vst v1;
	v1 =	vor.u32 $0x300, v0;
	s4 =	sor.u32 s7, s4  }
0x14: {  	s1 =	rddreg [dreg:$0x2];
	v52 =	vor.u32 $0x1A00, v0;
	v53 =	vor.u32 $0x1A01, v0;
	v54 =	vor.u32 $0x1B00, v0;
	s9 =	ssub.s32 s31, s9;
	[tilespmem:$0x1FFF0] =	vst v1;
	s8 =	sshrl.u32 s4, $0x3  }
0x15: {  	v55 =	vor.u32 $0x1B01, v0;
	v56 =	vor.u32 $0x1C00, v0;
	v57 =	vor.u32 $0x1C01, v0;
	_ =	strace $0x80000047;
	s4 =	simm.s32 $0x1;
	s10 =	sadd.s32 s8, s6  }
0x16: {  	v58 =	vor.u32 $0x1D00, v0;
	v59 =	vor.u32 $0x1D01, v0;
	v60 =	vor.u32 $0x1E00, v0;
	s5 =	sadd.s32 s5, s8;
	s8 =	smax.u32 s9, $0x1;
	s9 =	simm.s32 $0x2  }
0x17: {  	v61 =	vor.u32 $0x1E01, v0;
	v62 =	vor.u32 $0x1F00, v0;
	v63 =	vor.u32 $0x1F01, v0;
	s6 =	sadd.s32 $0x2400, s10;
	s7 =	sadd.s32 $0x1400, s10;
	s10 =	simm.s32 $0x80  }
.LBB2_1:
0x18: {  	[tilespmem:s2], [sflag:$0x2] =	stream.linear.gather [hbm4b:s5+s2], $0x400, $0x38;
	[tilespmem:$0x5000] =	vst v63  }
0x19: {  	_ =	swait.ge [sflag:s9], $0x400  }
0x1a: {  	[sflag:s9] =	ssyncset.done $0x0  }
0x1b: {  	[sflag:s9] =	ssyncadd.s32 $0xFFFFFC00  }
0x1c: {  	v1 =	vld [tilespmem:$0x0]  }
0x1d: {  	v2 =	vld [tilespmem:$0x10]  }
0x1e: {  	v3 =	vld [tilespmem:$0x20]  }
0x1f: {  	v4 =	vld [tilespmem:$0x30]  }
0x20: {  	v5 =	vld [tilespmem:$0x40]  }
0x21: {  	v6 =	vld [tilespmem:$0x50];
	v1 =	vshrl.u32 v1, $0x3  }
0x22: {  	[tilespmem:$0x400] =	vst v1;
	v1 =	vshrl.u32 v2, $0x3;
	v2 =	vld [tilespmem:$0x60]  }
0x23: {  	[tilespmem:$0x410] =	vst v1;
	v1 =	vshrl.u32 v3, $0x3;
	v3 =	vld [tilespmem:$0x70]  }
0x24: {  	[tilespmem:$0x420] =	vst v1;
	v1 =	vshrl.u32 v4, $0x3;
	v4 =	vld [tilespmem:$0x80]  }
0x25: {  	[tilespmem:$0x430] =	vst v1;
	v1 =	vshrl.u32 v5, $0x3;
	v5 =	vld [tilespmem:$0x90]  }
0x26: {  	[tilespmem:$0x440] =	vst v1;
	v1 =	vshrl.u32 v6, $0x3;
	v6 =	vld [tilespmem:$0xA0]  }
0x27: {  	[tilespmem:$0x450] =	vst v1;
	v1 =	vshrl.u32 v2, $0x3;
	v2 =	vld [tilespmem:$0xB0]  }
0x28: {  	[tilespmem:$0x460] =	vst v1;
	v1 =	vshrl.u32 v3, $0x3;
	v3 =	vld [tilespmem:$0xC0]  }
0x29: {  	[tilespmem:$0x470] =	vst v1;
	v1 =	vshrl.u32 v4, $0x3;
	v4 =	vld [tilespmem:$0xD0]  }
0x2a: {  	[tilespmem:$0x480] =	vst v1;
	v1 =	vshrl.u32 v5, $0x3;
	v5 =	vld [tilespmem:$0xE0]  }
0x2b: {  	[tilespmem:$0x490] =	vst v1;
	v1 =	vshrl.u32 v6, $0x3;
	v6 =	vld [tilespmem:$0xF0]  }
0x2c: {  	[tilespmem:$0x4A0] =	vst v1;
	v1 =	vshrl.u32 v2, $0x3;
	v2 =	vld [tilespmem:$0x100]  }
0x2d: {  	[tilespmem:$0x4B0] =	vst v1;
	v1 =	vshrl.u32 v3, $0x3;
	v3 =	vld [tilespmem:$0x110]  }
0x2e: {  	[tilespmem:$0x4C0] =	vst v1;
	v1 =	vshrl.u32 v4, $0x3;
	v4 =	vld [tilespmem:$0x120]  }
0x2f: {  	[tilespmem:$0x4D0] =	vst v1;
	v1 =	vshrl.u32 v5, $0x3;
	v5 =	vld [tilespmem:$0x130]  }
0x30: {  	[tilespmem:$0x4E0] =	vst v1;
	v1 =	vshrl.u32 v6, $0x3;
	v6 =	vld [tilespmem:$0x140]  }
0x31: {  	[tilespmem:$0x4F0] =	vst v1;
	v1 =	vshrl.u32 v2, $0x3;
	v2 =	vld [tilespmem:$0x150]  }
0x32: {  	[tilespmem:$0x500] =	vst v1;
	v1 =	vshrl.u32 v3, $0x3;
	v3 =	vld [tilespmem:$0x160]  }
0x33: {  	[tilespmem:$0x510] =	vst v1;
	v1 =	vshrl.u32 v4, $0x3;
	v4 =	vld [tilespmem:$0x170]  }
0x34: {  	[tilespmem:$0x520] =	vst v1;
	v1 =	vshrl.u32 v5, $0x3;
	v5 =	vld [tilespmem:$0x180]  }
0x35: {  	[tilespmem:$0x530] =	vst v1;
	v1 =	vshrl.u32 v6, $0x3;
	v6 =	vld [tilespmem:$0x190]  }
0x36: {  	[tilespmem:$0x540] =	vst v1;
	v1 =	vshrl.u32 v2, $0x3;
	v2 =	vld [tilespmem:$0x1A0]  }
0x37: {  	[tilespmem:$0x550] =	vst v1;
	v1 =	vshrl.u32 v3, $0x3;
	v3 =	vld [tilespmem:$0x1B0]  }
0x38: {  	[tilespmem:$0x560] =	vst v1;
	v1 =	vshrl.u32 v4, $0x3;
	v4 =	vld [tilespmem:$0x1C0]  }
0x39: {  	[tilespmem:$0x570] =	vst v1;
	v1 =	vshrl.u32 v5, $0x3;
	v5 =	vld [tilespmem:$0x1D0]  }
0x3a: {  	[tilespmem:$0x580] =	vst v1;
	v1 =	vshrl.u32 v6, $0x3;
	v6 =	vld [tilespmem:$0x1E0]  }
0x3b: {  	[tilespmem:$0x590] =	vst v1;
	v1 =	vshrl.u32 v2, $0x3;
	v2 =	vld [tilespmem:$0x1F0]  }
0x3c: {  	[tilespmem:$0x5A0] =	vst v1;
	v1 =	vshrl.u32 v3, $0x3;
	v3 =	vld [tilespmem:$0x200]  }
0x3d: {  	[tilespmem:$0x5B0] =	vst v1;
	v1 =	vshrl.u32 v4, $0x3;
	v4 =	vld [tilespmem:$0x210]  }
0x3e: {  	[tilespmem:$0x5C0] =	vst v1;
	v1 =	vshrl.u32 v5, $0x3;
	v5 =	vld [tilespmem:$0x220]  }
0x3f: {  	[tilespmem:$0x5D0] =	vst v1;
	v1 =	vshrl.u32 v6, $0x3;
	v6 =	vld [tilespmem:$0x230]  }
0x40: {  	[tilespmem:$0x5E0] =	vst v1;
	v1 =	vshrl.u32 v2, $0x3;
	v2 =	vld [tilespmem:$0x240]  }
0x41: {  	[tilespmem:$0x5F0] =	vst v1;
	v1 =	vshrl.u32 v3, $0x3;
	v3 =	vld [tilespmem:$0x250]  }
0x42: {  	[tilespmem:$0x600] =	vst v1;
	v1 =	vshrl.u32 v4, $0x3;
	v4 =	vld [tilespmem:$0x260]  }
0x43: {  	[tilespmem:$0x610] =	vst v1;
	v1 =	vshrl.u32 v5, $0x3;
	v5 =	vld [tilespmem:$0x270]  }
0x44: {  	[tilespmem:$0x620] =	vst v1;
	v1 =	vshrl.u32 v6, $0x3;
	v6 =	vld [tilespmem:$0x280]  }
0x45: {  	[tilespmem:$0x630] =	vst v1;
	v1 =	vshrl.u32 v2, $0x3;
	v2 =	vld [tilespmem:$0x290]  }
0x46: {  	[tilespmem:$0x640] =	vst v1;
	v1 =	vshrl.u32 v3, $0x3;
	v3 =	vld [tilespmem:$0x2A0]  }
0x47: {  	[tilespmem:$0x650] =	vst v1;
	v1 =	vshrl.u32 v4, $0x3;
	v4 =	vld [tilespmem:$0x2B0]  }
0x48: {  	[tilespmem:$0x660] =	vst v1;
	v1 =	vshrl.u32 v5, $0x3;
	v5 =	vld [tilespmem:$0x2C0]  }
0x49: {  	[tilespmem:$0x670] =	vst v1;
	v1 =	vshrl.u32 v6, $0x3;
	v6 =	vld [tilespmem:$0x2D0]  }
0x4a: {  	[tilespmem:$0x680] =	vst v1;
	v1 =	vshrl.u32 v2, $0x3;
	v2 =	vld [tilespmem:$0x2E0]  }
0x4b: {  	[tilespmem:$0x690] =	vst v1;
	v1 =	vshrl.u32 v3, $0x3;
	v3 =	vld [tilespmem:$0x2F0]  }
0x4c: {  	[tilespmem:$0x6A0] =	vst v1;
	v1 =	vshrl.u32 v4, $0x3;
	v4 =	vld [tilespmem:$0x300]  }
0x4d: {  	[tilespmem:$0x6B0] =	vst v1;
	v1 =	vshrl.u32 v5, $0x3;
	v5 =	vld [tilespmem:$0x310]  }
0x4e: {  	[tilespmem:$0x6C0] =	vst v1;
	v1 =	vshrl.u32 v6, $0x3;
	v6 =	vld [tilespmem:$0x320]  }
0x4f: {  	[tilespmem:$0x6D0] =	vst v1;
	v1 =	vshrl.u32 v2, $0x3;
	v2 =	vld [tilespmem:$0x330]  }
0x50: {  	[tilespmem:$0x6E0] =	vst v1;
	v1 =	vshrl.u32 v3, $0x3;
	v3 =	vld [tilespmem:$0x340]  }
0x51: {  	[tilespmem:$0x6F0] =	vst v1;
	v1 =	vshrl.u32 v4, $0x3;
	v4 =	vld [tilespmem:$0x350]  }
0x52: {  	[tilespmem:$0x700] =	vst v1;
	v1 =	vshrl.u32 v5, $0x3;
	v5 =	vld [tilespmem:$0x360]  }
0x53: {  	[tilespmem:$0x710] =	vst v1;
	v1 =	vshrl.u32 v6, $0x3;
	v6 =	vld [tilespmem:$0x370]  }
0x54: {  	[tilespmem:$0x720] =	vst v1;
	v1 =	vshrl.u32 v2, $0x3;
	v2 =	vld [tilespmem:$0x380]  }
0x55: {  	[tilespmem:$0x730] =	vst v1;
	v1 =	vshrl.u32 v3, $0x3;
	v3 =	vld [tilespmem:$0x390]  }
0x56: {  	[tilespmem:$0x740] =	vst v1;
	v1 =	vshrl.u32 v4, $0x3;
	v4 =	vld [tilespmem:$0x3A0]  }
0x57: {  	[tilespmem:$0x750] =	vst v1;
	v1 =	vshrl.u32 v5, $0x3;
	v5 =	vld [tilespmem:$0x3B0]  }
0x58: {  	[tilespmem:$0x760] =	vst v1;
	v1 =	vshrl.u32 v6, $0x3;
	v6 =	vld [tilespmem:$0x3C0]  }
0x59: {  	[tilespmem:$0x770] =	vst v1;
	v1 =	vshrl.u32 v2, $0x3;
	v2 =	vld [tilespmem:$0x3D0]  }
0x5a: {  	[tilespmem:$0x780] =	vst v1;
	v1 =	vshrl.u32 v3, $0x3;
	v3 =	vld [tilespmem:$0x3E0]  }
0x5b: {  	[tilespmem:$0x790] =	vst v1;
	v1 =	vshrl.u32 v4, $0x3;
	v4 =	vld [tilespmem:$0x3F0]  }
0x5c: {  	[tilespmem:$0x7A0] =	vst v1;
	v1 =	vshrl.u32 v5, $0x3  }
0x5d: {  	[tilespmem:$0x7B0] =	vst v1;
	v1 =	vshrl.u32 v6, $0x3  }
0x5e: {  	[tilespmem:$0x7C0] =	vst v1;
	v1 =	vshrl.u32 v2, $0x3  }
0x5f: {  	[tilespmem:$0x7D0] =	vst v1;
	v1 =	vshrl.u32 v3, $0x3  }
0x60: {  	[tilespmem:$0x7E0] =	vst v1;
	v1 =	vshrl.u32 v4, $0x3  }
0x61: {  	[tilespmem:$0x7F0] =	vst v1  }
0x62: {  	[tilespmem:s12], [sflag:$0x1] =	stream.indirect.gather [hbm4b:s3+s10], $0x10, s11, s10, $0xb8;
	[tilespmem:$0x5000] =	vst v63  }
0x63: {  	_ = 	snop  }
0x64: {  	[tilespmem:s14], [sflag:$0x1] =	stream.indirect.gather [hbm4b:s3+s10], $0x10, s13, s10, $0xb8;
	[tilespmem:$0x5000] =	vst v63  }
0x65: {  	_ = 	snop  }
0x66: {  	[tilespmem:s16], [sflag:$0x1] =	stream.indirect.gather [hbm4b:s3+s10], $0x10, s15, s10, $0xb8;
	[tilespmem:$0x5000] =	vst v63  }
0x67: {  	_ = 	snop  }
0x68: {  	[tilespmem:s18], [sflag:$0x1] =	stream.indirect.gather [hbm4b:s3+s10], $0x10, s17, s10, $0xb8;
	[tilespmem:$0x5000] =	vst v63  }
0x69: {  	_ = 	snop  }
0x6a: {  	[tilespmem:s20], [sflag:$0x1] =	stream.indirect.gather [hbm4b:s3+s10], $0x10, s19, s10, $0xb8;
	[tilespmem:$0x5000] =	vst v63  }
0x6b: {  	_ = 	snop  }
0x6c: {  	[tilespmem:s22], [sflag:$0x1] =	stream.indirect.gather [hbm4b:s3+s10], $0x10, s21, s10, $0xb8;
	[tilespmem:$0x5000] =	vst v63  }
0x6d: {  	_ = 	snop  }
0x6e: {  	[tilespmem:s24], [sflag:$0x1] =	stream.indirect.gather [hbm4b:s3+s10], $0x10, s23, s10, $0xb8;
	[tilespmem:$0x5000] =	vst v63  }
0x6f: {  	_ = 	snop  }
0x70: {  	[tilespmem:s26], [sflag:$0x1] =	stream.indirect.gather [hbm4b:s3+s10], $0x10, s25, s10, $0xb8;
	[tilespmem:$0x5000] =	vst v63  }
0x71: {  	_ =	swait.ge [sflag:s4], $0x800  }
0x72: {  	[sflag:s4] =	ssyncset.done $0x0  }
0x73: {  	[sflag:s4] =	ssyncadd.s32 $0xFFFFF800  }
0x74: {  	_ =	swait.ge [sflag:s4], $0x800  }
0x75: {  	[sflag:s4] =	ssyncset.done $0x0  }
0x76: {  	[sflag:s4] =	ssyncadd.s32 $0xFFFFF800  }
0x77: {  	_ =	swait.ge [sflag:s4], $0x800  }
0x78: {  	[sflag:s4] =	ssyncset.done $0x0  }
0x79: {  	[sflag:s4] =	ssyncadd.s32 $0xFFFFF800  }
0x7a: {  	_ =	swait.ge [sflag:s4], $0x800  }
0x7b: {  	[sflag:s4] =	ssyncset.done $0x0  }
0x7c: {  	[sflag:s4] =	ssyncadd.s32 $0xFFFFF800  }
0x7d: {  	_ =	swait.ge [sflag:s4], $0x800  }
0x7e: {  	[sflag:s4] =	ssyncset.done $0x0  }
0x7f: {  	[sflag:s4] =	ssyncadd.s32 $0xFFFFF800  }
0x80: {  	_ =	swait.ge [sflag:s4], $0x800  }
0x81: {  	[sflag:s4] =	ssyncset.done $0x0  }
0x82: {  	[sflag:s4] =	ssyncadd.s32 $0xFFFFF800  }
0x83: {  	_ =	swait.ge [sflag:s4], $0x800  }
0x84: {  	[sflag:s4] =	ssyncset.done $0x0  }
0x85: {  	[sflag:s4] =	ssyncadd.s32 $0xFFFFF800  }
0x86: {  	_ =	swait.ge [sflag:s4], $0x800  }
0x87: {  	[sflag:s4] =	ssyncset.done $0x0  }
0x88: {  	[sflag:s4] =	ssyncadd.s32 $0xFFFFF800  }
0x89: {  	v1 =	vld [tilespmem:$0x0];
	_ =	sdelay $0x4  }
0x8a: {  	v1 =	vshll.u32 v1, $0x1  }
0x8b: {  	v1 =	vand.u32 $0xE, v1  }
0x8c: {  	v2 =	vor.u32 v0, v1;
	_ =	sdelay $0x2  }
0x8d: {  	v4 =	vld [tilespmem:$0x1FFA0]  }
0x8e: {  	v3 =	vld [tilespmem:$0x10]  }
0x8f: {  	v2 =	vld.idx.msk [tilespmem:v2+s12+$0x0], $0xffff;
	_ =	sdelay $0x3  }
0x90: {  	v1 =	vor.u32 v4, v1  }
0x91: {  	[tilespmem:$0x4800] =	vst v2;
	v2 =	vshll.u32 v3, $0x1;
	v3 =	vld [tilespmem:$0x1FFB0];
	_ =	sdelay $0x3  }
0x92: {  	v1 =	vld.idx.msk [tilespmem:v1+s12+$0x0], $0xffff;
	v2 =	vand.u32 $0xE, v2  }
0x93: {  	v3 =	vor.u32 v3, v2;
	_ =	sdelay $0x3  }
0x94: {  	v4 =	vld [tilespmem:$0x1FFC0];
	[tilespmem:$0x4C00] =	vst v1  }
0x95: {  	v1 =	vld.idx.msk [tilespmem:v3+s12+$0x0], $0xffff  }
0x96: {  	v3 =	vld [tilespmem:$0x20];
	_ =	sdelay $0x3  }
0x97: {  	v2 =	vor.u32 v4, v2  }
0x98: {  	[tilespmem:$0x4810] =	vst v1;
	v1 =	vshll.u32 v3, $0x1;
	v3 =	vld [tilespmem:$0x1FFD0];
	_ =	sdelay $0x3  }
0x99: {  	v2 =	vld.idx.msk [tilespmem:v2+s12+$0x0], $0xffff;
	v1 =	vand.u32 $0xE, v1  }
0x9a: {  	v3 =	vor.u32 v3, v1;
	_ =	sdelay $0x3  }
0x9b: {  	v4 =	vld [tilespmem:$0x1FFE0];
	[tilespmem:$0x4C10] =	vst v2  }
0x9c: {  	v2 =	vld.idx.msk [tilespmem:v3+s12+$0x0], $0xffff  }
0x9d: {  	v3 =	vld [tilespmem:$0x30];
	_ =	sdelay $0x3  }
0x9e: {  	v1 =	vor.u32 v4, v1  }
0x9f: {  	[tilespmem:$0x4820] =	vst v2;
	v2 =	vshll.u32 v3, $0x1;
	v3 =	vld [tilespmem:$0x1FFF0];
	_ =	sdelay $0x3  }
0xa0: {  	v1 =	vld.idx.msk [tilespmem:v1+s12+$0x0], $0xffff;
	v2 =	vand.u32 $0xE, v2  }
0xa1: {  	v3 =	vor.u32 v3, v2;
	_ =	sdelay $0x3  }
0xa2: {  	[tilespmem:$0x4C20] =	vst v1  }
0xa3: {  	v1 =	vld.idx.msk [tilespmem:v3+s12+$0x0], $0xffff  }
0xa4: {  	v3 =	vld [tilespmem:$0x40]  }
0xa5: {  	v2 =	vor.u32 v7, v2;
	_ =	sdelay $0x3  }
0xa6: {  	[tilespmem:$0x4830] =	vst v1;
	v1 =	vshll.u32 v3, $0x1  }
0xa7: {  	v2 =	vld.idx.msk [tilespmem:v2+s12+$0x0], $0xffff;
	v1 =	vand.u32 $0xE, v1  }
0xa8: {  	v3 =	vor.u32 v8, v1;
	_ =	sdelay $0x3  }
0xa9: {  	[tilespmem:$0x4C30] =	vst v2  }
0xaa: {  	v2 =	vld.idx.msk [tilespmem:v3+s12+$0x0], $0xffff  }
0xab: {  	v3 =	vld [tilespmem:$0x50]  }
0xac: {  	v1 =	vor.u32 v9, v1;
	_ =	sdelay $0x3  }
0xad: {  	[tilespmem:$0x4840] =	vst v2;
	v2 =	vshll.u32 v3, $0x1  }
0xae: {  	v1 =	vld.idx.msk [tilespmem:v1+s12+$0x0], $0xffff;
	v2 =	vand.u32 $0xE, v2  }
0xaf: {  	v3 =	vor.u32 v10, v2;
	_ =	sdelay $0x3  }
0xb0: {  	[tilespmem:$0x4C40] =	vst v1  }
0xb1: {  	v1 =	vld.idx.msk [tilespmem:v3+s12+$0x0], $0xffff  }
0xb2: {  	v3 =	vld [tilespmem:$0x60]  }
0xb3: {  	v2 =	vor.u32 v11, v2;
	_ =	sdelay $0x3  }
0xb4: {  	[tilespmem:$0x4850] =	vst v1;
	v1 =	vshll.u32 v3, $0x1  }
0xb5: {  	v2 =	vld.idx.msk [tilespmem:v2+s12+$0x0], $0xffff;
	v1 =	vand.u32 $0xE, v1  }
0xb6: {  	v3 =	vor.u32 v12, v1;
	_ =	sdelay $0x3  }
0xb7: {  	[tilespmem:$0x4C50] =	vst v2  }
0xb8: {  	v2 =	vld.idx.msk [tilespmem:v3+s12+$0x0], $0xffff  }
0xb9: {  	v3 =	vld [tilespmem:$0x70]  }
0xba: {  	v1 =	vor.u32 v13, v1;
	_ =	sdelay $0x3  }
0xbb: {  	[tilespmem:$0x4860] =	vst v2;
	v2 =	vshll.u32 v3, $0x1  }
0xbc: {  	v1 =	vld.idx.msk [tilespmem:v1+s12+$0x0], $0xffff;
	v2 =	vand.u32 $0xE, v2  }
0xbd: {  	v3 =	vor.u32 v14, v2;
	_ =	sdelay $0x3  }
0xbe: {  	[tilespmem:$0x4C60] =	vst v1  }
0xbf: {  	v1 =	vld.idx.msk [tilespmem:v3+s12+$0x0], $0xffff  }
0xc0: {  	v3 =	vld [tilespmem:$0x80]  }
0xc1: {  	v2 =	vor.u32 v15, v2;
	_ =	sdelay $0x3  }
0xc2: {  	[tilespmem:$0x4870] =	vst v1;
	v1 =	vshll.u32 v3, $0x1  }
0xc3: {  	v2 =	vld.idx.msk [tilespmem:v2+s12+$0x0], $0xffff;
	v1 =	vand.u32 $0xE, v1  }
0xc4: {  	v3 =	vor.u32 v16, v1;
	_ =	sdelay $0x3  }
0xc5: {  	[tilespmem:$0x4C70] =	vst v2  }
0xc6: {  	v2 =	vld.idx.msk [tilespmem:v3+s12+$0x0], $0xffff  }
0xc7: {  	v3 =	vld [tilespmem:$0x90]  }
0xc8: {  	v1 =	vor.u32 v17, v1;
	_ =	sdelay $0x3  }
0xc9: {  	[tilespmem:$0x4880] =	vst v2;
	v2 =	vshll.u32 v3, $0x1  }
0xca: {  	v1 =	vld.idx.msk [tilespmem:v1+s12+$0x0], $0xffff;
	v2 =	vand.u32 $0xE, v2  }
0xcb: {  	v3 =	vor.u32 v18, v2;
	_ =	sdelay $0x3  }
0xcc: {  	[tilespmem:$0x4C80] =	vst v1  }
0xcd: {  	v1 =	vld.idx.msk [tilespmem:v3+s12+$0x0], $0xffff  }
0xce: {  	v3 =	vld [tilespmem:$0xA0]  }
0xcf: {  	v2 =	vor.u32 v19, v2;
	_ =	sdelay $0x3  }
0xd0: {  	[tilespmem:$0x4890] =	vst v1;
	v1 =	vshll.u32 v3, $0x1  }
0xd1: {  	v2 =	vld.idx.msk [tilespmem:v2+s12+$0x0], $0xffff;
	v1 =	vand.u32 $0xE, v1  }
0xd2: {  	v3 =	vor.u32 v20, v1;
	_ =	sdelay $0x3  }
0xd3: {  	[tilespmem:$0x4C90] =	vst v2  }
0xd4: {  	v2 =	vld.idx.msk [tilespmem:v3+s12+$0x0], $0xffff  }
0xd5: {  	v3 =	vld [tilespmem:$0xB0]  }
0xd6: {  	v1 =	vor.u32 v21, v1;
	_ =	sdelay $0x3  }
0xd7: {  	[tilespmem:$0x48A0] =	vst v2;
	v2 =	vshll.u32 v3, $0x1  }
0xd8: {  	v1 =	vld.idx.msk [tilespmem:v1+s12+$0x0], $0xffff;
	v2 =	vand.u32 $0xE, v2  }
0xd9: {  	v3 =	vor.u32 v22, v2;
	_ =	sdelay $0x3  }
0xda: {  	[tilespmem:$0x4CA0] =	vst v1  }
0xdb: {  	v1 =	vld.idx.msk [tilespmem:v3+s12+$0x0], $0xffff  }
0xdc: {  	v3 =	vld [tilespmem:$0xC0]  }
0xdd: {  	v2 =	vor.u32 v23, v2;
	_ =	sdelay $0x3  }
0xde: {  	[tilespmem:$0x48B0] =	vst v1;
	v1 =	vshll.u32 v3, $0x1  }
0xdf: {  	v2 =	vld.idx.msk [tilespmem:v2+s12+$0x0], $0xffff;
	v1 =	vand.u32 $0xE, v1  }
0xe0: {  	v3 =	vor.u32 v24, v1;
	_ =	sdelay $0x3  }
0xe1: {  	[tilespmem:$0x4CB0] =	vst v2  }
0xe2: {  	v2 =	vld.idx.msk [tilespmem:v3+s12+$0x0], $0xffff  }
0xe3: {  	v3 =	vld [tilespmem:$0xD0]  }
0xe4: {  	v1 =	vor.u32 v25, v1;
	_ =	sdelay $0x3  }
0xe5: {  	[tilespmem:$0x48C0] =	vst v2;
	v2 =	vshll.u32 v3, $0x1  }
0xe6: {  	v1 =	vld.idx.msk [tilespmem:v1+s12+$0x0], $0xffff;
	v2 =	vand.u32 $0xE, v2  }
0xe7: {  	v3 =	vor.u32 v26, v2;
	_ =	sdelay $0x3  }
0xe8: {  	[tilespmem:$0x4CC0] =	vst v1  }
0xe9: {  	v1 =	vld.idx.msk [tilespmem:v3+s12+$0x0], $0xffff  }
0xea: {  	v3 =	vld [tilespmem:$0xE0]  }
0xeb: {  	v2 =	vor.u32 v27, v2;
	_ =	sdelay $0x3  }
0xec: {  	[tilespmem:$0x48D0] =	vst v1;
	v1 =	vshll.u32 v3, $0x1  }
0xed: {  	v2 =	vld.idx.msk [tilespmem:v2+s12+$0x0], $0xffff;
	v1 =	vand.u32 $0xE, v1  }
0xee: {  	v3 =	vor.u32 v28, v1;
	_ =	sdelay $0x3  }
0xef: {  	[tilespmem:$0x4CD0] =	vst v2  }
0xf0: {  	v2 =	vld.idx.msk [tilespmem:v3+s12+$0x0], $0xffff  }
0xf1: {  	v3 =	vld [tilespmem:$0xF0]  }
0xf2: {  	v1 =	vor.u32 v29, v1;
	_ =	sdelay $0x3  }
0xf3: {  	[tilespmem:$0x48E0] =	vst v2;
	v2 =	vshll.u32 v3, $0x1  }
0xf4: {  	v1 =	vld.idx.msk [tilespmem:v1+s12+$0x0], $0xffff;
	v2 =	vand.u32 $0xE, v2  }
0xf5: {  	v3 =	vor.u32 v30, v2;
	_ =	sdelay $0x3  }
0xf6: {  	[tilespmem:$0x4CE0] =	vst v1  }
0xf7: {  	v1 =	vld.idx.msk [tilespmem:v3+s12+$0x0], $0xffff  }
0xf8: {  	v3 =	vld [tilespmem:$0x100]  }
0xf9: {  	v2 =	vor.u32 v31, v2;
	_ =	sdelay $0x3  }
0xfa: {  	[tilespmem:$0x48F0] =	vst v1;
	v1 =	vshll.u32 v3, $0x1  }
0xfb: {  	v2 =	vld.idx.msk [tilespmem:v2+s12+$0x0], $0xffff;
	v1 =	vand.u32 $0xE, v1  }
0xfc: {  	v3 =	vor.u32 v32, v1;
	_ =	sdelay $0x3  }
0xfd: {  	[tilespmem:$0x4CF0] =	vst v2  }
0xfe: {  	v2 =	vld.idx.msk [tilespmem:v3+s12+$0x0], $0xffff  }
0xff: {  	v3 =	vld [tilespmem:$0x110]  }
0x100: {  	v1 =	vor.u32 v33, v1;
	_ =	sdelay $0x3  }
0x101: {  	[tilespmem:$0x4900] =	vst v2;
	v2 =	vshll.u32 v3, $0x1  }
0x102: {  	v1 =	vld.idx.msk [tilespmem:v1+s12+$0x0], $0xffff;
	v2 =	vand.u32 $0xE, v2  }
0x103: {  	v3 =	vor.u32 v34, v2;
	_ =	sdelay $0x3  }
0x104: {  	[tilespmem:$0x4D00] =	vst v1  }
0x105: {  	v1 =	vld.idx.msk [tilespmem:v3+s12+$0x0], $0xffff  }
0x106: {  	v3 =	vld [tilespmem:$0x120]  }
0x107: {  	v2 =	vor.u32 v35, v2;
	_ =	sdelay $0x3  }
0x108: {  	[tilespmem:$0x4910] =	vst v1;
	v1 =	vshll.u32 v3, $0x1  }
0x109: {  	v2 =	vld.idx.msk [tilespmem:v2+s12+$0x0], $0xffff;
	v1 =	vand.u32 $0xE, v1  }
0x10a: {  	v3 =	vor.u32 v36, v1;
	_ =	sdelay $0x3  }
0x10b: {  	[tilespmem:$0x4D10] =	vst v2  }
0x10c: {  	v2 =	vld.idx.msk [tilespmem:v3+s12+$0x0], $0xffff  }
0x10d: {  	v3 =	vld [tilespmem:$0x130]  }
0x10e: {  	v1 =	vor.u32 v37, v1;
	_ =	sdelay $0x3  }
0x10f: {  	[tilespmem:$0x4920] =	vst v2;
	v2 =	vshll.u32 v3, $0x1  }
0x110: {  	v1 =	vld.idx.msk [tilespmem:v1+s12+$0x0], $0xffff;
	v2 =	vand.u32 $0xE, v2  }
0x111: {  	v3 =	vor.u32 v38, v2;
	_ =	sdelay $0x3  }
0x112: {  	[tilespmem:$0x4D20] =	vst v1  }
0x113: {  	v1 =	vld.idx.msk [tilespmem:v3+s12+$0x0], $0xffff  }
0x114: {  	v3 =	vld [tilespmem:$0x140]  }
0x115: {  	v2 =	vor.u32 v39, v2;
	_ =	sdelay $0x3  }
0x116: {  	[tilespmem:$0x4930] =	vst v1;
	v1 =	vshll.u32 v3, $0x1  }
0x117: {  	v2 =	vld.idx.msk [tilespmem:v2+s12+$0x0], $0xffff;
	v1 =	vand.u32 $0xE, v1  }
0x118: {  	v3 =	vor.u32 v40, v1;
	_ =	sdelay $0x3  }
0x119: {  	[tilespmem:$0x4D30] =	vst v2  }
0x11a: {  	v2 =	vld.idx.msk [tilespmem:v3+s12+$0x0], $0xffff  }
0x11b: {  	v3 =	vld [tilespmem:$0x150]  }
0x11c: {  	v1 =	vor.u32 v41, v1;
	_ =	sdelay $0x3  }
0x11d: {  	[tilespmem:$0x4940] =	vst v2;
	v2 =	vshll.u32 v3, $0x1  }
0x11e: {  	v1 =	vld.idx.msk [tilespmem:v1+s12+$0x0], $0xffff;
	v2 =	vand.u32 $0xE, v2  }
0x11f: {  	v3 =	vor.u32 v42, v2;
	_ =	sdelay $0x3  }
0x120: {  	[tilespmem:$0x4D40] =	vst v1  }
0x121: {  	v1 =	vld.idx.msk [tilespmem:v3+s12+$0x0], $0xffff  }
0x122: {  	v3 =	vld [tilespmem:$0x160]  }
0x123: {  	v2 =	vor.u32 v43, v2;
	_ =	sdelay $0x3  }
0x124: {  	[tilespmem:$0x4950] =	vst v1;
	v1 =	vshll.u32 v3, $0x1  }
0x125: {  	v2 =	vld.idx.msk [tilespmem:v2+s12+$0x0], $0xffff;
	v1 =	vand.u32 $0xE, v1  }
0x126: {  	v3 =	vor.u32 v44, v1;
	_ =	sdelay $0x3  }
0x127: {  	[tilespmem:$0x4D50] =	vst v2  }
0x128: {  	v2 =	vld.idx.msk [tilespmem:v3+s12+$0x0], $0xffff  }
0x129: {  	v3 =	vld [tilespmem:$0x170]  }
0x12a: {  	v1 =	vor.u32 v45, v1;
	_ =	sdelay $0x3  }
0x12b: {  	[tilespmem:$0x4960] =	vst v2;
	v2 =	vshll.u32 v3, $0x1  }
0x12c: {  	v1 =	vld.idx.msk [tilespmem:v1+s12+$0x0], $0xffff;
	v2 =	vand.u32 $0xE, v2  }
0x12d: {  	v3 =	vor.u32 v46, v2;
	_ =	sdelay $0x3  }
0x12e: {  	[tilespmem:$0x4D60] =	vst v1  }
0x12f: {  	v1 =	vld.idx.msk [tilespmem:v3+s12+$0x0], $0xffff  }
0x130: {  	v3 =	vld [tilespmem:$0x180]  }
0x131: {  	v2 =	vor.u32 v47, v2;
	_ =	sdelay $0x3  }
0x132: {  	[tilespmem:$0x4970] =	vst v1;
	v1 =	vshll.u32 v3, $0x1  }
0x133: {  	v2 =	vld.idx.msk [tilespmem:v2+s12+$0x0], $0xffff;
	v1 =	vand.u32 $0xE, v1  }
0x134: {  	v3 =	vor.u32 v48, v1;
	_ =	sdelay $0x3  }
0x135: {  	[tilespmem:$0x4D70] =	vst v2  }
0x136: {  	v2 =	vld.idx.msk [tilespmem:v3+s12+$0x0], $0xffff  }
0x137: {  	v3 =	vld [tilespmem:$0x190]  }
0x138: {  	v1 =	vor.u32 v49, v1;
	_ =	sdelay $0x3  }
0x139: {  	[tilespmem:$0x4980] =	vst v2;
	v2 =	vshll.u32 v3, $0x1  }
0x13a: {  	v1 =	vld.idx.msk [tilespmem:v1+s12+$0x0], $0xffff;
	v2 =	vand.u32 $0xE, v2  }
0x13b: {  	v3 =	vor.u32 v50, v2;
	_ =	sdelay $0x3  }
0x13c: {  	[tilespmem:$0x4D80] =	vst v1  }
0x13d: {  	v1 =	vld.idx.msk [tilespmem:v3+s12+$0x0], $0xffff  }
0x13e: {  	v3 =	vld [tilespmem:$0x1A0]  }
0x13f: {  	v2 =	vor.u32 v51, v2;
	_ =	sdelay $0x3  }
0x140: {  	[tilespmem:$0x4990] =	vst v1;
	v1 =	vshll.u32 v3, $0x1  }
0x141: {  	v2 =	vld.idx.msk [tilespmem:v2+s12+$0x0], $0xffff;
	v1 =	vand.u32 $0xE, v1  }
0x142: {  	v3 =	vor.u32 v52, v1;
	_ =	sdelay $0x3  }
0x143: {  	[tilespmem:$0x4D90] =	vst v2  }
0x144: {  	v2 =	vld.idx.msk [tilespmem:v3+s12+$0x0], $0xffff  }
0x145: {  	v3 =	vld [tilespmem:$0x1B0]  }
0x146: {  	v1 =	vor.u32 v53, v1;
	_ =	sdelay $0x3  }
0x147: {  	[tilespmem:$0x49A0] =	vst v2;
	v2 =	vshll.u32 v3, $0x1  }
0x148: {  	v1 =	vld.idx.msk [tilespmem:v1+s12+$0x0], $0xffff;
	v2 =	vand.u32 $0xE, v2  }
0x149: {  	v3 =	vor.u32 v54, v2;
	_ =	sdelay $0x3  }
0x14a: {  	[tilespmem:$0x4DA0] =	vst v1  }
0x14b: {  	v1 =	vld.idx.msk [tilespmem:v3+s12+$0x0], $0xffff  }
0x14c: {  	v3 =	vld [tilespmem:$0x1C0]  }
0x14d: {  	v2 =	vor.u32 v55, v2;
	_ =	sdelay $0x3  }
0x14e: {  	[tilespmem:$0x49B0] =	vst v1;
	v1 =	vshll.u32 v3, $0x1  }
0x14f: {  	v2 =	vld.idx.msk [tilespmem:v2+s12+$0x0], $0xffff;
	v1 =	vand.u32 $0xE, v1  }
0x150: {  	v3 =	vor.u32 v56, v1;
	_ =	sdelay $0x3  }
0x151: {  	[tilespmem:$0x4DB0] =	vst v2  }
0x152: {  	v2 =	vld.idx.msk [tilespmem:v3+s12+$0x0], $0xffff  }
0x153: {  	v3 =	vld [tilespmem:$0x1D0]  }
0x154: {  	v1 =	vor.u32 v57, v1;
	_ =	sdelay $0x3  }
0x155: {  	[tilespmem:$0x49C0] =	vst v2;
	v2 =	vshll.u32 v3, $0x1  }
0x156: {  	v1 =	vld.idx.msk [tilespmem:v1+s12+$0x0], $0xffff;
	v2 =	vand.u32 $0xE, v2  }
0x157: {  	v3 =	vor.u32 v58, v2;
	_ =	sdelay $0x3  }
0x158: {  	[tilespmem:$0x4DC0] =	vst v1  }
0x159: {  	v1 =	vld.idx.msk [tilespmem:v3+s12+$0x0], $0xffff  }
0x15a: {  	v3 =	vld [tilespmem:$0x1E0]  }
0x15b: {  	v2 =	vor.u32 v59, v2;
	_ =	sdelay $0x3  }
0x15c: {  	[tilespmem:$0x49D0] =	vst v1;
	v1 =	vshll.u32 v3, $0x1  }
0x15d: {  	v2 =	vld.idx.msk [tilespmem:v2+s12+$0x0], $0xffff;
	v1 =	vand.u32 $0xE, v1  }
0x15e: {  	v3 =	vor.u32 v60, v1;
	_ =	sdelay $0x3  }
0x15f: {  	[tilespmem:$0x4DD0] =	vst v2  }
0x160: {  	v2 =	vld.idx.msk [tilespmem:v3+s12+$0x0], $0xffff  }
0x161: {  	v3 =	vld [tilespmem:$0x1F0]  }
0x162: {  	v1 =	vor.u32 v61, v1;
	_ =	sdelay $0x3  }
0x163: {  	[tilespmem:$0x49E0] =	vst v2;
	v2 =	vshll.u32 v3, $0x1  }
0x164: {  	v1 =	vld.idx.msk [tilespmem:v1+s12+$0x0], $0xffff;
	v2 =	vand.u32 $0xE, v2  }
0x165: {  	v3 =	vor.u32 v62, v2;
	_ =	sdelay $0x3  }
0x166: {  	[tilespmem:$0x4DE0] =	vst v1  }
0x167: {  	v1 =	vld.idx.msk [tilespmem:v3+s12+$0x0], $0xffff  }
0x168: {  	v3 =	vld [tilespmem:$0x200]  }
0x169: {  	v2 =	vor.u32 v63, v2;
	_ =	sdelay $0x3  }
0x16a: {  	[tilespmem:$0x49F0] =	vst v1;
	v1 =	vshll.u32 v3, $0x1  }
0x16b: {  	v3 =	vor.u32 $0x2000, v0;
	v2 =	vld.idx.msk [tilespmem:v2+s12+$0x0], $0xffff;
	v1 =	vand.u32 $0xE, v1  }
0x16c: {  	v3 =	vor.u32 v3, v1;
	_ =	sdelay $0x3  }
0x16d: {  	v4 =	vld [tilespmem:$0x210];
	[tilespmem:$0x4DF0] =	vst v2  }
0x16e: {  	v2 =	vld.idx.msk [tilespmem:v3+s12+$0x0], $0xffff;
	v3 =	vor.u32 $0x2001, v0  }
0x16f: {  	v1 =	vor.u32 v3, v1;
	_ =	sdelay $0x3  }
0x170: {  	[tilespmem:$0x4A00] =	vst v2;
	v2 =	vshll.u32 v4, $0x1  }
0x171: {  	v3 =	vor.u32 $0x2100, v0;
	v1 =	vld.idx.msk [tilespmem:v1+s12+$0x0], $0xffff;
	v2 =	vand.u32 $0xE, v2  }
0x172: {  	v3 =	vor.u32 v3, v2;
	_ =	sdelay $0x3  }
0x173: {  	v4 =	vld [tilespmem:$0x220];
	[tilespmem:$0x4E00] =	vst v1  }
0x174: {  	v1 =	vld.idx.msk [tilespmem:v3+s12+$0x0], $0xffff;
	v3 =	vor.u32 $0x2101, v0  }
0x175: {  	v2 =	vor.u32 v3, v2;
	_ =	sdelay $0x3  }
0x176: {  	[tilespmem:$0x4A10] =	vst v1;
	v1 =	vshll.u32 v4, $0x1  }
0x177: {  	v3 =	vor.u32 $0x2200, v0;
	v2 =	vld.idx.msk [tilespmem:v2+s12+$0x0], $0xffff;
	v1 =	vand.u32 $0xE, v1  }
0x178: {  	v3 =	vor.u32 v3, v1;
	_ =	sdelay $0x3  }
0x179: {  	v4 =	vld [tilespmem:$0x230];
	[tilespmem:$0x4E10] =	vst v2  }
0x17a: {  	v2 =	vld.idx.msk [tilespmem:v3+s12+$0x0], $0xffff;
	v3 =	vor.u32 $0x2201, v0  }
0x17b: {  	v1 =	vor.u32 v3, v1;
	_ =	sdelay $0x3  }
0x17c: {  	[tilespmem:$0x4A20] =	vst v2;
	v2 =	vshll.u32 v4, $0x1  }
0x17d: {  	v3 =	vor.u32 $0x2300, v0;
	v1 =	vld.idx.msk [tilespmem:v1+s12+$0x0], $0xffff;
	v2 =	vand.u32 $0xE, v2  }
0x17e: {  	v3 =	vor.u32 v3, v2;
	_ =	sdelay $0x3  }
0x17f: {  	v4 =	vld [tilespmem:$0x240];
	[tilespmem:$0x4E20] =	vst v1  }
0x180: {  	v1 =	vld.idx.msk [tilespmem:v3+s12+$0x0], $0xffff;
	v3 =	vor.u32 $0x2301, v0  }
0x181: {  	v2 =	vor.u32 v3, v2;
	_ =	sdelay $0x3  }
0x182: {  	[tilespmem:$0x4A30] =	vst v1;
	v1 =	vshll.u32 v4, $0x1  }
0x183: {  	v3 =	vor.u32 $0x2400, v0;
	v2 =	vld.idx.msk [tilespmem:v2+s12+$0x0], $0xffff;
	v1 =	vand.u32 $0xE, v1  }
0x184: {  	v3 =	vor.u32 v3, v1;
	_ =	sdelay $0x3  }
0x185: {  	v4 =	vld [tilespmem:$0x250];
	[tilespmem:$0x4E30] =	vst v2  }
0x186: {  	v2 =	vld.idx.msk [tilespmem:v3+s12+$0x0], $0xffff;
	v3 =	vor.u32 $0x2401, v0  }
0x187: {  	v1 =	vor.u32 v3, v1;
	_ =	sdelay $0x3  }
0x188: {  	[tilespmem:$0x4A40] =	vst v2;
	v2 =	vshll.u32 v4, $0x1  }
0x189: {  	v3 =	vor.u32 $0x2500, v0;
	v1 =	vld.idx.msk [tilespmem:v1+s12+$0x0], $0xffff;
	v2 =	vand.u32 $0xE, v2  }
0x18a: {  	v3 =	vor.u32 v3, v2;
	_ =	sdelay $0x3  }
0x18b: {  	v4 =	vld [tilespmem:$0x260];
	[tilespmem:$0x4E40] =	vst v1  }
0x18c: {  	v1 =	vld.idx.msk [tilespmem:v3+s12+$0x0], $0xffff;
	v3 =	vor.u32 $0x2501, v0  }
0x18d: {  	v2 =	vor.u32 v3, v2;
	_ =	sdelay $0x3  }
0x18e: {  	[tilespmem:$0x4A50] =	vst v1;
	v1 =	vshll.u32 v4, $0x1  }
0x18f: {  	v3 =	vor.u32 $0x2600, v0;
	v2 =	vld.idx.msk [tilespmem:v2+s12+$0x0], $0xffff;
	v1 =	vand.u32 $0xE, v1  }
0x190: {  	v3 =	vor.u32 v3, v1;
	_ =	sdelay $0x3  }
0x191: {  	v4 =	vld [tilespmem:$0x270];
	[tilespmem:$0x4E50] =	vst v2  }
0x192: {  	v2 =	vld.idx.msk [tilespmem:v3+s12+$0x0], $0xffff;
	v3 =	vor.u32 $0x2601, v0  }
0x193: {  	v1 =	vor.u32 v3, v1;
	_ =	sdelay $0x3  }
0x194: {  	[tilespmem:$0x4A60] =	vst v2;
	v2 =	vshll.u32 v4, $0x1  }
0x195: {  	v3 =	vor.u32 $0x2700, v0;
	v1 =	vld.idx.msk [tilespmem:v1+s12+$0x0], $0xffff;
	v2 =	vand.u32 $0xE, v2  }
0x196: {  	v3 =	vor.u32 v3, v2;
	_ =	sdelay $0x3  }
0x197: {  	v4 =	vld [tilespmem:$0x280];
	[tilespmem:$0x4E60] =	vst v1  }
0x198: {  	v1 =	vld.idx.msk [tilespmem:v3+s12+$0x0], $0xffff;
	v3 =	vor.u32 $0x2701, v0  }
0x199: {  	v2 =	vor.u32 v3, v2;
	_ =	sdelay $0x3  }
0x19a: {  	[tilespmem:$0x4A70] =	vst v1;
	v1 =	vshll.u32 v4, $0x1  }
0x19b: {  	v3 =	vor.u32 $0x2800, v0;
	v2 =	vld.idx.msk [tilespmem:v2+s12+$0x0], $0xffff;
	v1 =	vand.u32 $0xE, v1  }
0x19c: {  	v3 =	vor.u32 v3, v1;
	_ =	sdelay $0x3  }
0x19d: {  	v4 =	vld [tilespmem:$0x290];
	[tilespmem:$0x4E70] =	vst v2  }
0x19e: {  	v2 =	vld.idx.msk [tilespmem:v3+s12+$0x0], $0xffff;
	v3 =	vor.u32 $0x2801, v0  }
0x19f: {  	v1 =	vor.u32 v3, v1;
	_ =	sdelay $0x3  }
0x1a0: {  	[tilespmem:$0x4A80] =	vst v2;
	v2 =	vshll.u32 v4, $0x1  }
0x1a1: {  	v3 =	vor.u32 $0x2900, v0;
	v1 =	vld.idx.msk [tilespmem:v1+s12+$0x0], $0xffff;
	v2 =	vand.u32 $0xE, v2  }
0x1a2: {  	v3 =	vor.u32 v3, v2;
	_ =	sdelay $0x3  }
0x1a3: {  	v4 =	vld [tilespmem:$0x2A0];
	[tilespmem:$0x4E80] =	vst v1  }
0x1a4: {  	v1 =	vld.idx.msk [tilespmem:v3+s12+$0x0], $0xffff;
	v3 =	vor.u32 $0x2901, v0  }
0x1a5: {  	v2 =	vor.u32 v3, v2;
	_ =	sdelay $0x3  }
0x1a6: {  	[tilespmem:$0x4A90] =	vst v1;
	v1 =	vshll.u32 v4, $0x1  }
0x1a7: {  	v3 =	vor.u32 $0x2A00, v0;
	v2 =	vld.idx.msk [tilespmem:v2+s12+$0x0], $0xffff;
	v1 =	vand.u32 $0xE, v1  }
0x1a8: {  	v3 =	vor.u32 v3, v1;
	_ =	sdelay $0x3  }
0x1a9: {  	v4 =	vld [tilespmem:$0x2B0];
	[tilespmem:$0x4E90] =	vst v2  }
0x1aa: {  	v2 =	vld.idx.msk [tilespmem:v3+s12+$0x0], $0xffff;
	v3 =	vor.u32 $0x2A01, v0  }
0x1ab: {  	v1 =	vor.u32 v3, v1;
	_ =	sdelay $0x3  }
0x1ac: {  	[tilespmem:$0x4AA0] =	vst v2;
	v2 =	vshll.u32 v4, $0x1  }
0x1ad: {  	v3 =	vor.u32 $0x2B00, v0;
	v1 =	vld.idx.msk [tilespmem:v1+s12+$0x0], $0xffff;
	v2 =	vand.u32 $0xE, v2  }
0x1ae: {  	v3 =	vor.u32 v3, v2;
	_ =	sdelay $0x3  }
0x1af: {  	v4 =	vld [tilespmem:$0x2C0];
	[tilespmem:$0x4EA0] =	vst v1  }
0x1b0: {  	v1 =	vld.idx.msk [tilespmem:v3+s12+$0x0], $0xffff;
	v3 =	vor.u32 $0x2B01, v0  }
0x1b1: {  	v2 =	vor.u32 v3, v2;
	_ =	sdelay $0x3  }
0x1b2: {  	[tilespmem:$0x4AB0] =	vst v1;
	v1 =	vshll.u32 v4, $0x1  }
0x1b3: {  	v3 =	vor.u32 $0x2C00, v0;
	v2 =	vld.idx.msk [tilespmem:v2+s12+$0x0], $0xffff;
	v1 =	vand.u32 $0xE, v1  }
0x1b4: {  	v3 =	vor.u32 v3, v1;
	_ =	sdelay $0x3  }
0x1b5: {  	v4 =	vld [tilespmem:$0x2D0];
	[tilespmem:$0x4EB0] =	vst v2  }
0x1b6: {  	v2 =	vld.idx.msk [tilespmem:v3+s12+$0x0], $0xffff;
	v3 =	vor.u32 $0x2C01, v0  }
0x1b7: {  	v1 =	vor.u32 v3, v1;
	_ =	sdelay $0x3  }
0x1b8: {  	[tilespmem:$0x4AC0] =	vst v2;
	v2 =	vshll.u32 v4, $0x1  }
0x1b9: {  	v3 =	vor.u32 $0x2D00, v0;
	v1 =	vld.idx.msk [tilespmem:v1+s12+$0x0], $0xffff;
	v2 =	vand.u32 $0xE, v2  }
0x1ba: {  	v3 =	vor.u32 v3, v2;
	_ =	sdelay $0x3  }
0x1bb: {  	v4 =	vld [tilespmem:$0x2E0];
	[tilespmem:$0x4EC0] =	vst v1  }
0x1bc: {  	v1 =	vld.idx.msk [tilespmem:v3+s12+$0x0], $0xffff;
	v3 =	vor.u32 $0x2D01, v0  }
0x1bd: {  	v2 =	vor.u32 v3, v2;
	_ =	sdelay $0x3  }
0x1be: {  	[tilespmem:$0x4AD0] =	vst v1;
	v1 =	vshll.u32 v4, $0x1  }
0x1bf: {  	v3 =	vor.u32 $0x2E00, v0;
	v2 =	vld.idx.msk [tilespmem:v2+s12+$0x0], $0xffff;
	v1 =	vand.u32 $0xE, v1  }
0x1c0: {  	v3 =	vor.u32 v3, v1;
	_ =	sdelay $0x3  }
0x1c1: {  	v4 =	vld [tilespmem:$0x2F0];
	[tilespmem:$0x4ED0] =	vst v2  }
0x1c2: {  	v2 =	vld.idx.msk [tilespmem:v3+s12+$0x0], $0xffff;
	v3 =	vor.u32 $0x2E01, v0  }
0x1c3: {  	v1 =	vor.u32 v3, v1;
	_ =	sdelay $0x3  }
0x1c4: {  	[tilespmem:$0x4AE0] =	vst v2;
	v2 =	vshll.u32 v4, $0x1  }
0x1c5: {  	v3 =	vor.u32 $0x2F00, v0;
	v1 =	vld.idx.msk [tilespmem:v1+s12+$0x0], $0xffff;
	v2 =	vand.u32 $0xE, v2  }
0x1c6: {  	v3 =	vor.u32 v3, v2;
	_ =	sdelay $0x3  }
0x1c7: {  	v4 =	vld [tilespmem:$0x300];
	[tilespmem:$0x4EE0] =	vst v1  }
0x1c8: {  	v1 =	vld.idx.msk [tilespmem:v3+s12+$0x0], $0xffff;
	v3 =	vor.u32 $0x2F01, v0  }
0x1c9: {  	v2 =	vor.u32 v3, v2;
	_ =	sdelay $0x3  }
0x1ca: {  	[tilespmem:$0x4AF0] =	vst v1;
	v1 =	vshll.u32 v4, $0x1  }
0x1cb: {  	v3 =	vor.u32 $0x3000, v0;
	v2 =	vld.idx.msk [tilespmem:v2+s12+$0x0], $0xffff;
	v1 =	vand.u32 $0xE, v1  }
0x1cc: {  	v3 =	vor.u32 v3, v1;
	_ =	sdelay $0x3  }
0x1cd: {  	v4 =	vld [tilespmem:$0x310];
	[tilespmem:$0x4EF0] =	vst v2  }
0x1ce: {  	v2 =	vld.idx.msk [tilespmem:v3+s12+$0x0], $0xffff;
	v3 =	vor.u32 $0x3001, v0  }
0x1cf: {  	v1 =	vor.u32 v3, v1;
	_ =	sdelay $0x3  }
0x1d0: {  	[tilespmem:$0x4B00] =	vst v2;
	v2 =	vshll.u32 v4, $0x1  }
0x1d1: {  	v3 =	vor.u32 $0x3100, v0;
	v1 =	vld.idx.msk [tilespmem:v1+s12+$0x0], $0xffff;
	v2 =	vand.u32 $0xE, v2  }
0x1d2: {  	v3 =	vor.u32 v3, v2;
	_ =	sdelay $0x3  }
0x1d3: {  	v4 =	vld [tilespmem:$0x320];
	[tilespmem:$0x4F00] =	vst v1  }
0x1d4: {  	v1 =	vld.idx.msk [tilespmem:v3+s12+$0x0], $0xffff;
	v3 =	vor.u32 $0x3101, v0  }
0x1d5: {  	v2 =	vor.u32 v3, v2;
	_ =	sdelay $0x3  }
0x1d6: {  	[tilespmem:$0x4B10] =	vst v1;
	v1 =	vshll.u32 v4, $0x1  }
0x1d7: {  	v3 =	vor.u32 $0x3200, v0;
	v2 =	vld.idx.msk [tilespmem:v2+s12+$0x0], $0xffff;
	v1 =	vand.u32 $0xE, v1  }
0x1d8: {  	v3 =	vor.u32 v3, v1;
	_ =	sdelay $0x3  }
0x1d9: {  	v4 =	vld [tilespmem:$0x330];
	[tilespmem:$0x4F10] =	vst v2  }
0x1da: {  	v2 =	vld.idx.msk [tilespmem:v3+s12+$0x0], $0xffff;
	v3 =	vor.u32 $0x3201, v0  }
0x1db: {  	v1 =	vor.u32 v3, v1;
	_ =	sdelay $0x3  }
0x1dc: {  	[tilespmem:$0x4B20] =	vst v2;
	v2 =	vshll.u32 v4, $0x1  }
0x1dd: {  	v3 =	vor.u32 $0x3300, v0;
	v1 =	vld.idx.msk [tilespmem:v1+s12+$0x0], $0xffff;
	v2 =	vand.u32 $0xE, v2  }
0x1de: {  	v3 =	vor.u32 v3, v2;
	_ =	sdelay $0x3  }
0x1df: {  	v4 =	vld [tilespmem:$0x340];
	[tilespmem:$0x4F20] =	vst v1  }
0x1e0: {  	v1 =	vld.idx.msk [tilespmem:v3+s12+$0x0], $0xffff;
	v3 =	vor.u32 $0x3301, v0  }
0x1e1: {  	v2 =	vor.u32 v3, v2;
	_ =	sdelay $0x3  }
0x1e2: {  	[tilespmem:$0x4B30] =	vst v1;
	v1 =	vshll.u32 v4, $0x1  }
0x1e3: {  	v3 =	vor.u32 $0x3400, v0;
	v2 =	vld.idx.msk [tilespmem:v2+s12+$0x0], $0xffff;
	v1 =	vand.u32 $0xE, v1  }
0x1e4: {  	v3 =	vor.u32 v3, v1;
	_ =	sdelay $0x3  }
0x1e5: {  	v4 =	vld [tilespmem:$0x350];
	[tilespmem:$0x4F30] =	vst v2  }
0x1e6: {  	v2 =	vld.idx.msk [tilespmem:v3+s12+$0x0], $0xffff;
	v3 =	vor.u32 $0x3401, v0  }
0x1e7: {  	v1 =	vor.u32 v3, v1;
	_ =	sdelay $0x3  }
0x1e8: {  	[tilespmem:$0x4B40] =	vst v2;
	v2 =	vshll.u32 v4, $0x1  }
0x1e9: {  	v3 =	vor.u32 $0x3500, v0;
	v1 =	vld.idx.msk [tilespmem:v1+s12+$0x0], $0xffff;
	v2 =	vand.u32 $0xE, v2  }
0x1ea: {  	v3 =	vor.u32 v3, v2;
	_ =	sdelay $0x3  }
0x1eb: {  	v4 =	vld [tilespmem:$0x360];
	[tilespmem:$0x4F40] =	vst v1  }
0x1ec: {  	v1 =	vld.idx.msk [tilespmem:v3+s12+$0x0], $0xffff;
	v3 =	vor.u32 $0x3501, v0  }
0x1ed: {  	v2 =	vor.u32 v3, v2;
	_ =	sdelay $0x3  }
0x1ee: {  	[tilespmem:$0x4B50] =	vst v1;
	v1 =	vshll.u32 v4, $0x1  }
0x1ef: {  	v3 =	vor.u32 $0x3600, v0;
	v2 =	vld.idx.msk [tilespmem:v2+s12+$0x0], $0xffff;
	v1 =	vand.u32 $0xE, v1  }
0x1f0: {  	v3 =	vor.u32 v3, v1;
	_ =	sdelay $0x3  }
0x1f1: {  	v4 =	vld [tilespmem:$0x370];
	[tilespmem:$0x4F50] =	vst v2  }
0x1f2: {  	v2 =	vld.idx.msk [tilespmem:v3+s12+$0x0], $0xffff;
	v3 =	vor.u32 $0x3601, v0  }
0x1f3: {  	v1 =	vor.u32 v3, v1;
	_ =	sdelay $0x3  }
0x1f4: {  	[tilespmem:$0x4B60] =	vst v2;
	v2 =	vshll.u32 v4, $0x1  }
0x1f5: {  	v3 =	vor.u32 $0x3700, v0;
	v1 =	vld.idx.msk [tilespmem:v1+s12+$0x0], $0xffff;
	v2 =	vand.u32 $0xE, v2  }
0x1f6: {  	v3 =	vor.u32 v3, v2;
	_ =	sdelay $0x3  }
0x1f7: {  	v4 =	vld [tilespmem:$0x380];
	[tilespmem:$0x4F60] =	vst v1  }
0x1f8: {  	v1 =	vld.idx.msk [tilespmem:v3+s12+$0x0], $0xffff;
	v3 =	vor.u32 $0x3701, v0  }
0x1f9: {  	v2 =	vor.u32 v3, v2;
	_ =	sdelay $0x3  }
0x1fa: {  	[tilespmem:$0x4B70] =	vst v1;
	v1 =	vshll.u32 v4, $0x1  }
0x1fb: {  	v3 =	vor.u32 $0x3800, v0;
	v2 =	vld.idx.msk [tilespmem:v2+s12+$0x0], $0xffff;
	v1 =	vand.u32 $0xE, v1  }
0x1fc: {  	v3 =	vor.u32 v3, v1;
	_ =	sdelay $0x3  }
0x1fd: {  	v4 =	vld [tilespmem:$0x390];
	[tilespmem:$0x4F70] =	vst v2  }
0x1fe: {  	v2 =	vld.idx.msk [tilespmem:v3+s12+$0x0], $0xffff;
	v3 =	vor.u32 $0x3801, v0  }
0x1ff: {  	v1 =	vor.u32 v3, v1;
	_ =	sdelay $0x3  }
0x200: {  	[tilespmem:$0x4B80] =	vst v2;
	v2 =	vshll.u32 v4, $0x1  }
0x201: {  	v3 =	vor.u32 $0x3900, v0;
	v1 =	vld.idx.msk [tilespmem:v1+s12+$0x0], $0xffff;
	v2 =	vand.u32 $0xE, v2  }
0x202: {  	v3 =	vor.u32 v3, v2;
	_ =	sdelay $0x3  }
0x203: {  	v4 =	vld [tilespmem:$0x3A0];
	[tilespmem:$0x4F80] =	vst v1  }
0x204: {  	v1 =	vld.idx.msk [tilespmem:v3+s12+$0x0], $0xffff;
	v3 =	vor.u32 $0x3901, v0  }
0x205: {  	v2 =	vor.u32 v3, v2;
	_ =	sdelay $0x3  }
0x206: {  	[tilespmem:$0x4B90] =	vst v1;
	v1 =	vshll.u32 v4, $0x1  }
0x207: {  	v3 =	vor.u32 $0x3A00, v0;
	v2 =	vld.idx.msk [tilespmem:v2+s12+$0x0], $0xffff;
	v1 =	vand.u32 $0xE, v1  }
0x208: {  	v3 =	vor.u32 v3, v1;
	_ =	sdelay $0x3  }
0x209: {  	v4 =	vld [tilespmem:$0x3B0];
	[tilespmem:$0x4F90] =	vst v2  }
0x20a: {  	v2 =	vld.idx.msk [tilespmem:v3+s12+$0x0], $0xffff;
	v3 =	vor.u32 $0x3A01, v0  }
0x20b: {  	v1 =	vor.u32 v3, v1;
	_ =	sdelay $0x3  }
0x20c: {  	[tilespmem:$0x4BA0] =	vst v2;
	v2 =	vshll.u32 v4, $0x1  }
0x20d: {  	v3 =	vor.u32 $0x3B00, v0;
	v1 =	vld.idx.msk [tilespmem:v1+s12+$0x0], $0xffff;
	v2 =	vand.u32 $0xE, v2  }
0x20e: {  	v3 =	vor.u32 v3, v2;
	_ =	sdelay $0x3  }
0x20f: {  	v4 =	vld [tilespmem:$0x3C0];
	[tilespmem:$0x4FA0] =	vst v1  }
0x210: {  	v1 =	vld.idx.msk [tilespmem:v3+s12+$0x0], $0xffff;
	v3 =	vor.u32 $0x3B01, v0  }
0x211: {  	v2 =	vor.u32 v3, v2;
	_ =	sdelay $0x3  }
0x212: {  	[tilespmem:$0x4BB0] =	vst v1;
	v1 =	vshll.u32 v4, $0x1  }
0x213: {  	v3 =	vor.u32 $0x3C00, v0;
	v2 =	vld.idx.msk [tilespmem:v2+s12+$0x0], $0xffff;
	v1 =	vand.u32 $0xE, v1  }
0x214: {  	v3 =	vor.u32 v3, v1;
	_ =	sdelay $0x3  }
0x215: {  	v4 =	vld [tilespmem:$0x3D0];
	[tilespmem:$0x4FB0] =	vst v2  }
0x216: {  	v2 =	vld.idx.msk [tilespmem:v3+s12+$0x0], $0xffff;
	v3 =	vor.u32 $0x3C01, v0  }
0x217: {  	v1 =	vor.u32 v3, v1;
	_ =	sdelay $0x3  }
0x218: {  	[tilespmem:$0x4BC0] =	vst v2;
	v2 =	vshll.u32 v4, $0x1  }
0x219: {  	v3 =	vor.u32 $0x3D00, v0;
	v1 =	vld.idx.msk [tilespmem:v1+s12+$0x0], $0xffff;
	v2 =	vand.u32 $0xE, v2  }
0x21a: {  	v3 =	vor.u32 v3, v2;
	_ =	sdelay $0x3  }
0x21b: {  	v4 =	vld [tilespmem:$0x3E0];
	[tilespmem:$0x4FC0] =	vst v1  }
0x21c: {  	v1 =	vld.idx.msk [tilespmem:v3+s12+$0x0], $0xffff;
	v3 =	vor.u32 $0x3D01, v0  }
0x21d: {  	v2 =	vor.u32 v3, v2;
	_ =	sdelay $0x3  }
0x21e: {  	[tilespmem:$0x4BD0] =	vst v1;
	v1 =	vshll.u32 v4, $0x1  }
0x21f: {  	v3 =	vor.u32 $0x3E00, v0;
	v2 =	vld.idx.msk [tilespmem:v2+s12+$0x0], $0xffff;
	v1 =	vand.u32 $0xE, v1  }
0x220: {  	v3 =	vor.u32 v3, v1;
	_ =	sdelay $0x3  }
0x221: {  	v4 =	vld [tilespmem:$0x3F0];
	[tilespmem:$0x4FD0] =	vst v2  }
0x222: {  	v2 =	vld.idx.msk [tilespmem:v3+s12+$0x0], $0xffff;
	v3 =	vor.u32 $0x3E01, v0  }
0x223: {  	v1 =	vor.u32 v3, v1;
	_ =	sdelay $0x3  }
0x224: {  	[tilespmem:$0x4BE0] =	vst v2;
	v2 =	vshll.u32 v4, $0x1  }
0x225: {  	v3 =	vor.u32 $0x3F00, v0;
	v1 =	vld.idx.msk [tilespmem:v1+s12+$0x0], $0xffff;
	v2 =	vand.u32 $0xE, v2  }
0x226: {  	v3 =	vor.u32 v3, v2;
	_ =	sdelay $0x3  }
0x227: {  	[tilespmem:$0x4FE0] =	vst v1  }
0x228: {  	v1 =	vld.idx.msk [tilespmem:v3+s12+$0x0], $0xffff;
	v3 =	vor.u32 $0x3F01, v0  }
0x229: {  	v2 =	vor.u32 v3, v2;
	_ =	sdelay $0x3  }
0x22a: {  	[tilespmem:$0x4BF0] =	vst v1  }
0x22b: {  	v1 =	vld.idx.msk [tilespmem:v2+s12+$0x0], $0xffff;
	_ =	sdelay $0x4  }
0x22c: {  	[tilespmem:$0x4FF0] =	vst v1  }
0x22d: {  	[hbm4b:s6+s2] =	stream.linear.scatter [tilespmem:s28], [sflag:$0x2], $0x400, $0x38;
	[tilespmem:$0x5000] =	vst v63  }
0x22e: {  	_ =	swait.ge [sflag:s9], $0x400  }
0x22f: {  	p0 =	sne.s32 s8, $0x1;
	[sflag:s9] =	ssyncset.done $0x0  }
.Ltmp0:
0x230: {  	[sflag:s9] =	ssyncadd.s32 $0xFFFFFC00;
	(pc) =	sbr.rel @p0 .LBB2_1-.Ltmp0, $4  }
0x231: {  	[hbm4b:s7+s2] =	stream.linear.scatter [tilespmem:s29], [sflag:$0x2], $0x400, $0x38;
	[tilespmem:$0x5000] =	vst v63  }
0x232: {  	_ =	swait.ge [sflag:s9], $0x400  }
0x233: {  	[sflag:s9] =	ssyncset.done $0x0  }
0x234: {  	s8 =	sadd.s32 $0xFFFFFFFF, s8;
	[sflag:s9] =	ssyncadd.s32 $0xFFFFFC00  }
0x235: {  	_ =	sfence.sel $0x180000  }
0x236: {  	[bflag:$0x0] =	sbarrier.arrive $0xFFFF  }
0x237: {  	p0 =	sne.s32 s0, $0x0;
	_ =	strace $0x90000047  }
0x238: {  	s0 =	sadd.s32 @!p0 $0x100000, s1;
	[bflag:$0x2] =	sbarrier.arrive $0xFFFF  }
0x239: {  	[sflag:s0] =	ssyncadd.tile.s32 @!p0 $0x1;
	_ =	shalt  }
.Lfunc_end2:
_tile_overlayer_lowered:
.L_overlay_start_2:
0x23a: {  	(tag) =	ssettag $0x2  }
0x23b: {  	s0 =	rddreg [dreg:$0x0];
	s2 =	stileid.u32  }
0x23c: {  	s1 =	rddreg [dreg:$0x1];
	p0 =	sne.s32 s2, $0x0  }
0x23d: {  	s3 =	rddreg [dreg:$0x2];
	[bflag:$0x3] =	sbarrier.arrive $0xFFFF;
	s2 =	simm.s32 @!p0 $0x1C02  }
0x23e: {  	[timem:s3], [sflag:s2] =	dma.local @!p0 [hbm:s0], s1  }
0x23f: {  	s0 =	simm.s32 @!p0 $0x2  }
0x240: {  	_ =	swait.ge @!p0 [sflag:s0], s1  }
0x241: {  	s1 =	ssub.s32 @!p0 $0x0, s1;
	[sflag:s0] =	ssyncset.done @!p0 $0x0  }
0x242: {  	[sflag:s0] =	ssyncadd.s32 @!p0 s1  }
0x243: {  	[bflag:$0x3] =	sbarrier.arrive $0xFFFF  }
0x244: {  	_ =	shalt  }

</sc_bundles>
